<compile_context>
chip_gen: v7x
topology: tpu7x:2x2x1
jax: 0.10.2.dev20260603
libtpu: 0.0.44.dev20260713+nightly
codegen_flags: <defaults>
</compile_context>

<pallas_src>
import functools

import jax
import jax.numpy as jnp
from jax import lax
from jax.experimental import pallas as pl
from jax.experimental.pallas import tpu as pltpu
from jax.experimental.pallas import tpu_sc as plsc

N = 32768
J, C = 24, 8
L = 128
JC = J * C
NG = 12
NC, NS = 2, 16
NW = NC * NS
PW = N // NW
CHUNK = 16
NCHUNK = PW // CHUNK
AUX = 2 * NG * CHUNK


def _coeff_body(qx_ref, qy_ref, qz_ref, s_ref, idx_ref, w_ref):
    comps = []
    for d, qr in enumerate((qx_ref, qy_ref, qz_ref)):
        qd = qr[...]
        qd = qd - jnp.mean(qd)
        comps.append(qd * (2.0 / s_ref[d]))
    x, y, z = comps
    planes = [(y, x), (z, y), (x, z)]
    for p, (gx, gy) in enumerate(planes):
        ix = (gx + 1.0) * (0.5 * (L - 1))
        iy = (gy + 1.0) * (0.5 * (L - 1))
        ix0 = jnp.floor(ix)
        iy0 = jnp.floor(iy)
        wx1 = ix - ix0
        wy1 = iy - iy0
        corners = [
            (iy0, ix0, (1.0 - wy1) * (1.0 - wx1)),
            (iy0, ix0 + 1.0, (1.0 - wy1) * wx1),
            (iy0 + 1.0, ix0, wy1 * (1.0 - wx1)),
            (iy0 + 1.0, ix0 + 1.0, wy1 * wx1),
        ]
        for k, (iy_, ix_, w) in enumerate(corners):
            valid = (ix_ >= 0) & (ix_ <= L - 1) & (iy_ >= 0) & (iy_ <= L - 1)
            cell = (jnp.clip(iy_, 0, L - 1).astype(jnp.int32) * L
                    + jnp.clip(ix_, 0, L - 1).astype(jnp.int32))
            idx_ref[p * 4 + k] = cell
            w_ref[p * 4 + k] = jnp.where(valid, w, 0.0)


def _coeffs(qx, qy, qz, scale):
    return pl.pallas_call(
        _coeff_body,
        out_shape=(
            jax.ShapeDtypeStruct((NG, N // 128, 128), jnp.int32),
            jax.ShapeDtypeStruct((NG, N // 128, 128), jnp.float32),
        ),
        in_specs=[
            pl.BlockSpec(memory_space=pltpu.VMEM),
            pl.BlockSpec(memory_space=pltpu.VMEM),
            pl.BlockSpec(memory_space=pltpu.VMEM),
            pl.BlockSpec(memory_space=pltpu.SMEM),
        ],
    )(qx, qy, qz, scale)


def _sc_sample(tx, ty, tz, auxf):
    mesh = plsc.VectorSubcoreMesh(core_axis_name="c", subcore_axis_name="s")

    @functools.partial(
        pl.kernel,
        out_type=jax.ShapeDtypeStruct((JC, N // 8, 3 * 8), jnp.float32),
        mesh=mesh,
        scratch_types=[
            [pltpu.VMEM((2 * NG, CHUNK), jnp.int32) for _ in range(2)],
            [[pltpu.VMEM((4 * CHUNK, JC), jnp.float32) for _ in range(3)]
             for _ in range(2)],
            [pltpu.VMEM((JC, CHUNK // 8, 3 * 8), jnp.float32) for _ in range(2)],
            [pltpu.SemaphoreType.DMA for _ in range(2)],
            [pltpu.SemaphoreType.DMA for _ in range(2)],
            [pltpu.SemaphoreType.DMA for _ in range(2)],
        ],
        compiler_params=pltpu.CompilerParams(
            use_tc_tiling_on_sc=False, needs_layout_passes=False),
    )
    def k(tx_h, ty_h, tz_h, aux_h, out_h, aux_v, rows_v, tr_v, ssem, gsem,
          osem):
        wid = lax.axis_index("s") * NC + lax.axis_index("c")
        tables = (tx_h, ty_h, tz_h)
        lanes = lax.iota(jnp.int32, 16)
        dnums = lax.GatherDimensionNumbers(
            offset_dims=(), collapsed_slice_dims=(0,), start_index_map=(0,))

        def fire_stage(t, b):
            pltpu.async_copy(
                aux_h.at[:, wid * NCHUNK + t, :], aux_v[b], ssem[b])

        def drain_stage(b):
            pltpu.make_async_copy(
                aux_h.at[:, 0, :], aux_v[b], ssem[b]).wait()

        def fire_gathers(b):
            for p in range(3):
                for g in range(4):
                    pltpu.async_copy(
                        tables[p].at[aux_v[b].at[p * 4 + g]],
                        rows_v[b][p].at[pl.ds(g * CHUNK, CHUNK)], gsem[b])

        def drain_gathers(b):
            for p in range(3):
                for g in range(4):
                    pltpu.make_async_copy(
                        tables[p].at[pl.ds(0, CHUNK)],
                        rows_v[b][p].at[pl.ds(g * CHUNK, CHUNK)],
                        gsem[b]).wait()

        def drain_out(b):
            pltpu.make_async_copy(
                tr_v[b], out_h.at[:, pl.ds(0, CHUNK // 8)], osem[b]).wait()


        fire_stage(0, 0)
        fire_stage(1, 1)
        drain_stage(0)
        fire_gathers(0)

        def half(t, b):
            bn = b ^ 1
            @pl.when(t + 1 < NCHUNK)
            def _():
                drain_stage(bn)
                fire_gathers(bn)

            drain_gathers(b)

            @pl.when(t >= 2)
            def _():
                drain_out(b)

            wgs = [plsc.bitcast(aux_v[b][NG + g, :], jnp.float32)
                   for g in range(NG)]

            def point(i, carry):
                ivec = jnp.full((16, 1), i, jnp.int32)
                g8 = jnp.full((16,), i // 8, jnp.int32)
                for p in range(3):
                    rp = rows_v[b][p]
                    cc = jnp.full((16,), p * 8 + i % 8, jnp.int32)
                    wv = [lax.gather(wgs[p * 4 + k], ivec, dnums,
                                     slice_sizes=(1,),
                                     mode=lax.GatherScatterMode.PROMISE_IN_BOUNDS)
                          for k in range(4)]
                    for v in range(JC // 16):
                        sl = pl.ds(v * 16, 16)
                        acc = (rp[i, sl] * wv[0]
                               + rp[CHUNK + i, sl] * wv[1]
                               + rp[2 * CHUNK + i, sl] * wv[2]
                               + rp[3 * CHUNK + i, sl] * wv[3])
                        plsc.store_scatter(
                            tr_v[b], [lanes + v * 16, g8, cc], acc)
                return carry

            lax.fori_loop(0, CHUNK, point, 0)
            g8b = (wid * PW + t * CHUNK) // 8
            pltpu.async_copy(tr_v[b], out_h.at[:, pl.ds(g8b, CHUNK // 8)],
                             osem[b])

            @pl.when(t + 2 < NCHUNK)
            def _():
                fire_stage(t + 2, b)

        def pair(t0, carry):
            half(2 * t0, 0)
            half(2 * t0 + 1, 1)
            return carry

        lax.fori_loop(0, NCHUNK // 2, pair, 0)
        drain_out(0)
        drain_out(1)

    return k(tx, ty, tz, auxf)


def kernel(id, query_points, scale, feat_lines_x, feat_lines_y, feat_lines_z):
    idq = jnp.asarray(id, jnp.int32)
    tabs = []
    for f in (feat_lines_x, feat_lines_y, feat_lines_z):
        t = lax.dynamic_index_in_dim(f, idq, axis=1, keepdims=False)
        tabs.append(jnp.transpose(t, (1, 2, 0, 3)).reshape(L * L, JC))
    qp = query_points.astype(jnp.float32)
    cols = [qp[:, d].reshape(N // 128, 128) for d in range(3)]
    idx12, w12 = _coeffs(cols[0], cols[1], cols[2], scale.astype(jnp.float32))
    auxf = jnp.concatenate(
        [idx12.reshape(NG, N), lax.bitcast_convert_type(w12, jnp.int32).reshape(NG, N)],
        axis=0).reshape(2 * NG, N // CHUNK, CHUNK)
    g = _sc_sample(tabs[0], tabs[1], tabs[2], auxf)
    return g.reshape(1, N, 3 * JC)

# --- scband reference (transcript-rebuilt; emitter-appended) ---
"""Pipeline reference for scband-pose-vocab-15710990369687 (READ-ONLY COPY).

The authoritative reference and input builder live on the scoring server;
editing this copy changes nothing except your own understanding.
"""

import jax, jax.numpy as jnp
import numpy as np


def grid_sample(feat, grid):
    # feat: (B, C, H, W); grid: (B, Hg, Wg, 2) with grid[...,0]=x, grid[...,1]=y in [-1,1]
    # bilinear, align_corners=True, padding_mode='zeros' (matches torch F.grid_sample defaults used here)
    B, C, H, W = feat.shape
    Hg, Wg = grid.shape[1], grid.shape[2]
    gx = grid[..., 0]
    gy = grid[..., 1]
    ix = (gx + 1.0) * 0.5 * (W - 1)
    iy = (gy + 1.0) * 0.5 * (H - 1)
    ix0 = jnp.floor(ix)
    iy0 = jnp.floor(iy)
    ix1 = ix0 + 1.0
    iy1 = iy0 + 1.0
    wx1 = ix - ix0
    wx0 = 1.0 - wx1
    wy1 = iy - iy0
    wy0 = 1.0 - wy1
    featf = feat.reshape(B, C, H * W)

    def corner(iy_, ix_, w):
        valid = ((ix_ >= 0) & (ix_ <= W - 1) & (iy_ >= 0) & (iy_ <= H - 1)).astype(feat.dtype)
        ixc = jnp.clip(ix_, 0, W - 1).astype(jnp.int32)
        iyc = jnp.clip(iy_, 0, H - 1).astype(jnp.int32)
        idx = (iyc * W + ixc).reshape(B, Hg * Wg)
        v = jax.vmap(lambda f, i: jnp.take(f, i, axis=1))(featf, idx)
        v = v.reshape(B, C, Hg, Wg)
        return v * (w * valid)[:, None, :, :]

    out = (corner(iy0, ix0, wy0 * wx0) + corner(iy0, ix1, wy0 * wx1)
           + corner(iy1, ix0, wy1 * wx0) + corner(iy1, ix1, wy1 * wx1))
    return out


def _sample(feat_lines, x, idp):
    # feat_lines: (J, P, L, W, C); x: (1, N, 1, 2) -> (1, N, J, C)
    J, P, L, W, C = feat_lines.shape
    B, N = x.shape[0], x.shape[1]
    fl = feat_lines[:, idp]                       # (J, L, W, C)
    fl = jnp.transpose(fl, (0, 3, 1, 2))          # (J, C, L, W)
    fl = fl.reshape(1, J * C, L, W)
    out = grid_sample(fl, x)                      # (1, J*C, N, 1)
    return out.reshape(B, N, J, C)


def setup_inputs(seed: int = 0):
    key = jax.random.key(seed)
    k1, k2, k3, k4 = jax.random.split(key, 4)
    J, P, L, C = 24, 4, 128, 8
    N = 32768
    feat_lines_x = jax.random.uniform(k1, (J, P, L, L, C), dtype=jnp.float32, minval=-0.01, maxval=0.01)
    feat_lines_y = jax.random.uniform(k2, (J, P, L, L, C), dtype=jnp.float32, minval=-0.01, maxval=0.01)
    feat_lines_z = jax.random.uniform(k3, (J, P, L, L, C), dtype=jnp.float32, minval=-0.01, maxval=0.01)
    query_points = jax.random.uniform(k4, (N, 3), dtype=jnp.float32)
    scale = jnp.ones((3,), dtype=jnp.float32)
    return {"id": 1, "query_points": query_points, "scale": scale,
            "feat_lines_x": feat_lines_x, "feat_lines_y": feat_lines_y, "feat_lines_z": feat_lines_z}


def reference(id, query_points, scale, feat_lines_x, feat_lines_y, feat_lines_z):
    qp = query_points - jnp.mean(query_points, axis=0)[None, :]
    x = qp[:, 0] / (scale[0] / 2.0)
    y = qp[:, 1] / (scale[1] / 2.0)
    z = qp[:, 2] / (scale[2] / 2.0)
    yx = jnp.stack((y, x), axis=1)
    xz = jnp.stack((x, z), axis=1)
    zy = jnp.stack((z, y), axis=1)
    feat_x = _sample(feat_lines_x, yx[None, :, None, :], id)
    feat_y = _sample(feat_lines_y, zy[None, :, None, :], id)
    feat_z = _sample(feat_lines_z, xz[None, :, None, :], id)
    feat = jnp.concatenate([feat_x, feat_y, feat_z], axis=3)
    B, N, J, C3 = feat.shape
    return feat.reshape(B, N, J * C3)

if __name__ == "__main__":
    import jax
    _d = setup_inputs()
    print(jax.jit(kernel)(*tuple(_d.values())))

</pallas_src>

<mosaic_0001>
#map = affine_map<(d0, d1) -> (0, 0)>
#map1 = affine_map<(d0, d1) -> (0, 0, 0)>
module attributes {stable_mosaic.version = 14 : i64} {
  func.func @k(%arg0: i32, %arg1: i32, %arg2: memref<16384x192xf32, #tpu.memory_space<hbm>>, %arg3: memref<16384x192xf32, #tpu.memory_space<hbm>>, %arg4: memref<16384x192xf32, #tpu.memory_space<hbm>>, %arg5: memref<24x2048x16xi32, #tpu.memory_space<hbm>>, %arg6: memref<192x4096x24xf32, #tpu.memory_space<hbm>>, %arg7: memref<24x16xi32, #tpu.memory_space<vmem>>, %arg8: memref<24x16xi32, #tpu.memory_space<vmem>>, %arg9: memref<64x192xf32, #tpu.memory_space<vmem>>, %arg10: memref<64x192xf32, #tpu.memory_space<vmem>>, %arg11: memref<64x192xf32, #tpu.memory_space<vmem>>, %arg12: memref<64x192xf32, #tpu.memory_space<vmem>>, %arg13: memref<64x192xf32, #tpu.memory_space<vmem>>, %arg14: memref<64x192xf32, #tpu.memory_space<vmem>>, %arg15: memref<192x2x24xf32, #tpu.memory_space<vmem>>, %arg16: memref<192x2x24xf32, #tpu.memory_space<vmem>>, %arg17: memref<!tpu.dma_semaphore, #tpu.memory_space<semaphore_mem>>, %arg18: memref<!tpu.dma_semaphore, #tpu.memory_space<semaphore_mem>>, %arg19: memref<!tpu.dma_semaphore, #tpu.memory_space<semaphore_mem>>, %arg20: memref<!tpu.dma_semaphore, #tpu.memory_space<semaphore_mem>>, %arg21: memref<!tpu.dma_semaphore, #tpu.memory_space<semaphore_mem>>, %arg22: memref<!tpu.dma_semaphore, #tpu.memory_space<semaphore_mem>>) attributes {dimension_semantics = [#tpu.dimension_semantics<core_parallel>, #tpu.dimension_semantics<subcore_parallel>], iteration_bounds = array<i64: 2, 16>, scalar_prefetch = 0 : i64, scratch_operands = 16 : i64, tpu.core_type = #tpu.core_type<sc_vector_subcore>, window_params = [{transform_indices = #map}, {transform_indices = #map}, {transform_indices = #map}, {transform_indices = #map1}, {transform_indices = #map1}]} {
    %mul3A = arith.constant 2 : i32
    %mul3A_0 = arith.muli %arg1, %mul3A : i32
    %add3A = arith.addi %mul3A_0, %arg0 : i32
    %iota3A = tpu.iota {dimensions = array<i32: 0>} : vector<16xi32>
    %mul3A_1 = arith.constant 64 : i32
    %mul3A_2 = arith.muli %add3A, %mul3A_1 : i32
    %add3A_3 = arith.constant 0 : i32
    %add3A_4 = arith.addi %mul3A_2, %add3A_3 : i32
    %dma_start3A = arith.constant 0 : i32
    %dma_start3A_5 = arith.constant 0 : i32
    %dma_start3A_6 = tpu.memref_slice %arg5[%dma_start3A, %add3A_4, %dma_start3A_5] : memref<24x2048x16xi32, #tpu.memory_space<hbm>> -> memref<24x1x16xi32, #tpu.memory_space<hbm>>
    %dma_start3A_7 = tpu.memref_squeeze %dma_start3A_6 : memref<24x1x16xi32, #tpu.memory_space<hbm>> -> memref<24x16xi32, #tpu.memory_space<hbm>>
    %dma_start3A_8 = arith.constant 0 : i32
    %dma_start3A_9 = arith.constant 0 : i32
    %dma_start3A_10 = tpu.memref_slice %arg5[%dma_start3A_8, %add3A_4, %dma_start3A_9] : memref<24x2048x16xi32, #tpu.memory_space<hbm>> -> memref<24x1x16xi32, #tpu.memory_space<hbm>>
    %dma_start3A_11 = tpu.memref_squeeze %dma_start3A_10 : memref<24x1x16xi32, #tpu.memory_space<hbm>> -> memref<24x16xi32, #tpu.memory_space<hbm>>
    tpu.enqueue_dma source(%dma_start3A_11 : memref<24x16xi32, #tpu.memory_space<hbm>>) target(%arg7 : memref<24x16xi32, #tpu.memory_space<vmem>>) target_semaphore(%arg17 : memref<!tpu.dma_semaphore, #tpu.memory_space<semaphore_mem>>)
    %mul3A_12 = arith.constant 64 : i32
    %mul3A_13 = arith.muli %add3A, %mul3A_12 : i32
    %add3A_14 = arith.constant 1 : i32
    %add3A_15 = arith.addi %mul3A_13, %add3A_14 : i32
    %dma_start3A_16 = arith.constant 0 : i32
    %dma_start3A_17 = arith.constant 0 : i32
    %dma_start3A_18 = tpu.memref_slice %arg5[%dma_start3A_16, %add3A_15, %dma_start3A_17] : memref<24x2048x16xi32, #tpu.memory_space<hbm>> -> memref<24x1x16xi32, #tpu.memory_space<hbm>>
    %dma_start3A_19 = tpu.memref_squeeze %dma_start3A_18 : memref<24x1x16xi32, #tpu.memory_space<hbm>> -> memref<24x16xi32, #tpu.memory_space<hbm>>
    %dma_start3A_20 = arith.constant 0 : i32
    %dma_start3A_21 = arith.constant 0 : i32
    %dma_start3A_22 = tpu.memref_slice %arg5[%dma_start3A_20, %add3A_15, %dma_start3A_21] : memref<24x2048x16xi32, #tpu.memory_space<hbm>> -> memref<24x1x16xi32, #tpu.memory_space<hbm>>
    %dma_start3A_23 = tpu.memref_squeeze %dma_start3A_22 : memref<24x1x16xi32, #tpu.memory_space<hbm>> -> memref<24x16xi32, #tpu.memory_space<hbm>>
    tpu.enqueue_dma source(%dma_start3A_23 : memref<24x16xi32, #tpu.memory_space<hbm>>) target(%arg8 : memref<24x16xi32, #tpu.memory_space<vmem>>) target_semaphore(%arg18 : memref<!tpu.dma_semaphore, #tpu.memory_space<semaphore_mem>>)
    %dma_wait3A = arith.constant 0 : i32
    %dma_wait3A_24 = arith.constant 0 : i32
    %dma_wait3A_25 = arith.constant 0 : i32
    %dma_wait3A_26 = tpu.memref_slice %arg5[%dma_wait3A_24, %dma_wait3A, %dma_wait3A_25] : memref<24x2048x16xi32, #tpu.memory_space<hbm>> -> memref<24x1x16xi32, #tpu.memory_space<hbm>>
    %dma_wait3A_27 = tpu.memref_squeeze %dma_wait3A_26 : memref<24x1x16xi32, #tpu.memory_space<hbm>> -> memref<24x16xi32, #tpu.memory_space<hbm>>
    %dma_wait3A_28 = arith.constant 0 : i32
    %dma_wait3A_29 = arith.constant 0 : i32
    %dma_wait3A_30 = tpu.memref_slice %arg5[%dma_wait3A_28, %dma_wait3A, %dma_wait3A_29] : memref<24x2048x16xi32, #tpu.memory_space<hbm>> -> memref<24x1x16xi32, #tpu.memory_space<hbm>>
    %dma_wait3A_31 = tpu.memref_squeeze %dma_wait3A_30 : memref<24x1x16xi32, #tpu.memory_space<hbm>> -> memref<24x16xi32, #tpu.memory_space<hbm>>
    tpu.wait_dma2 semaphore(%arg17 : memref<!tpu.dma_semaphore, #tpu.memory_space<semaphore_mem>>) src(%dma_wait3A_31 : memref<24x16xi32, #tpu.memory_space<hbm>>) dst(%arg7 : memref<24x16xi32, #tpu.memory_space<vmem>>)
    %dma_start3A_32 = arith.constant 0 : i32
    %dma_start3A_33 = arith.constant 0 : i32
    %dma_start3A_34 = arith.constant 0 : i32
    %dma_start3A_35 = tpu.memref_slice %arg9[%dma_start3A_33, %dma_start3A_34] : memref<64x192xf32, #tpu.memory_space<vmem>> -> memref<16x192xf32, #tpu.memory_space<vmem>>
    %dma_start3A_36 = arith.constant 0 : i32
    %dma_start3A_37 = tpu.memref_slice %arg7[%dma_start3A_32, %dma_start3A_36] : memref<24x16xi32, #tpu.memory_space<vmem>> -> memref<1x16xi32, #tpu.memory_space<vmem>>
    %dma_start3A_38 = tpu.memref_squeeze %dma_start3A_37 : memref<1x16xi32, #tpu.memory_space<vmem>> -> memref<16xi32, #tpu.memory_space<vmem>>
    %dma_start3A_39 = arith.constant 0 : i32
    %dma_start3A_40 = arith.constant 0 : i32
    %dma_start3A_41 = tpu.memref_slice %arg2[%dma_start3A_39, %dma_start3A_40] : memref<16384x192xf32, #tpu.memory_space<hbm>> -> memref<16384x192xf32, #tpu.memory_space<hbm>>
    tpu.enqueue_indirect_dma source(%dma_start3A_41 : memref<16384x192xf32, #tpu.memory_space<hbm>>) target(%dma_start3A_35 : memref<16x192xf32, #tpu.memory_space<vmem>>) offsets(%dma_start3A_38 : memref<16xi32, #tpu.memory_space<vmem>>) semaphore(%arg19 : memref<!tpu.dma_semaphore, #tpu.memory_space<semaphore_mem>>)
    %dma_start3A_42 = arith.constant 1 : i32
    %dma_start3A_43 = arith.constant 16 : i32
    %dma_start3A_44 = arith.constant 0 : i32
    %dma_start3A_45 = tpu.memref_slice %arg9[%dma_start3A_43, %dma_start3A_44] : memref<64x192xf32, #tpu.memory_space<vmem>> -> memref<16x192xf32, #tpu.memory_space<vmem>>
    %dma_start3A_46 = arith.constant 0 : i32
    %dma_start3A_47 = tpu.memref_slice %arg7[%dma_start3A_42, %dma_start3A_46] : memref<24x16xi32, #tpu.memory_space<vmem>> -> memref<1x16xi32, #tpu.memory_space<vmem>>
    %dma_start3A_48 = tpu.memref_squeeze %dma_start3A_47 : memref<1x16xi32, #tpu.memory_space<vmem>> -> memref<16xi32, #tpu.memory_space<vmem>>
    %dma_start3A_49 = arith.constant 0 : i32
    %dma_start3A_50 = arith.constant 0 : i32
    %dma_start3A_51 = tpu.memref_slice %arg2[%dma_start3A_49, %dma_start3A_50] : memref<16384x192xf32, #tpu.memory_space<hbm>> -> memref<16384x192xf32, #tpu.memory_space<hbm>>
    tpu.enqueue_indirect_dma source(%dma_start3A_51 : memref<16384x192xf32, #tpu.memory_space<hbm>>) target(%dma_start3A_45 : memref<16x192xf32, #tpu.memory_space<vmem>>) offsets(%dma_start3A_48 : memref<16xi32, #tpu.memory_space<vmem>>) semaphore(%arg19 : memref<!tpu.dma_semaphore, #tpu.memory_space<semaphore_mem>>)
    %dma_start3A_52 = arith.constant 2 : i32
    %dma_start3A_53 = arith.constant 32 : i32
    %dma_start3A_54 = arith.constant 0 : i32
    %dma_start3A_55 = tpu.memref_slice %arg9[%dma_start3A_53, %dma_start3A_54] : memref<64x192xf32, #tpu.memory_space<vmem>> -> memref<16x192xf32, #tpu.memory_space<vmem>>
    %dma_start3A_56 = arith.constant 0 : i32
    %dma_start3A_57 = tpu.memref_slice %arg7[%dma_start3A_52, %dma_start3A_56] : memref<24x16xi32, #tpu.memory_space<vmem>> -> memref<1x16xi32, #tpu.memory_space<vmem>>
    %dma_start3A_58 = tpu.memref_squeeze %dma_start3A_57 : memref<1x16xi32, #tpu.memory_space<vmem>> -> memref<16xi32, #tpu.memory_space<vmem>>
    %dma_start3A_59 = arith.constant 0 : i32
    %dma_start3A_60 = arith.constant 0 : i32
    %dma_start3A_61 = tpu.memref_slice %arg2[%dma_start3A_59, %dma_start3A_60] : memref<16384x192xf32, #tpu.memory_space<hbm>> -> memref<16384x192xf32, #tpu.memory_space<hbm>>
    tpu.enqueue_indirect_dma source(%dma_start3A_61 : memref<16384x192xf32, #tpu.memory_space<hbm>>) target(%dma_start3A_55 : memref<16x192xf32, #tpu.memory_space<vmem>>) offsets(%dma_start3A_58 : memref<16xi32, #tpu.memory_space<vmem>>) semaphore(%arg19 : memref<!tpu.dma_semaphore, #tpu.memory_space<semaphore_mem>>)
    %dma_start3A_62 = arith.constant 3 : i32
    %dma_start3A_63 = arith.constant 48 : i32
    %dma_start3A_64 = arith.constant 0 : i32
    %dma_start3A_65 = tpu.memref_slice %arg9[%dma_start3A_63, %dma_start3A_64] : memref<64x192xf32, #tpu.memory_space<vmem>> -> memref<16x192xf32, #tpu.memory_space<vmem>>
    %dma_start3A_66 = arith.constant 0 : i32
    %dma_start3A_67 = tpu.memref_slice %arg7[%dma_start3A_62, %dma_start3A_66] : memref<24x16xi32, #tpu.memory_space<vmem>> -> memref<1x16xi32, #tpu.memory_space<vmem>>
    %dma_start3A_68 = tpu.memref_squeeze %dma_start3A_67 : memref<1x16xi32, #tpu.memory_space<vmem>> -> memref<16xi32, #tpu.memory_space<vmem>>
    %dma_start3A_69 = arith.constant 0 : i32
    %dma_start3A_70 = arith.constant 0 : i32
    %dma_start3A_71 = tpu.memref_slice %arg2[%dma_start3A_69, %dma_start3A_70] : memref<16384x192xf32, #tpu.memory_space<hbm>> -> memref<16384x192xf32, #tpu.memory_space<hbm>>
    tpu.enqueue_indirect_dma source(%dma_start3A_71 : memref<16384x192xf32, #tpu.memory_space<hbm>>) target(%dma_start3A_65 : memref<16x192xf32, #tpu.memory_space<vmem>>) offsets(%dma_start3A_68 : memref<16xi32, #tpu.memory_space<vmem>>) semaphore(%arg19 : memref<!tpu.dma_semaphore, #tpu.memory_space<semaphore_mem>>)
    %dma_start3A_72 = arith.constant 4 : i32
    %dma_start3A_73 = arith.constant 0 : i32
    %dma_start3A_74 = arith.constant 0 : i32
    %dma_start3A_75 = tpu.memref_slice %arg10[%dma_start3A_73, %dma_start3A_74] : memref<64x192xf32, #tpu.memory_space<vmem>> -> memref<16x192xf32, #tpu.memory_space<vmem>>
    %dma_start3A_76 = arith.constant 0 : i32
    %dma_start3A_77 = tpu.memref_slice %arg7[%dma_start3A_72, %dma_start3A_76] : memref<24x16xi32, #tpu.memory_space<vmem>> -> memref<1x16xi32, #tpu.memory_space<vmem>>
    %dma_start3A_78 = tpu.memref_squeeze %dma_start3A_77 : memref<1x16xi32, #tpu.memory_space<vmem>> -> memref<16xi32, #tpu.memory_space<vmem>>
    %dma_start3A_79 = arith.constant 0 : i32
    %dma_start3A_80 = arith.constant 0 : i32
    %dma_start3A_81 = tpu.memref_slice %arg3[%dma_start3A_79, %dma_start3A_80] : memref<16384x192xf32, #tpu.memory_space<hbm>> -> memref<16384x192xf32, #tpu.memory_space<hbm>>
    tpu.enqueue_indirect_dma source(%dma_start3A_81 : memref<16384x192xf32, #tpu.memory_space<hbm>>) target(%dma_start3A_75 : memref<16x192xf32, #tpu.memory_space<vmem>>) offsets(%dma_start3A_78 : memref<16xi32, #tpu.memory_space<vmem>>) semaphore(%arg19 : memref<!tpu.dma_semaphore, #tpu.memory_space<semaphore_mem>>)
    %dma_start3A_82 = arith.constant 5 : i32
    %dma_start3A_83 = arith.constant 16 : i32
    %dma_start3A_84 = arith.constant 0 : i32
    %dma_start3A_85 = tpu.memref_slice %arg10[%dma_start3A_83, %dma_start3A_84] : memref<64x192xf32, #tpu.memory_space<vmem>> -> memref<16x192xf32, #tpu.memory_space<vmem>>
    %dma_start3A_86 = arith.constant 0 : i32
    %dma_start3A_87 = tpu.memref_slice %arg7[%dma_start3A_82, %dma_start3A_86] : memref<24x16xi32, #tpu.memory_space<vmem>> -> memref<1x16xi32, #tpu.memory_space<vmem>>
    %dma_start3A_88 = tpu.memref_squeeze %dma_start3A_87 : memref<1x16xi32, #tpu.memory_space<vmem>> -> memref<16xi32, #tpu.memory_space<vmem>>
    %dma_start3A_89 = arith.constant 0 : i32
    %dma_start3A_90 = arith.constant 0 : i32
    %dma_start3A_91 = tpu.memref_slice %arg3[%dma_start3A_89, %dma_start3A_90] : memref<16384x192xf32, #tpu.memory_space<hbm>> -> memref<16384x192xf32, #tpu.memory_space<hbm>>
    tpu.enqueue_indirect_dma source(%dma_start3A_91 : memref<16384x192xf32, #tpu.memory_space<hbm>>) target(%dma_start3A_85 : memref<16x192xf32, #tpu.memory_space<vmem>>) offsets(%dma_start3A_88 : memref<16xi32, #tpu.memory_space<vmem>>) semaphore(%arg19 : memref<!tpu.dma_semaphore, #tpu.memory_space<semaphore_mem>>)
    %dma_start3A_92 = arith.constant 6 : i32
    %dma_start3A_93 = arith.constant 32 : i32
    %dma_start3A_94 = arith.constant 0 : i32
    %dma_start3A_95 = tpu.memref_slice %arg10[%dma_start3A_93, %dma_start3A_94] : memref<64x192xf32, #tpu.memory_space<vmem>> -> memref<16x192xf32, #tpu.memory_space<vmem>>
    %dma_start3A_96 = arith.constant 0 : i32
    %dma_start3A_97 = tpu.memref_slice %arg7[%dma_start3A_92, %dma_start3A_96] : memref<24x16xi32, #tpu.memory_space<vmem>> -> memref<1x16xi32, #tpu.memory_space<vmem>>
    %dma_start3A_98 = tpu.memref_squeeze %dma_start3A_97 : memref<1x16xi32, #tpu.memory_space<vmem>> -> memref<16xi32, #tpu.memory_space<vmem>>
    %dma_start3A_99 = arith.constant 0 : i32
    %dma_start3A_100 = arith.constant 0 : i32
    %dma_start3A_101 = tpu.memref_slice %arg3[%dma_start3A_99, %dma_start3A_100] : memref<16384x192xf32, #tpu.memory_space<hbm>> -> memref<16384x192xf32, #tpu.memory_space<hbm>>
    tpu.enqueue_indirect_dma source(%dma_start3A_101 : memref<16384x192xf32, #tpu.memory_space<hbm>>) target(%dma_start3A_95 : memref<16x192xf32, #tpu.memory_space<vmem>>) offsets(%dma_start3A_98 : memref<16xi32, #tpu.memory_space<vmem>>) semaphore(%arg19 : memref<!tpu.dma_semaphore, #tpu.memory_space<semaphore_mem>>)
    %dma_start3A_102 = arith.constant 7 : i32
    %dma_start3A_103 = arith.constant 48 : i32
    %dma_start3A_104 = arith.constant 0 : i32
    %dma_start3A_105 = tpu.memref_slice %arg10[%dma_start3A_103, %dma_start3A_104] : memref<64x192xf32, #tpu.memory_space<vmem>> -> memref<16x192xf32, #tpu.memory_space<vmem>>
    %dma_start3A_106 = arith.constant 0 : i32
    %dma_start3A_107 = tpu.memref_slice %arg7[%dma_start3A_102, %dma_start3A_106] : memref<24x16xi32, #tpu.memory_space<vmem>> -> memref<1x16xi32, #tpu.memory_space<vmem>>
    %dma_start3A_108 = tpu.memref_squeeze %dma_start3A_107 : memref<1x16xi32, #tpu.memory_space<vmem>> -> memref<16xi32, #tpu.memory_space<vmem>>
    %dma_start3A_109 = arith.constant 0 : i32
    %dma_start3A_110 = arith.constant 0 : i32
    %dma_start3A_111 = tpu.memref_slice %arg3[%dma_start3A_109, %dma_start3A_110] : memref<16384x192xf32, #tpu.memory_space<hbm>> -> memref<16384x192xf32, #tpu.memory_space<hbm>>
    tpu.enqueue_indirect_dma source(%dma_start3A_111 : memref<16384x192xf32, #tpu.memory_space<hbm>>) target(%dma_start3A_105 : memref<16x192xf32, #tpu.memory_space<vmem>>) offsets(%dma_start3A_108 : memref<16xi32, #tpu.memory_space<vmem>>) semaphore(%arg19 : memref<!tpu.dma_semaphore, #tpu.memory_space<semaphore_mem>>)
    %dma_start3A_112 = arith.constant 8 : i32
    %dma_start3A_113 = arith.constant 0 : i32
    %dma_start3A_114 = arith.constant 0 : i32
    %dma_start3A_115 = tpu.memref_slice %arg11[%dma_start3A_113, %dma_start3A_114] : memref<64x192xf32, #tpu.memory_space<vmem>> -> memref<16x192xf32, #tpu.memory_space<vmem>>
    %dma_start3A_116 = arith.constant 0 : i32
    %dma_start3A_117 = tpu.memref_slice %arg7[%dma_start3A_112, %dma_start3A_116] : memref<24x16xi32, #tpu.memory_space<vmem>> -> memref<1x16xi32, #tpu.memory_space<vmem>>
    %dma_start3A_118 = tpu.memref_squeeze %dma_start3A_117 : memref<1x16xi32, #tpu.memory_space<vmem>> -> memref<16xi32, #tpu.memory_space<vmem>>
    %dma_start3A_119 = arith.constant 0 : i32
    %dma_start3A_120 = arith.constant 0 : i32
    %dma_start3A_121 = tpu.memref_slice %arg4[%dma_start3A_119, %dma_start3A_120] : memref<16384x192xf32, #tpu.memory_space<hbm>> -> memref<16384x192xf32, #tpu.memory_space<hbm>>
    tpu.enqueue_indirect_dma source(%dma_start3A_121 : memref<16384x192xf32, #tpu.memory_space<hbm>>) target(%dma_start3A_115 : memref<16x192xf32, #tpu.memory_space<vmem>>) offsets(%dma_start3A_118 : memref<16xi32, #tpu.memory_space<vmem>>) semaphore(%arg19 : memref<!tpu.dma_semaphore, #tpu.memory_space<semaphore_mem>>)
    %dma_start3A_122 = arith.constant 9 : i32
    %dma_start3A_123 = arith.constant 16 : i32
    %dma_start3A_124 = arith.constant 0 : i32
    %dma_start3A_125 = tpu.memref_slice %arg11[%dma_start3A_123, %dma_start3A_124] : memref<64x192xf32, #tpu.memory_space<vmem>> -> memref<16x192xf32, #tpu.memory_space<vmem>>
    %dma_start3A_126 = arith.constant 0 : i32
    %dma_start3A_127 = tpu.memref_slice %arg7[%dma_start3A_122, %dma_start3A_126] : memref<24x16xi32, #tpu.memory_space<vmem>> -> memref<1x16xi32, #tpu.memory_space<vmem>>
    %dma_start3A_128 = tpu.memref_squeeze %dma_start3A_127 : memref<1x16xi32, #tpu.memory_space<vmem>> -> memref<16xi32, #tpu.memory_space<vmem>>
    %dma_start3A_129 = arith.constant 0 : i32
    %dma_start3A_130 = arith.constant 0 : i32
    %dma_start3A_131 = tpu.memref_slice %arg4[%dma_start3A_129, %dma_start3A_130] : memref<16384x192xf32, #tpu.memory_space<hbm>> -> memref<16384x192xf32, #tpu.memory_space<hbm>>
    tpu.enqueue_indirect_dma source(%dma_start3A_131 : memref<16384x192xf32, #tpu.memory_space<hbm>>) target(%dma_start3A_125 : memref<16x192xf32, #tpu.memory_space<vmem>>) offsets(%dma_start3A_128 : memref<16xi32, #tpu.memory_space<vmem>>) semaphore(%arg19 : memref<!tpu.dma_semaphore, #tpu.memory_space<semaphore_mem>>)
    %dma_start3A_132 = arith.constant 10 : i32
    %dma_start3A_133 = arith.constant 32 : i32
    %dma_start3A_134 = arith.constant 0 : i32
    %dma_start3A_135 = tpu.memref_slice %arg11[%dma_start3A_133, %dma_start3A_134] : memref<64x192xf32, #tpu.memory_space<vmem>> -> memref<16x192xf32, #tpu.memory_space<vmem>>
    %dma_start3A_136 = arith.constant 0 : i32
    %dma_start3A_137 = tpu.memref_slice %arg7[%dma_start3A_132, %dma_start3A_136] : memref<24x16xi32, #tpu.memory_space<vmem>> -> memref<1x16xi32, #tpu.memory_space<vmem>>
    %dma_start3A_138 = tpu.memref_squeeze %dma_start3A_137 : memref<1x16xi32, #tpu.memory_space<vmem>> -> memref<16xi32, #tpu.memory_space<vmem>>
    %dma_start3A_139 = arith.constant 0 : i32
    %dma_start3A_140 = arith.constant 0 : i32
    %dma_start3A_141 = tpu.memref_slice %arg4[%dma_start3A_139, %dma_start3A_140] : memref<16384x192xf32, #tpu.memory_space<hbm>> -> memref<16384x192xf32, #tpu.memory_space<hbm>>
    tpu.enqueue_indirect_dma source(%dma_start3A_141 : memref<16384x192xf32, #tpu.memory_space<hbm>>) target(%dma_start3A_135 : memref<16x192xf32, #tpu.memory_space<vmem>>) offsets(%dma_start3A_138 : memref<16xi32, #tpu.memory_space<vmem>>) semaphore(%arg19 : memref<!tpu.dma_semaphore, #tpu.memory_space<semaphore_mem>>)
    %dma_start3A_142 = arith.constant 11 : i32
    %dma_start3A_143 = arith.constant 48 : i32
    %dma_start3A_144 = arith.constant 0 : i32
    %dma_start3A_145 = tpu.memref_slice %arg11[%dma_start3A_143, %dma_start3A_144] : memref<64x192xf32, #tpu.memory_space<vmem>> -> memref<16x192xf32, #tpu.memory_space<vmem>>
    %dma_start3A_146 = arith.constant 0 : i32
    %dma_start3A_147 = tpu.memref_slice %arg7[%dma_start3A_142, %dma_start3A_146] : memref<24x16xi32, #tpu.memory_space<vmem>> -> memref<1x16xi32, #tpu.memory_space<vmem>>
    %dma_start3A_148 = tpu.memref_squeeze %dma_start3A_147 : memref<1x16xi32, #tpu.memory_space<vmem>> -> memref<16xi32, #tpu.memory_space<vmem>>
    %dma_start3A_149 = arith.constant 0 : i32
    %dma_start3A_150 = arith.constant 0 : i32
    %dma_start3A_151 = tpu.memref_slice %arg4[%dma_start3A_149, %dma_start3A_150] : memref<16384x192xf32, #tpu.memory_space<hbm>> -> memref<16384x192xf32, #tpu.memory_space<hbm>>
    tpu.enqueue_indirect_dma source(%dma_start3A_151 : memref<16384x192xf32, #tpu.memory_space<hbm>>) target(%dma_start3A_145 : memref<16x192xf32, #tpu.memory_space<vmem>>) offsets(%dma_start3A_148 : memref<16xi32, #tpu.memory_space<vmem>>) semaphore(%arg19 : memref<!tpu.dma_semaphore, #tpu.memory_space<semaphore_mem>>)
    %scan3A = arith.constant 0 : i32
    %scan3A_152 = arith.constant 0 : i32
    %scan3A_153 = arith.constant 32 : i32
    %scan3A_154 = arith.addi %scan3A_152, %scan3A_153 : i32
    %scan3A_155 = arith.constant 1 : i32
    scf.for %scan3A_173 = %scan3A_152 to %scan3A_154 step %scan3A_155  : i32 {
      %mul3A_174 = arith.constant 2 : i32
      %mul3A_175 = arith.muli %mul3A_174, %scan3A_173 : i32
      %add3A_176 = arith.constant 1 : i32
      %add3A_177 = arith.addi %mul3A_175, %add3A_176 : i32
      %lt3A = arith.constant 64 : i32
      %lt3A_178 = arith.cmpi slt, %add3A_177, %lt3A : i32
      %convert_element_type3A = arith.extui %lt3A_178 : i1 to i32
      %cond3A = arith.constant 0 : i32
      %cond3A_179 = arith.cmpi ne, %convert_element_type3A, %cond3A : i32
      scf.if %cond3A_179 {
        %dma_wait3A_694 = arith.constant 0 : i32
        %dma_wait3A_695 = arith.constant 0 : i32
        %dma_wait3A_696 = arith.constant 0 : i32
        %dma_wait3A_697 = tpu.memref_slice %arg5[%dma_wait3A_695, %dma_wait3A_694, %dma_wait3A_696] : memref<24x2048x16xi32, #tpu.memory_space<hbm>> -> memref<24x1x16xi32, #tpu.memory_space<hbm>>
        %dma_wait3A_698 = tpu.memref_squeeze %dma_wait3A_697 : memref<24x1x16xi32, #tpu.memory_space<hbm>> -> memref<24x16xi32, #tpu.memory_space<hbm>>
        %dma_wait3A_699 = arith.constant 0 : i32
        %dma_wait3A_700 = arith.constant 0 : i32
        %dma_wait3A_701 = tpu.memref_slice %arg5[%dma_wait3A_699, %dma_wait3A_694, %dma_wait3A_700] : memref<24x2048x16xi32, #tpu.memory_space<hbm>> -> memref<24x1x16xi32, #tpu.memory_space<hbm>>
        %dma_wait3A_702 = tpu.memref_squeeze %dma_wait3A_701 : memref<24x1x16xi32, #tpu.memory_space<hbm>> -> memref<24x16xi32, #tpu.memory_space<hbm>>
        tpu.wait_dma2 semaphore(%arg18 : memref<!tpu.dma_semaphore, #tpu.memory_space<semaphore_mem>>) src(%dma_wait3A_702 : memref<24x16xi32, #tpu.memory_space<hbm>>) dst(%arg8 : memref<24x16xi32, #tpu.memory_space<vmem>>)
        %dma_start3A_703 = arith.constant 0 : i32
        %dma_start3A_704 = arith.constant 0 : i32
        %dma_start3A_705 = arith.constant 0 : i32
        %dma_start3A_706 = tpu.memref_slice %arg12[%dma_start3A_704, %dma_start3A_705] : memref<64x192xf32, #tpu.memory_space<vmem>> -> memref<16x192xf32, #tpu.memory_space<vmem>>
        %dma_start3A_707 = arith.constant 0 : i32
        %dma_start3A_708 = tpu.memref_slice %arg8[%dma_start3A_703, %dma_start3A_707] : memref<24x16xi32, #tpu.memory_space<vmem>> -> memref<1x16xi32, #tpu.memory_space<vmem>>
        %dma_start3A_709 = tpu.memref_squeeze %dma_start3A_708 : memref<1x16xi32, #tpu.memory_space<vmem>> -> memref<16xi32, #tpu.memory_space<vmem>>
        %dma_start3A_710 = arith.constant 0 : i32
        %dma_start3A_711 = arith.constant 0 : i32
        %dma_start3A_712 = tpu.memref_slice %arg2[%dma_start3A_710, %dma_start3A_711] : memref<16384x192xf32, #tpu.memory_space<hbm>> -> memref<16384x192xf32, #tpu.memory_space<hbm>>
        tpu.enqueue_indirect_dma source(%dma_start3A_712 : memref<16384x192xf32, #tpu.memory_space<hbm>>) target(%dma_start3A_706 : memref<16x192xf32, #tpu.memory_space<vmem>>) offsets(%dma_start3A_709 : memref<16xi32, #tpu.memory_space<vmem>>) semaphore(%arg20 : memref<!tpu.dma_semaphore, #tpu.memory_space<semaphore_mem>>)
        %dma_start3A_713 = arith.constant 1 : i32
        %dma_start3A_714 = arith.constant 16 : i32
        %dma_start3A_715 = arith.constant 0 : i32
        %dma_start3A_716 = tpu.memref_slice %arg12[%dma_start3A_714, %dma_start3A_715] : memref<64x192xf32, #tpu.memory_space<vmem>> -> memref<16x192xf32, #tpu.memory_space<vmem>>
        %dma_start3A_717 = arith.constant 0 : i32
        %dma_start3A_718 = tpu.memref_slice %arg8[%dma_start3A_713, %dma_start3A_717] : memref<24x16xi32, #tpu.memory_space<vmem>> -> memref<1x16xi32, #tpu.memory_space<vmem>>
        %dma_start3A_719 = tpu.memref_squeeze %dma_start3A_718 : memref<1x16xi32, #tpu.memory_space<vmem>> -> memref<16xi32, #tpu.memory_space<vmem>>
        %dma_start3A_720 = arith.constant 0 : i32
        %dma_start3A_721 = arith.constant 0 : i32
        %dma_start3A_722 = tpu.memref_slice %arg2[%dma_start3A_720, %dma_start3A_721] : memref<16384x192xf32, #tpu.memory_space<hbm>> -> memref<16384x192xf32, #tpu.memory_space<hbm>>
        tpu.enqueue_indirect_dma source(%dma_start3A_722 : memref<16384x192xf32, #tpu.memory_space<hbm>>) target(%dma_start3A_716 : memref<16x192xf32, #tpu.memory_space<vmem>>) offsets(%dma_start3A_719 : memref<16xi32, #tpu.memory_space<vmem>>) semaphore(%arg20 : memref<!tpu.dma_semaphore, #tpu.memory_space<semaphore_mem>>)
        %dma_start3A_723 = arith.constant 2 : i32
        %dma_start3A_724 = arith.constant 32 : i32
        %dma_start3A_725 = arith.constant 0 : i32
        %dma_start3A_726 = tpu.memref_slice %arg12[%dma_start3A_724, %dma_start3A_725] : memref<64x192xf32, #tpu.memory_space<vmem>> -> memref<16x192xf32, #tpu.memory_space<vmem>>
        %dma_start3A_727 = arith.constant 0 : i32
        %dma_start3A_728 = tpu.memref_slice %arg8[%dma_start3A_723, %dma_start3A_727] : memref<24x16xi32, #tpu.memory_space<vmem>> -> memref<1x16xi32, #tpu.memory_space<vmem>>
        %dma_start3A_729 = tpu.memref_squeeze %dma_start3A_728 : memref<1x16xi32, #tpu.memory_space<vmem>> -> memref<16xi32, #tpu.memory_space<vmem>>
        %dma_start3A_730 = arith.constant 0 : i32
        %dma_start3A_731 = arith.constant 0 : i32
        %dma_start3A_732 = tpu.memref_slice %arg2[%dma_start3A_730, %dma_start3A_731] : memref<16384x192xf32, #tpu.memory_space<hbm>> -> memref<16384x192xf32, #tpu.memory_space<hbm>>
        tpu.enqueue_indirect_dma source(%dma_start3A_732 : memref<16384x192xf32, #tpu.memory_space<hbm>>) target(%dma_start3A_726 : memref<16x192xf32, #tpu.memory_space<vmem>>) offsets(%dma_start3A_729 : memref<16xi32, #tpu.memory_space<vmem>>) semaphore(%arg20 : memref<!tpu.dma_semaphore, #tpu.memory_space<semaphore_mem>>)
        %dma_start3A_733 = arith.constant 3 : i32
        %dma_start3A_734 = arith.constant 48 : i32
        %dma_start3A_735 = arith.constant 0 : i32
        %dma_start3A_736 = tpu.memref_slice %arg12[%dma_start3A_734, %dma_start3A_735] : memref<64x192xf32, #tpu.memory_space<vmem>> -> memref<16x192xf32, #tpu.memory_space<vmem>>
        %dma_start3A_737 = arith.constant 0 : i32
        %dma_start3A_738 = tpu.memref_slice %arg8[%dma_start3A_733, %dma_start3A_737] : memref<24x16xi32, #tpu.memory_space<vmem>> -> memref<1x16xi32, #tpu.memory_space<vmem>>
        %dma_start3A_739 = tpu.memref_squeeze %dma_start3A_738 : memref<1x16xi32, #tpu.memory_space<vmem>> -> memref<16xi32, #tpu.memory_space<vmem>>
        %dma_start3A_740 = arith.constant 0 : i32
        %dma_start3A_741 = arith.constant 0 : i32
        %dma_start3A_742 = tpu.memref_slice %arg2[%dma_start3A_740, %dma_start3A_741] : memref<16384x192xf32, #tpu.memory_space<hbm>> -> memref<16384x192xf32, #tpu.memory_space<hbm>>
        tpu.enqueue_indirect_dma source(%dma_start3A_742 : memref<16384x192xf32, #tpu.memory_space<hbm>>) target(%dma_start3A_736 : memref<16x192xf32, #tpu.memory_space<vmem>>) offsets(%dma_start3A_739 : memref<16xi32, #tpu.memory_space<vmem>>) semaphore(%arg20 : memref<!tpu.dma_semaphore, #tpu.memory_space<semaphore_mem>>)
        %dma_start3A_743 = arith.constant 4 : i32
        %dma_start3A_744 = arith.constant 0 : i32
        %dma_start3A_745 = arith.constant 0 : i32
        %dma_start3A_746 = tpu.memref_slice %arg13[%dma_start3A_744, %dma_start3A_745] : memref<64x192xf32, #tpu.memory_space<vmem>> -> memref<16x192xf32, #tpu.memory_space<vmem>>
        %dma_start3A_747 = arith.constant 0 : i32
        %dma_start3A_748 = tpu.memref_slice %arg8[%dma_start3A_743, %dma_start3A_747] : memref<24x16xi32, #tpu.memory_space<vmem>> -> memref<1x16xi32, #tpu.memory_space<vmem>>
        %dma_start3A_749 = tpu.memref_squeeze %dma_start3A_748 : memref<1x16xi32, #tpu.memory_space<vmem>> -> memref<16xi32, #tpu.memory_space<vmem>>
        %dma_start3A_750 = arith.constant 0 : i32
        %dma_start3A_751 = arith.constant 0 : i32
        %dma_start3A_752 = tpu.memref_slice %arg3[%dma_start3A_750, %dma_start3A_751] : memref<16384x192xf32, #tpu.memory_space<hbm>> -> memref<16384x192xf32, #tpu.memory_space<hbm>>
        tpu.enqueue_indirect_dma source(%dma_start3A_752 : memref<16384x192xf32, #tpu.memory_space<hbm>>) target(%dma_start3A_746 : memref<16x192xf32, #tpu.memory_space<vmem>>) offsets(%dma_start3A_749 : memref<16xi32, #tpu.memory_space<vmem>>) semaphore(%arg20 : memref<!tpu.dma_semaphore, #tpu.memory_space<semaphore_mem>>)
        %dma_start3A_753 = arith.constant 5 : i32
        %dma_start3A_754 = arith.constant 16 : i32
        %dma_start3A_755 = arith.constant 0 : i32
        %dma_start3A_756 = tpu.memref_slice %arg13[%dma_start3A_754, %dma_start3A_755] : memref<64x192xf32, #tpu.memory_space<vmem>> -> memref<16x192xf32, #tpu.memory_space<vmem>>
        %dma_start3A_757 = arith.constant 0 : i32
        %dma_start3A_758 = tpu.memref_slice %arg8[%dma_start3A_753, %dma_start3A_757] : memref<24x16xi32, #tpu.memory_space<vmem>> -> memref<1x16xi32, #tpu.memory_space<vmem>>
        %dma_start3A_759 = tpu.memref_squeeze %dma_start3A_758 : memref<1x16xi32, #tpu.memory_space<vmem>> -> memref<16xi32, #tpu.memory_space<vmem>>
        %dma_start3A_760 = arith.constant 0 : i32
        %dma_start3A_761 = arith.constant 0 : i32
        %dma_start3A_762 = tpu.memref_slice %arg3[%dma_start3A_760, %dma_start3A_761] : memref<16384x192xf32, #tpu.memory_space<hbm>> -> memref<16384x192xf32, #tpu.memory_space<hbm>>
        tpu.enqueue_indirect_dma source(%dma_start3A_762 : memref<16384x192xf32, #tpu.memory_space<hbm>>) target(%dma_start3A_756 : memref<16x192xf32, #tpu.memory_space<vmem>>) offsets(%dma_start3A_759 : memref<16xi32, #tpu.memory_space<vmem>>) semaphore(%arg20 : memref<!tpu.dma_semaphore, #tpu.memory_space<semaphore_mem>>)
        %dma_start3A_763 = arith.constant 6 : i32
        %dma_start3A_764 = arith.constant 32 : i32
        %dma_start3A_765 = arith.constant 0 : i32
        %dma_start3A_766 = tpu.memref_slice %arg13[%dma_start3A_764, %dma_start3A_765] : memref<64x192xf32, #tpu.memory_space<vmem>> -> memref<16x192xf32, #tpu.memory_space<vmem>>
        %dma_start3A_767 = arith.constant 0 : i32
        %dma_start3A_768 = tpu.memref_slice %arg8[%dma_start3A_763, %dma_start3A_767] : memref<24x16xi32, #tpu.memory_space<vmem>> -> memref<1x16xi32, #tpu.memory_space<vmem>>
        %dma_start3A_769 = tpu.memref_squeeze %dma_start3A_768 : memref<1x16xi32, #tpu.memory_space<vmem>> -> memref<16xi32, #tpu.memory_space<vmem>>
        %dma_start3A_770 = arith.constant 0 : i32
        %dma_start3A_771 = arith.constant 0 : i32
        %dma_start3A_772 = tpu.memref_slice %arg3[%dma_start3A_770, %dma_start3A_771] : memref<16384x192xf32, #tpu.memory_space<hbm>> -> memref<16384x192xf32, #tpu.memory_space<hbm>>
        tpu.enqueue_indirect_dma source(%dma_start3A_772 : memref<16384x192xf32, #tpu.memory_space<hbm>>) target(%dma_start3A_766 : memref<16x192xf32, #tpu.memory_space<vmem>>) offsets(%dma_start3A_769 : memref<16xi32, #tpu.memory_space<vmem>>) semaphore(%arg20 : memref<!tpu.dma_semaphore, #tpu.memory_space<semaphore_mem>>)
        %dma_start3A_773 = arith.constant 7 : i32
        %dma_start3A_774 = arith.constant 48 : i32
        %dma_start3A_775 = arith.constant 0 : i32
        %dma_start3A_776 = tpu.memref_slice %arg13[%dma_start3A_774, %dma_start3A_775] : memref<64x192xf32, #tpu.memory_space<vmem>> -> memref<16x192xf32, #tpu.memory_space<vmem>>
        %dma_start3A_777 = arith.constant 0 : i32
        %dma_start3A_778 = tpu.memref_slice %arg8[%dma_start3A_773, %dma_start3A_777] : memref<24x16xi32, #tpu.memory_space<vmem>> -> memref<1x16xi32, #tpu.memory_space<vmem>>
        %dma_start3A_779 = tpu.memref_squeeze %dma_start3A_778 : memref<1x16xi32, #tpu.memory_space<vmem>> -> memref<16xi32, #tpu.memory_space<vmem>>
        %dma_start3A_780 = arith.constant 0 : i32
        %dma_start3A_781 = arith.constant 0 : i32
        %dma_start3A_782 = tpu.memref_slice %arg3[%dma_start3A_780, %dma_start3A_781] : memref<16384x192xf32, #tpu.memory_space<hbm>> -> memref<16384x192xf32, #tpu.memory_space<hbm>>
        tpu.enqueue_indirect_dma source(%dma_start3A_782 : memref<16384x192xf32, #tpu.memory_space<hbm>>) target(%dma_start3A_776 : memref<16x192xf32, #tpu.memory_space<vmem>>) offsets(%dma_start3A_779 : memref<16xi32, #tpu.memory_space<vmem>>) semaphore(%arg20 : memref<!tpu.dma_semaphore, #tpu.memory_space<semaphore_mem>>)
        %dma_start3A_783 = arith.constant 8 : i32
        %dma_start3A_784 = arith.constant 0 : i32
        %dma_start3A_785 = arith.constant 0 : i32
        %dma_start3A_786 = tpu.memref_slice %arg14[%dma_start3A_784, %dma_start3A_785] : memref<64x192xf32, #tpu.memory_space<vmem>> -> memref<16x192xf32, #tpu.memory_space<vmem>>
        %dma_start3A_787 = arith.constant 0 : i32
        %dma_start3A_788 = tpu.memref_slice %arg8[%dma_start3A_783, %dma_start3A_787] : memref<24x16xi32, #tpu.memory_space<vmem>> -> memref<1x16xi32, #tpu.memory_space<vmem>>
        %dma_start3A_789 = tpu.memref_squeeze %dma_start3A_788 : memref<1x16xi32, #tpu.memory_space<vmem>> -> memref<16xi32, #tpu.memory_space<vmem>>
        %dma_start3A_790 = arith.constant 0 : i32
        %dma_start3A_791 = arith.constant 0 : i32
        %dma_start3A_792 = tpu.memref_slice %arg4[%dma_start3A_790, %dma_start3A_791] : memref<16384x192xf32, #tpu.memory_space<hbm>> -> memref<16384x192xf32, #tpu.memory_space<hbm>>
        tpu.enqueue_indirect_dma source(%dma_start3A_792 : memref<16384x192xf32, #tpu.memory_space<hbm>>) target(%dma_start3A_786 : memref<16x192xf32, #tpu.memory_space<vmem>>) offsets(%dma_start3A_789 : memref<16xi32, #tpu.memory_space<vmem>>) semaphore(%arg20 : memref<!tpu.dma_semaphore, #tpu.memory_space<semaphore_mem>>)
        %dma_start3A_793 = arith.constant 9 : i32
        %dma_start3A_794 = arith.constant 16 : i32
        %dma_start3A_795 = arith.constant 0 : i32
        %dma_start3A_796 = tpu.memref_slice %arg14[%dma_start3A_794, %dma_start3A_795] : memref<64x192xf32, #tpu.memory_space<vmem>> -> memref<16x192xf32, #tpu.memory_space<vmem>>
        %dma_start3A_797 = arith.constant 0 : i32
        %dma_start3A_798 = tpu.memref_slice %arg8[%dma_start3A_793, %dma_start3A_797] : memref<24x16xi32, #tpu.memory_space<vmem>> -> memref<1x16xi32, #tpu.memory_space<vmem>>
        %dma_start3A_799 = tpu.memref_squeeze %dma_start3A_798 : memref<1x16xi32, #tpu.memory_space<vmem>> -> memref<16xi32, #tpu.memory_space<vmem>>
        %dma_start3A_800 = arith.constant 0 : i32
        %dma_start3A_801 = arith.constant 0 : i32
        %dma_start3A_802 = tpu.memref_slice %arg4[%dma_start3A_800, %dma_start3A_801] : memref<16384x192xf32, #tpu.memory_space<hbm>> -> memref<16384x192xf32, #tpu.memory_space<hbm>>
        tpu.enqueue_indirect_dma source(%dma_start3A_802 : memref<16384x192xf32, #tpu.memory_space<hbm>>) target(%dma_start3A_796 : memref<16x192xf32, #tpu.memory_space<vmem>>) offsets(%dma_start3A_799 : memref<16xi32, #tpu.memory_space<vmem>>) semaphore(%arg20 : memref<!tpu.dma_semaphore, #tpu.memory_space<semaphore_mem>>)
        %dma_start3A_803 = arith.constant 10 : i32
        %dma_start3A_804 = arith.constant 32 : i32
        %dma_start3A_805 = arith.constant 0 : i32
        %dma_start3A_806 = tpu.memref_slice %arg14[%dma_start3A_804, %dma_start3A_805] : memref<64x192xf32, #tpu.memory_space<vmem>> -> memref<16x192xf32, #tpu.memory_space<vmem>>
        %dma_start3A_807 = arith.constant 0 : i32
        %dma_start3A_808 = tpu.memref_slice %arg8[%dma_start3A_803, %dma_start3A_807] : memref<24x16xi32, #tpu.memory_space<vmem>> -> memref<1x16xi32, #tpu.memory_space<vmem>>
        %dma_start3A_809 = tpu.memref_squeeze %dma_start3A_808 : memref<1x16xi32, #tpu.memory_space<vmem>> -> memref<16xi32, #tpu.memory_space<vmem>>
        %dma_start3A_810 = arith.constant 0 : i32
        %dma_start3A_811 = arith.constant 0 : i32
        %dma_start3A_812 = tpu.memref_slice %arg4[%dma_start3A_810, %dma_start3A_811] : memref<16384x192xf32, #tpu.memory_space<hbm>> -> memref<16384x192xf32, #tpu.memory_space<hbm>>
        tpu.enqueue_indirect_dma source(%dma_start3A_812 : memref<16384x192xf32, #tpu.memory_space<hbm>>) target(%dma_start3A_806 : memref<16x192xf32, #tpu.memory_space<vmem>>) offsets(%dma_start3A_809 : memref<16xi32, #tpu.memory_space<vmem>>) semaphore(%arg20 : memref<!tpu.dma_semaphore, #tpu.memory_space<semaphore_mem>>)
        %dma_start3A_813 = arith.constant 11 : i32
        %dma_start3A_814 = arith.constant 48 : i32
        %dma_start3A_815 = arith.constant 0 : i32
        %dma_start3A_816 = tpu.memref_slice %arg14[%dma_start3A_814, %dma_start3A_815] : memref<64x192xf32, #tpu.memory_space<vmem>> -> memref<16x192xf32, #tpu.memory_space<vmem>>
        %dma_start3A_817 = arith.constant 0 : i32
        %dma_start3A_818 = tpu.memref_slice %arg8[%dma_start3A_813, %dma_start3A_817] : memref<24x16xi32, #tpu.memory_space<vmem>> -> memref<1x16xi32, #tpu.memory_space<vmem>>
        %dma_start3A_819 = tpu.memref_squeeze %dma_start3A_818 : memref<1x16xi32, #tpu.memory_space<vmem>> -> memref<16xi32, #tpu.memory_space<vmem>>
        %dma_start3A_820 = arith.constant 0 : i32
        %dma_start3A_821 = arith.constant 0 : i32
        %dma_start3A_822 = tpu.memref_slice %arg4[%dma_start3A_820, %dma_start3A_821] : memref<16384x192xf32, #tpu.memory_space<hbm>> -> memref<16384x192xf32, #tpu.memory_space<hbm>>
        tpu.enqueue_indirect_dma source(%dma_start3A_822 : memref<16384x192xf32, #tpu.memory_space<hbm>>) target(%dma_start3A_816 : memref<16x192xf32, #tpu.memory_space<vmem>>) offsets(%dma_start3A_819 : memref<16xi32, #tpu.memory_space<vmem>>) semaphore(%arg20 : memref<!tpu.dma_semaphore, #tpu.memory_space<semaphore_mem>>)
      } else {
      }
      %dma_wait3A_180 = arith.constant 0 : i32
      %dma_wait3A_181 = arith.constant 0 : i32
      %dma_wait3A_182 = tpu.memref_slice %arg9[%dma_wait3A_180, %dma_wait3A_181] : memref<64x192xf32, #tpu.memory_space<vmem>> -> memref<16x192xf32, #tpu.memory_space<vmem>>
      %dma_wait3A_183 = arith.constant 0 : i32
      %dma_wait3A_184 = arith.constant 0 : i32
      %dma_wait3A_185 = tpu.memref_slice %arg2[%dma_wait3A_183, %dma_wait3A_184] : memref<16384x192xf32, #tpu.memory_space<hbm>> -> memref<16x192xf32, #tpu.memory_space<hbm>>
      %dma_wait3A_186 = arith.constant 0 : i32
      %dma_wait3A_187 = arith.constant 0 : i32
      %dma_wait3A_188 = tpu.memref_slice %arg9[%dma_wait3A_186, %dma_wait3A_187] : memref<64x192xf32, #tpu.memory_space<vmem>> -> memref<16x192xf32, #tpu.memory_space<vmem>>
      %dma_wait3A_189 = arith.constant 0 : i32
      %dma_wait3A_190 = arith.constant 0 : i32
      %dma_wait3A_191 = tpu.memref_slice %arg2[%dma_wait3A_189, %dma_wait3A_190] : memref<16384x192xf32, #tpu.memory_space<hbm>> -> memref<16x192xf32, #tpu.memory_space<hbm>>
      tpu.wait_dma2 semaphore(%arg19 : memref<!tpu.dma_semaphore, #tpu.memory_space<semaphore_mem>>) src(%dma_wait3A_191 : memref<16x192xf32, #tpu.memory_space<hbm>>) dst(%dma_wait3A_188 : memref<16x192xf32, #tpu.memory_space<vmem>>)
      %dma_wait3A_192 = arith.constant 16 : i32
      %dma_wait3A_193 = arith.constant 0 : i32
      %dma_wait3A_194 = tpu.memref_slice %arg9[%dma_wait3A_192, %dma_wait3A_193] : memref<64x192xf32, #tpu.memory_space<vmem>> -> memref<16x192xf32, #tpu.memory_space<vmem>>
      %dma_wait3A_195 = arith.constant 0 : i32
      %dma_wait3A_196 = arith.constant 0 : i32
      %dma_wait3A_197 = tpu.memref_slice %arg2[%dma_wait3A_195, %dma_wait3A_196] : memref<16384x192xf32, #tpu.memory_space<hbm>> -> memref<16x192xf32, #tpu.memory_space<hbm>>
      %dma_wait3A_198 = arith.constant 16 : i32
      %dma_wait3A_199 = arith.constant 0 : i32
      %dma_wait3A_200 = tpu.memref_slice %arg9[%dma_wait3A_198, %dma_wait3A_199] : memref<64x192xf32, #tpu.memory_space<vmem>> -> memref<16x192xf32, #tpu.memory_space<vmem>>
      %dma_wait3A_201 = arith.constant 0 : i32
      %dma_wait3A_202 = arith.constant 0 : i32
      %dma_wait3A_203 = tpu.memref_slice %arg2[%dma_wait3A_201, %dma_wait3A_202] : memref<16384x192xf32, #tpu.memory_space<hbm>> -> memref<16x192xf32, #tpu.memory_space<hbm>>
      tpu.wait_dma2 semaphore(%arg19 : memref<!tpu.dma_semaphore, #tpu.memory_space<semaphore_mem>>) src(%dma_wait3A_203 : memref<16x192xf32, #tpu.memory_space<hbm>>) dst(%dma_wait3A_200 : memref<16x192xf32, #tpu.memory_space<vmem>>)
      %dma_wait3A_204 = arith.constant 32 : i32
      %dma_wait3A_205 = arith.constant 0 : i32
      %dma_wait3A_206 = tpu.memref_slice %arg9[%dma_wait3A_204, %dma_wait3A_205] : memref<64x192xf32, #tpu.memory_space<vmem>> -> memref<16x192xf32, #tpu.memory_space<vmem>>
      %dma_wait3A_207 = arith.constant 0 : i32
      %dma_wait3A_208 = arith.constant 0 : i32
      %dma_wait3A_209 = tpu.memref_slice %arg2[%dma_wait3A_207, %dma_wait3A_208] : memref<16384x192xf32, #tpu.memory_space<hbm>> -> memref<16x192xf32, #tpu.memory_space<hbm>>
      %dma_wait3A_210 = arith.constant 32 : i32
      %dma_wait3A_211 = arith.constant 0 : i32
      %dma_wait3A_212 = tpu.memref_slice %arg9[%dma_wait3A_210, %dma_wait3A_211] : memref<64x192xf32, #tpu.memory_space<vmem>> -> memref<16x192xf32, #tpu.memory_space<vmem>>
      %dma_wait3A_213 = arith.constant 0 : i32
      %dma_wait3A_214 = arith.constant 0 : i32
      %dma_wait3A_215 = tpu.memref_slice %arg2[%dma_wait3A_213, %dma_wait3A_214] : memref<16384x192xf32, #tpu.memory_space<hbm>> -> memref<16x192xf32, #tpu.memory_space<hbm>>
      tpu.wait_dma2 semaphore(%arg19 : memref<!tpu.dma_semaphore, #tpu.memory_space<semaphore_mem>>) src(%dma_wait3A_215 : memref<16x192xf32, #tpu.memory_space<hbm>>) dst(%dma_wait3A_212 : memref<16x192xf32, #tpu.memory_space<vmem>>)
      %dma_wait3A_216 = arith.constant 48 : i32
      %dma_wait3A_217 = arith.constant 0 : i32
      %dma_wait3A_218 = tpu.memref_slice %arg9[%dma_wait3A_216, %dma_wait3A_217] : memref<64x192xf32, #tpu.memory_space<vmem>> -> memref<16x192xf32, #tpu.memory_space<vmem>>
      %dma_wait3A_219 = arith.constant 0 : i32
      %dma_wait3A_220 = arith.constant 0 : i32
      %dma_wait3A_221 = tpu.memref_slice %arg2[%dma_wait3A_219, %dma_wait3A_220] : memref<16384x192xf32, #tpu.memory_space<hbm>> -> memref<16x192xf32, #tpu.memory_space<hbm>>
      %dma_wait3A_222 = arith.constant 48 : i32
      %dma_wait3A_223 = arith.constant 0 : i32
      %dma_wait3A_224 = tpu.memref_slice %arg9[%dma_wait3A_222, %dma_wait3A_223] : memref<64x192xf32, #tpu.memory_space<vmem>> -> memref<16x192xf32, #tpu.memory_space<vmem>>
      %dma_wait3A_225 = arith.constant 0 : i32
      %dma_wait3A_226 = arith.constant 0 : i32
      %dma_wait3A_227 = tpu.memref_slice %arg2[%dma_wait3A_225, %dma_wait3A_226] : memref<16384x192xf32, #tpu.memory_space<hbm>> -> memref<16x192xf32, #tpu.memory_space<hbm>>
      tpu.wait_dma2 semaphore(%arg19 : memref<!tpu.dma_semaphore, #tpu.memory_space<semaphore_mem>>) src(%dma_wait3A_227 : memref<16x192xf32, #tpu.memory_space<hbm>>) dst(%dma_wait3A_224 : memref<16x192xf32, #tpu.memory_space<vmem>>)
      %dma_wait3A_228 = arith.constant 0 : i32
      %dma_wait3A_229 = arith.constant 0 : i32
      %dma_wait3A_230 = tpu.memref_slice %arg10[%dma_wait3A_228, %dma_wait3A_229] : memref<64x192xf32, #tpu.memory_space<vmem>> -> memref<16x192xf32, #tpu.memory_space<vmem>>
      %dma_wait3A_231 = arith.constant 0 : i32
      %dma_wait3A_232 = arith.constant 0 : i32
      %dma_wait3A_233 = tpu.memref_slice %arg3[%dma_wait3A_231, %dma_wait3A_232] : memref<16384x192xf32, #tpu.memory_space<hbm>> -> memref<16x192xf32, #tpu.memory_space<hbm>>
      %dma_wait3A_234 = arith.constant 0 : i32
      %dma_wait3A_235 = arith.constant 0 : i32
      %dma_wait3A_236 = tpu.memref_slice %arg10[%dma_wait3A_234, %dma_wait3A_235] : memref<64x192xf32, #tpu.memory_space<vmem>> -> memref<16x192xf32, #tpu.memory_space<vmem>>
      %dma_wait3A_237 = arith.constant 0 : i32
      %dma_wait3A_238 = arith.constant 0 : i32
      %dma_wait3A_239 = tpu.memref_slice %arg3[%dma_wait3A_237, %dma_wait3A_238] : memref<16384x192xf32, #tpu.memory_space<hbm>> -> memref<16x192xf32, #tpu.memory_space<hbm>>
      tpu.wait_dma2 semaphore(%arg19 : memref<!tpu.dma_semaphore, #tpu.memory_space<semaphore_mem>>) src(%dma_wait3A_239 : memref<16x192xf32, #tpu.memory_space<hbm>>) dst(%dma_wait3A_236 : memref<16x192xf32, #tpu.memory_space<vmem>>)
      %dma_wait3A_240 = arith.constant 16 : i32
      %dma_wait3A_241 = arith.constant 0 : i32
      %dma_wait3A_242 = tpu.memref_slice %arg10[%dma_wait3A_240, %dma_wait3A_241] : memref<64x192xf32, #tpu.memory_space<vmem>> -> memref<16x192xf32, #tpu.memory_space<vmem>>
      %dma_wait3A_243 = arith.constant 0 : i32
      %dma_wait3A_244 = arith.constant 0 : i32
      %dma_wait3A_245 = tpu.memref_slice %arg3[%dma_wait3A_243, %dma_wait3A_244] : memref<16384x192xf32, #tpu.memory_space<hbm>> -> memref<16x192xf32, #tpu.memory_space<hbm>>
      %dma_wait3A_246 = arith.constant 16 : i32
      %dma_wait3A_247 = arith.constant 0 : i32
      %dma_wait3A_248 = tpu.memref_slice %arg10[%dma_wait3A_246, %dma_wait3A_247] : memref<64x192xf32, #tpu.memory_space<vmem>> -> memref<16x192xf32, #tpu.memory_space<vmem>>
      %dma_wait3A_249 = arith.constant 0 : i32
      %dma_wait3A_250 = arith.constant 0 : i32
      %dma_wait3A_251 = tpu.memref_slice %arg3[%dma_wait3A_249, %dma_wait3A_250] : memref<16384x192xf32, #tpu.memory_space<hbm>> -> memref<16x192xf32, #tpu.memory_space<hbm>>
      tpu.wait_dma2 semaphore(%arg19 : memref<!tpu.dma_semaphore, #tpu.memory_space<semaphore_mem>>) src(%dma_wait3A_251 : memref<16x192xf32, #tpu.memory_space<hbm>>) dst(%dma_wait3A_248 : memref<16x192xf32, #tpu.memory_space<vmem>>)
      %dma_wait3A_252 = arith.constant 32 : i32
      %dma_wait3A_253 = arith.constant 0 : i32
      %dma_wait3A_254 = tpu.memref_slice %arg10[%dma_wait3A_252, %dma_wait3A_253] : memref<64x192xf32, #tpu.memory_space<vmem>> -> memref<16x192xf32, #tpu.memory_space<vmem>>
      %dma_wait3A_255 = arith.constant 0 : i32
      %dma_wait3A_256 = arith.constant 0 : i32
      %dma_wait3A_257 = tpu.memref_slice %arg3[%dma_wait3A_255, %dma_wait3A_256] : memref<16384x192xf32, #tpu.memory_space<hbm>> -> memref<16x192xf32, #tpu.memory_space<hbm>>
      %dma_wait3A_258 = arith.constant 32 : i32
      %dma_wait3A_259 = arith.constant 0 : i32
      %dma_wait3A_260 = tpu.memref_slice %arg10[%dma_wait3A_258, %dma_wait3A_259] : memref<64x192xf32, #tpu.memory_space<vmem>> -> memref<16x192xf32, #tpu.memory_space<vmem>>
      %dma_wait3A_261 = arith.constant 0 : i32
      %dma_wait3A_262 = arith.constant 0 : i32
      %dma_wait3A_263 = tpu.memref_slice %arg3[%dma_wait3A_261, %dma_wait3A_262] : memref<16384x192xf32, #tpu.memory_space<hbm>> -> memref<16x192xf32, #tpu.memory_space<hbm>>
      tpu.wait_dma2 semaphore(%arg19 : memref<!tpu.dma_semaphore, #tpu.memory_space<semaphore_mem>>) src(%dma_wait3A_263 : memref<16x192xf32, #tpu.memory_space<hbm>>) dst(%dma_wait3A_260 : memref<16x192xf32, #tpu.memory_space<vmem>>)
      %dma_wait3A_264 = arith.constant 48 : i32
      %dma_wait3A_265 = arith.constant 0 : i32
      %dma_wait3A_266 = tpu.memref_slice %arg10[%dma_wait3A_264, %dma_wait3A_265] : memref<64x192xf32, #tpu.memory_space<vmem>> -> memref<16x192xf32, #tpu.memory_space<vmem>>
      %dma_wait3A_267 = arith.constant 0 : i32
      %dma_wait3A_268 = arith.constant 0 : i32
      %dma_wait3A_269 = tpu.memref_slice %arg3[%dma_wait3A_267, %dma_wait3A_268] : memref<16384x192xf32, #tpu.memory_space<hbm>> -> memref<16x192xf32, #tpu.memory_space<hbm>>
      %dma_wait3A_270 = arith.constant 48 : i32
      %dma_wait3A_271 = arith.constant 0 : i32
      %dma_wait3A_272 = tpu.memref_slice %arg10[%dma_wait3A_270, %dma_wait3A_271] : memref<64x192xf32, #tpu.memory_space<vmem>> -> memref<16x192xf32, #tpu.memory_space<vmem>>
      %dma_wait3A_273 = arith.constant 0 : i32
      %dma_wait3A_274 = arith.constant 0 : i32
      %dma_wait3A_275 = tpu.memref_slice %arg3[%dma_wait3A_273, %dma_wait3A_274] : memref<16384x192xf32, #tpu.memory_space<hbm>> -> memref<16x192xf32, #tpu.memory_space<hbm>>
      tpu.wait_dma2 semaphore(%arg19 : memref<!tpu.dma_semaphore, #tpu.memory_space<semaphore_mem>>) src(%dma_wait3A_275 : memref<16x192xf32, #tpu.memory_space<hbm>>) dst(%dma_wait3A_272 : memref<16x192xf32, #tpu.memory_space<vmem>>)
      %dma_wait3A_276 = arith.constant 0 : i32
      %dma_wait3A_277 = arith.constant 0 : i32
      %dma_wait3A_278 = tpu.memref_slice %arg11[%dma_wait3A_276, %dma_wait3A_277] : memref<64x192xf32, #tpu.memory_space<vmem>> -> memref<16x192xf32, #tpu.memory_space<vmem>>
      %dma_wait3A_279 = arith.constant 0 : i32
      %dma_wait3A_280 = arith.constant 0 : i32
      %dma_wait3A_281 = tpu.memref_slice %arg4[%dma_wait3A_279, %dma_wait3A_280] : memref<16384x192xf32, #tpu.memory_space<hbm>> -> memref<16x192xf32, #tpu.memory_space<hbm>>
      %dma_wait3A_282 = arith.constant 0 : i32
      %dma_wait3A_283 = arith.constant 0 : i32
      %dma_wait3A_284 = tpu.memref_slice %arg11[%dma_wait3A_282, %dma_wait3A_283] : memref<64x192xf32, #tpu.memory_space<vmem>> -> memref<16x192xf32, #tpu.memory_space<vmem>>
      %dma_wait3A_285 = arith.constant 0 : i32
      %dma_wait3A_286 = arith.constant 0 : i32
      %dma_wait3A_287 = tpu.memref_slice %arg4[%dma_wait3A_285, %dma_wait3A_286] : memref<16384x192xf32, #tpu.memory_space<hbm>> -> memref<16x192xf32, #tpu.memory_space<hbm>>
      tpu.wait_dma2 semaphore(%arg19 : memref<!tpu.dma_semaphore, #tpu.memory_space<semaphore_mem>>) src(%dma_wait3A_287 : memref<16x192xf32, #tpu.memory_space<hbm>>) dst(%dma_wait3A_284 : memref<16x192xf32, #tpu.memory_space<vmem>>)
      %dma_wait3A_288 = arith.constant 16 : i32
      %dma_wait3A_289 = arith.constant 0 : i32
      %dma_wait3A_290 = tpu.memref_slice %arg11[%dma_wait3A_288, %dma_wait3A_289] : memref<64x192xf32, #tpu.memory_space<vmem>> -> memref<16x192xf32, #tpu.memory_space<vmem>>
      %dma_wait3A_291 = arith.constant 0 : i32
      %dma_wait3A_292 = arith.constant 0 : i32
      %dma_wait3A_293 = tpu.memref_slice %arg4[%dma_wait3A_291, %dma_wait3A_292] : memref<16384x192xf32, #tpu.memory_space<hbm>> -> memref<16x192xf32, #tpu.memory_space<hbm>>
      %dma_wait3A_294 = arith.constant 16 : i32
      %dma_wait3A_295 = arith.constant 0 : i32
      %dma_wait3A_296 = tpu.memref_slice %arg11[%dma_wait3A_294, %dma_wait3A_295] : memref<64x192xf32, #tpu.memory_space<vmem>> -> memref<16x192xf32, #tpu.memory_space<vmem>>
      %dma_wait3A_297 = arith.constant 0 : i32
      %dma_wait3A_298 = arith.constant 0 : i32
      %dma_wait3A_299 = tpu.memref_slice %arg4[%dma_wait3A_297, %dma_wait3A_298] : memref<16384x192xf32, #tpu.memory_space<hbm>> -> memref<16x192xf32, #tpu.memory_space<hbm>>
      tpu.wait_dma2 semaphore(%arg19 : memref<!tpu.dma_semaphore, #tpu.memory_space<semaphore_mem>>) src(%dma_wait3A_299 : memref<16x192xf32, #tpu.memory_space<hbm>>) dst(%dma_wait3A_296 : memref<16x192xf32, #tpu.memory_space<vmem>>)
      %dma_wait3A_300 = arith.constant 32 : i32
      %dma_wait3A_301 = arith.constant 0 : i32
      %dma_wait3A_302 = tpu.memref_slice %arg11[%dma_wait3A_300, %dma_wait3A_301] : memref<64x192xf32, #tpu.memory_space<vmem>> -> memref<16x192xf32, #tpu.memory_space<vmem>>
      %dma_wait3A_303 = arith.constant 0 : i32
      %dma_wait3A_304 = arith.constant 0 : i32
      %dma_wait3A_305 = tpu.memref_slice %arg4[%dma_wait3A_303, %dma_wait3A_304] : memref<16384x192xf32, #tpu.memory_space<hbm>> -> memref<16x192xf32, #tpu.memory_space<hbm>>
      %dma_wait3A_306 = arith.constant 32 : i32
      %dma_wait3A_307 = arith.constant 0 : i32
      %dma_wait3A_308 = tpu.memref_slice %arg11[%dma_wait3A_306, %dma_wait3A_307] : memref<64x192xf32, #tpu.memory_space<vmem>> -> memref<16x192xf32, #tpu.memory_space<vmem>>
      %dma_wait3A_309 = arith.constant 0 : i32
      %dma_wait3A_310 = arith.constant 0 : i32
      %dma_wait3A_311 = tpu.memref_slice %arg4[%dma_wait3A_309, %dma_wait3A_310] : memref<16384x192xf32, #tpu.memory_space<hbm>> -> memref<16x192xf32, #tpu.memory_space<hbm>>
      tpu.wait_dma2 semaphore(%arg19 : memref<!tpu.dma_semaphore, #tpu.memory_space<semaphore_mem>>) src(%dma_wait3A_311 : memref<16x192xf32, #tpu.memory_space<hbm>>) dst(%dma_wait3A_308 : memref<16x192xf32, #tpu.memory_space<vmem>>)
      %dma_wait3A_312 = arith.constant 48 : i32
      %dma_wait3A_313 = arith.constant 0 : i32
      %dma_wait3A_314 = tpu.memref_slice %arg11[%dma_wait3A_312, %dma_wait3A_313] : memref<64x192xf32, #tpu.memory_space<vmem>> -> memref<16x192xf32, #tpu.memory_space<vmem>>
      %dma_wait3A_315 = arith.constant 0 : i32
      %dma_wait3A_316 = arith.constant 0 : i32
      %dma_wait3A_317 = tpu.memref_slice %arg4[%dma_wait3A_315, %dma_wait3A_316] : memref<16384x192xf32, #tpu.memory_space<hbm>> -> memref<16x192xf32, #tpu.memory_space<hbm>>
      %dma_wait3A_318 = arith.constant 48 : i32
      %dma_wait3A_319 = arith.constant 0 : i32
      %dma_wait3A_320 = tpu.memref_slice %arg11[%dma_wait3A_318, %dma_wait3A_319] : memref<64x192xf32, #tpu.memory_space<vmem>> -> memref<16x192xf32, #tpu.memory_space<vmem>>
      %dma_wait3A_321 = arith.constant 0 : i32
      %dma_wait3A_322 = arith.constant 0 : i32
      %dma_wait3A_323 = tpu.memref_slice %arg4[%dma_wait3A_321, %dma_wait3A_322] : memref<16384x192xf32, #tpu.memory_space<hbm>> -> memref<16x192xf32, #tpu.memory_space<hbm>>
      tpu.wait_dma2 semaphore(%arg19 : memref<!tpu.dma_semaphore, #tpu.memory_space<semaphore_mem>>) src(%dma_wait3A_323 : memref<16x192xf32, #tpu.memory_space<hbm>>) dst(%dma_wait3A_320 : memref<16x192xf32, #tpu.memory_space<vmem>>)
      %ge3A = arith.constant 2 : i32
      %ge3A_324 = arith.cmpi sge, %mul3A_175, %ge3A : i32
      %convert_element_type3A_325 = arith.extui %ge3A_324 : i1 to i32
      %cond3A_326 = arith.constant 0 : i32
      %cond3A_327 = arith.cmpi ne, %convert_element_type3A_325, %cond3A_326 : i32
      scf.if %cond3A_327 {
        %dma_wait3A_694 = arith.constant 0 : i32
        %dma_wait3A_695 = arith.constant 0 : i32
        %dma_wait3A_696 = arith.constant 0 : i32
        %dma_wait3A_697 = tpu.memref_slice %arg6[%dma_wait3A_694, %dma_wait3A_695, %dma_wait3A_696] : memref<192x4096x24xf32, #tpu.memory_space<hbm>> -> memref<192x2x24xf32, #tpu.memory_space<hbm>>
        %dma_wait3A_698 = arith.constant 0 : i32
        %dma_wait3A_699 = arith.constant 0 : i32
        %dma_wait3A_700 = arith.constant 0 : i32
        %dma_wait3A_701 = tpu.memref_slice %arg6[%dma_wait3A_698, %dma_wait3A_699, %dma_wait3A_700] : memref<192x4096x24xf32, #tpu.memory_space<hbm>> -> memref<192x2x24xf32, #tpu.memory_space<hbm>>
        tpu.wait_dma2 semaphore(%arg21 : memref<!tpu.dma_semaphore, #tpu.memory_space<semaphore_mem>>) src(%arg15 : memref<192x2x24xf32, #tpu.memory_space<vmem>>) dst(%dma_wait3A_701 : memref<192x2x24xf32, #tpu.memory_space<hbm>>)
      } else {
      }
      %get3A = arith.constant 12 : i32
      %get3A_328 = arith.index_cast %get3A : i32 to index
      %get3A_329 = arith.constant 0 : index
      %get3A_330 = tpu.vector_load %arg7[%get3A_328, %get3A_329] {strides = array<i32>} : memref<24x16xi32, #tpu.memory_space<vmem>>, vector<16xi32>,
      %bitcast3A = vector.bitcast %get3A_330 : vector<16xi32> to vector<16xf32>
      %get3A_331 = arith.constant 13 : i32
      %get3A_332 = arith.index_cast %get3A_331 : i32 to index
      %get3A_333 = arith.constant 0 : index
      %get3A_334 = tpu.vector_load %arg7[%get3A_332, %get3A_333] {strides = array<i32>} : memref<24x16xi32, #tpu.memory_space<vmem>>, vector<16xi32>,
      %bitcast3A_335 = vector.bitcast %get3A_334 : vector<16xi32> to vector<16xf32>
      %get3A_336 = arith.constant 14 : i32
      %get3A_337 = arith.index_cast %get3A_336 : i32 to index
      %get3A_338 = arith.constant 0 : index
      %get3A_339 = tpu.vector_load %arg7[%get3A_337, %get3A_338] {strides = array<i32>} : memref<24x16xi32, #tpu.memory_space<vmem>>, vector<16xi32>,
      %bitcast3A_340 = vector.bitcast %get3A_339 : vector<16xi32> to vector<16xf32>
      %get3A_341 = arith.constant 15 : i32
      %get3A_342 = arith.index_cast %get3A_341 : i32 to index
      %get3A_343 = arith.constant 0 : index
      %get3A_344 = tpu.vector_load %arg7[%get3A_342, %get3A_343] {strides = array<i32>} : memref<24x16xi32, #tpu.memory_space<vmem>>, vector<16xi32>,
      %bitcast3A_345 = vector.bitcast %get3A_344 : vector<16xi32> to vector<16xf32>
      %get3A_346 = arith.constant 16 : i32
      %get3A_347 = arith.index_cast %get3A_346 : i32 to index
      %get3A_348 = arith.constant 0 : index
      %get3A_349 = tpu.vector_load %arg7[%get3A_347, %get3A_348] {strides = array<i32>} : memref<24x16xi32, #tpu.memory_space<vmem>>, vector<16xi32>,
      %bitcast3A_350 = vector.bitcast %get3A_349 : vector<16xi32> to vector<16xf32>
      %get3A_351 = arith.constant 17 : i32
      %get3A_352 = arith.index_cast %get3A_351 : i32 to index
      %get3A_353 = arith.constant 0 : index
      %get3A_354 = tpu.vector_load %arg7[%get3A_352, %get3A_353] {strides = array<i32>} : memref<24x16xi32, #tpu.memory_space<vmem>>, vector<16xi32>,
      %bitcast3A_355 = vector.bitcast %get3A_354 : vector<16xi32> to vector<16xf32>
      %get3A_356 = arith.constant 18 : i32
      %get3A_357 = arith.index_cast %get3A_356 : i32 to index
      %get3A_358 = arith.constant 0 : index
      %get3A_359 = tpu.vector_load %arg7[%get3A_357, %get3A_358] {strides = array<i32>} : memref<24x16xi32, #tpu.memory_space<vmem>>, vector<16xi32>,
      %bitcast3A_360 = vector.bitcast %get3A_359 : vector<16xi32> to vector<16xf32>
      %get3A_361 = arith.constant 19 : i32
      %get3A_362 = arith.index_cast %get3A_361 : i32 to index
      %get3A_363 = arith.constant 0 : index
      %get3A_364 = tpu.vector_load %arg7[%get3A_362, %get3A_363] {strides = array<i32>} : memref<24x16xi32, #tpu.memory_space<vmem>>, vector<16xi32>,
      %bitcast3A_365 = vector.bitcast %get3A_364 : vector<16xi32> to vector<16xf32>
      %get3A_366 = arith.constant 20 : i32
      %get3A_367 = arith.index_cast %get3A_366 : i32 to index
      %get3A_368 = arith.constant 0 : index
      %get3A_369 = tpu.vector_load %arg7[%get3A_367, %get3A_368] {strides = array<i32>} : memref<24x16xi32, #tpu.memory_space<vmem>>, vector<16xi32>,
      %bitcast3A_370 = vector.bitcast %get3A_369 : vector<16xi32> to vector<16xf32>
      %get3A_371 = arith.constant 21 : i32
      %get3A_372 = arith.index_cast %get3A_371 : i32 to index
      %get3A_373 = arith.constant 0 : index
      %get3A_374 = tpu.vector_load %arg7[%get3A_372, %get3A_373] {strides = array<i32>} : memref<24x16xi32, #tpu.memory_space<vmem>>, vector<16xi32>,
      %bitcast3A_375 = vector.bitcast %get3A_374 : vector<16xi32> to vector<16xf32>
      %get3A_376 = arith.constant 22 : i32
      %get3A_377 = arith.index_cast %get3A_376 : i32 to index
      %get3A_378 = arith.constant 0 : index
      %get3A_379 = tpu.vector_load %arg7[%get3A_377, %get3A_378] {strides = array<i32>} : memref<24x16xi32, #tpu.memory_space<vmem>>, vector<16xi32>,
      %bitcast3A_380 = vector.bitcast %get3A_379 : vector<16xi32> to vector<16xf32>
      %get3A_381 = arith.constant 23 : i32
      %get3A_382 = arith.index_cast %get3A_381 : i32 to index
      %get3A_383 = arith.constant 0 : index
      %get3A_384 = tpu.vector_load %arg7[%get3A_382, %get3A_383] {strides = array<i32>} : memref<24x16xi32, #tpu.memory_space<vmem>>, vector<16xi32>,
      %bitcast3A_385 = vector.bitcast %get3A_384 : vector<16xi32> to vector<16xf32>
      %scan3A_386 = arith.constant 0 : i32
      %scan3A_387 = arith.constant 0 : i32
      %scan3A_388 = arith.constant 16 : i32
      %scan3A_389 = arith.addi %scan3A_387, %scan3A_388 : i32
      %scan3A_390 = arith.constant 1 : i32
      scf.for %scan3A_694 = %scan3A_387 to %scan3A_389 step %scan3A_390  : i32 {
        %broadcast_in_dim3A = vector.broadcast %scan3A_694 : i32 to vector<16x1xi32>
        %jit3A_695 = arith.constant 8 : i32
        %div3A_696 = arith.divsi %scan3A_694, %jit3A_695 : i32
        %sign3A_697 = arith.constant 0 : i32
        %sign3A_698 = arith.cmpi sgt, %scan3A_694, %sign3A_697 : i32
        %sign3A_699 = arith.extui %sign3A_698 : i1 to i32
        %sign3A_700 = arith.constant 0 : i32
        %sign3A_701 = arith.cmpi slt, %scan3A_694, %sign3A_700 : i32
        %sign3A_702 = arith.extui %sign3A_701 : i1 to i32
        %sign3A_703 = arith.subi %sign3A_699, %sign3A_702 : i32
        %sign3A_704 = arith.constant 0 : i32
        %sign3A_705 = arith.cmpi sgt, %jit3A_695, %sign3A_704 : i32
        %sign3A_706 = arith.extui %sign3A_705 : i1 to i32
        %sign3A_707 = arith.constant 0 : i32
        %sign3A_708 = arith.cmpi slt, %jit3A_695, %sign3A_707 : i32
        %sign3A_709 = arith.extui %sign3A_708 : i1 to i32
        %sign3A_710 = arith.subi %sign3A_706, %sign3A_709 : i32
        %ne3A_711 = arith.cmpi ne, %sign3A_703, %sign3A_710 : i32
        %rem3A_712 = arith.remsi %scan3A_694, %jit3A_695 : i32
        %ne3A_713 = arith.constant 0 : i32
        %ne3A_714 = arith.cmpi ne, %rem3A_712, %ne3A_713 : i32
        %and3A_715 = arith.andi %ne3A_711, %ne3A_714 : i1
        %sub3A_716 = arith.constant 1 : i32
        %sub3A_717 = arith.subi %div3A_696, %sub3A_716 : i32
        %select_n3A_718 = arith.select %and3A_715, %sub3A_717, %div3A_696 : i32
        %broadcast_in_dim3A_719 = vector.broadcast %select_n3A_718 : i32 to vector<16xi32>
        %jit3A_720 = arith.constant 8 : i32
        %eq3A = arith.constant 0 : i32
        %eq3A_721 = arith.cmpi eq, %jit3A_720, %eq3A : i32
        %jit3A_722 = arith.constant 1 : i32
        %select_n3A_723 = arith.select %eq3A_721, %jit3A_722, %jit3A_720 : i32
        %rem3A_724 = arith.remsi %scan3A_694, %select_n3A_723 : i32
        %ne3A_725 = arith.constant 0 : i32
        %ne3A_726 = arith.cmpi ne, %rem3A_724, %ne3A_725 : i32
        %lt3A_727 = arith.constant 0 : i32
        %lt3A_728 = arith.cmpi slt, %rem3A_724, %lt3A_727 : i32
        %lt3A_729 = arith.constant 0 : i32
        %lt3A_730 = arith.cmpi slt, %select_n3A_723, %lt3A_729 : i32
        %ne3A_731 = arith.xori %lt3A_728, %lt3A_730 : i1
        %and3A_732 = arith.andi %ne3A_731, %ne3A_726 : i1
        %add3A_733 = arith.addi %rem3A_724, %select_n3A_723 : i32
        %select_n3A_734 = arith.select %and3A_732, %add3A_733, %rem3A_724 : i32
        %add3A_735 = arith.constant 0 : i32
        %add3A_736 = arith.addi %add3A_735, %select_n3A_734 : i32
        %broadcast_in_dim3A_737 = vector.broadcast %add3A_736 : i32 to vector<16xi32>
        %gather3A = vector.shape_cast %broadcast_in_dim3A : vector<16x1xi32> to vector<16xi32>
        %gather3A_738 = tpu.dynamic_gather %bitcast3A[%gather3A] in [0] : vector<16xf32>, vector<16xi32> -> vector<16xf32>
        %gather3A_739 = vector.shape_cast %broadcast_in_dim3A : vector<16x1xi32> to vector<16xi32>
        %gather3A_740 = tpu.dynamic_gather %bitcast3A_335[%gather3A_739] in [0] : vector<16xf32>, vector<16xi32> -> vector<16xf32>
        %gather3A_741 = vector.shape_cast %broadcast_in_dim3A : vector<16x1xi32> to vector<16xi32>
        %gather3A_742 = tpu.dynamic_gather %bitcast3A_340[%gather3A_741] in [0] : vector<16xf32>, vector<16xi32> -> vector<16xf32>
        %gather3A_743 = vector.shape_cast %broadcast_in_dim3A : vector<16x1xi32> to vector<16xi32>
        %gather3A_744 = tpu.dynamic_gather %bitcast3A_345[%gather3A_743] in [0] : vector<16xf32>, vector<16xi32> -> vector<16xf32>
        %get3A_745 = arith.index_cast %scan3A_694 : i32 to index
        %get3A_746 = arith.constant 0 : index
        %get3A_747 = tpu.vector_load %arg9[%get3A_745, %get3A_746] {strides = array<i32>} : memref<64x192xf32, #tpu.memory_space<vmem>>, vector<16xf32>,
        %mul3A_748 = arith.mulf %get3A_747, %gather3A_738 : vector<16xf32>
        %add3A_749 = arith.constant 16 : i32
        %add3A_750 = arith.addi %add3A_749, %scan3A_694 : i32
        %get3A_751 = arith.index_cast %add3A_750 : i32 to index
        %get3A_752 = arith.constant 0 : index
        %get3A_753 = tpu.vector_load %arg9[%get3A_751, %get3A_752] {strides = array<i32>} : memref<64x192xf32, #tpu.memory_space<vmem>>, vector<16xf32>,
        %mul3A_754 = arith.mulf %get3A_753, %gather3A_740 : vector<16xf32>
        %add3A_755 = arith.addf %mul3A_748, %mul3A_754 : vector<16xf32>
        %add3A_756 = arith.constant 32 : i32
        %add3A_757 = arith.addi %add3A_756, %scan3A_694 : i32
        %get3A_758 = arith.index_cast %add3A_757 : i32 to index
        %get3A_759 = arith.constant 0 : index
        %get3A_760 = tpu.vector_load %arg9[%get3A_758, %get3A_759] {strides = array<i32>} : memref<64x192xf32, #tpu.memory_space<vmem>>, vector<16xf32>,
        %mul3A_761 = arith.mulf %get3A_760, %gather3A_742 : vector<16xf32>
        %add3A_762 = arith.addf %add3A_755, %mul3A_761 : vector<16xf32>
        %add3A_763 = arith.constant 48 : i32
        %add3A_764 = arith.addi %add3A_763, %scan3A_694 : i32
        %get3A_765 = arith.index_cast %add3A_764 : i32 to index
        %get3A_766 = arith.constant 0 : index
        %get3A_767 = tpu.vector_load %arg9[%get3A_765, %get3A_766] {strides = array<i32>} : memref<64x192xf32, #tpu.memory_space<vmem>>, vector<16xf32>,
        %mul3A_768 = arith.mulf %get3A_767, %gather3A_744 : vector<16xf32>
        %add3A_769 = arith.addf %add3A_762, %mul3A_768 : vector<16xf32>
        %add3A_770 = arith.constant 0 : i32
        %add3A_771 = vector.broadcast %add3A_770 : i32 to vector<16xi32>
        %add3A_772 = arith.addi %iota3A, %add3A_771 : vector<16xi32>
        tpu.vector_store_idx %arg15[%add3A_772, %broadcast_in_dim3A_719, %broadcast_in_dim3A_737], %add3A_769 : memref<192x2x24xf32, #tpu.memory_space<vmem>>[vector<16xi32>, vector<16xi32>, vector<16xi32>], vector<16xf32>,
        %get3A_773 = arith.index_cast %scan3A_694 : i32 to index
        %get3A_774 = arith.constant 16 : index
        %get3A_775 = tpu.vector_load %arg9[%get3A_773, %get3A_774] {strides = array<i32>} : memref<64x192xf32, #tpu.memory_space<vmem>>, vector<16xf32>,
        %mul3A_776 = arith.mulf %get3A_775, %gather3A_738 : vector<16xf32>
        %add3A_777 = arith.constant 16 : i32
        %add3A_778 = arith.addi %add3A_777, %scan3A_694 : i32
        %get3A_779 = arith.index_cast %add3A_778 : i32 to index
        %get3A_780 = arith.constant 16 : index
        %get3A_781 = tpu.vector_load %arg9[%get3A_779, %get3A_780] {strides = array<i32>} : memref<64x192xf32, #tpu.memory_space<vmem>>, vector<16xf32>,
        %mul3A_782 = arith.mulf %get3A_781, %gather3A_740 : vector<16xf32>
        %add3A_783 = arith.addf %mul3A_776, %mul3A_782 : vector<16xf32>
        %add3A_784 = arith.constant 32 : i32
        %add3A_785 = arith.addi %add3A_784, %scan3A_694 : i32
        %get3A_786 = arith.index_cast %add3A_785 : i32 to index
        %get3A_787 = arith.constant 16 : index
        %get3A_788 = tpu.vector_load %arg9[%get3A_786, %get3A_787] {strides = array<i32>} : memref<64x192xf32, #tpu.memory_space<vmem>>, vector<16xf32>,
        %mul3A_789 = arith.mulf %get3A_788, %gather3A_742 : vector<16xf32>
        %add3A_790 = arith.addf %add3A_783, %mul3A_789 : vector<16xf32>
        %add3A_791 = arith.constant 48 : i32
        %add3A_792 = arith.addi %add3A_791, %scan3A_694 : i32
        %get3A_793 = arith.index_cast %add3A_792 : i32 to index
        %get3A_794 = arith.constant 16 : index
        %get3A_795 = tpu.vector_load %arg9[%get3A_793, %get3A_794] {strides = array<i32>} : memref<64x192xf32, #tpu.memory_space<vmem>>, vector<16xf32>,
        %mul3A_796 = arith.mulf %get3A_795, %gather3A_744 : vector<16xf32>
        %add3A_797 = arith.addf %add3A_790, %mul3A_796 : vector<16xf32>
        %add3A_798 = arith.constant 16 : i32
        %add3A_799 = vector.broadcast %add3A_798 : i32 to vector<16xi32>
        %add3A_800 = arith.addi %iota3A, %add3A_799 : vector<16xi32>
        tpu.vector_store_idx %arg15[%add3A_800, %broadcast_in_dim3A_719, %broadcast_in_dim3A_737], %add3A_797 : memref<192x2x24xf32, #tpu.memory_space<vmem>>[vector<16xi32>, vector<16xi32>, vector<16xi32>], vector<16xf32>,
        %get3A_801 = arith.index_cast %scan3A_694 : i32 to index
        %get3A_802 = arith.constant 32 : index
        %get3A_803 = tpu.vector_load %arg9[%get3A_801, %get3A_802] {strides = array<i32>} : memref<64x192xf32, #tpu.memory_space<vmem>>, vector<16xf32>,
        %mul3A_804 = arith.mulf %get3A_803, %gather3A_738 : vector<16xf32>
        %add3A_805 = arith.constant 16 : i32
        %add3A_806 = arith.addi %add3A_805, %scan3A_694 : i32
        %get3A_807 = arith.index_cast %add3A_806 : i32 to index
        %get3A_808 = arith.constant 32 : index
        %get3A_809 = tpu.vector_load %arg9[%get3A_807, %get3A_808] {strides = array<i32>} : memref<64x192xf32, #tpu.memory_space<vmem>>, vector<16xf32>,
        %mul3A_810 = arith.mulf %get3A_809, %gather3A_740 : vector<16xf32>
        %add3A_811 = arith.addf %mul3A_804, %mul3A_810 : vector<16xf32>
        %add3A_812 = arith.constant 32 : i32
        %add3A_813 = arith.addi %add3A_812, %scan3A_694 : i32
        %get3A_814 = arith.index_cast %add3A_813 : i32 to index
        %get3A_815 = arith.constant 32 : index
        %get3A_816 = tpu.vector_load %arg9[%get3A_814, %get3A_815] {strides = array<i32>} : memref<64x192xf32, #tpu.memory_space<vmem>>, vector<16xf32>,
        %mul3A_817 = arith.mulf %get3A_816, %gather3A_742 : vector<16xf32>
        %add3A_818 = arith.addf %add3A_811, %mul3A_817 : vector<16xf32>
        %add3A_819 = arith.constant 48 : i32
        %add3A_820 = arith.addi %add3A_819, %scan3A_694 : i32
        %get3A_821 = arith.index_cast %add3A_820 : i32 to index
        %get3A_822 = arith.constant 32 : index
        %get3A_823 = tpu.vector_load %arg9[%get3A_821, %get3A_822] {strides = array<i32>} : memref<64x192xf32, #tpu.memory_space<vmem>>, vector<16xf32>,
        %mul3A_824 = arith.mulf %get3A_823, %gather3A_744 : vector<16xf32>
        %add3A_825 = arith.addf %add3A_818, %mul3A_824 : vector<16xf32>
        %add3A_826 = arith.constant 32 : i32
        %add3A_827 = vector.broadcast %add3A_826 : i32 to vector<16xi32>
        %add3A_828 = arith.addi %iota3A, %add3A_827 : vector<16xi32>
        tpu.vector_store_idx %arg15[%add3A_828, %broadcast_in_dim3A_719, %broadcast_in_dim3A_737], %add3A_825 : memref<192x2x24xf32, #tpu.memory_space<vmem>>[vector<16xi32>, vector<16xi32>, vector<16xi32>], vector<16xf32>,
        %get3A_829 = arith.index_cast %scan3A_694 : i32 to index
        %get3A_830 = arith.constant 48 : index
        %get3A_831 = tpu.vector_load %arg9[%get3A_829, %get3A_830] {strides = array<i32>} : memref<64x192xf32, #tpu.memory_space<vmem>>, vector<16xf32>,
        %mul3A_832 = arith.mulf %get3A_831, %gather3A_738 : vector<16xf32>
        %add3A_833 = arith.constant 16 : i32
        %add3A_834 = arith.addi %add3A_833, %scan3A_694 : i32
        %get3A_835 = arith.index_cast %add3A_834 : i32 to index
        %get3A_836 = arith.constant 48 : index
        %get3A_837 = tpu.vector_load %arg9[%get3A_835, %get3A_836] {strides = array<i32>} : memref<64x192xf32, #tpu.memory_space<vmem>>, vector<16xf32>,
        %mul3A_838 = arith.mulf %get3A_837, %gather3A_740 : vector<16xf32>
        %add3A_839 = arith.addf %mul3A_832, %mul3A_838 : vector<16xf32>
        %add3A_840 = arith.constant 32 : i32
        %add3A_841 = arith.addi %add3A_840, %scan3A_694 : i32
        %get3A_842 = arith.index_cast %add3A_841 : i32 to index
        %get3A_843 = arith.constant 48 : index
        %get3A_844 = tpu.vector_load %arg9[%get3A_842, %get3A_843] {strides = array<i32>} : memref<64x192xf32, #tpu.memory_space<vmem>>, vector<16xf32>,
        %mul3A_845 = arith.mulf %get3A_844, %gather3A_742 : vector<16xf32>
        %add3A_846 = arith.addf %add3A_839, %mul3A_845 : vector<16xf32>
        %add3A_847 = arith.constant 48 : i32
        %add3A_848 = arith.addi %add3A_847, %scan3A_694 : i32
        %get3A_849 = arith.index_cast %add3A_848 : i32 to index
        %get3A_850 = arith.constant 48 : index
        %get3A_851 = tpu.vector_load %arg9[%get3A_849, %get3A_850] {strides = array<i32>} : memref<64x192xf32, #tpu.memory_space<vmem>>, vector<16xf32>,
        %mul3A_852 = arith.mulf %get3A_851, %gather3A_744 : vector<16xf32>
        %add3A_853 = arith.addf %add3A_846, %mul3A_852 : vector<16xf32>
        %add3A_854 = arith.constant 48 : i32
        %add3A_855 = vector.broadcast %add3A_854 : i32 to vector<16xi32>
        %add3A_856 = arith.addi %iota3A, %add3A_855 : vector<16xi32>
        tpu.vector_store_idx %arg15[%add3A_856, %broadcast_in_dim3A_719, %broadcast_in_dim3A_737], %add3A_853 : memref<192x2x24xf32, #tpu.memory_space<vmem>>[vector<16xi32>, vector<16xi32>, vector<16xi32>], vector<16xf32>,
        %get3A_857 = arith.index_cast %scan3A_694 : i32 to index
        %get3A_858 = arith.constant 64 : index
        %get3A_859 = tpu.vector_load %arg9[%get3A_857, %get3A_858] {strides = array<i32>} : memref<64x192xf32, #tpu.memory_space<vmem>>, vector<16xf32>,
        %mul3A_860 = arith.mulf %get3A_859, %gather3A_738 : vector<16xf32>
        %add3A_861 = arith.constant 16 : i32
        %add3A_862 = arith.addi %add3A_861, %scan3A_694 : i32
        %get3A_863 = arith.index_cast %add3A_862 : i32 to index
        %get3A_864 = arith.constant 64 : index
        %get3A_865 = tpu.vector_load %arg9[%get3A_863, %get3A_864] {strides = array<i32>} : memref<64x192xf32, #tpu.memory_space<vmem>>, vector<16xf32>,
        %mul3A_866 = arith.mulf %get3A_865, %gather3A_740 : vector<16xf32>
        %add3A_867 = arith.addf %mul3A_860, %mul3A_866 : vector<16xf32>
        %add3A_868 = arith.constant 32 : i32
        %add3A_869 = arith.addi %add3A_868, %scan3A_694 : i32
        %get3A_870 = arith.index_cast %add3A_869 : i32 to index
        %get3A_871 = arith.constant 64 : index
        %get3A_872 = tpu.vector_load %arg9[%get3A_870, %get3A_871] {strides = array<i32>} : memref<64x192xf32, #tpu.memory_space<vmem>>, vector<16xf32>,
        %mul3A_873 = arith.mulf %get3A_872, %gather3A_742 : vector<16xf32>
        %add3A_874 = arith.addf %add3A_867, %mul3A_873 : vector<16xf32>
        %add3A_875 = arith.constant 48 : i32
        %add3A_876 = arith.addi %add3A_875, %scan3A_694 : i32
        %get3A_877 = arith.index_cast %add3A_876 : i32 to index
        %get3A_878 = arith.constant 64 : index
        %get3A_879 = tpu.vector_load %arg9[%get3A_877, %get3A_878] {strides = array<i32>} : memref<64x192xf32, #tpu.memory_space<vmem>>, vector<16xf32>,
        %mul3A_880 = arith.mulf %get3A_879, %gather3A_744 : vector<16xf32>
        %add3A_881 = arith.addf %add3A_874, %mul3A_880 : vector<16xf32>
        %add3A_882 = arith.constant 64 : i32
        %add3A_883 = vector.broadcast %add3A_882 : i32 to vector<16xi32>
        %add3A_884 = arith.addi %iota3A, %add3A_883 : vector<16xi32>
        tpu.vector_store_idx %arg15[%add3A_884, %broadcast_in_dim3A_719, %broadcast_in_dim3A_737], %add3A_881 : memref<192x2x24xf32, #tpu.memory_space<vmem>>[vector<16xi32>, vector<16xi32>, vector<16xi32>], vector<16xf32>,
        %get3A_885 = arith.index_cast %scan3A_694 : i32 to index
        %get3A_886 = arith.constant 80 : index
        %get3A_887 = tpu.vector_load %arg9[%get3A_885, %get3A_886] {strides = array<i32>} : memref<64x192xf32, #tpu.memory_space<vmem>>, vector<16xf32>,
        %mul3A_888 = arith.mulf %get3A_887, %gather3A_738 : vector<16xf32>
        %add3A_889 = arith.constant 16 : i32
        %add3A_890 = arith.addi %add3A_889, %scan3A_694 : i32
        %get3A_891 = arith.index_cast %add3A_890 : i32 to index
        %get3A_892 = arith.constant 80 : index
        %get3A_893 = tpu.vector_load %arg9[%get3A_891, %get3A_892] {strides = array<i32>} : memref<64x192xf32, #tpu.memory_space<vmem>>, vector<16xf32>,
        %mul3A_894 = arith.mulf %get3A_893, %gather3A_740 : vector<16xf32>
        %add3A_895 = arith.addf %mul3A_888, %mul3A_894 : vector<16xf32>
        %add3A_896 = arith.constant 32 : i32
        %add3A_897 = arith.addi %add3A_896, %scan3A_694 : i32
        %get3A_898 = arith.index_cast %add3A_897 : i32 to index
        %get3A_899 = arith.constant 80 : index
        %get3A_900 = tpu.vector_load %arg9[%get3A_898, %get3A_899] {strides = array<i32>} : memref<64x192xf32, #tpu.memory_space<vmem>>, vector<16xf32>,
        %mul3A_901 = arith.mulf %get3A_900, %gather3A_742 : vector<16xf32>
        %add3A_902 = arith.addf %add3A_895, %mul3A_901 : vector<16xf32>
        %add3A_903 = arith.constant 48 : i32
        %add3A_904 = arith.addi %add3A_903, %scan3A_694 : i32
        %get3A_905 = arith.index_cast %add3A_904 : i32 to index
        %get3A_906 = arith.constant 80 : index
        %get3A_907 = tpu.vector_load %arg9[%get3A_905, %get3A_906] {strides = array<i32>} : memref<64x192xf32, #tpu.memory_space<vmem>>, vector<16xf32>,
        %mul3A_908 = arith.mulf %get3A_907, %gather3A_744 : vector<16xf32>
        %add3A_909 = arith.addf %add3A_902, %mul3A_908 : vector<16xf32>
        %add3A_910 = arith.constant 80 : i32
        %add3A_911 = vector.broadcast %add3A_910 : i32 to vector<16xi32>
        %add3A_912 = arith.addi %iota3A, %add3A_911 : vector<16xi32>
        tpu.vector_store_idx %arg15[%add3A_912, %broadcast_in_dim3A_719, %broadcast_in_dim3A_737], %add3A_909 : memref<192x2x24xf32, #tpu.memory_space<vmem>>[vector<16xi32>, vector<16xi32>, vector<16xi32>], vector<16xf32>,
        %get3A_913 = arith.index_cast %scan3A_694 : i32 to index
        %get3A_914 = arith.constant 96 : index
        %get3A_915 = tpu.vector_load %arg9[%get3A_913, %get3A_914] {strides = array<i32>} : memref<64x192xf32, #tpu.memory_space<vmem>>, vector<16xf32>,
        %mul3A_916 = arith.mulf %get3A_915, %gather3A_738 : vector<16xf32>
        %add3A_917 = arith.constant 16 : i32
        %add3A_918 = arith.addi %add3A_917, %scan3A_694 : i32
        %get3A_919 = arith.index_cast %add3A_918 : i32 to index
        %get3A_920 = arith.constant 96 : index
        %get3A_921 = tpu.vector_load %arg9[%get3A_919, %get3A_920] {strides = array<i32>} : memref<64x192xf32, #tpu.memory_space<vmem>>, vector<16xf32>,
        %mul3A_922 = arith.mulf %get3A_921, %gather3A_740 : vector<16xf32>
        %add3A_923 = arith.addf %mul3A_916, %mul3A_922 : vector<16xf32>
        %add3A_924 = arith.constant 32 : i32
        %add3A_925 = arith.addi %add3A_924, %scan3A_694 : i32
        %get3A_926 = arith.index_cast %add3A_925 : i32 to index
        %get3A_927 = arith.constant 96 : index
        %get3A_928 = tpu.vector_load %arg9[%get3A_926, %get3A_927] {strides = array<i32>} : memref<64x192xf32, #tpu.memory_space<vmem>>, vector<16xf32>,
        %mul3A_929 = arith.mulf %get3A_928, %gather3A_742 : vector<16xf32>
        %add3A_930 = arith.addf %add3A_923, %mul3A_929 : vector<16xf32>
        %add3A_931 = arith.constant 48 : i32
        %add3A_932 = arith.addi %add3A_931, %scan3A_694 : i32
        %get3A_933 = arith.index_cast %add3A_932 : i32 to index
        %get3A_934 = arith.constant 96 : index
        %get3A_935 = tpu.vector_load %arg9[%get3A_933, %get3A_934] {strides = array<i32>} : memref<64x192xf32, #tpu.memory_space<vmem>>, vector<16xf32>,
        %mul3A_936 = arith.mulf %get3A_935, %gather3A_744 : vector<16xf32>
        %add3A_937 = arith.addf %add3A_930, %mul3A_936 : vector<16xf32>
        %add3A_938 = arith.constant 96 : i32
        %add3A_939 = vector.broadcast %add3A_938 : i32 to vector<16xi32>
        %add3A_940 = arith.addi %iota3A, %add3A_939 : vector<16xi32>
        tpu.vector_store_idx %arg15[%add3A_940, %broadcast_in_dim3A_719, %broadcast_in_dim3A_737], %add3A_937 : memref<192x2x24xf32, #tpu.memory_space<vmem>>[vector<16xi32>, vector<16xi32>, vector<16xi32>], vector<16xf32>,
        %get3A_941 = arith.index_cast %scan3A_694 : i32 to index
        %get3A_942 = arith.constant 112 : index
        %get3A_943 = tpu.vector_load %arg9[%get3A_941, %get3A_942] {strides = array<i32>} : memref<64x192xf32, #tpu.memory_space<vmem>>, vector<16xf32>,
        %mul3A_944 = arith.mulf %get3A_943, %gather3A_738 : vector<16xf32>
        %add3A_945 = arith.constant 16 : i32
        %add3A_946 = arith.addi %add3A_945, %scan3A_694 : i32
        %get3A_947 = arith.index_cast %add3A_946 : i32 to index
        %get3A_948 = arith.constant 112 : index
        %get3A_949 = tpu.vector_load %arg9[%get3A_947, %get3A_948] {strides = array<i32>} : memref<64x192xf32, #tpu.memory_space<vmem>>, vector<16xf32>,
        %mul3A_950 = arith.mulf %get3A_949, %gather3A_740 : vector<16xf32>
        %add3A_951 = arith.addf %mul3A_944, %mul3A_950 : vector<16xf32>
        %add3A_952 = arith.constant 32 : i32
        %add3A_953 = arith.addi %add3A_952, %scan3A_694 : i32
        %get3A_954 = arith.index_cast %add3A_953 : i32 to index
        %get3A_955 = arith.constant 112 : index
        %get3A_956 = tpu.vector_load %arg9[%get3A_954, %get3A_955] {strides = array<i32>} : memref<64x192xf32, #tpu.memory_space<vmem>>, vector<16xf32>,
        %mul3A_957 = arith.mulf %get3A_956, %gather3A_742 : vector<16xf32>
        %add3A_958 = arith.addf %add3A_951, %mul3A_957 : vector<16xf32>
        %add3A_959 = arith.constant 48 : i32
        %add3A_960 = arith.addi %add3A_959, %scan3A_694 : i32
        %get3A_961 = arith.index_cast %add3A_960 : i32 to index
        %get3A_962 = arith.constant 112 : index
        %get3A_963 = tpu.vector_load %arg9[%get3A_961, %get3A_962] {strides = array<i32>} : memref<64x192xf32, #tpu.memory_space<vmem>>, vector<16xf32>,
        %mul3A_964 = arith.mulf %get3A_963, %gather3A_744 : vector<16xf32>
        %add3A_965 = arith.addf %add3A_958, %mul3A_964 : vector<16xf32>
        %add3A_966 = arith.constant 112 : i32
        %add3A_967 = vector.broadcast %add3A_966 : i32 to vector<16xi32>
        %add3A_968 = arith.addi %iota3A, %add3A_967 : vector<16xi32>
        tpu.vector_store_idx %arg15[%add3A_968, %broadcast_in_dim3A_719, %broadcast_in_dim3A_737], %add3A_965 : memref<192x2x24xf32, #tpu.memory_space<vmem>>[vector<16xi32>, vector<16xi32>, vector<16xi32>], vector<16xf32>,
        %get3A_969 = arith.index_cast %scan3A_694 : i32 to index
        %get3A_970 = arith.constant 128 : index
        %get3A_971 = tpu.vector_load %arg9[%get3A_969, %get3A_970] {strides = array<i32>} : memref<64x192xf32, #tpu.memory_space<vmem>>, vector<16xf32>,
        %mul3A_972 = arith.mulf %get3A_971, %gather3A_738 : vector<16xf32>
        %add3A_973 = arith.constant 16 : i32
        %add3A_974 = arith.addi %add3A_973, %scan3A_694 : i32
        %get3A_975 = arith.index_cast %add3A_974 : i32 to index
        %get3A_976 = arith.constant 128 : index
        %get3A_977 = tpu.vector_load %arg9[%get3A_975, %get3A_976] {strides = array<i32>} : memref<64x192xf32, #tpu.memory_space<vmem>>, vector<16xf32>,
        %mul3A_978 = arith.mulf %get3A_977, %gather3A_740 : vector<16xf32>
        %add3A_979 = arith.addf %mul3A_972, %mul3A_978 : vector<16xf32>
        %add3A_980 = arith.constant 32 : i32
        %add3A_981 = arith.addi %add3A_980, %scan3A_694 : i32
        %get3A_982 = arith.index_cast %add3A_981 : i32 to index
        %get3A_983 = arith.constant 128 : index
        %get3A_984 = tpu.vector_load %arg9[%get3A_982, %get3A_983] {strides = array<i32>} : memref<64x192xf32, #tpu.memory_space<vmem>>, vector<16xf32>,
        %mul3A_985 = arith.mulf %get3A_984, %gather3A_742 : vector<16xf32>
        %add3A_986 = arith.addf %add3A_979, %mul3A_985 : vector<16xf32>
        %add3A_987 = arith.constant 48 : i32
        %add3A_988 = arith.addi %add3A_987, %scan3A_694 : i32
        %get3A_989 = arith.index_cast %add3A_988 : i32 to index
        %get3A_990 = arith.constant 128 : index
        %get3A_991 = tpu.vector_load %arg9[%get3A_989, %get3A_990] {strides = array<i32>} : memref<64x192xf32, #tpu.memory_space<vmem>>, vector<16xf32>,
        %mul3A_992 = arith.mulf %get3A_991, %gather3A_744 : vector<16xf32>
        %add3A_993 = arith.addf %add3A_986, %mul3A_992 : vector<16xf32>
        %add3A_994 = arith.constant 128 : i32
        %add3A_995 = vector.broadcast %add3A_994 : i32 to vector<16xi32>
        %add3A_996 = arith.addi %iota3A, %add3A_995 : vector<16xi32>
        tpu.vector_store_idx %arg15[%add3A_996, %broadcast_in_dim3A_719, %broadcast_in_dim3A_737], %add3A_993 : memref<192x2x24xf32, #tpu.memory_space<vmem>>[vector<16xi32>, vector<16xi32>, vector<16xi32>], vector<16xf32>,
        %get3A_997 = arith.index_cast %scan3A_694 : i32 to index
        %get3A_998 = arith.constant 144 : index
        %get3A_999 = tpu.vector_load %arg9[%get3A_997, %get3A_998] {strides = array<i32>} : memref<64x192xf32, #tpu.memory_space<vmem>>, vector<16xf32>,
        %mul3A_1000 = arith.mulf %get3A_999, %gather3A_738 : vector<16xf32>
        %add3A_1001 = arith.constant 16 : i32
        %add3A_1002 = arith.addi %add3A_1001, %scan3A_694 : i32
        %get3A_1003 = arith.index_cast %add3A_1002 : i32 to index
        %get3A_1004 = arith.constant 144 : index
        %get3A_1005 = tpu.vector_load %arg9[%get3A_1003, %get3A_1004] {strides = array<i32>} : memref<64x192xf32, #tpu.memory_space<vmem>>, vector<16xf32>,
        %mul3A_1006 = arith.mulf %get3A_1005, %gather3A_740 : vector<16xf32>
        %add3A_1007 = arith.addf %mul3A_1000, %mul3A_1006 : vector<16xf32>
        %add3A_1008 = arith.constant 32 : i32
        %add3A_1009 = arith.addi %add3A_1008, %scan3A_694 : i32
        %get3A_1010 = arith.index_cast %add3A_1009 : i32 to index
        %get3A_1011 = arith.constant 144 : index
        %get3A_1012 = tpu.vector_load %arg9[%get3A_1010, %get3A_1011] {strides = array<i32>} : memref<64x192xf32, #tpu.memory_space<vmem>>, vector<16xf32>,
        %mul3A_1013 = arith.mulf %get3A_1012, %gather3A_742 : vector<16xf32>
        %add3A_1014 = arith.addf %add3A_1007, %mul3A_1013 : vector<16xf32>
        %add3A_1015 = arith.constant 48 : i32
        %add3A_1016 = arith.addi %add3A_1015, %scan3A_694 : i32
        %get3A_1017 = arith.index_cast %add3A_1016 : i32 to index
        %get3A_1018 = arith.constant 144 : index
        %get3A_1019 = tpu.vector_load %arg9[%get3A_1017, %get3A_1018] {strides = array<i32>} : memref<64x192xf32, #tpu.memory_space<vmem>>, vector<16xf32>,
        %mul3A_1020 = arith.mulf %get3A_1019, %gather3A_744 : vector<16xf32>
        %add3A_1021 = arith.addf %add3A_1014, %mul3A_1020 : vector<16xf32>
        %add3A_1022 = arith.constant 144 : i32
        %add3A_1023 = vector.broadcast %add3A_1022 : i32 to vector<16xi32>
        %add3A_1024 = arith.addi %iota3A, %add3A_1023 : vector<16xi32>
        tpu.vector_store_idx %arg15[%add3A_1024, %broadcast_in_dim3A_719, %broadcast_in_dim3A_737], %add3A_1021 : memref<192x2x24xf32, #tpu.memory_space<vmem>>[vector<16xi32>, vector<16xi32>, vector<16xi32>], vector<16xf32>,
        %get3A_1025 = arith.index_cast %scan3A_694 : i32 to index
        %get3A_1026 = arith.constant 160 : index
        %get3A_1027 = tpu.vector_load %arg9[%get3A_1025, %get3A_1026] {strides = array<i32>} : memref<64x192xf32, #tpu.memory_space<vmem>>, vector<16xf32>,
        %mul3A_1028 = arith.mulf %get3A_1027, %gather3A_738 : vector<16xf32>
        %add3A_1029 = arith.constant 16 : i32
        %add3A_1030 = arith.addi %add3A_1029, %scan3A_694 : i32
        %get3A_1031 = arith.index_cast %add3A_1030 : i32 to index
        %get3A_1032 = arith.constant 160 : index
        %get3A_1033 = tpu.vector_load %arg9[%get3A_1031, %get3A_1032] {strides = array<i32>} : memref<64x192xf32, #tpu.memory_space<vmem>>, vector<16xf32>,
        %mul3A_1034 = arith.mulf %get3A_1033, %gather3A_740 : vector<16xf32>
        %add3A_1035 = arith.addf %mul3A_1028, %mul3A_1034 : vector<16xf32>
        %add3A_1036 = arith.constant 32 : i32
        %add3A_1037 = arith.addi %add3A_1036, %scan3A_694 : i32
        %get3A_1038 = arith.index_cast %add3A_1037 : i32 to index
        %get3A_1039 = arith.constant 160 : index
        %get3A_1040 = tpu.vector_load %arg9[%get3A_1038, %get3A_1039] {strides = array<i32>} : memref<64x192xf32, #tpu.memory_space<vmem>>, vector<16xf32>,
        %mul3A_1041 = arith.mulf %get3A_1040, %gather3A_742 : vector<16xf32>
        %add3A_1042 = arith.addf %add3A_1035, %mul3A_1041 : vector<16xf32>
        %add3A_1043 = arith.constant 48 : i32
        %add3A_1044 = arith.addi %add3A_1043, %scan3A_694 : i32
        %get3A_1045 = arith.index_cast %add3A_1044 : i32 to index
        %get3A_1046 = arith.constant 160 : index
        %get3A_1047 = tpu.vector_load %arg9[%get3A_1045, %get3A_1046] {strides = array<i32>} : memref<64x192xf32, #tpu.memory_space<vmem>>, vector<16xf32>,
        %mul3A_1048 = arith.mulf %get3A_1047, %gather3A_744 : vector<16xf32>
        %add3A_1049 = arith.addf %add3A_1042, %mul3A_1048 : vector<16xf32>
        %add3A_1050 = arith.constant 160 : i32
        %add3A_1051 = vector.broadcast %add3A_1050 : i32 to vector<16xi32>
        %add3A_1052 = arith.addi %iota3A, %add3A_1051 : vector<16xi32>
        tpu.vector_store_idx %arg15[%add3A_1052, %broadcast_in_dim3A_719, %broadcast_in_dim3A_737], %add3A_1049 : memref<192x2x24xf32, #tpu.memory_space<vmem>>[vector<16xi32>, vector<16xi32>, vector<16xi32>], vector<16xf32>,
        %get3A_1053 = arith.index_cast %scan3A_694 : i32 to index
        %get3A_1054 = arith.constant 176 : index
        %get3A_1055 = tpu.vector_load %arg9[%get3A_1053, %get3A_1054] {strides = array<i32>} : memref<64x192xf32, #tpu.memory_space<vmem>>, vector<16xf32>,
        %mul3A_1056 = arith.mulf %get3A_1055, %gather3A_738 : vector<16xf32>
        %add3A_1057 = arith.constant 16 : i32
        %add3A_1058 = arith.addi %add3A_1057, %scan3A_694 : i32
        %get3A_1059 = arith.index_cast %add3A_1058 : i32 to index
        %get3A_1060 = arith.constant 176 : index
        %get3A_1061 = tpu.vector_load %arg9[%get3A_1059, %get3A_1060] {strides = array<i32>} : memref<64x192xf32, #tpu.memory_space<vmem>>, vector<16xf32>,
        %mul3A_1062 = arith.mulf %get3A_1061, %gather3A_740 : vector<16xf32>
        %add3A_1063 = arith.addf %mul3A_1056, %mul3A_1062 : vector<16xf32>
        %add3A_1064 = arith.constant 32 : i32
        %add3A_1065 = arith.addi %add3A_1064, %scan3A_694 : i32
        %get3A_1066 = arith.index_cast %add3A_1065 : i32 to index
        %get3A_1067 = arith.constant 176 : index
        %get3A_1068 = tpu.vector_load %arg9[%get3A_1066, %get3A_1067] {strides = array<i32>} : memref<64x192xf32, #tpu.memory_space<vmem>>, vector<16xf32>,
        %mul3A_1069 = arith.mulf %get3A_1068, %gather3A_742 : vector<16xf32>
        %add3A_1070 = arith.addf %add3A_1063, %mul3A_1069 : vector<16xf32>
        %add3A_1071 = arith.constant 48 : i32
        %add3A_1072 = arith.addi %add3A_1071, %scan3A_694 : i32
        %get3A_1073 = arith.index_cast %add3A_1072 : i32 to index
        %get3A_1074 = arith.constant 176 : index
        %get3A_1075 = tpu.vector_load %arg9[%get3A_1073, %get3A_1074] {strides = array<i32>} : memref<64x192xf32, #tpu.memory_space<vmem>>, vector<16xf32>,
        %mul3A_1076 = arith.mulf %get3A_1075, %gather3A_744 : vector<16xf32>
        %add3A_1077 = arith.addf %add3A_1070, %mul3A_1076 : vector<16xf32>
        %add3A_1078 = arith.constant 176 : i32
        %add3A_1079 = vector.broadcast %add3A_1078 : i32 to vector<16xi32>
        %add3A_1080 = arith.addi %iota3A, %add3A_1079 : vector<16xi32>
        tpu.vector_store_idx %arg15[%add3A_1080, %broadcast_in_dim3A_719, %broadcast_in_dim3A_737], %add3A_1077 : memref<192x2x24xf32, #tpu.memory_space<vmem>>[vector<16xi32>, vector<16xi32>, vector<16xi32>], vector<16xf32>,
        %jit3A_1081 = arith.constant 8 : i32
        %eq3A_1082 = arith.constant 0 : i32
        %eq3A_1083 = arith.cmpi eq, %jit3A_1081, %eq3A_1082 : i32
        %jit3A_1084 = arith.constant 1 : i32
        %select_n3A_1085 = arith.select %eq3A_1083, %jit3A_1084, %jit3A_1081 : i32
        %rem3A_1086 = arith.remsi %scan3A_694, %select_n3A_1085 : i32
        %ne3A_1087 = arith.constant 0 : i32
        %ne3A_1088 = arith.cmpi ne, %rem3A_1086, %ne3A_1087 : i32
        %lt3A_1089 = arith.constant 0 : i32
        %lt3A_1090 = arith.cmpi slt, %rem3A_1086, %lt3A_1089 : i32
        %lt3A_1091 = arith.constant 0 : i32
        %lt3A_1092 = arith.cmpi slt, %select_n3A_1085, %lt3A_1091 : i32
        %ne3A_1093 = arith.xori %lt3A_1090, %lt3A_1092 : i1
        %and3A_1094 = arith.andi %ne3A_1093, %ne3A_1088 : i1
        %add3A_1095 = arith.addi %rem3A_1086, %select_n3A_1085 : i32
        %select_n3A_1096 = arith.select %and3A_1094, %add3A_1095, %rem3A_1086 : i32
        %add3A_1097 = arith.constant 8 : i32
        %add3A_1098 = arith.addi %add3A_1097, %select_n3A_1096 : i32
        %broadcast_in_dim3A_1099 = vector.broadcast %add3A_1098 : i32 to vector<16xi32>
        %gather3A_1100 = vector.shape_cast %broadcast_in_dim3A : vector<16x1xi32> to vector<16xi32>
        %gather3A_1101 = tpu.dynamic_gather %bitcast3A_350[%gather3A_1100] in [0] : vector<16xf32>, vector<16xi32> -> vector<16xf32>
        %gather3A_1102 = vector.shape_cast %broadcast_in_dim3A : vector<16x1xi32> to vector<16xi32>
        %gather3A_1103 = tpu.dynamic_gather %bitcast3A_355[%gather3A_1102] in [0] : vector<16xf32>, vector<16xi32> -> vector<16xf32>
        %gather3A_1104 = vector.shape_cast %broadcast_in_dim3A : vector<16x1xi32> to vector<16xi32>
        %gather3A_1105 = tpu.dynamic_gather %bitcast3A_360[%gather3A_1104] in [0] : vector<16xf32>, vector<16xi32> -> vector<16xf32>
        %gather3A_1106 = vector.shape_cast %broadcast_in_dim3A : vector<16x1xi32> to vector<16xi32>
        %gather3A_1107 = tpu.dynamic_gather %bitcast3A_365[%gather3A_1106] in [0] : vector<16xf32>, vector<16xi32> -> vector<16xf32>
        %get3A_1108 = arith.index_cast %scan3A_694 : i32 to index
        %get3A_1109 = arith.constant 0 : index
        %get3A_1110 = tpu.vector_load %arg10[%get3A_1108, %get3A_1109] {strides = array<i32>} : memref<64x192xf32, #tpu.memory_space<vmem>>, vector<16xf32>,
        %mul3A_1111 = arith.mulf %get3A_1110, %gather3A_1101 : vector<16xf32>
        %add3A_1112 = arith.constant 16 : i32
        %add3A_1113 = arith.addi %add3A_1112, %scan3A_694 : i32
        %get3A_1114 = arith.index_cast %add3A_1113 : i32 to index
        %get3A_1115 = arith.constant 0 : index
        %get3A_1116 = tpu.vector_load %arg10[%get3A_1114, %get3A_1115] {strides = array<i32>} : memref<64x192xf32, #tpu.memory_space<vmem>>, vector<16xf32>,
        %mul3A_1117 = arith.mulf %get3A_1116, %gather3A_1103 : vector<16xf32>
        %add3A_1118 = arith.addf %mul3A_1111, %mul3A_1117 : vector<16xf32>
        %add3A_1119 = arith.constant 32 : i32
        %add3A_1120 = arith.addi %add3A_1119, %scan3A_694 : i32
        %get3A_1121 = arith.index_cast %add3A_1120 : i32 to index
        %get3A_1122 = arith.constant 0 : index
        %get3A_1123 = tpu.vector_load %arg10[%get3A_1121, %get3A_1122] {strides = array<i32>} : memref<64x192xf32, #tpu.memory_space<vmem>>, vector<16xf32>,
        %mul3A_1124 = arith.mulf %get3A_1123, %gather3A_1105 : vector<16xf32>
        %add3A_1125 = arith.addf %add3A_1118, %mul3A_1124 : vector<16xf32>
        %add3A_1126 = arith.constant 48 : i32
        %add3A_1127 = arith.addi %add3A_1126, %scan3A_694 : i32
        %get3A_1128 = arith.index_cast %add3A_1127 : i32 to index
        %get3A_1129 = arith.constant 0 : index
        %get3A_1130 = tpu.vector_load %arg10[%get3A_1128, %get3A_1129] {strides = array<i32>} : memref<64x192xf32, #tpu.memory_space<vmem>>, vector<16xf32>,
        %mul3A_1131 = arith.mulf %get3A_1130, %gather3A_1107 : vector<16xf32>
        %add3A_1132 = arith.addf %add3A_1125, %mul3A_1131 : vector<16xf32>
        %add3A_1133 = arith.constant 0 : i32
        %add3A_1134 = vector.broadcast %add3A_1133 : i32 to vector<16xi32>
        %add3A_1135 = arith.addi %iota3A, %add3A_1134 : vector<16xi32>
        tpu.vector_store_idx %arg15[%add3A_1135, %broadcast_in_dim3A_719, %broadcast_in_dim3A_1099], %add3A_1132 : memref<192x2x24xf32, #tpu.memory_space<vmem>>[vector<16xi32>, vector<16xi32>, vector<16xi32>], vector<16xf32>,
        %get3A_1136 = arith.index_cast %scan3A_694 : i32 to index
        %get3A_1137 = arith.constant 16 : index
        %get3A_1138 = tpu.vector_load %arg10[%get3A_1136, %get3A_1137] {strides = array<i32>} : memref<64x192xf32, #tpu.memory_space<vmem>>, vector<16xf32>,
        %mul3A_1139 = arith.mulf %get3A_1138, %gather3A_1101 : vector<16xf32>
        %add3A_1140 = arith.constant 16 : i32
        %add3A_1141 = arith.addi %add3A_1140, %scan3A_694 : i32
        %get3A_1142 = arith.index_cast %add3A_1141 : i32 to index
        %get3A_1143 = arith.constant 16 : index
        %get3A_1144 = tpu.vector_load %arg10[%get3A_1142, %get3A_1143] {strides = array<i32>} : memref<64x192xf32, #tpu.memory_space<vmem>>, vector<16xf32>,
        %mul3A_1145 = arith.mulf %get3A_1144, %gather3A_1103 : vector<16xf32>
        %add3A_1146 = arith.addf %mul3A_1139, %mul3A_1145 : vector<16xf32>
        %add3A_1147 = arith.constant 32 : i32
        %add3A_1148 = arith.addi %add3A_1147, %scan3A_694 : i32
        %get3A_1149 = arith.index_cast %add3A_1148 : i32 to index
        %get3A_1150 = arith.constant 16 : index
        %get3A_1151 = tpu.vector_load %arg10[%get3A_1149, %get3A_1150] {strides = array<i32>} : memref<64x192xf32, #tpu.memory_space<vmem>>, vector<16xf32>,
        %mul3A_1152 = arith.mulf %get3A_1151, %gather3A_1105 : vector<16xf32>
        %add3A_1153 = arith.addf %add3A_1146, %mul3A_1152 : vector<16xf32>
        %add3A_1154 = arith.constant 48 : i32
        %add3A_1155 = arith.addi %add3A_1154, %scan3A_694 : i32
        %get3A_1156 = arith.index_cast %add3A_1155 : i32 to index
        %get3A_1157 = arith.constant 16 : index
        %get3A_1158 = tpu.vector_load %arg10[%get3A_1156, %get3A_1157] {strides = array<i32>} : memref<64x192xf32, #tpu.memory_space<vmem>>, vector<16xf32>,
        %mul3A_1159 = arith.mulf %get3A_1158, %gather3A_1107 : vector<16xf32>
        %add3A_1160 = arith.addf %add3A_1153, %mul3A_1159 : vector<16xf32>
        %add3A_1161 = arith.constant 16 : i32
        %add3A_1162 = vector.broadcast %add3A_1161 : i32 to vector<16xi32>
        %add3A_1163 = arith.addi %iota3A, %add3A_1162 : vector<16xi32>
        tpu.vector_store_idx %arg15[%add3A_1163, %broadcast_in_dim3A_719, %broadcast_in_dim3A_1099], %add3A_1160 : memref<192x2x24xf32, #tpu.memory_space<vmem>>[vector<16xi32>, vector<16xi32>, vector<16xi32>], vector<16xf32>,
        %get3A_1164 = arith.index_cast %scan3A_694 : i32 to index
        %get3A_1165 = arith.constant 32 : index
        %get3A_1166 = tpu.vector_load %arg10[%get3A_1164, %get3A_1165] {strides = array<i32>} : memref<64x192xf32, #tpu.memory_space<vmem>>, vector<16xf32>,
        %mul3A_1167 = arith.mulf %get3A_1166, %gather3A_1101 : vector<16xf32>
        %add3A_1168 = arith.constant 16 : i32
        %add3A_1169 = arith.addi %add3A_1168, %scan3A_694 : i32
        %get3A_1170 = arith.index_cast %add3A_1169 : i32 to index
        %get3A_1171 = arith.constant 32 : index
        %get3A_1172 = tpu.vector_load %arg10[%get3A_1170, %get3A_1171] {strides = array<i32>} : memref<64x192xf32, #tpu.memory_space<vmem>>, vector<16xf32>,
        %mul3A_1173 = arith.mulf %get3A_1172, %gather3A_1103 : vector<16xf32>
        %add3A_1174 = arith.addf %mul3A_1167, %mul3A_1173 : vector<16xf32>
        %add3A_1175 = arith.constant 32 : i32
        %add3A_1176 = arith.addi %add3A_1175, %scan3A_694 : i32
        %get3A_1177 = arith.index_cast %add3A_1176 : i32 to index
        %get3A_1178 = arith.constant 32 : index
        %get3A_1179 = tpu.vector_load %arg10[%get3A_1177, %get3A_1178] {strides = array<i32>} : memref<64x192xf32, #tpu.memory_space<vmem>>, vector<16xf32>,
        %mul3A_1180 = arith.mulf %get3A_1179, %gather3A_1105 : vector<16xf32>
        %add3A_1181 = arith.addf %add3A_1174, %mul3A_1180 : vector<16xf32>
        %add3A_1182 = arith.constant 48 : i32
        %add3A_1183 = arith.addi %add3A_1182, %scan3A_694 : i32
        %get3A_1184 = arith.index_cast %add3A_1183 : i32 to index
        %get3A_1185 = arith.constant 32 : index
        %get3A_1186 = tpu.vector_load %arg10[%get3A_1184, %get3A_1185] {strides = array<i32>} : memref<64x192xf32, #tpu.memory_space<vmem>>, vector<16xf32>,
        %mul3A_1187 = arith.mulf %get3A_1186, %gather3A_1107 : vector<16xf32>
        %add3A_1188 = arith.addf %add3A_1181, %mul3A_1187 : vector<16xf32>
        %add3A_1189 = arith.constant 32 : i32
        %add3A_1190 = vector.broadcast %add3A_1189 : i32 to vector<16xi32>
        %add3A_1191 = arith.addi %iota3A, %add3A_1190 : vector<16xi32>
        tpu.vector_store_idx %arg15[%add3A_1191, %broadcast_in_dim3A_719, %broadcast_in_dim3A_1099], %add3A_1188 : memref<192x2x24xf32, #tpu.memory_space<vmem>>[vector<16xi32>, vector<16xi32>, vector<16xi32>], vector<16xf32>,
        %get3A_1192 = arith.index_cast %scan3A_694 : i32 to index
        %get3A_1193 = arith.constant 48 : index
        %get3A_1194 = tpu.vector_load %arg10[%get3A_1192, %get3A_1193] {strides = array<i32>} : memref<64x192xf32, #tpu.memory_space<vmem>>, vector<16xf32>,
        %mul3A_1195 = arith.mulf %get3A_1194, %gather3A_1101 : vector<16xf32>
        %add3A_1196 = arith.constant 16 : i32
        %add3A_1197 = arith.addi %add3A_1196, %scan3A_694 : i32
        %get3A_1198 = arith.index_cast %add3A_1197 : i32 to index
        %get3A_1199 = arith.constant 48 : index
        %get3A_1200 = tpu.vector_load %arg10[%get3A_1198, %get3A_1199] {strides = array<i32>} : memref<64x192xf32, #tpu.memory_space<vmem>>, vector<16xf32>,
        %mul3A_1201 = arith.mulf %get3A_1200, %gather3A_1103 : vector<16xf32>
        %add3A_1202 = arith.addf %mul3A_1195, %mul3A_1201 : vector<16xf32>
        %add3A_1203 = arith.constant 32 : i32
        %add3A_1204 = arith.addi %add3A_1203, %scan3A_694 : i32
        %get3A_1205 = arith.index_cast %add3A_1204 : i32 to index
        %get3A_1206 = arith.constant 48 : index
        %get3A_1207 = tpu.vector_load %arg10[%get3A_1205, %get3A_1206] {strides = array<i32>} : memref<64x192xf32, #tpu.memory_space<vmem>>, vector<16xf32>,
        %mul3A_1208 = arith.mulf %get3A_1207, %gather3A_1105 : vector<16xf32>
        %add3A_1209 = arith.addf %add3A_1202, %mul3A_1208 : vector<16xf32>
        %add3A_1210 = arith.constant 48 : i32
        %add3A_1211 = arith.addi %add3A_1210, %scan3A_694 : i32
        %get3A_1212 = arith.index_cast %add3A_1211 : i32 to index
        %get3A_1213 = arith.constant 48 : index
        %get3A_1214 = tpu.vector_load %arg10[%get3A_1212, %get3A_1213] {strides = array<i32>} : memref<64x192xf32, #tpu.memory_space<vmem>>, vector<16xf32>,
        %mul3A_1215 = arith.mulf %get3A_1214, %gather3A_1107 : vector<16xf32>
        %add3A_1216 = arith.addf %add3A_1209, %mul3A_1215 : vector<16xf32>
        %add3A_1217 = arith.constant 48 : i32
        %add3A_1218 = vector.broadcast %add3A_1217 : i32 to vector<16xi32>
        %add3A_1219 = arith.addi %iota3A, %add3A_1218 : vector<16xi32>
        tpu.vector_store_idx %arg15[%add3A_1219, %broadcast_in_dim3A_719, %broadcast_in_dim3A_1099], %add3A_1216 : memref<192x2x24xf32, #tpu.memory_space<vmem>>[vector<16xi32>, vector<16xi32>, vector<16xi32>], vector<16xf32>,
        %get3A_1220 = arith.index_cast %scan3A_694 : i32 to index
        %get3A_1221 = arith.constant 64 : index
        %get3A_1222 = tpu.vector_load %arg10[%get3A_1220, %get3A_1221] {strides = array<i32>} : memref<64x192xf32, #tpu.memory_space<vmem>>, vector<16xf32>,
        %mul3A_1223 = arith.mulf %get3A_1222, %gather3A_1101 : vector<16xf32>
        %add3A_1224 = arith.constant 16 : i32
        %add3A_1225 = arith.addi %add3A_1224, %scan3A_694 : i32
        %get3A_1226 = arith.index_cast %add3A_1225 : i32 to index
        %get3A_1227 = arith.constant 64 : index
        %get3A_1228 = tpu.vector_load %arg10[%get3A_1226, %get3A_1227] {strides = array<i32>} : memref<64x192xf32, #tpu.memory_space<vmem>>, vector<16xf32>,
        %mul3A_1229 = arith.mulf %get3A_1228, %gather3A_1103 : vector<16xf32>
        %add3A_1230 = arith.addf %mul3A_1223, %mul3A_1229 : vector<16xf32>
        %add3A_1231 = arith.constant 32 : i32
        %add3A_1232 = arith.addi %add3A_1231, %scan3A_694 : i32
        %get3A_1233 = arith.index_cast %add3A_1232 : i32 to index
        %get3A_1234 = arith.constant 64 : index
        %get3A_1235 = tpu.vector_load %arg10[%get3A_1233, %get3A_1234] {strides = array<i32>} : memref<64x192xf32, #tpu.memory_space<vmem>>, vector<16xf32>,
        %mul3A_1236 = arith.mulf %get3A_1235, %gather3A_1105 : vector<16xf32>
        %add3A_1237 = arith.addf %add3A_1230, %mul3A_1236 : vector<16xf32>
        %add3A_1238 = arith.constant 48 : i32
        %add3A_1239 = arith.addi %add3A_1238, %scan3A_694 : i32
        %get3A_1240 = arith.index_cast %add3A_1239 : i32 to index
        %get3A_1241 = arith.constant 64 : index
        %get3A_1242 = tpu.vector_load %arg10[%get3A_1240, %get3A_1241] {strides = array<i32>} : memref<64x192xf32, #tpu.memory_space<vmem>>, vector<16xf32>,
        %mul3A_1243 = arith.mulf %get3A_1242, %gather3A_1107 : vector<16xf32>
        %add3A_1244 = arith.addf %add3A_1237, %mul3A_1243 : vector<16xf32>
        %add3A_1245 = arith.constant 64 : i32
        %add3A_1246 = vector.broadcast %add3A_1245 : i32 to vector<16xi32>
        %add3A_1247 = arith.addi %iota3A, %add3A_1246 : vector<16xi32>
        tpu.vector_store_idx %arg15[%add3A_1247, %broadcast_in_dim3A_719, %broadcast_in_dim3A_1099], %add3A_1244 : memref<192x2x24xf32, #tpu.memory_space<vmem>>[vector<16xi32>, vector<16xi32>, vector<16xi32>], vector<16xf32>,
        %get3A_1248 = arith.index_cast %scan3A_694 : i32 to index
        %get3A_1249 = arith.constant 80 : index
        %get3A_1250 = tpu.vector_load %arg10[%get3A_1248, %get3A_1249] {strides = array<i32>} : memref<64x192xf32, #tpu.memory_space<vmem>>, vector<16xf32>,
        %mul3A_1251 = arith.mulf %get3A_1250, %gather3A_1101 : vector<16xf32>
        %add3A_1252 = arith.constant 16 : i32
        %add3A_1253 = arith.addi %add3A_1252, %scan3A_694 : i32
        %get3A_1254 = arith.index_cast %add3A_1253 : i32 to index
        %get3A_1255 = arith.constant 80 : index
        %get3A_1256 = tpu.vector_load %arg10[%get3A_1254, %get3A_1255] {strides = array<i32>} : memref<64x192xf32, #tpu.memory_space<vmem>>, vector<16xf32>,
        %mul3A_1257 = arith.mulf %get3A_1256, %gather3A_1103 : vector<16xf32>
        %add3A_1258 = arith.addf %mul3A_1251, %mul3A_1257 : vector<16xf32>
        %add3A_1259 = arith.constant 32 : i32
        %add3A_1260 = arith.addi %add3A_1259, %scan3A_694 : i32
        %get3A_1261 = arith.index_cast %add3A_1260 : i32 to index
        %get3A_1262 = arith.constant 80 : index
        %get3A_1263 = tpu.vector_load %arg10[%get3A_1261, %get3A_1262] {strides = array<i32>} : memref<64x192xf32, #tpu.memory_space<vmem>>, vector<16xf32>,
        %mul3A_1264 = arith.mulf %get3A_1263, %gather3A_1105 : vector<16xf32>
        %add3A_1265 = arith.addf %add3A_1258, %mul3A_1264 : vector<16xf32>
        %add3A_1266 = arith.constant 48 : i32
        %add3A_1267 = arith.addi %add3A_1266, %scan3A_694 : i32
        %get3A_1268 = arith.index_cast %add3A_1267 : i32 to index
        %get3A_1269 = arith.constant 80 : index
        %get3A_1270 = tpu.vector_load %arg10[%get3A_1268, %get3A_1269] {strides = array<i32>} : memref<64x192xf32, #tpu.memory_space<vmem>>, vector<16xf32>,
        %mul3A_1271 = arith.mulf %get3A_1270, %gather3A_1107 : vector<16xf32>
        %add3A_1272 = arith.addf %add3A_1265, %mul3A_1271 : vector<16xf32>
        %add3A_1273 = arith.constant 80 : i32
        %add3A_1274 = vector.broadcast %add3A_1273 : i32 to vector<16xi32>
        %add3A_1275 = arith.addi %iota3A, %add3A_1274 : vector<16xi32>
        tpu.vector_store_idx %arg15[%add3A_1275, %broadcast_in_dim3A_719, %broadcast_in_dim3A_1099], %add3A_1272 : memref<192x2x24xf32, #tpu.memory_space<vmem>>[vector<16xi32>, vector<16xi32>, vector<16xi32>], vector<16xf32>,
        %get3A_1276 = arith.index_cast %scan3A_694 : i32 to index
        %get3A_1277 = arith.constant 96 : index
        %get3A_1278 = tpu.vector_load %arg10[%get3A_1276, %get3A_1277] {strides = array<i32>} : memref<64x192xf32, #tpu.memory_space<vmem>>, vector<16xf32>,
        %mul3A_1279 = arith.mulf %get3A_1278, %gather3A_1101 : vector<16xf32>
        %add3A_1280 = arith.constant 16 : i32
        %add3A_1281 = arith.addi %add3A_1280, %scan3A_694 : i32
        %get3A_1282 = arith.index_cast %add3A_1281 : i32 to index
        %get3A_1283 = arith.constant 96 : index
        %get3A_1284 = tpu.vector_load %arg10[%get3A_1282, %get3A_1283] {strides = array<i32>} : memref<64x192xf32, #tpu.memory_space<vmem>>, vector<16xf32>,
        %mul3A_1285 = arith.mulf %get3A_1284, %gather3A_1103 : vector<16xf32>
        %add3A_1286 = arith.addf %mul3A_1279, %mul3A_1285 : vector<16xf32>
        %add3A_1287 = arith.constant 32 : i32
        %add3A_1288 = arith.addi %add3A_1287, %scan3A_694 : i32
        %get3A_1289 = arith.index_cast %add3A_1288 : i32 to index
        %get3A_1290 = arith.constant 96 : index
        %get3A_1291 = tpu.vector_load %arg10[%get3A_1289, %get3A_1290] {strides = array<i32>} : memref<64x192xf32, #tpu.memory_space<vmem>>, vector<16xf32>,
        %mul3A_1292 = arith.mulf %get3A_1291, %gather3A_1105 : vector<16xf32>
        %add3A_1293 = arith.addf %add3A_1286, %mul3A_1292 : vector<16xf32>
        %add3A_1294 = arith.constant 48 : i32
        %add3A_1295 = arith.addi %add3A_1294, %scan3A_694 : i32
        %get3A_1296 = arith.index_cast %add3A_1295 : i32 to index
        %get3A_1297 = arith.constant 96 : index
        %get3A_1298 = tpu.vector_load %arg10[%get3A_1296, %get3A_1297] {strides = array<i32>} : memref<64x192xf32, #tpu.memory_space<vmem>>, vector<16xf32>,
        %mul3A_1299 = arith.mulf %get3A_1298, %gather3A_1107 : vector<16xf32>
        %add3A_1300 = arith.addf %add3A_1293, %mul3A_1299 : vector<16xf32>
        %add3A_1301 = arith.constant 96 : i32
        %add3A_1302 = vector.broadcast %add3A_1301 : i32 to vector<16xi32>
        %add3A_1303 = arith.addi %iota3A, %add3A_1302 : vector<16xi32>
        tpu.vector_store_idx %arg15[%add3A_1303, %broadcast_in_dim3A_719, %broadcast_in_dim3A_1099], %add3A_1300 : memref<192x2x24xf32, #tpu.memory_space<vmem>>[vector<16xi32>, vector<16xi32>, vector<16xi32>], vector<16xf32>,
        %get3A_1304 = arith.index_cast %scan3A_694 : i32 to index
        %get3A_1305 = arith.constant 112 : index
        %get3A_1306 = tpu.vector_load %arg10[%get3A_1304, %get3A_1305] {strides = array<i32>} : memref<64x192xf32, #tpu.memory_space<vmem>>, vector<16xf32>,
        %mul3A_1307 = arith.mulf %get3A_1306, %gather3A_1101 : vector<16xf32>
        %add3A_1308 = arith.constant 16 : i32
        %add3A_1309 = arith.addi %add3A_1308, %scan3A_694 : i32
        %get3A_1310 = arith.index_cast %add3A_1309 : i32 to index
        %get3A_1311 = arith.constant 112 : index
        %get3A_1312 = tpu.vector_load %arg10[%get3A_1310, %get3A_1311] {strides = array<i32>} : memref<64x192xf32, #tpu.memory_space<vmem>>, vector<16xf32>,
        %mul3A_1313 = arith.mulf %get3A_1312, %gather3A_1103 : vector<16xf32>
        %add3A_1314 = arith.addf %mul3A_1307, %mul3A_1313 : vector<16xf32>
        %add3A_1315 = arith.constant 32 : i32
        %add3A_1316 = arith.addi %add3A_1315, %scan3A_694 : i32
        %get3A_1317 = arith.index_cast %add3A_1316 : i32 to index
        %get3A_1318 = arith.constant 112 : index
        %get3A_1319 = tpu.vector_load %arg10[%get3A_1317, %get3A_1318] {strides = array<i32>} : memref<64x192xf32, #tpu.memory_space<vmem>>, vector<16xf32>,
        %mul3A_1320 = arith.mulf %get3A_1319, %gather3A_1105 : vector<16xf32>
        %add3A_1321 = arith.addf %add3A_1314, %mul3A_1320 : vector<16xf32>
        %add3A_1322 = arith.constant 48 : i32
        %add3A_1323 = arith.addi %add3A_1322, %scan3A_694 : i32
        %get3A_1324 = arith.index_cast %add3A_1323 : i32 to index
        %get3A_1325 = arith.constant 112 : index
        %get3A_1326 = tpu.vector_load %arg10[%get3A_1324, %get3A_1325] {strides = array<i32>} : memref<64x192xf32, #tpu.memory_space<vmem>>, vector<16xf32>,
        %mul3A_1327 = arith.mulf %get3A_1326, %gather3A_1107 : vector<16xf32>
        %add3A_1328 = arith.addf %add3A_1321, %mul3A_1327 : vector<16xf32>
        %add3A_1329 = arith.constant 112 : i32
        %add3A_1330 = vector.broadcast %add3A_1329 : i32 to vector<16xi32>
        %add3A_1331 = arith.addi %iota3A, %add3A_1330 : vector<16xi32>
        tpu.vector_store_idx %arg15[%add3A_1331, %broadcast_in_dim3A_719, %broadcast_in_dim3A_1099], %add3A_1328 : memref<192x2x24xf32, #tpu.memory_space<vmem>>[vector<16xi32>, vector<16xi32>, vector<16xi32>], vector<16xf32>,
        %get3A_1332 = arith.index_cast %scan3A_694 : i32 to index
        %get3A_1333 = arith.constant 128 : index
        %get3A_1334 = tpu.vector_load %arg10[%get3A_1332, %get3A_1333] {strides = array<i32>} : memref<64x192xf32, #tpu.memory_space<vmem>>, vector<16xf32>,
        %mul3A_1335 = arith.mulf %get3A_1334, %gather3A_1101 : vector<16xf32>
        %add3A_1336 = arith.constant 16 : i32
        %add3A_1337 = arith.addi %add3A_1336, %scan3A_694 : i32
        %get3A_1338 = arith.index_cast %add3A_1337 : i32 to index
        %get3A_1339 = arith.constant 128 : index
        %get3A_1340 = tpu.vector_load %arg10[%get3A_1338, %get3A_1339] {strides = array<i32>} : memref<64x192xf32, #tpu.memory_space<vmem>>, vector<16xf32>,
        %mul3A_1341 = arith.mulf %get3A_1340, %gather3A_1103 : vector<16xf32>
        %add3A_1342 = arith.addf %mul3A_1335, %mul3A_1341 : vector<16xf32>
        %add3A_1343 = arith.constant 32 : i32
        %add3A_1344 = arith.addi %add3A_1343, %scan3A_694 : i32
        %get3A_1345 = arith.index_cast %add3A_1344 : i32 to index
        %get3A_1346 = arith.constant 128 : index
        %get3A_1347 = tpu.vector_load %arg10[%get3A_1345, %get3A_1346] {strides = array<i32>} : memref<64x192xf32, #tpu.memory_space<vmem>>, vector<16xf32>,
        %mul3A_1348 = arith.mulf %get3A_1347, %gather3A_1105 : vector<16xf32>
        %add3A_1349 = arith.addf %add3A_1342, %mul3A_1348 : vector<16xf32>
        %add3A_1350 = arith.constant 48 : i32
        %add3A_1351 = arith.addi %add3A_1350, %scan3A_694 : i32
        %get3A_1352 = arith.index_cast %add3A_1351 : i32 to index
        %get3A_1353 = arith.constant 128 : index
        %get3A_1354 = tpu.vector_load %arg10[%get3A_1352, %get3A_1353] {strides = array<i32>} : memref<64x192xf32, #tpu.memory_space<vmem>>, vector<16xf32>,
        %mul3A_1355 = arith.mulf %get3A_1354, %gather3A_1107 : vector<16xf32>
        %add3A_1356 = arith.addf %add3A_1349, %mul3A_1355 : vector<16xf32>
        %add3A_1357 = arith.constant 128 : i32
        %add3A_1358 = vector.broadcast %add3A_1357 : i32 to vector<16xi32>
        %add3A_1359 = arith.addi %iota3A, %add3A_1358 : vector<16xi32>
        tpu.vector_store_idx %arg15[%add3A_1359, %broadcast_in_dim3A_719, %broadcast_in_dim3A_1099], %add3A_1356 : memref<192x2x24xf32, #tpu.memory_space<vmem>>[vector<16xi32>, vector<16xi32>, vector<16xi32>], vector<16xf32>,
        %get3A_1360 = arith.index_cast %scan3A_694 : i32 to index
        %get3A_1361 = arith.constant 144 : index
        %get3A_1362 = tpu.vector_load %arg10[%get3A_1360, %get3A_1361] {strides = array<i32>} : memref<64x192xf32, #tpu.memory_space<vmem>>, vector<16xf32>,
        %mul3A_1363 = arith.mulf %get3A_1362, %gather3A_1101 : vector<16xf32>
        %add3A_1364 = arith.constant 16 : i32
        %add3A_1365 = arith.addi %add3A_1364, %scan3A_694 : i32
        %get3A_1366 = arith.index_cast %add3A_1365 : i32 to index
        %get3A_1367 = arith.constant 144 : index
        %get3A_1368 = tpu.vector_load %arg10[%get3A_1366, %get3A_1367] {strides = array<i32>} : memref<64x192xf32, #tpu.memory_space<vmem>>, vector<16xf32>,
        %mul3A_1369 = arith.mulf %get3A_1368, %gather3A_1103 : vector<16xf32>
        %add3A_1370 = arith.addf %mul3A_1363, %mul3A_1369 : vector<16xf32>
        %add3A_1371 = arith.constant 32 : i32
        %add3A_1372 = arith.addi %add3A_1371, %scan3A_694 : i32
        %get3A_1373 = arith.index_cast %add3A_1372 : i32 to index
        %get3A_1374 = arith.constant 144 : index
        %get3A_1375 = tpu.vector_load %arg10[%get3A_1373, %get3A_1374] {strides = array<i32>} : memref<64x192xf32, #tpu.memory_space<vmem>>, vector<16xf32>,
        %mul3A_1376 = arith.mulf %get3A_1375, %gather3A_1105 : vector<16xf32>
        %add3A_1377 = arith.addf %add3A_1370, %mul3A_1376 : vector<16xf32>
        %add3A_1378 = arith.constant 48 : i32
        %add3A_1379 = arith.addi %add3A_1378, %scan3A_694 : i32
        %get3A_1380 = arith.index_cast %add3A_1379 : i32 to index
        %get3A_1381 = arith.constant 144 : index
        %get3A_1382 = tpu.vector_load %arg10[%get3A_1380, %get3A_1381] {strides = array<i32>} : memref<64x192xf32, #tpu.memory_space<vmem>>, vector<16xf32>,
        %mul3A_1383 = arith.mulf %get3A_1382, %gather3A_1107 : vector<16xf32>
        %add3A_1384 = arith.addf %add3A_1377, %mul3A_1383 : vector<16xf32>
        %add3A_1385 = arith.constant 144 : i32
        %add3A_1386 = vector.broadcast %add3A_1385 : i32 to vector<16xi32>
        %add3A_1387 = arith.addi %iota3A, %add3A_1386 : vector<16xi32>
        tpu.vector_store_idx %arg15[%add3A_1387, %broadcast_in_dim3A_719, %broadcast_in_dim3A_1099], %add3A_1384 : memref<192x2x24xf32, #tpu.memory_space<vmem>>[vector<16xi32>, vector<16xi32>, vector<16xi32>], vector<16xf32>,
        %get3A_1388 = arith.index_cast %scan3A_694 : i32 to index
        %get3A_1389 = arith.constant 160 : index
        %get3A_1390 = tpu.vector_load %arg10[%get3A_1388, %get3A_1389] {strides = array<i32>} : memref<64x192xf32, #tpu.memory_space<vmem>>, vector<16xf32>,
        %mul3A_1391 = arith.mulf %get3A_1390, %gather3A_1101 : vector<16xf32>
        %add3A_1392 = arith.constant 16 : i32
        %add3A_1393 = arith.addi %add3A_1392, %scan3A_694 : i32
        %get3A_1394 = arith.index_cast %add3A_1393 : i32 to index
        %get3A_1395 = arith.constant 160 : index
        %get3A_1396 = tpu.vector_load %arg10[%get3A_1394, %get3A_1395] {strides = array<i32>} : memref<64x192xf32, #tpu.memory_space<vmem>>, vector<16xf32>,
        %mul3A_1397 = arith.mulf %get3A_1396, %gather3A_1103 : vector<16xf32>
        %add3A_1398 = arith.addf %mul3A_1391, %mul3A_1397 : vector<16xf32>
        %add3A_1399 = arith.constant 32 : i32
        %add3A_1400 = arith.addi %add3A_1399, %scan3A_694 : i32
        %get3A_1401 = arith.index_cast %add3A_1400 : i32 to index
        %get3A_1402 = arith.constant 160 : index
        %get3A_1403 = tpu.vector_load %arg10[%get3A_1401, %get3A_1402] {strides = array<i32>} : memref<64x192xf32, #tpu.memory_space<vmem>>, vector<16xf32>,
        %mul3A_1404 = arith.mulf %get3A_1403, %gather3A_1105 : vector<16xf32>
        %add3A_1405 = arith.addf %add3A_1398, %mul3A_1404 : vector<16xf32>
        %add3A_1406 = arith.constant 48 : i32
        %add3A_1407 = arith.addi %add3A_1406, %scan3A_694 : i32
        %get3A_1408 = arith.index_cast %add3A_1407 : i32 to index
        %get3A_1409 = arith.constant 160 : index
        %get3A_1410 = tpu.vector_load %arg10[%get3A_1408, %get3A_1409] {strides = array<i32>} : memref<64x192xf32, #tpu.memory_space<vmem>>, vector<16xf32>,
        %mul3A_1411 = arith.mulf %get3A_1410, %gather3A_1107 : vector<16xf32>
        %add3A_1412 = arith.addf %add3A_1405, %mul3A_1411 : vector<16xf32>
        %add3A_1413 = arith.constant 160 : i32
        %add3A_1414 = vector.broadcast %add3A_1413 : i32 to vector<16xi32>
        %add3A_1415 = arith.addi %iota3A, %add3A_1414 : vector<16xi32>
        tpu.vector_store_idx %arg15[%add3A_1415, %broadcast_in_dim3A_719, %broadcast_in_dim3A_1099], %add3A_1412 : memref<192x2x24xf32, #tpu.memory_space<vmem>>[vector<16xi32>, vector<16xi32>, vector<16xi32>], vector<16xf32>,
        %get3A_1416 = arith.index_cast %scan3A_694 : i32 to index
        %get3A_1417 = arith.constant 176 : index
        %get3A_1418 = tpu.vector_load %arg10[%get3A_1416, %get3A_1417] {strides = array<i32>} : memref<64x192xf32, #tpu.memory_space<vmem>>, vector<16xf32>,
        %mul3A_1419 = arith.mulf %get3A_1418, %gather3A_1101 : vector<16xf32>
        %add3A_1420 = arith.constant 16 : i32
        %add3A_1421 = arith.addi %add3A_1420, %scan3A_694 : i32
        %get3A_1422 = arith.index_cast %add3A_1421 : i32 to index
        %get3A_1423 = arith.constant 176 : index
        %get3A_1424 = tpu.vector_load %arg10[%get3A_1422, %get3A_1423] {strides = array<i32>} : memref<64x192xf32, #tpu.memory_space<vmem>>, vector<16xf32>,
        %mul3A_1425 = arith.mulf %get3A_1424, %gather3A_1103 : vector<16xf32>
        %add3A_1426 = arith.addf %mul3A_1419, %mul3A_1425 : vector<16xf32>
        %add3A_1427 = arith.constant 32 : i32
        %add3A_1428 = arith.addi %add3A_1427, %scan3A_694 : i32
        %get3A_1429 = arith.index_cast %add3A_1428 : i32 to index
        %get3A_1430 = arith.constant 176 : index
        %get3A_1431 = tpu.vector_load %arg10[%get3A_1429, %get3A_1430] {strides = array<i32>} : memref<64x192xf32, #tpu.memory_space<vmem>>, vector<16xf32>,
        %mul3A_1432 = arith.mulf %get3A_1431, %gather3A_1105 : vector<16xf32>
        %add3A_1433 = arith.addf %add3A_1426, %mul3A_1432 : vector<16xf32>
        %add3A_1434 = arith.constant 48 : i32
        %add3A_1435 = arith.addi %add3A_1434, %scan3A_694 : i32
        %get3A_1436 = arith.index_cast %add3A_1435 : i32 to index
        %get3A_1437 = arith.constant 176 : index
        %get3A_1438 = tpu.vector_load %arg10[%get3A_1436, %get3A_1437] {strides = array<i32>} : memref<64x192xf32, #tpu.memory_space<vmem>>, vector<16xf32>,
        %mul3A_1439 = arith.mulf %get3A_1438, %gather3A_1107 : vector<16xf32>
        %add3A_1440 = arith.addf %add3A_1433, %mul3A_1439 : vector<16xf32>
        %add3A_1441 = arith.constant 176 : i32
        %add3A_1442 = vector.broadcast %add3A_1441 : i32 to vector<16xi32>
        %add3A_1443 = arith.addi %iota3A, %add3A_1442 : vector<16xi32>
        tpu.vector_store_idx %arg15[%add3A_1443, %broadcast_in_dim3A_719, %broadcast_in_dim3A_1099], %add3A_1440 : memref<192x2x24xf32, #tpu.memory_space<vmem>>[vector<16xi32>, vector<16xi32>, vector<16xi32>], vector<16xf32>,
        %jit3A_1444 = arith.constant 8 : i32
        %eq3A_1445 = arith.constant 0 : i32
        %eq3A_1446 = arith.cmpi eq, %jit3A_1444, %eq3A_1445 : i32
        %jit3A_1447 = arith.constant 1 : i32
        %select_n3A_1448 = arith.select %eq3A_1446, %jit3A_1447, %jit3A_1444 : i32
        %rem3A_1449 = arith.remsi %scan3A_694, %select_n3A_1448 : i32
        %ne3A_1450 = arith.constant 0 : i32
        %ne3A_1451 = arith.cmpi ne, %rem3A_1449, %ne3A_1450 : i32
        %lt3A_1452 = arith.constant 0 : i32
        %lt3A_1453 = arith.cmpi slt, %rem3A_1449, %lt3A_1452 : i32
        %lt3A_1454 = arith.constant 0 : i32
        %lt3A_1455 = arith.cmpi slt, %select_n3A_1448, %lt3A_1454 : i32
        %ne3A_1456 = arith.xori %lt3A_1453, %lt3A_1455 : i1
        %and3A_1457 = arith.andi %ne3A_1456, %ne3A_1451 : i1
        %add3A_1458 = arith.addi %rem3A_1449, %select_n3A_1448 : i32
        %select_n3A_1459 = arith.select %and3A_1457, %add3A_1458, %rem3A_1449 : i32
        %add3A_1460 = arith.constant 16 : i32
        %add3A_1461 = arith.addi %add3A_1460, %select_n3A_1459 : i32
        %broadcast_in_dim3A_1462 = vector.broadcast %add3A_1461 : i32 to vector<16xi32>
        %gather3A_1463 = vector.shape_cast %broadcast_in_dim3A : vector<16x1xi32> to vector<16xi32>
        %gather3A_1464 = tpu.dynamic_gather %bitcast3A_370[%gather3A_1463] in [0] : vector<16xf32>, vector<16xi32> -> vector<16xf32>
        %gather3A_1465 = vector.shape_cast %broadcast_in_dim3A : vector<16x1xi32> to vector<16xi32>
        %gather3A_1466 = tpu.dynamic_gather %bitcast3A_375[%gather3A_1465] in [0] : vector<16xf32>, vector<16xi32> -> vector<16xf32>
        %gather3A_1467 = vector.shape_cast %broadcast_in_dim3A : vector<16x1xi32> to vector<16xi32>
        %gather3A_1468 = tpu.dynamic_gather %bitcast3A_380[%gather3A_1467] in [0] : vector<16xf32>, vector<16xi32> -> vector<16xf32>
        %gather3A_1469 = vector.shape_cast %broadcast_in_dim3A : vector<16x1xi32> to vector<16xi32>
        %gather3A_1470 = tpu.dynamic_gather %bitcast3A_385[%gather3A_1469] in [0] : vector<16xf32>, vector<16xi32> -> vector<16xf32>
        %get3A_1471 = arith.index_cast %scan3A_694 : i32 to index
        %get3A_1472 = arith.constant 0 : index
        %get3A_1473 = tpu.vector_load %arg11[%get3A_1471, %get3A_1472] {strides = array<i32>} : memref<64x192xf32, #tpu.memory_space<vmem>>, vector<16xf32>,
        %mul3A_1474 = arith.mulf %get3A_1473, %gather3A_1464 : vector<16xf32>
        %add3A_1475 = arith.constant 16 : i32
        %add3A_1476 = arith.addi %add3A_1475, %scan3A_694 : i32
        %get3A_1477 = arith.index_cast %add3A_1476 : i32 to index
        %get3A_1478 = arith.constant 0 : index
        %get3A_1479 = tpu.vector_load %arg11[%get3A_1477, %get3A_1478] {strides = array<i32>} : memref<64x192xf32, #tpu.memory_space<vmem>>, vector<16xf32>,
        %mul3A_1480 = arith.mulf %get3A_1479, %gather3A_1466 : vector<16xf32>
        %add3A_1481 = arith.addf %mul3A_1474, %mul3A_1480 : vector<16xf32>
        %add3A_1482 = arith.constant 32 : i32
        %add3A_1483 = arith.addi %add3A_1482, %scan3A_694 : i32
        %get3A_1484 = arith.index_cast %add3A_1483 : i32 to index
        %get3A_1485 = arith.constant 0 : index
        %get3A_1486 = tpu.vector_load %arg11[%get3A_1484, %get3A_1485] {strides = array<i32>} : memref<64x192xf32, #tpu.memory_space<vmem>>, vector<16xf32>,
        %mul3A_1487 = arith.mulf %get3A_1486, %gather3A_1468 : vector<16xf32>
        %add3A_1488 = arith.addf %add3A_1481, %mul3A_1487 : vector<16xf32>
        %add3A_1489 = arith.constant 48 : i32
        %add3A_1490 = arith.addi %add3A_1489, %scan3A_694 : i32
        %get3A_1491 = arith.index_cast %add3A_1490 : i32 to index
        %get3A_1492 = arith.constant 0 : index
        %get3A_1493 = tpu.vector_load %arg11[%get3A_1491, %get3A_1492] {strides = array<i32>} : memref<64x192xf32, #tpu.memory_space<vmem>>, vector<16xf32>,
        %mul3A_1494 = arith.mulf %get3A_1493, %gather3A_1470 : vector<16xf32>
        %add3A_1495 = arith.addf %add3A_1488, %mul3A_1494 : vector<16xf32>
        %add3A_1496 = arith.constant 0 : i32
        %add3A_1497 = vector.broadcast %add3A_1496 : i32 to vector<16xi32>
        %add3A_1498 = arith.addi %iota3A, %add3A_1497 : vector<16xi32>
        tpu.vector_store_idx %arg15[%add3A_1498, %broadcast_in_dim3A_719, %broadcast_in_dim3A_1462], %add3A_1495 : memref<192x2x24xf32, #tpu.memory_space<vmem>>[vector<16xi32>, vector<16xi32>, vector<16xi32>], vector<16xf32>,
        %get3A_1499 = arith.index_cast %scan3A_694 : i32 to index
        %get3A_1500 = arith.constant 16 : index
        %get3A_1501 = tpu.vector_load %arg11[%get3A_1499, %get3A_1500] {strides = array<i32>} : memref<64x192xf32, #tpu.memory_space<vmem>>, vector<16xf32>,
        %mul3A_1502 = arith.mulf %get3A_1501, %gather3A_1464 : vector<16xf32>
        %add3A_1503 = arith.constant 16 : i32
        %add3A_1504 = arith.addi %add3A_1503, %scan3A_694 : i32
        %get3A_1505 = arith.index_cast %add3A_1504 : i32 to index
        %get3A_1506 = arith.constant 16 : index
        %get3A_1507 = tpu.vector_load %arg11[%get3A_1505, %get3A_1506] {strides = array<i32>} : memref<64x192xf32, #tpu.memory_space<vmem>>, vector<16xf32>,
        %mul3A_1508 = arith.mulf %get3A_1507, %gather3A_1466 : vector<16xf32>
        %add3A_1509 = arith.addf %mul3A_1502, %mul3A_1508 : vector<16xf32>
        %add3A_1510 = arith.constant 32 : i32
        %add3A_1511 = arith.addi %add3A_1510, %scan3A_694 : i32
        %get3A_1512 = arith.index_cast %add3A_1511 : i32 to index
        %get3A_1513 = arith.constant 16 : index
        %get3A_1514 = tpu.vector_load %arg11[%get3A_1512, %get3A_1513] {strides = array<i32>} : memref<64x192xf32, #tpu.memory_space<vmem>>, vector<16xf32>,
        %mul3A_1515 = arith.mulf %get3A_1514, %gather3A_1468 : vector<16xf32>
        %add3A_1516 = arith.addf %add3A_1509, %mul3A_1515 : vector<16xf32>
        %add3A_1517 = arith.constant 48 : i32
        %add3A_1518 = arith.addi %add3A_1517, %scan3A_694 : i32
        %get3A_1519 = arith.index_cast %add3A_1518 : i32 to index
        %get3A_1520 = arith.constant 16 : index
        %get3A_1521 = tpu.vector_load %arg11[%get3A_1519, %get3A_1520] {strides = array<i32>} : memref<64x192xf32, #tpu.memory_space<vmem>>, vector<16xf32>,
        %mul3A_1522 = arith.mulf %get3A_1521, %gather3A_1470 : vector<16xf32>
        %add3A_1523 = arith.addf %add3A_1516, %mul3A_1522 : vector<16xf32>
        %add3A_1524 = arith.constant 16 : i32
        %add3A_1525 = vector.broadcast %add3A_1524 : i32 to vector<16xi32>
        %add3A_1526 = arith.addi %iota3A, %add3A_1525 : vector<16xi32>
        tpu.vector_store_idx %arg15[%add3A_1526, %broadcast_in_dim3A_719, %broadcast_in_dim3A_1462], %add3A_1523 : memref<192x2x24xf32, #tpu.memory_space<vmem>>[vector<16xi32>, vector<16xi32>, vector<16xi32>], vector<16xf32>,
        %get3A_1527 = arith.index_cast %scan3A_694 : i32 to index
        %get3A_1528 = arith.constant 32 : index
        %get3A_1529 = tpu.vector_load %arg11[%get3A_1527, %get3A_1528] {strides = array<i32>} : memref<64x192xf32, #tpu.memory_space<vmem>>, vector<16xf32>,
        %mul3A_1530 = arith.mulf %get3A_1529, %gather3A_1464 : vector<16xf32>
        %add3A_1531 = arith.constant 16 : i32
        %add3A_1532 = arith.addi %add3A_1531, %scan3A_694 : i32
        %get3A_1533 = arith.index_cast %add3A_1532 : i32 to index
        %get3A_1534 = arith.constant 32 : index
        %get3A_1535 = tpu.vector_load %arg11[%get3A_1533, %get3A_1534] {strides = array<i32>} : memref<64x192xf32, #tpu.memory_space<vmem>>, vector<16xf32>,
        %mul3A_1536 = arith.mulf %get3A_1535, %gather3A_1466 : vector<16xf32>
        %add3A_1537 = arith.addf %mul3A_1530, %mul3A_1536 : vector<16xf32>
        %add3A_1538 = arith.constant 32 : i32
        %add3A_1539 = arith.addi %add3A_1538, %scan3A_694 : i32
        %get3A_1540 = arith.index_cast %add3A_1539 : i32 to index
        %get3A_1541 = arith.constant 32 : index
        %get3A_1542 = tpu.vector_load %arg11[%get3A_1540, %get3A_1541] {strides = array<i32>} : memref<64x192xf32, #tpu.memory_space<vmem>>, vector<16xf32>,
        %mul3A_1543 = arith.mulf %get3A_1542, %gather3A_1468 : vector<16xf32>
        %add3A_1544 = arith.addf %add3A_1537, %mul3A_1543 : vector<16xf32>
        %add3A_1545 = arith.constant 48 : i32
        %add3A_1546 = arith.addi %add3A_1545, %scan3A_694 : i32
        %get3A_1547 = arith.index_cast %add3A_1546 : i32 to index
        %get3A_1548 = arith.constant 32 : index
        %get3A_1549 = tpu.vector_load %arg11[%get3A_1547, %get3A_1548] {strides = array<i32>} : memref<64x192xf32, #tpu.memory_space<vmem>>, vector<16xf32>,
        %mul3A_1550 = arith.mulf %get3A_1549, %gather3A_1470 : vector<16xf32>
        %add3A_1551 = arith.addf %add3A_1544, %mul3A_1550 : vector<16xf32>
        %add3A_1552 = arith.constant 32 : i32
        %add3A_1553 = vector.broadcast %add3A_1552 : i32 to vector<16xi32>
        %add3A_1554 = arith.addi %iota3A, %add3A_1553 : vector<16xi32>
        tpu.vector_store_idx %arg15[%add3A_1554, %broadcast_in_dim3A_719, %broadcast_in_dim3A_1462], %add3A_1551 : memref<192x2x24xf32, #tpu.memory_space<vmem>>[vector<16xi32>, vector<16xi32>, vector<16xi32>], vector<16xf32>,
        %get3A_1555 = arith.index_cast %scan3A_694 : i32 to index
        %get3A_1556 = arith.constant 48 : index
        %get3A_1557 = tpu.vector_load %arg11[%get3A_1555, %get3A_1556] {strides = array<i32>} : memref<64x192xf32, #tpu.memory_space<vmem>>, vector<16xf32>,
        %mul3A_1558 = arith.mulf %get3A_1557, %gather3A_1464 : vector<16xf32>
        %add3A_1559 = arith.constant 16 : i32
        %add3A_1560 = arith.addi %add3A_1559, %scan3A_694 : i32
        %get3A_1561 = arith.index_cast %add3A_1560 : i32 to index
        %get3A_1562 = arith.constant 48 : index
        %get3A_1563 = tpu.vector_load %arg11[%get3A_1561, %get3A_1562] {strides = array<i32>} : memref<64x192xf32, #tpu.memory_space<vmem>>, vector<16xf32>,
        %mul3A_1564 = arith.mulf %get3A_1563, %gather3A_1466 : vector<16xf32>
        %add3A_1565 = arith.addf %mul3A_1558, %mul3A_1564 : vector<16xf32>
        %add3A_1566 = arith.constant 32 : i32
        %add3A_1567 = arith.addi %add3A_1566, %scan3A_694 : i32
        %get3A_1568 = arith.index_cast %add3A_1567 : i32 to index
        %get3A_1569 = arith.constant 48 : index
        %get3A_1570 = tpu.vector_load %arg11[%get3A_1568, %get3A_1569] {strides = array<i32>} : memref<64x192xf32, #tpu.memory_space<vmem>>, vector<16xf32>,
        %mul3A_1571 = arith.mulf %get3A_1570, %gather3A_1468 : vector<16xf32>
        %add3A_1572 = arith.addf %add3A_1565, %mul3A_1571 : vector<16xf32>
        %add3A_1573 = arith.constant 48 : i32
        %add3A_1574 = arith.addi %add3A_1573, %scan3A_694 : i32
        %get3A_1575 = arith.index_cast %add3A_1574 : i32 to index
        %get3A_1576 = arith.constant 48 : index
        %get3A_1577 = tpu.vector_load %arg11[%get3A_1575, %get3A_1576] {strides = array<i32>} : memref<64x192xf32, #tpu.memory_space<vmem>>, vector<16xf32>,
        %mul3A_1578 = arith.mulf %get3A_1577, %gather3A_1470 : vector<16xf32>
        %add3A_1579 = arith.addf %add3A_1572, %mul3A_1578 : vector<16xf32>
        %add3A_1580 = arith.constant 48 : i32
        %add3A_1581 = vector.broadcast %add3A_1580 : i32 to vector<16xi32>
        %add3A_1582 = arith.addi %iota3A, %add3A_1581 : vector<16xi32>
        tpu.vector_store_idx %arg15[%add3A_1582, %broadcast_in_dim3A_719, %broadcast_in_dim3A_1462], %add3A_1579 : memref<192x2x24xf32, #tpu.memory_space<vmem>>[vector<16xi32>, vector<16xi32>, vector<16xi32>], vector<16xf32>,
        %get3A_1583 = arith.index_cast %scan3A_694 : i32 to index
        %get3A_1584 = arith.constant 64 : index
        %get3A_1585 = tpu.vector_load %arg11[%get3A_1583, %get3A_1584] {strides = array<i32>} : memref<64x192xf32, #tpu.memory_space<vmem>>, vector<16xf32>,
        %mul3A_1586 = arith.mulf %get3A_1585, %gather3A_1464 : vector<16xf32>
        %add3A_1587 = arith.constant 16 : i32
        %add3A_1588 = arith.addi %add3A_1587, %scan3A_694 : i32
        %get3A_1589 = arith.index_cast %add3A_1588 : i32 to index
        %get3A_1590 = arith.constant 64 : index
        %get3A_1591 = tpu.vector_load %arg11[%get3A_1589, %get3A_1590] {strides = array<i32>} : memref<64x192xf32, #tpu.memory_space<vmem>>, vector<16xf32>,
        %mul3A_1592 = arith.mulf %get3A_1591, %gather3A_1466 : vector<16xf32>
        %add3A_1593 = arith.addf %mul3A_1586, %mul3A_1592 : vector<16xf32>
        %add3A_1594 = arith.constant 32 : i32
        %add3A_1595 = arith.addi %add3A_1594, %scan3A_694 : i32
        %get3A_1596 = arith.index_cast %add3A_1595 : i32 to index
        %get3A_1597 = arith.constant 64 : index
        %get3A_1598 = tpu.vector_load %arg11[%get3A_1596, %get3A_1597] {strides = array<i32>} : memref<64x192xf32, #tpu.memory_space<vmem>>, vector<16xf32>,
        %mul3A_1599 = arith.mulf %get3A_1598, %gather3A_1468 : vector<16xf32>
        %add3A_1600 = arith.addf %add3A_1593, %mul3A_1599 : vector<16xf32>
        %add3A_1601 = arith.constant 48 : i32
        %add3A_1602 = arith.addi %add3A_1601, %scan3A_694 : i32
        %get3A_1603 = arith.index_cast %add3A_1602 : i32 to index
        %get3A_1604 = arith.constant 64 : index
        %get3A_1605 = tpu.vector_load %arg11[%get3A_1603, %get3A_1604] {strides = array<i32>} : memref<64x192xf32, #tpu.memory_space<vmem>>, vector<16xf32>,
        %mul3A_1606 = arith.mulf %get3A_1605, %gather3A_1470 : vector<16xf32>
        %add3A_1607 = arith.addf %add3A_1600, %mul3A_1606 : vector<16xf32>
        %add3A_1608 = arith.constant 64 : i32
        %add3A_1609 = vector.broadcast %add3A_1608 : i32 to vector<16xi32>
        %add3A_1610 = arith.addi %iota3A, %add3A_1609 : vector<16xi32>
        tpu.vector_store_idx %arg15[%add3A_1610, %broadcast_in_dim3A_719, %broadcast_in_dim3A_1462], %add3A_1607 : memref<192x2x24xf32, #tpu.memory_space<vmem>>[vector<16xi32>, vector<16xi32>, vector<16xi32>], vector<16xf32>,
        %get3A_1611 = arith.index_cast %scan3A_694 : i32 to index
        %get3A_1612 = arith.constant 80 : index
        %get3A_1613 = tpu.vector_load %arg11[%get3A_1611, %get3A_1612] {strides = array<i32>} : memref<64x192xf32, #tpu.memory_space<vmem>>, vector<16xf32>,
        %mul3A_1614 = arith.mulf %get3A_1613, %gather3A_1464 : vector<16xf32>
        %add3A_1615 = arith.constant 16 : i32
        %add3A_1616 = arith.addi %add3A_1615, %scan3A_694 : i32
        %get3A_1617 = arith.index_cast %add3A_1616 : i32 to index
        %get3A_1618 = arith.constant 80 : index
        %get3A_1619 = tpu.vector_load %arg11[%get3A_1617, %get3A_1618] {strides = array<i32>} : memref<64x192xf32, #tpu.memory_space<vmem>>, vector<16xf32>,
        %mul3A_1620 = arith.mulf %get3A_1619, %gather3A_1466 : vector<16xf32>
        %add3A_1621 = arith.addf %mul3A_1614, %mul3A_1620 : vector<16xf32>
        %add3A_1622 = arith.constant 32 : i32
        %add3A_1623 = arith.addi %add3A_1622, %scan3A_694 : i32
        %get3A_1624 = arith.index_cast %add3A_1623 : i32 to index
        %get3A_1625 = arith.constant 80 : index
        %get3A_1626 = tpu.vector_load %arg11[%get3A_1624, %get3A_1625] {strides = array<i32>} : memref<64x192xf32, #tpu.memory_space<vmem>>, vector<16xf32>,
        %mul3A_1627 = arith.mulf %get3A_1626, %gather3A_1468 : vector<16xf32>
        %add3A_1628 = arith.addf %add3A_1621, %mul3A_1627 : vector<16xf32>
        %add3A_1629 = arith.constant 48 : i32
        %add3A_1630 = arith.addi %add3A_1629, %scan3A_694 : i32
        %get3A_1631 = arith.index_cast %add3A_1630 : i32 to index
        %get3A_1632 = arith.constant 80 : index
        %get3A_1633 = tpu.vector_load %arg11[%get3A_1631, %get3A_1632] {strides = array<i32>} : memref<64x192xf32, #tpu.memory_space<vmem>>, vector<16xf32>,
        %mul3A_1634 = arith.mulf %get3A_1633, %gather3A_1470 : vector<16xf32>
        %add3A_1635 = arith.addf %add3A_1628, %mul3A_1634 : vector<16xf32>
        %add3A_1636 = arith.constant 80 : i32
        %add3A_1637 = vector.broadcast %add3A_1636 : i32 to vector<16xi32>
        %add3A_1638 = arith.addi %iota3A, %add3A_1637 : vector<16xi32>
        tpu.vector_store_idx %arg15[%add3A_1638, %broadcast_in_dim3A_719, %broadcast_in_dim3A_1462], %add3A_1635 : memref<192x2x24xf32, #tpu.memory_space<vmem>>[vector<16xi32>, vector<16xi32>, vector<16xi32>], vector<16xf32>,
        %get3A_1639 = arith.index_cast %scan3A_694 : i32 to index
        %get3A_1640 = arith.constant 96 : index
        %get3A_1641 = tpu.vector_load %arg11[%get3A_1639, %get3A_1640] {strides = array<i32>} : memref<64x192xf32, #tpu.memory_space<vmem>>, vector<16xf32>,
        %mul3A_1642 = arith.mulf %get3A_1641, %gather3A_1464 : vector<16xf32>
        %add3A_1643 = arith.constant 16 : i32
        %add3A_1644 = arith.addi %add3A_1643, %scan3A_694 : i32
        %get3A_1645 = arith.index_cast %add3A_1644 : i32 to index
        %get3A_1646 = arith.constant 96 : index
        %get3A_1647 = tpu.vector_load %arg11[%get3A_1645, %get3A_1646] {strides = array<i32>} : memref<64x192xf32, #tpu.memory_space<vmem>>, vector<16xf32>,
        %mul3A_1648 = arith.mulf %get3A_1647, %gather3A_1466 : vector<16xf32>
        %add3A_1649 = arith.addf %mul3A_1642, %mul3A_1648 : vector<16xf32>
        %add3A_1650 = arith.constant 32 : i32
        %add3A_1651 = arith.addi %add3A_1650, %scan3A_694 : i32
        %get3A_1652 = arith.index_cast %add3A_1651 : i32 to index
        %get3A_1653 = arith.constant 96 : index
        %get3A_1654 = tpu.vector_load %arg11[%get3A_1652, %get3A_1653] {strides = array<i32>} : memref<64x192xf32, #tpu.memory_space<vmem>>, vector<16xf32>,
        %mul3A_1655 = arith.mulf %get3A_1654, %gather3A_1468 : vector<16xf32>
        %add3A_1656 = arith.addf %add3A_1649, %mul3A_1655 : vector<16xf32>
        %add3A_1657 = arith.constant 48 : i32
        %add3A_1658 = arith.addi %add3A_1657, %scan3A_694 : i32
        %get3A_1659 = arith.index_cast %add3A_1658 : i32 to index
        %get3A_1660 = arith.constant 96 : index
        %get3A_1661 = tpu.vector_load %arg11[%get3A_1659, %get3A_1660] {strides = array<i32>} : memref<64x192xf32, #tpu.memory_space<vmem>>, vector<16xf32>,
        %mul3A_1662 = arith.mulf %get3A_1661, %gather3A_1470 : vector<16xf32>
        %add3A_1663 = arith.addf %add3A_1656, %mul3A_1662 : vector<16xf32>
        %add3A_1664 = arith.constant 96 : i32
        %add3A_1665 = vector.broadcast %add3A_1664 : i32 to vector<16xi32>
        %add3A_1666 = arith.addi %iota3A, %add3A_1665 : vector<16xi32>
        tpu.vector_store_idx %arg15[%add3A_1666, %broadcast_in_dim3A_719, %broadcast_in_dim3A_1462], %add3A_1663 : memref<192x2x24xf32, #tpu.memory_space<vmem>>[vector<16xi32>, vector<16xi32>, vector<16xi32>], vector<16xf32>,
        %get3A_1667 = arith.index_cast %scan3A_694 : i32 to index
        %get3A_1668 = arith.constant 112 : index
        %get3A_1669 = tpu.vector_load %arg11[%get3A_1667, %get3A_1668] {strides = array<i32>} : memref<64x192xf32, #tpu.memory_space<vmem>>, vector<16xf32>,
        %mul3A_1670 = arith.mulf %get3A_1669, %gather3A_1464 : vector<16xf32>
        %add3A_1671 = arith.constant 16 : i32
        %add3A_1672 = arith.addi %add3A_1671, %scan3A_694 : i32
        %get3A_1673 = arith.index_cast %add3A_1672 : i32 to index
        %get3A_1674 = arith.constant 112 : index
        %get3A_1675 = tpu.vector_load %arg11[%get3A_1673, %get3A_1674] {strides = array<i32>} : memref<64x192xf32, #tpu.memory_space<vmem>>, vector<16xf32>,
        %mul3A_1676 = arith.mulf %get3A_1675, %gather3A_1466 : vector<16xf32>
        %add3A_1677 = arith.addf %mul3A_1670, %mul3A_1676 : vector<16xf32>
        %add3A_1678 = arith.constant 32 : i32
        %add3A_1679 = arith.addi %add3A_1678, %scan3A_694 : i32
        %get3A_1680 = arith.index_cast %add3A_1679 : i32 to index
        %get3A_1681 = arith.constant 112 : index
        %get3A_1682 = tpu.vector_load %arg11[%get3A_1680, %get3A_1681] {strides = array<i32>} : memref<64x192xf32, #tpu.memory_space<vmem>>, vector<16xf32>,
        %mul3A_1683 = arith.mulf %get3A_1682, %gather3A_1468 : vector<16xf32>
        %add3A_1684 = arith.addf %add3A_1677, %mul3A_1683 : vector<16xf32>
        %add3A_1685 = arith.constant 48 : i32
        %add3A_1686 = arith.addi %add3A_1685, %scan3A_694 : i32
        %get3A_1687 = arith.index_cast %add3A_1686 : i32 to index
        %get3A_1688 = arith.constant 112 : index
        %get3A_1689 = tpu.vector_load %arg11[%get3A_1687, %get3A_1688] {strides = array<i32>} : memref<64x192xf32, #tpu.memory_space<vmem>>, vector<16xf32>,
        %mul3A_1690 = arith.mulf %get3A_1689, %gather3A_1470 : vector<16xf32>
        %add3A_1691 = arith.addf %add3A_1684, %mul3A_1690 : vector<16xf32>
        %add3A_1692 = arith.constant 112 : i32
        %add3A_1693 = vector.broadcast %add3A_1692 : i32 to vector<16xi32>
        %add3A_1694 = arith.addi %iota3A, %add3A_1693 : vector<16xi32>
        tpu.vector_store_idx %arg15[%add3A_1694, %broadcast_in_dim3A_719, %broadcast_in_dim3A_1462], %add3A_1691 : memref<192x2x24xf32, #tpu.memory_space<vmem>>[vector<16xi32>, vector<16xi32>, vector<16xi32>], vector<16xf32>,
        %get3A_1695 = arith.index_cast %scan3A_694 : i32 to index
        %get3A_1696 = arith.constant 128 : index
        %get3A_1697 = tpu.vector_load %arg11[%get3A_1695, %get3A_1696] {strides = array<i32>} : memref<64x192xf32, #tpu.memory_space<vmem>>, vector<16xf32>,
        %mul3A_1698 = arith.mulf %get3A_1697, %gather3A_1464 : vector<16xf32>
        %add3A_1699 = arith.constant 16 : i32
        %add3A_1700 = arith.addi %add3A_1699, %scan3A_694 : i32
        %get3A_1701 = arith.index_cast %add3A_1700 : i32 to index
        %get3A_1702 = arith.constant 128 : index
        %get3A_1703 = tpu.vector_load %arg11[%get3A_1701, %get3A_1702] {strides = array<i32>} : memref<64x192xf32, #tpu.memory_space<vmem>>, vector<16xf32>,
        %mul3A_1704 = arith.mulf %get3A_1703, %gather3A_1466 : vector<16xf32>
        %add3A_1705 = arith.addf %mul3A_1698, %mul3A_1704 : vector<16xf32>
        %add3A_1706 = arith.constant 32 : i32
        %add3A_1707 = arith.addi %add3A_1706, %scan3A_694 : i32
        %get3A_1708 = arith.index_cast %add3A_1707 : i32 to index
        %get3A_1709 = arith.constant 128 : index
        %get3A_1710 = tpu.vector_load %arg11[%get3A_1708, %get3A_1709] {strides = array<i32>} : memref<64x192xf32, #tpu.memory_space<vmem>>, vector<16xf32>,
        %mul3A_1711 = arith.mulf %get3A_1710, %gather3A_1468 : vector<16xf32>
        %add3A_1712 = arith.addf %add3A_1705, %mul3A_1711 : vector<16xf32>
        %add3A_1713 = arith.constant 48 : i32
        %add3A_1714 = arith.addi %add3A_1713, %scan3A_694 : i32
        %get3A_1715 = arith.index_cast %add3A_1714 : i32 to index
        %get3A_1716 = arith.constant 128 : index
        %get3A_1717 = tpu.vector_load %arg11[%get3A_1715, %get3A_1716] {strides = array<i32>} : memref<64x192xf32, #tpu.memory_space<vmem>>, vector<16xf32>,
        %mul3A_1718 = arith.mulf %get3A_1717, %gather3A_1470 : vector<16xf32>
        %add3A_1719 = arith.addf %add3A_1712, %mul3A_1718 : vector<16xf32>
        %add3A_1720 = arith.constant 128 : i32
        %add3A_1721 = vector.broadcast %add3A_1720 : i32 to vector<16xi32>
        %add3A_1722 = arith.addi %iota3A, %add3A_1721 : vector<16xi32>
        tpu.vector_store_idx %arg15[%add3A_1722, %broadcast_in_dim3A_719, %broadcast_in_dim3A_1462], %add3A_1719 : memref<192x2x24xf32, #tpu.memory_space<vmem>>[vector<16xi32>, vector<16xi32>, vector<16xi32>], vector<16xf32>,
        %get3A_1723 = arith.index_cast %scan3A_694 : i32 to index
        %get3A_1724 = arith.constant 144 : index
        %get3A_1725 = tpu.vector_load %arg11[%get3A_1723, %get3A_1724] {strides = array<i32>} : memref<64x192xf32, #tpu.memory_space<vmem>>, vector<16xf32>,
        %mul3A_1726 = arith.mulf %get3A_1725, %gather3A_1464 : vector<16xf32>
        %add3A_1727 = arith.constant 16 : i32
        %add3A_1728 = arith.addi %add3A_1727, %scan3A_694 : i32
        %get3A_1729 = arith.index_cast %add3A_1728 : i32 to index
        %get3A_1730 = arith.constant 144 : index
        %get3A_1731 = tpu.vector_load %arg11[%get3A_1729, %get3A_1730] {strides = array<i32>} : memref<64x192xf32, #tpu.memory_space<vmem>>, vector<16xf32>,
        %mul3A_1732 = arith.mulf %get3A_1731, %gather3A_1466 : vector<16xf32>
        %add3A_1733 = arith.addf %mul3A_1726, %mul3A_1732 : vector<16xf32>
        %add3A_1734 = arith.constant 32 : i32
        %add3A_1735 = arith.addi %add3A_1734, %scan3A_694 : i32
        %get3A_1736 = arith.index_cast %add3A_1735 : i32 to index
        %get3A_1737 = arith.constant 144 : index
        %get3A_1738 = tpu.vector_load %arg11[%get3A_1736, %get3A_1737] {strides = array<i32>} : memref<64x192xf32, #tpu.memory_space<vmem>>, vector<16xf32>,
        %mul3A_1739 = arith.mulf %get3A_1738, %gather3A_1468 : vector<16xf32>
        %add3A_1740 = arith.addf %add3A_1733, %mul3A_1739 : vector<16xf32>
        %add3A_1741 = arith.constant 48 : i32
        %add3A_1742 = arith.addi %add3A_1741, %scan3A_694 : i32
        %get3A_1743 = arith.index_cast %add3A_1742 : i32 to index
        %get3A_1744 = arith.constant 144 : index
        %get3A_1745 = tpu.vector_load %arg11[%get3A_1743, %get3A_1744] {strides = array<i32>} : memref<64x192xf32, #tpu.memory_space<vmem>>, vector<16xf32>,
        %mul3A_1746 = arith.mulf %get3A_1745, %gather3A_1470 : vector<16xf32>
        %add3A_1747 = arith.addf %add3A_1740, %mul3A_1746 : vector<16xf32>
        %add3A_1748 = arith.constant 144 : i32
        %add3A_1749 = vector.broadcast %add3A_1748 : i32 to vector<16xi32>
        %add3A_1750 = arith.addi %iota3A, %add3A_1749 : vector<16xi32>
        tpu.vector_store_idx %arg15[%add3A_1750, %broadcast_in_dim3A_719, %broadcast_in_dim3A_1462], %add3A_1747 : memref<192x2x24xf32, #tpu.memory_space<vmem>>[vector<16xi32>, vector<16xi32>, vector<16xi32>], vector<16xf32>,
        %get3A_1751 = arith.index_cast %scan3A_694 : i32 to index
        %get3A_1752 = arith.constant 160 : index
        %get3A_1753 = tpu.vector_load %arg11[%get3A_1751, %get3A_1752] {strides = array<i32>} : memref<64x192xf32, #tpu.memory_space<vmem>>, vector<16xf32>,
        %mul3A_1754 = arith.mulf %get3A_1753, %gather3A_1464 : vector<16xf32>
        %add3A_1755 = arith.constant 16 : i32
        %add3A_1756 = arith.addi %add3A_1755, %scan3A_694 : i32
        %get3A_1757 = arith.index_cast %add3A_1756 : i32 to index
        %get3A_1758 = arith.constant 160 : index
        %get3A_1759 = tpu.vector_load %arg11[%get3A_1757, %get3A_1758] {strides = array<i32>} : memref<64x192xf32, #tpu.memory_space<vmem>>, vector<16xf32>,
        %mul3A_1760 = arith.mulf %get3A_1759, %gather3A_1466 : vector<16xf32>
        %add3A_1761 = arith.addf %mul3A_1754, %mul3A_1760 : vector<16xf32>
        %add3A_1762 = arith.constant 32 : i32
        %add3A_1763 = arith.addi %add3A_1762, %scan3A_694 : i32
        %get3A_1764 = arith.index_cast %add3A_1763 : i32 to index
        %get3A_1765 = arith.constant 160 : index
        %get3A_1766 = tpu.vector_load %arg11[%get3A_1764, %get3A_1765] {strides = array<i32>} : memref<64x192xf32, #tpu.memory_space<vmem>>, vector<16xf32>,
        %mul3A_1767 = arith.mulf %get3A_1766, %gather3A_1468 : vector<16xf32>
        %add3A_1768 = arith.addf %add3A_1761, %mul3A_1767 : vector<16xf32>
        %add3A_1769 = arith.constant 48 : i32
        %add3A_1770 = arith.addi %add3A_1769, %scan3A_694 : i32
        %get3A_1771 = arith.index_cast %add3A_1770 : i32 to index
        %get3A_1772 = arith.constant 160 : index
        %get3A_1773 = tpu.vector_load %arg11[%get3A_1771, %get3A_1772] {strides = array<i32>} : memref<64x192xf32, #tpu.memory_space<vmem>>, vector<16xf32>,
        %mul3A_1774 = arith.mulf %get3A_1773, %gather3A_1470 : vector<16xf32>
        %add3A_1775 = arith.addf %add3A_1768, %mul3A_1774 : vector<16xf32>
        %add3A_1776 = arith.constant 160 : i32
        %add3A_1777 = vector.broadcast %add3A_1776 : i32 to vector<16xi32>
        %add3A_1778 = arith.addi %iota3A, %add3A_1777 : vector<16xi32>
        tpu.vector_store_idx %arg15[%add3A_1778, %broadcast_in_dim3A_719, %broadcast_in_dim3A_1462], %add3A_1775 : memref<192x2x24xf32, #tpu.memory_space<vmem>>[vector<16xi32>, vector<16xi32>, vector<16xi32>], vector<16xf32>,
        %get3A_1779 = arith.index_cast %scan3A_694 : i32 to index
        %get3A_1780 = arith.constant 176 : index
        %get3A_1781 = tpu.vector_load %arg11[%get3A_1779, %get3A_1780] {strides = array<i32>} : memref<64x192xf32, #tpu.memory_space<vmem>>, vector<16xf32>,
        %mul3A_1782 = arith.mulf %get3A_1781, %gather3A_1464 : vector<16xf32>
        %add3A_1783 = arith.constant 16 : i32
        %add3A_1784 = arith.addi %add3A_1783, %scan3A_694 : i32
        %get3A_1785 = arith.index_cast %add3A_1784 : i32 to index
        %get3A_1786 = arith.constant 176 : index
        %get3A_1787 = tpu.vector_load %arg11[%get3A_1785, %get3A_1786] {strides = array<i32>} : memref<64x192xf32, #tpu.memory_space<vmem>>, vector<16xf32>,
        %mul3A_1788 = arith.mulf %get3A_1787, %gather3A_1466 : vector<16xf32>
        %add3A_1789 = arith.addf %mul3A_1782, %mul3A_1788 : vector<16xf32>
        %add3A_1790 = arith.constant 32 : i32
        %add3A_1791 = arith.addi %add3A_1790, %scan3A_694 : i32
        %get3A_1792 = arith.index_cast %add3A_1791 : i32 to index
        %get3A_1793 = arith.constant 176 : index
        %get3A_1794 = tpu.vector_load %arg11[%get3A_1792, %get3A_1793] {strides = array<i32>} : memref<64x192xf32, #tpu.memory_space<vmem>>, vector<16xf32>,
        %mul3A_1795 = arith.mulf %get3A_1794, %gather3A_1468 : vector<16xf32>
        %add3A_1796 = arith.addf %add3A_1789, %mul3A_1795 : vector<16xf32>
        %add3A_1797 = arith.constant 48 : i32
        %add3A_1798 = arith.addi %add3A_1797, %scan3A_694 : i32
        %get3A_1799 = arith.index_cast %add3A_1798 : i32 to index
        %get3A_1800 = arith.constant 176 : index
        %get3A_1801 = tpu.vector_load %arg11[%get3A_1799, %get3A_1800] {strides = array<i32>} : memref<64x192xf32, #tpu.memory_space<vmem>>, vector<16xf32>,
        %mul3A_1802 = arith.mulf %get3A_1801, %gather3A_1470 : vector<16xf32>
        %add3A_1803 = arith.addf %add3A_1796, %mul3A_1802 : vector<16xf32>
        %add3A_1804 = arith.constant 176 : i32
        %add3A_1805 = vector.broadcast %add3A_1804 : i32 to vector<16xi32>
        %add3A_1806 = arith.addi %iota3A, %add3A_1805 : vector<16xi32>
        tpu.vector_store_idx %arg15[%add3A_1806, %broadcast_in_dim3A_719, %broadcast_in_dim3A_1462], %add3A_1803 : memref<192x2x24xf32, #tpu.memory_space<vmem>>[vector<16xi32>, vector<16xi32>, vector<16xi32>], vector<16xf32>,
      }
      %scan3A_391 = arith.constant 16 : i32
      %mul3A_392 = arith.constant 1024 : i32
      %mul3A_393 = arith.muli %add3A, %mul3A_392 : i32
      %mul3A_394 = arith.constant 16 : i32
      %mul3A_395 = arith.muli %mul3A_175, %mul3A_394 : i32
      %add3A_396 = arith.addi %mul3A_393, %mul3A_395 : i32
      %jit3A = arith.constant 8 : i32
      %div3A = arith.divsi %add3A_396, %jit3A : i32
      %sign3A = arith.constant 0 : i32
      %sign3A_397 = arith.cmpi sgt, %add3A_396, %sign3A : i32
      %sign3A_398 = arith.extui %sign3A_397 : i1 to i32
      %sign3A_399 = arith.constant 0 : i32
      %sign3A_400 = arith.cmpi slt, %add3A_396, %sign3A_399 : i32
      %sign3A_401 = arith.extui %sign3A_400 : i1 to i32
      %sign3A_402 = arith.subi %sign3A_398, %sign3A_401 : i32
      %sign3A_403 = arith.constant 0 : i32
      %sign3A_404 = arith.cmpi sgt, %jit3A, %sign3A_403 : i32
      %sign3A_405 = arith.extui %sign3A_404 : i1 to i32
      %sign3A_406 = arith.constant 0 : i32
      %sign3A_407 = arith.cmpi slt, %jit3A, %sign3A_406 : i32
      %sign3A_408 = arith.extui %sign3A_407 : i1 to i32
      %sign3A_409 = arith.subi %sign3A_405, %sign3A_408 : i32
      %ne3A = arith.cmpi ne, %sign3A_402, %sign3A_409 : i32
      %rem3A = arith.remsi %add3A_396, %jit3A : i32
      %ne3A_410 = arith.constant 0 : i32
      %ne3A_411 = arith.cmpi ne, %rem3A, %ne3A_410 : i32
      %and3A = arith.andi %ne3A, %ne3A_411 : i1
      %sub3A = arith.constant 1 : i32
      %sub3A_412 = arith.subi %div3A, %sub3A : i32
      %select_n3A = arith.select %and3A, %sub3A_412, %div3A : i32
      %dma_start3A_413 = arith.constant 0 : i32
      %dma_start3A_414 = arith.constant 0 : i32
      %dma_start3A_415 = tpu.memref_slice %arg6[%dma_start3A_413, %select_n3A, %dma_start3A_414] : memref<192x4096x24xf32, #tpu.memory_space<hbm>> -> memref<192x2x24xf32, #tpu.memory_space<hbm>>
      %dma_start3A_416 = arith.constant 0 : i32
      %dma_start3A_417 = arith.constant 0 : i32
      %dma_start3A_418 = tpu.memref_slice %arg6[%dma_start3A_416, %select_n3A, %dma_start3A_417] : memref<192x4096x24xf32, #tpu.memory_space<hbm>> -> memref<192x2x24xf32, #tpu.memory_space<hbm>>
      tpu.enqueue_dma source(%arg15 : memref<192x2x24xf32, #tpu.memory_space<vmem>>) target(%dma_start3A_418 : memref<192x2x24xf32, #tpu.memory_space<hbm>>) target_semaphore(%arg21 : memref<!tpu.dma_semaphore, #tpu.memory_space<semaphore_mem>>)
      %add3A_419 = arith.constant 2 : i32
      %add3A_420 = arith.addi %mul3A_175, %add3A_419 : i32
      %lt3A_421 = arith.constant 64 : i32
      %lt3A_422 = arith.cmpi slt, %add3A_420, %lt3A_421 : i32
      %convert_element_type3A_423 = arith.extui %lt3A_422 : i1 to i32
      %cond3A_424 = arith.constant 0 : i32
      %cond3A_425 = arith.cmpi ne, %convert_element_type3A_423, %cond3A_424 : i32
      scf.if %cond3A_425 {
        %add3A_694 = arith.constant 2 : i32
        %add3A_695 = arith.addi %mul3A_175, %add3A_694 : i32
        %mul3A_696 = arith.constant 64 : i32
        %mul3A_697 = arith.muli %add3A, %mul3A_696 : i32
        %add3A_698 = arith.addi %mul3A_697, %add3A_695 : i32
        %dma_start3A_699 = arith.constant 0 : i32
        %dma_start3A_700 = arith.constant 0 : i32
        %dma_start3A_701 = tpu.memref_slice %arg5[%dma_start3A_699, %add3A_698, %dma_start3A_700] : memref<24x2048x16xi32, #tpu.memory_space<hbm>> -> memref<24x1x16xi32, #tpu.memory_space<hbm>>
        %dma_start3A_702 = tpu.memref_squeeze %dma_start3A_701 : memref<24x1x16xi32, #tpu.memory_space<hbm>> -> memref<24x16xi32, #tpu.memory_space<hbm>>
        %dma_start3A_703 = arith.constant 0 : i32
        %dma_start3A_704 = arith.constant 0 : i32
        %dma_start3A_705 = tpu.memref_slice %arg5[%dma_start3A_703, %add3A_698, %dma_start3A_704] : memref<24x2048x16xi32, #tpu.memory_space<hbm>> -> memref<24x1x16xi32, #tpu.memory_space<hbm>>
        %dma_start3A_706 = tpu.memref_squeeze %dma_start3A_705 : memref<24x1x16xi32, #tpu.memory_space<hbm>> -> memref<24x16xi32, #tpu.memory_space<hbm>>
        tpu.enqueue_dma source(%dma_start3A_706 : memref<24x16xi32, #tpu.memory_space<hbm>>) target(%arg7 : memref<24x16xi32, #tpu.memory_space<vmem>>) target_semaphore(%arg17 : memref<!tpu.dma_semaphore, #tpu.memory_space<semaphore_mem>>)
      } else {
      }
      %mul3A_426 = arith.constant 2 : i32
      %mul3A_427 = arith.muli %mul3A_426, %scan3A_173 : i32
      %add3A_428 = arith.constant 1 : i32
      %add3A_429 = arith.addi %mul3A_427, %add3A_428 : i32
      %add3A_430 = arith.constant 1 : i32
      %add3A_431 = arith.addi %add3A_429, %add3A_430 : i32
      %lt3A_432 = arith.constant 64 : i32
      %lt3A_433 = arith.cmpi slt, %add3A_431, %lt3A_432 : i32
      %convert_element_type3A_434 = arith.extui %lt3A_433 : i1 to i32
      %cond3A_435 = arith.constant 0 : i32
      %cond3A_436 = arith.cmpi ne, %convert_element_type3A_434, %cond3A_435 : i32
      scf.if %cond3A_436 {
        %dma_wait3A_694 = arith.constant 0 : i32
        %dma_wait3A_695 = arith.constant 0 : i32
        %dma_wait3A_696 = arith.constant 0 : i32
        %dma_wait3A_697 = tpu.memref_slice %arg5[%dma_wait3A_695, %dma_wait3A_694, %dma_wait3A_696] : memref<24x2048x16xi32, #tpu.memory_space<hbm>> -> memref<24x1x16xi32, #tpu.memory_space<hbm>>
        %dma_wait3A_698 = tpu.memref_squeeze %dma_wait3A_697 : memref<24x1x16xi32, #tpu.memory_space<hbm>> -> memref<24x16xi32, #tpu.memory_space<hbm>>
        %dma_wait3A_699 = arith.constant 0 : i32
        %dma_wait3A_700 = arith.constant 0 : i32
        %dma_wait3A_701 = tpu.memref_slice %arg5[%dma_wait3A_699, %dma_wait3A_694, %dma_wait3A_700] : memref<24x2048x16xi32, #tpu.memory_space<hbm>> -> memref<24x1x16xi32, #tpu.memory_space<hbm>>
        %dma_wait3A_702 = tpu.memref_squeeze %dma_wait3A_701 : memref<24x1x16xi32, #tpu.memory_space<hbm>> -> memref<24x16xi32, #tpu.memory_space<hbm>>
        tpu.wait_dma2 semaphore(%arg17 : memref<!tpu.dma_semaphore, #tpu.memory_space<semaphore_mem>>) src(%dma_wait3A_702 : memref<24x16xi32, #tpu.memory_space<hbm>>) dst(%arg7 : memref<24x16xi32, #tpu.memory_space<vmem>>)
        %dma_start3A_703 = arith.constant 0 : i32
        %dma_start3A_704 = arith.constant 0 : i32
        %dma_start3A_705 = arith.constant 0 : i32
        %dma_start3A_706 = tpu.memref_slice %arg9[%dma_start3A_704, %dma_start3A_705] : memref<64x192xf32, #tpu.memory_space<vmem>> -> memref<16x192xf32, #tpu.memory_space<vmem>>
        %dma_start3A_707 = arith.constant 0 : i32
        %dma_start3A_708 = tpu.memref_slice %arg7[%dma_start3A_703, %dma_start3A_707] : memref<24x16xi32, #tpu.memory_space<vmem>> -> memref<1x16xi32, #tpu.memory_space<vmem>>
        %dma_start3A_709 = tpu.memref_squeeze %dma_start3A_708 : memref<1x16xi32, #tpu.memory_space<vmem>> -> memref<16xi32, #tpu.memory_space<vmem>>
        %dma_start3A_710 = arith.constant 0 : i32
        %dma_start3A_711 = arith.constant 0 : i32
        %dma_start3A_712 = tpu.memref_slice %arg2[%dma_start3A_710, %dma_start3A_711] : memref<16384x192xf32, #tpu.memory_space<hbm>> -> memref<16384x192xf32, #tpu.memory_space<hbm>>
        tpu.enqueue_indirect_dma source(%dma_start3A_712 : memref<16384x192xf32, #tpu.memory_space<hbm>>) target(%dma_start3A_706 : memref<16x192xf32, #tpu.memory_space<vmem>>) offsets(%dma_start3A_709 : memref<16xi32, #tpu.memory_space<vmem>>) semaphore(%arg19 : memref<!tpu.dma_semaphore, #tpu.memory_space<semaphore_mem>>)
        %dma_start3A_713 = arith.constant 1 : i32
        %dma_start3A_714 = arith.constant 16 : i32
        %dma_start3A_715 = arith.constant 0 : i32
        %dma_start3A_716 = tpu.memref_slice %arg9[%dma_start3A_714, %dma_start3A_715] : memref<64x192xf32, #tpu.memory_space<vmem>> -> memref<16x192xf32, #tpu.memory_space<vmem>>
        %dma_start3A_717 = arith.constant 0 : i32
        %dma_start3A_718 = tpu.memref_slice %arg7[%dma_start3A_713, %dma_start3A_717] : memref<24x16xi32, #tpu.memory_space<vmem>> -> memref<1x16xi32, #tpu.memory_space<vmem>>
        %dma_start3A_719 = tpu.memref_squeeze %dma_start3A_718 : memref<1x16xi32, #tpu.memory_space<vmem>> -> memref<16xi32, #tpu.memory_space<vmem>>
        %dma_start3A_720 = arith.constant 0 : i32
        %dma_start3A_721 = arith.constant 0 : i32
        %dma_start3A_722 = tpu.memref_slice %arg2[%dma_start3A_720, %dma_start3A_721] : memref<16384x192xf32, #tpu.memory_space<hbm>> -> memref<16384x192xf32, #tpu.memory_space<hbm>>
        tpu.enqueue_indirect_dma source(%dma_start3A_722 : memref<16384x192xf32, #tpu.memory_space<hbm>>) target(%dma_start3A_716 : memref<16x192xf32, #tpu.memory_space<vmem>>) offsets(%dma_start3A_719 : memref<16xi32, #tpu.memory_space<vmem>>) semaphore(%arg19 : memref<!tpu.dma_semaphore, #tpu.memory_space<semaphore_mem>>)
        %dma_start3A_723 = arith.constant 2 : i32
        %dma_start3A_724 = arith.constant 32 : i32
        %dma_start3A_725 = arith.constant 0 : i32
        %dma_start3A_726 = tpu.memref_slice %arg9[%dma_start3A_724, %dma_start3A_725] : memref<64x192xf32, #tpu.memory_space<vmem>> -> memref<16x192xf32, #tpu.memory_space<vmem>>
        %dma_start3A_727 = arith.constant 0 : i32
        %dma_start3A_728 = tpu.memref_slice %arg7[%dma_start3A_723, %dma_start3A_727] : memref<24x16xi32, #tpu.memory_space<vmem>> -> memref<1x16xi32, #tpu.memory_space<vmem>>
        %dma_start3A_729 = tpu.memref_squeeze %dma_start3A_728 : memref<1x16xi32, #tpu.memory_space<vmem>> -> memref<16xi32, #tpu.memory_space<vmem>>
        %dma_start3A_730 = arith.constant 0 : i32
        %dma_start3A_731 = arith.constant 0 : i32
        %dma_start3A_732 = tpu.memref_slice %arg2[%dma_start3A_730, %dma_start3A_731] : memref<16384x192xf32, #tpu.memory_space<hbm>> -> memref<16384x192xf32, #tpu.memory_space<hbm>>
        tpu.enqueue_indirect_dma source(%dma_start3A_732 : memref<16384x192xf32, #tpu.memory_space<hbm>>) target(%dma_start3A_726 : memref<16x192xf32, #tpu.memory_space<vmem>>) offsets(%dma_start3A_729 : memref<16xi32, #tpu.memory_space<vmem>>) semaphore(%arg19 : memref<!tpu.dma_semaphore, #tpu.memory_space<semaphore_mem>>)
        %dma_start3A_733 = arith.constant 3 : i32
        %dma_start3A_734 = arith.constant 48 : i32
        %dma_start3A_735 = arith.constant 0 : i32
        %dma_start3A_736 = tpu.memref_slice %arg9[%dma_start3A_734, %dma_start3A_735] : memref<64x192xf32, #tpu.memory_space<vmem>> -> memref<16x192xf32, #tpu.memory_space<vmem>>
        %dma_start3A_737 = arith.constant 0 : i32
        %dma_start3A_738 = tpu.memref_slice %arg7[%dma_start3A_733, %dma_start3A_737] : memref<24x16xi32, #tpu.memory_space<vmem>> -> memref<1x16xi32, #tpu.memory_space<vmem>>
        %dma_start3A_739 = tpu.memref_squeeze %dma_start3A_738 : memref<1x16xi32, #tpu.memory_space<vmem>> -> memref<16xi32, #tpu.memory_space<vmem>>
        %dma_start3A_740 = arith.constant 0 : i32
        %dma_start3A_741 = arith.constant 0 : i32
        %dma_start3A_742 = tpu.memref_slice %arg2[%dma_start3A_740, %dma_start3A_741] : memref<16384x192xf32, #tpu.memory_space<hbm>> -> memref<16384x192xf32, #tpu.memory_space<hbm>>
        tpu.enqueue_indirect_dma source(%dma_start3A_742 : memref<16384x192xf32, #tpu.memory_space<hbm>>) target(%dma_start3A_736 : memref<16x192xf32, #tpu.memory_space<vmem>>) offsets(%dma_start3A_739 : memref<16xi32, #tpu.memory_space<vmem>>) semaphore(%arg19 : memref<!tpu.dma_semaphore, #tpu.memory_space<semaphore_mem>>)
        %dma_start3A_743 = arith.constant 4 : i32
        %dma_start3A_744 = arith.constant 0 : i32
        %dma_start3A_745 = arith.constant 0 : i32
        %dma_start3A_746 = tpu.memref_slice %arg10[%dma_start3A_744, %dma_start3A_745] : memref<64x192xf32, #tpu.memory_space<vmem>> -> memref<16x192xf32, #tpu.memory_space<vmem>>
        %dma_start3A_747 = arith.constant 0 : i32
        %dma_start3A_748 = tpu.memref_slice %arg7[%dma_start3A_743, %dma_start3A_747] : memref<24x16xi32, #tpu.memory_space<vmem>> -> memref<1x16xi32, #tpu.memory_space<vmem>>
        %dma_start3A_749 = tpu.memref_squeeze %dma_start3A_748 : memref<1x16xi32, #tpu.memory_space<vmem>> -> memref<16xi32, #tpu.memory_space<vmem>>
        %dma_start3A_750 = arith.constant 0 : i32
        %dma_start3A_751 = arith.constant 0 : i32
        %dma_start3A_752 = tpu.memref_slice %arg3[%dma_start3A_750, %dma_start3A_751] : memref<16384x192xf32, #tpu.memory_space<hbm>> -> memref<16384x192xf32, #tpu.memory_space<hbm>>
        tpu.enqueue_indirect_dma source(%dma_start3A_752 : memref<16384x192xf32, #tpu.memory_space<hbm>>) target(%dma_start3A_746 : memref<16x192xf32, #tpu.memory_space<vmem>>) offsets(%dma_start3A_749 : memref<16xi32, #tpu.memory_space<vmem>>) semaphore(%arg19 : memref<!tpu.dma_semaphore, #tpu.memory_space<semaphore_mem>>)
        %dma_start3A_753 = arith.constant 5 : i32
        %dma_start3A_754 = arith.constant 16 : i32
        %dma_start3A_755 = arith.constant 0 : i32
        %dma_start3A_756 = tpu.memref_slice %arg10[%dma_start3A_754, %dma_start3A_755] : memref<64x192xf32, #tpu.memory_space<vmem>> -> memref<16x192xf32, #tpu.memory_space<vmem>>
        %dma_start3A_757 = arith.constant 0 : i32
        %dma_start3A_758 = tpu.memref_slice %arg7[%dma_start3A_753, %dma_start3A_757] : memref<24x16xi32, #tpu.memory_space<vmem>> -> memref<1x16xi32, #tpu.memory_space<vmem>>
        %dma_start3A_759 = tpu.memref_squeeze %dma_start3A_758 : memref<1x16xi32, #tpu.memory_space<vmem>> -> memref<16xi32, #tpu.memory_space<vmem>>
        %dma_start3A_760 = arith.constant 0 : i32
        %dma_start3A_761 = arith.constant 0 : i32
        %dma_start3A_762 = tpu.memref_slice %arg3[%dma_start3A_760, %dma_start3A_761] : memref<16384x192xf32, #tpu.memory_space<hbm>> -> memref<16384x192xf32, #tpu.memory_space<hbm>>
        tpu.enqueue_indirect_dma source(%dma_start3A_762 : memref<16384x192xf32, #tpu.memory_space<hbm>>) target(%dma_start3A_756 : memref<16x192xf32, #tpu.memory_space<vmem>>) offsets(%dma_start3A_759 : memref<16xi32, #tpu.memory_space<vmem>>) semaphore(%arg19 : memref<!tpu.dma_semaphore, #tpu.memory_space<semaphore_mem>>)
        %dma_start3A_763 = arith.constant 6 : i32
        %dma_start3A_764 = arith.constant 32 : i32
        %dma_start3A_765 = arith.constant 0 : i32
        %dma_start3A_766 = tpu.memref_slice %arg10[%dma_start3A_764, %dma_start3A_765] : memref<64x192xf32, #tpu.memory_space<vmem>> -> memref<16x192xf32, #tpu.memory_space<vmem>>
        %dma_start3A_767 = arith.constant 0 : i32
        %dma_start3A_768 = tpu.memref_slice %arg7[%dma_start3A_763, %dma_start3A_767] : memref<24x16xi32, #tpu.memory_space<vmem>> -> memref<1x16xi32, #tpu.memory_space<vmem>>
        %dma_start3A_769 = tpu.memref_squeeze %dma_start3A_768 : memref<1x16xi32, #tpu.memory_space<vmem>> -> memref<16xi32, #tpu.memory_space<vmem>>
        %dma_start3A_770 = arith.constant 0 : i32
        %dma_start3A_771 = arith.constant 0 : i32
        %dma_start3A_772 = tpu.memref_slice %arg3[%dma_start3A_770, %dma_start3A_771] : memref<16384x192xf32, #tpu.memory_space<hbm>> -> memref<16384x192xf32, #tpu.memory_space<hbm>>
        tpu.enqueue_indirect_dma source(%dma_start3A_772 : memref<16384x192xf32, #tpu.memory_space<hbm>>) target(%dma_start3A_766 : memref<16x192xf32, #tpu.memory_space<vmem>>) offsets(%dma_start3A_769 : memref<16xi32, #tpu.memory_space<vmem>>) semaphore(%arg19 : memref<!tpu.dma_semaphore, #tpu.memory_space<semaphore_mem>>)
        %dma_start3A_773 = arith.constant 7 : i32
        %dma_start3A_774 = arith.constant 48 : i32
        %dma_start3A_775 = arith.constant 0 : i32
        %dma_start3A_776 = tpu.memref_slice %arg10[%dma_start3A_774, %dma_start3A_775] : memref<64x192xf32, #tpu.memory_space<vmem>> -> memref<16x192xf32, #tpu.memory_space<vmem>>
        %dma_start3A_777 = arith.constant 0 : i32
        %dma_start3A_778 = tpu.memref_slice %arg7[%dma_start3A_773, %dma_start3A_777] : memref<24x16xi32, #tpu.memory_space<vmem>> -> memref<1x16xi32, #tpu.memory_space<vmem>>
        %dma_start3A_779 = tpu.memref_squeeze %dma_start3A_778 : memref<1x16xi32, #tpu.memory_space<vmem>> -> memref<16xi32, #tpu.memory_space<vmem>>
        %dma_start3A_780 = arith.constant 0 : i32
        %dma_start3A_781 = arith.constant 0 : i32
        %dma_start3A_782 = tpu.memref_slice %arg3[%dma_start3A_780, %dma_start3A_781] : memref<16384x192xf32, #tpu.memory_space<hbm>> -> memref<16384x192xf32, #tpu.memory_space<hbm>>
        tpu.enqueue_indirect_dma source(%dma_start3A_782 : memref<16384x192xf32, #tpu.memory_space<hbm>>) target(%dma_start3A_776 : memref<16x192xf32, #tpu.memory_space<vmem>>) offsets(%dma_start3A_779 : memref<16xi32, #tpu.memory_space<vmem>>) semaphore(%arg19 : memref<!tpu.dma_semaphore, #tpu.memory_space<semaphore_mem>>)
        %dma_start3A_783 = arith.constant 8 : i32
        %dma_start3A_784 = arith.constant 0 : i32
        %dma_start3A_785 = arith.constant 0 : i32
        %dma_start3A_786 = tpu.memref_slice %arg11[%dma_start3A_784, %dma_start3A_785] : memref<64x192xf32, #tpu.memory_space<vmem>> -> memref<16x192xf32, #tpu.memory_space<vmem>>
        %dma_start3A_787 = arith.constant 0 : i32
        %dma_start3A_788 = tpu.memref_slice %arg7[%dma_start3A_783, %dma_start3A_787] : memref<24x16xi32, #tpu.memory_space<vmem>> -> memref<1x16xi32, #tpu.memory_space<vmem>>
        %dma_start3A_789 = tpu.memref_squeeze %dma_start3A_788 : memref<1x16xi32, #tpu.memory_space<vmem>> -> memref<16xi32, #tpu.memory_space<vmem>>
        %dma_start3A_790 = arith.constant 0 : i32
        %dma_start3A_791 = arith.constant 0 : i32
        %dma_start3A_792 = tpu.memref_slice %arg4[%dma_start3A_790, %dma_start3A_791] : memref<16384x192xf32, #tpu.memory_space<hbm>> -> memref<16384x192xf32, #tpu.memory_space<hbm>>
        tpu.enqueue_indirect_dma source(%dma_start3A_792 : memref<16384x192xf32, #tpu.memory_space<hbm>>) target(%dma_start3A_786 : memref<16x192xf32, #tpu.memory_space<vmem>>) offsets(%dma_start3A_789 : memref<16xi32, #tpu.memory_space<vmem>>) semaphore(%arg19 : memref<!tpu.dma_semaphore, #tpu.memory_space<semaphore_mem>>)
        %dma_start3A_793 = arith.constant 9 : i32
        %dma_start3A_794 = arith.constant 16 : i32
        %dma_start3A_795 = arith.constant 0 : i32
        %dma_start3A_796 = tpu.memref_slice %arg11[%dma_start3A_794, %dma_start3A_795] : memref<64x192xf32, #tpu.memory_space<vmem>> -> memref<16x192xf32, #tpu.memory_space<vmem>>
        %dma_start3A_797 = arith.constant 0 : i32
        %dma_start3A_798 = tpu.memref_slice %arg7[%dma_start3A_793, %dma_start3A_797] : memref<24x16xi32, #tpu.memory_space<vmem>> -> memref<1x16xi32, #tpu.memory_space<vmem>>
        %dma_start3A_799 = tpu.memref_squeeze %dma_start3A_798 : memref<1x16xi32, #tpu.memory_space<vmem>> -> memref<16xi32, #tpu.memory_space<vmem>>
        %dma_start3A_800 = arith.constant 0 : i32
        %dma_start3A_801 = arith.constant 0 : i32
        %dma_start3A_802 = tpu.memref_slice %arg4[%dma_start3A_800, %dma_start3A_801] : memref<16384x192xf32, #tpu.memory_space<hbm>> -> memref<16384x192xf32, #tpu.memory_space<hbm>>
        tpu.enqueue_indirect_dma source(%dma_start3A_802 : memref<16384x192xf32, #tpu.memory_space<hbm>>) target(%dma_start3A_796 : memref<16x192xf32, #tpu.memory_space<vmem>>) offsets(%dma_start3A_799 : memref<16xi32, #tpu.memory_space<vmem>>) semaphore(%arg19 : memref<!tpu.dma_semaphore, #tpu.memory_space<semaphore_mem>>)
        %dma_start3A_803 = arith.constant 10 : i32
        %dma_start3A_804 = arith.constant 32 : i32
        %dma_start3A_805 = arith.constant 0 : i32
        %dma_start3A_806 = tpu.memref_slice %arg11[%dma_start3A_804, %dma_start3A_805] : memref<64x192xf32, #tpu.memory_space<vmem>> -> memref<16x192xf32, #tpu.memory_space<vmem>>
        %dma_start3A_807 = arith.constant 0 : i32
        %dma_start3A_808 = tpu.memref_slice %arg7[%dma_start3A_803, %dma_start3A_807] : memref<24x16xi32, #tpu.memory_space<vmem>> -> memref<1x16xi32, #tpu.memory_space<vmem>>
        %dma_start3A_809 = tpu.memref_squeeze %dma_start3A_808 : memref<1x16xi32, #tpu.memory_space<vmem>> -> memref<16xi32, #tpu.memory_space<vmem>>
        %dma_start3A_810 = arith.constant 0 : i32
        %dma_start3A_811 = arith.constant 0 : i32
        %dma_start3A_812 = tpu.memref_slice %arg4[%dma_start3A_810, %dma_start3A_811] : memref<16384x192xf32, #tpu.memory_space<hbm>> -> memref<16384x192xf32, #tpu.memory_space<hbm>>
        tpu.enqueue_indirect_dma source(%dma_start3A_812 : memref<16384x192xf32, #tpu.memory_space<hbm>>) target(%dma_start3A_806 : memref<16x192xf32, #tpu.memory_space<vmem>>) offsets(%dma_start3A_809 : memref<16xi32, #tpu.memory_space<vmem>>) semaphore(%arg19 : memref<!tpu.dma_semaphore, #tpu.memory_space<semaphore_mem>>)
        %dma_start3A_813 = arith.constant 11 : i32
        %dma_start3A_814 = arith.constant 48 : i32
        %dma_start3A_815 = arith.constant 0 : i32
        %dma_start3A_816 = tpu.memref_slice %arg11[%dma_start3A_814, %dma_start3A_815] : memref<64x192xf32, #tpu.memory_space<vmem>> -> memref<16x192xf32, #tpu.memory_space<vmem>>
        %dma_start3A_817 = arith.constant 0 : i32
        %dma_start3A_818 = tpu.memref_slice %arg7[%dma_start3A_813, %dma_start3A_817] : memref<24x16xi32, #tpu.memory_space<vmem>> -> memref<1x16xi32, #tpu.memory_space<vmem>>
        %dma_start3A_819 = tpu.memref_squeeze %dma_start3A_818 : memref<1x16xi32, #tpu.memory_space<vmem>> -> memref<16xi32, #tpu.memory_space<vmem>>
        %dma_start3A_820 = arith.constant 0 : i32
        %dma_start3A_821 = arith.constant 0 : i32
        %dma_start3A_822 = tpu.memref_slice %arg4[%dma_start3A_820, %dma_start3A_821] : memref<16384x192xf32, #tpu.memory_space<hbm>> -> memref<16384x192xf32, #tpu.memory_space<hbm>>
        tpu.enqueue_indirect_dma source(%dma_start3A_822 : memref<16384x192xf32, #tpu.memory_space<hbm>>) target(%dma_start3A_816 : memref<16x192xf32, #tpu.memory_space<vmem>>) offsets(%dma_start3A_819 : memref<16xi32, #tpu.memory_space<vmem>>) semaphore(%arg19 : memref<!tpu.dma_semaphore, #tpu.memory_space<semaphore_mem>>)
      } else {
      }
      %dma_wait3A_437 = arith.constant 0 : i32
      %dma_wait3A_438 = arith.constant 0 : i32
      %dma_wait3A_439 = tpu.memref_slice %arg12[%dma_wait3A_437, %dma_wait3A_438] : memref<64x192xf32, #tpu.memory_space<vmem>> -> memref<16x192xf32, #tpu.memory_space<vmem>>
      %dma_wait3A_440 = arith.constant 0 : i32
      %dma_wait3A_441 = arith.constant 0 : i32
      %dma_wait3A_442 = tpu.memref_slice %arg2[%dma_wait3A_440, %dma_wait3A_441] : memref<16384x192xf32, #tpu.memory_space<hbm>> -> memref<16x192xf32, #tpu.memory_space<hbm>>
      %dma_wait3A_443 = arith.constant 0 : i32
      %dma_wait3A_444 = arith.constant 0 : i32
      %dma_wait3A_445 = tpu.memref_slice %arg12[%dma_wait3A_443, %dma_wait3A_444] : memref<64x192xf32, #tpu.memory_space<vmem>> -> memref<16x192xf32, #tpu.memory_space<vmem>>
      %dma_wait3A_446 = arith.constant 0 : i32
      %dma_wait3A_447 = arith.constant 0 : i32
      %dma_wait3A_448 = tpu.memref_slice %arg2[%dma_wait3A_446, %dma_wait3A_447] : memref<16384x192xf32, #tpu.memory_space<hbm>> -> memref<16x192xf32, #tpu.memory_space<hbm>>
      tpu.wait_dma2 semaphore(%arg20 : memref<!tpu.dma_semaphore, #tpu.memory_space<semaphore_mem>>) src(%dma_wait3A_448 : memref<16x192xf32, #tpu.memory_space<hbm>>) dst(%dma_wait3A_445 : memref<16x192xf32, #tpu.memory_space<vmem>>)
      %dma_wait3A_449 = arith.constant 16 : i32
      %dma_wait3A_450 = arith.constant 0 : i32
      %dma_wait3A_451 = tpu.memref_slice %arg12[%dma_wait3A_449, %dma_wait3A_450] : memref<64x192xf32, #tpu.memory_space<vmem>> -> memref<16x192xf32, #tpu.memory_space<vmem>>
      %dma_wait3A_452 = arith.constant 0 : i32
      %dma_wait3A_453 = arith.constant 0 : i32
      %dma_wait3A_454 = tpu.memref_slice %arg2[%dma_wait3A_452, %dma_wait3A_453] : memref<16384x192xf32, #tpu.memory_space<hbm>> -> memref<16x192xf32, #tpu.memory_space<hbm>>
      %dma_wait3A_455 = arith.constant 16 : i32
      %dma_wait3A_456 = arith.constant 0 : i32
      %dma_wait3A_457 = tpu.memref_slice %arg12[%dma_wait3A_455, %dma_wait3A_456] : memref<64x192xf32, #tpu.memory_space<vmem>> -> memref<16x192xf32, #tpu.memory_space<vmem>>
      %dma_wait3A_458 = arith.constant 0 : i32
      %dma_wait3A_459 = arith.constant 0 : i32
      %dma_wait3A_460 = tpu.memref_slice %arg2[%dma_wait3A_458, %dma_wait3A_459] : memref<16384x192xf32, #tpu.memory_space<hbm>> -> memref<16x192xf32, #tpu.memory_space<hbm>>
      tpu.wait_dma2 semaphore(%arg20 : memref<!tpu.dma_semaphore, #tpu.memory_space<semaphore_mem>>) src(%dma_wait3A_460 : memref<16x192xf32, #tpu.memory_space<hbm>>) dst(%dma_wait3A_457 : memref<16x192xf32, #tpu.memory_space<vmem>>)
      %dma_wait3A_461 = arith.constant 32 : i32
      %dma_wait3A_462 = arith.constant 0 : i32
      %dma_wait3A_463 = tpu.memref_slice %arg12[%dma_wait3A_461, %dma_wait3A_462] : memref<64x192xf32, #tpu.memory_space<vmem>> -> memref<16x192xf32, #tpu.memory_space<vmem>>
      %dma_wait3A_464 = arith.constant 0 : i32
      %dma_wait3A_465 = arith.constant 0 : i32
      %dma_wait3A_466 = tpu.memref_slice %arg2[%dma_wait3A_464, %dma_wait3A_465] : memref<16384x192xf32, #tpu.memory_space<hbm>> -> memref<16x192xf32, #tpu.memory_space<hbm>>
      %dma_wait3A_467 = arith.constant 32 : i32
      %dma_wait3A_468 = arith.constant 0 : i32
      %dma_wait3A_469 = tpu.memref_slice %arg12[%dma_wait3A_467, %dma_wait3A_468] : memref<64x192xf32, #tpu.memory_space<vmem>> -> memref<16x192xf32, #tpu.memory_space<vmem>>
      %dma_wait3A_470 = arith.constant 0 : i32
      %dma_wait3A_471 = arith.constant 0 : i32
      %dma_wait3A_472 = tpu.memref_slice %arg2[%dma_wait3A_470, %dma_wait3A_471] : memref<16384x192xf32, #tpu.memory_space<hbm>> -> memref<16x192xf32, #tpu.memory_space<hbm>>
      tpu.wait_dma2 semaphore(%arg20 : memref<!tpu.dma_semaphore, #tpu.memory_space<semaphore_mem>>) src(%dma_wait3A_472 : memref<16x192xf32, #tpu.memory_space<hbm>>) dst(%dma_wait3A_469 : memref<16x192xf32, #tpu.memory_space<vmem>>)
      %dma_wait3A_473 = arith.constant 48 : i32
      %dma_wait3A_474 = arith.constant 0 : i32
      %dma_wait3A_475 = tpu.memref_slice %arg12[%dma_wait3A_473, %dma_wait3A_474] : memref<64x192xf32, #tpu.memory_space<vmem>> -> memref<16x192xf32, #tpu.memory_space<vmem>>
      %dma_wait3A_476 = arith.constant 0 : i32
      %dma_wait3A_477 = arith.constant 0 : i32
      %dma_wait3A_478 = tpu.memref_slice %arg2[%dma_wait3A_476, %dma_wait3A_477] : memref<16384x192xf32, #tpu.memory_space<hbm>> -> memref<16x192xf32, #tpu.memory_space<hbm>>
      %dma_wait3A_479 = arith.constant 48 : i32
      %dma_wait3A_480 = arith.constant 0 : i32
      %dma_wait3A_481 = tpu.memref_slice %arg12[%dma_wait3A_479, %dma_wait3A_480] : memref<64x192xf32, #tpu.memory_space<vmem>> -> memref<16x192xf32, #tpu.memory_space<vmem>>
      %dma_wait3A_482 = arith.constant 0 : i32
      %dma_wait3A_483 = arith.constant 0 : i32
      %dma_wait3A_484 = tpu.memref_slice %arg2[%dma_wait3A_482, %dma_wait3A_483] : memref<16384x192xf32, #tpu.memory_space<hbm>> -> memref<16x192xf32, #tpu.memory_space<hbm>>
      tpu.wait_dma2 semaphore(%arg20 : memref<!tpu.dma_semaphore, #tpu.memory_space<semaphore_mem>>) src(%dma_wait3A_484 : memref<16x192xf32, #tpu.memory_space<hbm>>) dst(%dma_wait3A_481 : memref<16x192xf32, #tpu.memory_space<vmem>>)
      %dma_wait3A_485 = arith.constant 0 : i32
      %dma_wait3A_486 = arith.constant 0 : i32
      %dma_wait3A_487 = tpu.memref_slice %arg13[%dma_wait3A_485, %dma_wait3A_486] : memref<64x192xf32, #tpu.memory_space<vmem>> -> memref<16x192xf32, #tpu.memory_space<vmem>>
      %dma_wait3A_488 = arith.constant 0 : i32
      %dma_wait3A_489 = arith.constant 0 : i32
      %dma_wait3A_490 = tpu.memref_slice %arg3[%dma_wait3A_488, %dma_wait3A_489] : memref<16384x192xf32, #tpu.memory_space<hbm>> -> memref<16x192xf32, #tpu.memory_space<hbm>>
      %dma_wait3A_491 = arith.constant 0 : i32
      %dma_wait3A_492 = arith.constant 0 : i32
      %dma_wait3A_493 = tpu.memref_slice %arg13[%dma_wait3A_491, %dma_wait3A_492] : memref<64x192xf32, #tpu.memory_space<vmem>> -> memref<16x192xf32, #tpu.memory_space<vmem>>
      %dma_wait3A_494 = arith.constant 0 : i32
      %dma_wait3A_495 = arith.constant 0 : i32
      %dma_wait3A_496 = tpu.memref_slice %arg3[%dma_wait3A_494, %dma_wait3A_495] : memref<16384x192xf32, #tpu.memory_space<hbm>> -> memref<16x192xf32, #tpu.memory_space<hbm>>
      tpu.wait_dma2 semaphore(%arg20 : memref<!tpu.dma_semaphore, #tpu.memory_space<semaphore_mem>>) src(%dma_wait3A_496 : memref<16x192xf32, #tpu.memory_space<hbm>>) dst(%dma_wait3A_493 : memref<16x192xf32, #tpu.memory_space<vmem>>)
      %dma_wait3A_497 = arith.constant 16 : i32
      %dma_wait3A_498 = arith.constant 0 : i32
      %dma_wait3A_499 = tpu.memref_slice %arg13[%dma_wait3A_497, %dma_wait3A_498] : memref<64x192xf32, #tpu.memory_space<vmem>> -> memref<16x192xf32, #tpu.memory_space<vmem>>
      %dma_wait3A_500 = arith.constant 0 : i32
      %dma_wait3A_501 = arith.constant 0 : i32
      %dma_wait3A_502 = tpu.memref_slice %arg3[%dma_wait3A_500, %dma_wait3A_501] : memref<16384x192xf32, #tpu.memory_space<hbm>> -> memref<16x192xf32, #tpu.memory_space<hbm>>
      %dma_wait3A_503 = arith.constant 16 : i32
      %dma_wait3A_504 = arith.constant 0 : i32
      %dma_wait3A_505 = tpu.memref_slice %arg13[%dma_wait3A_503, %dma_wait3A_504] : memref<64x192xf32, #tpu.memory_space<vmem>> -> memref<16x192xf32, #tpu.memory_space<vmem>>
      %dma_wait3A_506 = arith.constant 0 : i32
      %dma_wait3A_507 = arith.constant 0 : i32
      %dma_wait3A_508 = tpu.memref_slice %arg3[%dma_wait3A_506, %dma_wait3A_507] : memref<16384x192xf32, #tpu.memory_space<hbm>> -> memref<16x192xf32, #tpu.memory_space<hbm>>
      tpu.wait_dma2 semaphore(%arg20 : memref<!tpu.dma_semaphore, #tpu.memory_space<semaphore_mem>>) src(%dma_wait3A_508 : memref<16x192xf32, #tpu.memory_space<hbm>>) dst(%dma_wait3A_505 : memref<16x192xf32, #tpu.memory_space<vmem>>)
      %dma_wait3A_509 = arith.constant 32 : i32
      %dma_wait3A_510 = arith.constant 0 : i32
      %dma_wait3A_511 = tpu.memref_slice %arg13[%dma_wait3A_509, %dma_wait3A_510] : memref<64x192xf32, #tpu.memory_space<vmem>> -> memref<16x192xf32, #tpu.memory_space<vmem>>
      %dma_wait3A_512 = arith.constant 0 : i32
      %dma_wait3A_513 = arith.constant 0 : i32
      %dma_wait3A_514 = tpu.memref_slice %arg3[%dma_wait3A_512, %dma_wait3A_513] : memref<16384x192xf32, #tpu.memory_space<hbm>> -> memref<16x192xf32, #tpu.memory_space<hbm>>
      %dma_wait3A_515 = arith.constant 32 : i32
      %dma_wait3A_516 = arith.constant 0 : i32
      %dma_wait3A_517 = tpu.memref_slice %arg13[%dma_wait3A_515, %dma_wait3A_516] : memref<64x192xf32, #tpu.memory_space<vmem>> -> memref<16x192xf32, #tpu.memory_space<vmem>>
      %dma_wait3A_518 = arith.constant 0 : i32
      %dma_wait3A_519 = arith.constant 0 : i32
      %dma_wait3A_520 = tpu.memref_slice %arg3[%dma_wait3A_518, %dma_wait3A_519] : memref<16384x192xf32, #tpu.memory_space<hbm>> -> memref<16x192xf32, #tpu.memory_space<hbm>>
      tpu.wait_dma2 semaphore(%arg20 : memref<!tpu.dma_semaphore, #tpu.memory_space<semaphore_mem>>) src(%dma_wait3A_520 : memref<16x192xf32, #tpu.memory_space<hbm>>) dst(%dma_wait3A_517 : memref<16x192xf32, #tpu.memory_space<vmem>>)
      %dma_wait3A_521 = arith.constant 48 : i32
      %dma_wait3A_522 = arith.constant 0 : i32
      %dma_wait3A_523 = tpu.memref_slice %arg13[%dma_wait3A_521, %dma_wait3A_522] : memref<64x192xf32, #tpu.memory_space<vmem>> -> memref<16x192xf32, #tpu.memory_space<vmem>>
      %dma_wait3A_524 = arith.constant 0 : i32
      %dma_wait3A_525 = arith.constant 0 : i32
      %dma_wait3A_526 = tpu.memref_slice %arg3[%dma_wait3A_524, %dma_wait3A_525] : memref<16384x192xf32, #tpu.memory_space<hbm>> -> memref<16x192xf32, #tpu.memory_space<hbm>>
      %dma_wait3A_527 = arith.constant 48 : i32
      %dma_wait3A_528 = arith.constant 0 : i32
      %dma_wait3A_529 = tpu.memref_slice %arg13[%dma_wait3A_527, %dma_wait3A_528] : memref<64x192xf32, #tpu.memory_space<vmem>> -> memref<16x192xf32, #tpu.memory_space<vmem>>
      %dma_wait3A_530 = arith.constant 0 : i32
      %dma_wait3A_531 = arith.constant 0 : i32
      %dma_wait3A_532 = tpu.memref_slice %arg3[%dma_wait3A_530, %dma_wait3A_531] : memref<16384x192xf32, #tpu.memory_space<hbm>> -> memref<16x192xf32, #tpu.memory_space<hbm>>
      tpu.wait_dma2 semaphore(%arg20 : memref<!tpu.dma_semaphore, #tpu.memory_space<semaphore_mem>>) src(%dma_wait3A_532 : memref<16x192xf32, #tpu.memory_space<hbm>>) dst(%dma_wait3A_529 : memref<16x192xf32, #tpu.memory_space<vmem>>)
      %dma_wait3A_533 = arith.constant 0 : i32
      %dma_wait3A_534 = arith.constant 0 : i32
      %dma_wait3A_535 = tpu.memref_slice %arg14[%dma_wait3A_533, %dma_wait3A_534] : memref<64x192xf32, #tpu.memory_space<vmem>> -> memref<16x192xf32, #tpu.memory_space<vmem>>
      %dma_wait3A_536 = arith.constant 0 : i32
      %dma_wait3A_537 = arith.constant 0 : i32
      %dma_wait3A_538 = tpu.memref_slice %arg4[%dma_wait3A_536, %dma_wait3A_537] : memref<16384x192xf32, #tpu.memory_space<hbm>> -> memref<16x192xf32, #tpu.memory_space<hbm>>
      %dma_wait3A_539 = arith.constant 0 : i32
      %dma_wait3A_540 = arith.constant 0 : i32
      %dma_wait3A_541 = tpu.memref_slice %arg14[%dma_wait3A_539, %dma_wait3A_540] : memref<64x192xf32, #tpu.memory_space<vmem>> -> memref<16x192xf32, #tpu.memory_space<vmem>>
      %dma_wait3A_542 = arith.constant 0 : i32
      %dma_wait3A_543 = arith.constant 0 : i32
      %dma_wait3A_544 = tpu.memref_slice %arg4[%dma_wait3A_542, %dma_wait3A_543] : memref<16384x192xf32, #tpu.memory_space<hbm>> -> memref<16x192xf32, #tpu.memory_space<hbm>>
      tpu.wait_dma2 semaphore(%arg20 : memref<!tpu.dma_semaphore, #tpu.memory_space<semaphore_mem>>) src(%dma_wait3A_544 : memref<16x192xf32, #tpu.memory_space<hbm>>) dst(%dma_wait3A_541 : memref<16x192xf32, #tpu.memory_space<vmem>>)
      %dma_wait3A_545 = arith.constant 16 : i32
      %dma_wait3A_546 = arith.constant 0 : i32
      %dma_wait3A_547 = tpu.memref_slice %arg14[%dma_wait3A_545, %dma_wait3A_546] : memref<64x192xf32, #tpu.memory_space<vmem>> -> memref<16x192xf32, #tpu.memory_space<vmem>>
      %dma_wait3A_548 = arith.constant 0 : i32
      %dma_wait3A_549 = arith.constant 0 : i32
      %dma_wait3A_550 = tpu.memref_slice %arg4[%dma_wait3A_548, %dma_wait3A_549] : memref<16384x192xf32, #tpu.memory_space<hbm>> -> memref<16x192xf32, #tpu.memory_space<hbm>>
      %dma_wait3A_551 = arith.constant 16 : i32
      %dma_wait3A_552 = arith.constant 0 : i32
      %dma_wait3A_553 = tpu.memref_slice %arg14[%dma_wait3A_551, %dma_wait3A_552] : memref<64x192xf32, #tpu.memory_space<vmem>> -> memref<16x192xf32, #tpu.memory_space<vmem>>
      %dma_wait3A_554 = arith.constant 0 : i32
      %dma_wait3A_555 = arith.constant 0 : i32
      %dma_wait3A_556 = tpu.memref_slice %arg4[%dma_wait3A_554, %dma_wait3A_555] : memref<16384x192xf32, #tpu.memory_space<hbm>> -> memref<16x192xf32, #tpu.memory_space<hbm>>
      tpu.wait_dma2 semaphore(%arg20 : memref<!tpu.dma_semaphore, #tpu.memory_space<semaphore_mem>>) src(%dma_wait3A_556 : memref<16x192xf32, #tpu.memory_space<hbm>>) dst(%dma_wait3A_553 : memref<16x192xf32, #tpu.memory_space<vmem>>)
      %dma_wait3A_557 = arith.constant 32 : i32
      %dma_wait3A_558 = arith.constant 0 : i32
      %dma_wait3A_559 = tpu.memref_slice %arg14[%dma_wait3A_557, %dma_wait3A_558] : memref<64x192xf32, #tpu.memory_space<vmem>> -> memref<16x192xf32, #tpu.memory_space<vmem>>
      %dma_wait3A_560 = arith.constant 0 : i32
      %dma_wait3A_561 = arith.constant 0 : i32
      %dma_wait3A_562 = tpu.memref_slice %arg4[%dma_wait3A_560, %dma_wait3A_561] : memref<16384x192xf32, #tpu.memory_space<hbm>> -> memref<16x192xf32, #tpu.memory_space<hbm>>
      %dma_wait3A_563 = arith.constant 32 : i32
      %dma_wait3A_564 = arith.constant 0 : i32
      %dma_wait3A_565 = tpu.memref_slice %arg14[%dma_wait3A_563, %dma_wait3A_564] : memref<64x192xf32, #tpu.memory_space<vmem>> -> memref<16x192xf32, #tpu.memory_space<vmem>>
      %dma_wait3A_566 = arith.constant 0 : i32
      %dma_wait3A_567 = arith.constant 0 : i32
      %dma_wait3A_568 = tpu.memref_slice %arg4[%dma_wait3A_566, %dma_wait3A_567] : memref<16384x192xf32, #tpu.memory_space<hbm>> -> memref<16x192xf32, #tpu.memory_space<hbm>>
      tpu.wait_dma2 semaphore(%arg20 : memref<!tpu.dma_semaphore, #tpu.memory_space<semaphore_mem>>) src(%dma_wait3A_568 : memref<16x192xf32, #tpu.memory_space<hbm>>) dst(%dma_wait3A_565 : memref<16x192xf32, #tpu.memory_space<vmem>>)
      %dma_wait3A_569 = arith.constant 48 : i32
      %dma_wait3A_570 = arith.constant 0 : i32
      %dma_wait3A_571 = tpu.memref_slice %arg14[%dma_wait3A_569, %dma_wait3A_570] : memref<64x192xf32, #tpu.memory_space<vmem>> -> memref<16x192xf32, #tpu.memory_space<vmem>>
      %dma_wait3A_572 = arith.constant 0 : i32
      %dma_wait3A_573 = arith.constant 0 : i32
      %dma_wait3A_574 = tpu.memref_slice %arg4[%dma_wait3A_572, %dma_wait3A_573] : memref<16384x192xf32, #tpu.memory_space<hbm>> -> memref<16x192xf32, #tpu.memory_space<hbm>>
      %dma_wait3A_575 = arith.constant 48 : i32
      %dma_wait3A_576 = arith.constant 0 : i32
      %dma_wait3A_577 = tpu.memref_slice %arg14[%dma_wait3A_575, %dma_wait3A_576] : memref<64x192xf32, #tpu.memory_space<vmem>> -> memref<16x192xf32, #tpu.memory_space<vmem>>
      %dma_wait3A_578 = arith.constant 0 : i32
      %dma_wait3A_579 = arith.constant 0 : i32
      %dma_wait3A_580 = tpu.memref_slice %arg4[%dma_wait3A_578, %dma_wait3A_579] : memref<16384x192xf32, #tpu.memory_space<hbm>> -> memref<16x192xf32, #tpu.memory_space<hbm>>
      tpu.wait_dma2 semaphore(%arg20 : memref<!tpu.dma_semaphore, #tpu.memory_space<semaphore_mem>>) src(%dma_wait3A_580 : memref<16x192xf32, #tpu.memory_space<hbm>>) dst(%dma_wait3A_577 : memref<16x192xf32, #tpu.memory_space<vmem>>)
      %ge3A_581 = arith.constant 2 : i32
      %ge3A_582 = arith.cmpi sge, %add3A_429, %ge3A_581 : i32
      %convert_element_type3A_583 = arith.extui %ge3A_582 : i1 to i32
      %cond3A_584 = arith.constant 0 : i32
      %cond3A_585 = arith.cmpi ne, %convert_element_type3A_583, %cond3A_584 : i32
      scf.if %cond3A_585 {
        %dma_wait3A_694 = arith.constant 0 : i32
        %dma_wait3A_695 = arith.constant 0 : i32
        %dma_wait3A_696 = arith.constant 0 : i32
        %dma_wait3A_697 = tpu.memref_slice %arg6[%dma_wait3A_694, %dma_wait3A_695, %dma_wait3A_696] : memref<192x4096x24xf32, #tpu.memory_space<hbm>> -> memref<192x2x24xf32, #tpu.memory_space<hbm>>
        %dma_wait3A_698 = arith.constant 0 : i32
        %dma_wait3A_699 = arith.constant 0 : i32
        %dma_wait3A_700 = arith.constant 0 : i32
        %dma_wait3A_701 = tpu.memref_slice %arg6[%dma_wait3A_698, %dma_wait3A_699, %dma_wait3A_700] : memref<192x4096x24xf32, #tpu.memory_space<hbm>> -> memref<192x2x24xf32, #tpu.memory_space<hbm>>
        tpu.wait_dma2 semaphore(%arg22 : memref<!tpu.dma_semaphore, #tpu.memory_space<semaphore_mem>>) src(%arg16 : memref<192x2x24xf32, #tpu.memory_space<vmem>>) dst(%dma_wait3A_701 : memref<192x2x24xf32, #tpu.memory_space<hbm>>)
      } else {
      }
      %get3A_586 = arith.constant 12 : i32
      %get3A_587 = arith.index_cast %get3A_586 : i32 to index
      %get3A_588 = arith.constant 0 : index
      %get3A_589 = tpu.vector_load %arg8[%get3A_587, %get3A_588] {strides = array<i32>} : memref<24x16xi32, #tpu.memory_space<vmem>>, vector<16xi32>,
      %bitcast3A_590 = vector.bitcast %get3A_589 : vector<16xi32> to vector<16xf32>
      %get3A_591 = arith.constant 13 : i32
      %get3A_592 = arith.index_cast %get3A_591 : i32 to index
      %get3A_593 = arith.constant 0 : index
      %get3A_594 = tpu.vector_load %arg8[%get3A_592, %get3A_593] {strides = array<i32>} : memref<24x16xi32, #tpu.memory_space<vmem>>, vector<16xi32>,
      %bitcast3A_595 = vector.bitcast %get3A_594 : vector<16xi32> to vector<16xf32>
      %get3A_596 = arith.constant 14 : i32
      %get3A_597 = arith.index_cast %get3A_596 : i32 to index
      %get3A_598 = arith.constant 0 : index
      %get3A_599 = tpu.vector_load %arg8[%get3A_597, %get3A_598] {strides = array<i32>} : memref<24x16xi32, #tpu.memory_space<vmem>>, vector<16xi32>,
      %bitcast3A_600 = vector.bitcast %get3A_599 : vector<16xi32> to vector<16xf32>
      %get3A_601 = arith.constant 15 : i32
      %get3A_602 = arith.index_cast %get3A_601 : i32 to index
      %get3A_603 = arith.constant 0 : index
      %get3A_604 = tpu.vector_load %arg8[%get3A_602, %get3A_603] {strides = array<i32>} : memref<24x16xi32, #tpu.memory_space<vmem>>, vector<16xi32>,
      %bitcast3A_605 = vector.bitcast %get3A_604 : vector<16xi32> to vector<16xf32>
      %get3A_606 = arith.constant 16 : i32
      %get3A_607 = arith.index_cast %get3A_606 : i32 to index
      %get3A_608 = arith.constant 0 : index
      %get3A_609 = tpu.vector_load %arg8[%get3A_607, %get3A_608] {strides = array<i32>} : memref<24x16xi32, #tpu.memory_space<vmem>>, vector<16xi32>,
      %bitcast3A_610 = vector.bitcast %get3A_609 : vector<16xi32> to vector<16xf32>
      %get3A_611 = arith.constant 17 : i32
      %get3A_612 = arith.index_cast %get3A_611 : i32 to index
      %get3A_613 = arith.constant 0 : index
      %get3A_614 = tpu.vector_load %arg8[%get3A_612, %get3A_613] {strides = array<i32>} : memref<24x16xi32, #tpu.memory_space<vmem>>, vector<16xi32>,
      %bitcast3A_615 = vector.bitcast %get3A_614 : vector<16xi32> to vector<16xf32>
      %get3A_616 = arith.constant 18 : i32
      %get3A_617 = arith.index_cast %get3A_616 : i32 to index
      %get3A_618 = arith.constant 0 : index
      %get3A_619 = tpu.vector_load %arg8[%get3A_617, %get3A_618] {strides = array<i32>} : memref<24x16xi32, #tpu.memory_space<vmem>>, vector<16xi32>,
      %bitcast3A_620 = vector.bitcast %get3A_619 : vector<16xi32> to vector<16xf32>
      %get3A_621 = arith.constant 19 : i32
      %get3A_622 = arith.index_cast %get3A_621 : i32 to index
      %get3A_623 = arith.constant 0 : index
      %get3A_624 = tpu.vector_load %arg8[%get3A_622, %get3A_623] {strides = array<i32>} : memref<24x16xi32, #tpu.memory_space<vmem>>, vector<16xi32>,
      %bitcast3A_625 = vector.bitcast %get3A_624 : vector<16xi32> to vector<16xf32>
      %get3A_626 = arith.constant 20 : i32
      %get3A_627 = arith.index_cast %get3A_626 : i32 to index
      %get3A_628 = arith.constant 0 : index
      %get3A_629 = tpu.vector_load %arg8[%get3A_627, %get3A_628] {strides = array<i32>} : memref<24x16xi32, #tpu.memory_space<vmem>>, vector<16xi32>,
      %bitcast3A_630 = vector.bitcast %get3A_629 : vector<16xi32> to vector<16xf32>
      %get3A_631 = arith.constant 21 : i32
      %get3A_632 = arith.index_cast %get3A_631 : i32 to index
      %get3A_633 = arith.constant 0 : index
      %get3A_634 = tpu.vector_load %arg8[%get3A_632, %get3A_633] {strides = array<i32>} : memref<24x16xi32, #tpu.memory_space<vmem>>, vector<16xi32>,
      %bitcast3A_635 = vector.bitcast %get3A_634 : vector<16xi32> to vector<16xf32>
      %get3A_636 = arith.constant 22 : i32
      %get3A_637 = arith.index_cast %get3A_636 : i32 to index
      %get3A_638 = arith.constant 0 : index
      %get3A_639 = tpu.vector_load %arg8[%get3A_637, %get3A_638] {strides = array<i32>} : memref<24x16xi32, #tpu.memory_space<vmem>>, vector<16xi32>,
      %bitcast3A_640 = vector.bitcast %get3A_639 : vector<16xi32> to vector<16xf32>
      %get3A_641 = arith.constant 23 : i32
      %get3A_642 = arith.index_cast %get3A_641 : i32 to index
      %get3A_643 = arith.constant 0 : index
      %get3A_644 = tpu.vector_load %arg8[%get3A_642, %get3A_643] {strides = array<i32>} : memref<24x16xi32, #tpu.memory_space<vmem>>, vector<16xi32>,
      %bitcast3A_645 = vector.bitcast %get3A_644 : vector<16xi32> to vector<16xf32>
      %scan3A_646 = arith.constant 0 : i32
      %scan3A_647 = arith.constant 0 : i32
      %scan3A_648 = arith.constant 16 : i32
      %scan3A_649 = arith.addi %scan3A_647, %scan3A_648 : i32
      %scan3A_650 = arith.constant 1 : i32
      scf.for %scan3A_694 = %scan3A_647 to %scan3A_649 step %scan3A_650  : i32 {
        %broadcast_in_dim3A = vector.broadcast %scan3A_694 : i32 to vector<16x1xi32>
        %jit3A_695 = arith.constant 8 : i32
        %div3A_696 = arith.divsi %scan3A_694, %jit3A_695 : i32
        %sign3A_697 = arith.constant 0 : i32
        %sign3A_698 = arith.cmpi sgt, %scan3A_694, %sign3A_697 : i32
        %sign3A_699 = arith.extui %sign3A_698 : i1 to i32
        %sign3A_700 = arith.constant 0 : i32
        %sign3A_701 = arith.cmpi slt, %scan3A_694, %sign3A_700 : i32
        %sign3A_702 = arith.extui %sign3A_701 : i1 to i32
        %sign3A_703 = arith.subi %sign3A_699, %sign3A_702 : i32
        %sign3A_704 = arith.constant 0 : i32
        %sign3A_705 = arith.cmpi sgt, %jit3A_695, %sign3A_704 : i32
        %sign3A_706 = arith.extui %sign3A_705 : i1 to i32
        %sign3A_707 = arith.constant 0 : i32
        %sign3A_708 = arith.cmpi slt, %jit3A_695, %sign3A_707 : i32
        %sign3A_709 = arith.extui %sign3A_708 : i1 to i32
        %sign3A_710 = arith.subi %sign3A_706, %sign3A_709 : i32
        %ne3A_711 = arith.cmpi ne, %sign3A_703, %sign3A_710 : i32
        %rem3A_712 = arith.remsi %scan3A_694, %jit3A_695 : i32
        %ne3A_713 = arith.constant 0 : i32
        %ne3A_714 = arith.cmpi ne, %rem3A_712, %ne3A_713 : i32
        %and3A_715 = arith.andi %ne3A_711, %ne3A_714 : i1
        %sub3A_716 = arith.constant 1 : i32
        %sub3A_717 = arith.subi %div3A_696, %sub3A_716 : i32
        %select_n3A_718 = arith.select %and3A_715, %sub3A_717, %div3A_696 : i32
        %broadcast_in_dim3A_719 = vector.broadcast %select_n3A_718 : i32 to vector<16xi32>
        %jit3A_720 = arith.constant 8 : i32
        %eq3A = arith.constant 0 : i32
        %eq3A_721 = arith.cmpi eq, %jit3A_720, %eq3A : i32
        %jit3A_722 = arith.constant 1 : i32
        %select_n3A_723 = arith.select %eq3A_721, %jit3A_722, %jit3A_720 : i32
        %rem3A_724 = arith.remsi %scan3A_694, %select_n3A_723 : i32
        %ne3A_725 = arith.constant 0 : i32
        %ne3A_726 = arith.cmpi ne, %rem3A_724, %ne3A_725 : i32
        %lt3A_727 = arith.constant 0 : i32
        %lt3A_728 = arith.cmpi slt, %rem3A_724, %lt3A_727 : i32
        %lt3A_729 = arith.constant 0 : i32
        %lt3A_730 = arith.cmpi slt, %select_n3A_723, %lt3A_729 : i32
        %ne3A_731 = arith.xori %lt3A_728, %lt3A_730 : i1
        %and3A_732 = arith.andi %ne3A_731, %ne3A_726 : i1
        %add3A_733 = arith.addi %rem3A_724, %select_n3A_723 : i32
        %select_n3A_734 = arith.select %and3A_732, %add3A_733, %rem3A_724 : i32
        %add3A_735 = arith.constant 0 : i32
        %add3A_736 = arith.addi %add3A_735, %select_n3A_734 : i32
        %broadcast_in_dim3A_737 = vector.broadcast %add3A_736 : i32 to vector<16xi32>
        %gather3A = vector.shape_cast %broadcast_in_dim3A : vector<16x1xi32> to vector<16xi32>
        %gather3A_738 = tpu.dynamic_gather %bitcast3A_590[%gather3A] in [0] : vector<16xf32>, vector<16xi32> -> vector<16xf32>
        %gather3A_739 = vector.shape_cast %broadcast_in_dim3A : vector<16x1xi32> to vector<16xi32>
        %gather3A_740 = tpu.dynamic_gather %bitcast3A_595[%gather3A_739] in [0] : vector<16xf32>, vector<16xi32> -> vector<16xf32>
        %gather3A_741 = vector.shape_cast %broadcast_in_dim3A : vector<16x1xi32> to vector<16xi32>
        %gather3A_742 = tpu.dynamic_gather %bitcast3A_600[%gather3A_741] in [0] : vector<16xf32>, vector<16xi32> -> vector<16xf32>
        %gather3A_743 = vector.shape_cast %broadcast_in_dim3A : vector<16x1xi32> to vector<16xi32>
        %gather3A_744 = tpu.dynamic_gather %bitcast3A_605[%gather3A_743] in [0] : vector<16xf32>, vector<16xi32> -> vector<16xf32>
        %get3A_745 = arith.index_cast %scan3A_694 : i32 to index
        %get3A_746 = arith.constant 0 : index
        %get3A_747 = tpu.vector_load %arg12[%get3A_745, %get3A_746] {strides = array<i32>} : memref<64x192xf32, #tpu.memory_space<vmem>>, vector<16xf32>,
        %mul3A_748 = arith.mulf %get3A_747, %gather3A_738 : vector<16xf32>
        %add3A_749 = arith.constant 16 : i32
        %add3A_750 = arith.addi %add3A_749, %scan3A_694 : i32
        %get3A_751 = arith.index_cast %add3A_750 : i32 to index
        %get3A_752 = arith.constant 0 : index
        %get3A_753 = tpu.vector_load %arg12[%get3A_751, %get3A_752] {strides = array<i32>} : memref<64x192xf32, #tpu.memory_space<vmem>>, vector<16xf32>,
        %mul3A_754 = arith.mulf %get3A_753, %gather3A_740 : vector<16xf32>
        %add3A_755 = arith.addf %mul3A_748, %mul3A_754 : vector<16xf32>
        %add3A_756 = arith.constant 32 : i32
        %add3A_757 = arith.addi %add3A_756, %scan3A_694 : i32
        %get3A_758 = arith.index_cast %add3A_757 : i32 to index
        %get3A_759 = arith.constant 0 : index
        %get3A_760 = tpu.vector_load %arg12[%get3A_758, %get3A_759] {strides = array<i32>} : memref<64x192xf32, #tpu.memory_space<vmem>>, vector<16xf32>,
        %mul3A_761 = arith.mulf %get3A_760, %gather3A_742 : vector<16xf32>
        %add3A_762 = arith.addf %add3A_755, %mul3A_761 : vector<16xf32>
        %add3A_763 = arith.constant 48 : i32
        %add3A_764 = arith.addi %add3A_763, %scan3A_694 : i32
        %get3A_765 = arith.index_cast %add3A_764 : i32 to index
        %get3A_766 = arith.constant 0 : index
        %get3A_767 = tpu.vector_load %arg12[%get3A_765, %get3A_766] {strides = array<i32>} : memref<64x192xf32, #tpu.memory_space<vmem>>, vector<16xf32>,
        %mul3A_768 = arith.mulf %get3A_767, %gather3A_744 : vector<16xf32>
        %add3A_769 = arith.addf %add3A_762, %mul3A_768 : vector<16xf32>
        %add3A_770 = arith.constant 0 : i32
        %add3A_771 = vector.broadcast %add3A_770 : i32 to vector<16xi32>
        %add3A_772 = arith.addi %iota3A, %add3A_771 : vector<16xi32>
        tpu.vector_store_idx %arg16[%add3A_772, %broadcast_in_dim3A_719, %broadcast_in_dim3A_737], %add3A_769 : memref<192x2x24xf32, #tpu.memory_space<vmem>>[vector<16xi32>, vector<16xi32>, vector<16xi32>], vector<16xf32>,
        %get3A_773 = arith.index_cast %scan3A_694 : i32 to index
        %get3A_774 = arith.constant 16 : index
        %get3A_775 = tpu.vector_load %arg12[%get3A_773, %get3A_774] {strides = array<i32>} : memref<64x192xf32, #tpu.memory_space<vmem>>, vector<16xf32>,
        %mul3A_776 = arith.mulf %get3A_775, %gather3A_738 : vector<16xf32>
        %add3A_777 = arith.constant 16 : i32
        %add3A_778 = arith.addi %add3A_777, %scan3A_694 : i32
        %get3A_779 = arith.index_cast %add3A_778 : i32 to index
        %get3A_780 = arith.constant 16 : index
        %get3A_781 = tpu.vector_load %arg12[%get3A_779, %get3A_780] {strides = array<i32>} : memref<64x192xf32, #tpu.memory_space<vmem>>, vector<16xf32>,
        %mul3A_782 = arith.mulf %get3A_781, %gather3A_740 : vector<16xf32>
        %add3A_783 = arith.addf %mul3A_776, %mul3A_782 : vector<16xf32>
        %add3A_784 = arith.constant 32 : i32
        %add3A_785 = arith.addi %add3A_784, %scan3A_694 : i32
        %get3A_786 = arith.index_cast %add3A_785 : i32 to index
        %get3A_787 = arith.constant 16 : index
        %get3A_788 = tpu.vector_load %arg12[%get3A_786, %get3A_787] {strides = array<i32>} : memref<64x192xf32, #tpu.memory_space<vmem>>, vector<16xf32>,
        %mul3A_789 = arith.mulf %get3A_788, %gather3A_742 : vector<16xf32>
        %add3A_790 = arith.addf %add3A_783, %mul3A_789 : vector<16xf32>
        %add3A_791 = arith.constant 48 : i32
        %add3A_792 = arith.addi %add3A_791, %scan3A_694 : i32
        %get3A_793 = arith.index_cast %add3A_792 : i32 to index
        %get3A_794 = arith.constant 16 : index
        %get3A_795 = tpu.vector_load %arg12[%get3A_793, %get3A_794] {strides = array<i32>} : memref<64x192xf32, #tpu.memory_space<vmem>>, vector<16xf32>,
        %mul3A_796 = arith.mulf %get3A_795, %gather3A_744 : vector<16xf32>
        %add3A_797 = arith.addf %add3A_790, %mul3A_796 : vector<16xf32>
        %add3A_798 = arith.constant 16 : i32
        %add3A_799 = vector.broadcast %add3A_798 : i32 to vector<16xi32>
        %add3A_800 = arith.addi %iota3A, %add3A_799 : vector<16xi32>
        tpu.vector_store_idx %arg16[%add3A_800, %broadcast_in_dim3A_719, %broadcast_in_dim3A_737], %add3A_797 : memref<192x2x24xf32, #tpu.memory_space<vmem>>[vector<16xi32>, vector<16xi32>, vector<16xi32>], vector<16xf32>,
        %get3A_801 = arith.index_cast %scan3A_694 : i32 to index
        %get3A_802 = arith.constant 32 : index
        %get3A_803 = tpu.vector_load %arg12[%get3A_801, %get3A_802] {strides = array<i32>} : memref<64x192xf32, #tpu.memory_space<vmem>>, vector<16xf32>,
        %mul3A_804 = arith.mulf %get3A_803, %gather3A_738 : vector<16xf32>
        %add3A_805 = arith.constant 16 : i32
        %add3A_806 = arith.addi %add3A_805, %scan3A_694 : i32
        %get3A_807 = arith.index_cast %add3A_806 : i32 to index
        %get3A_808 = arith.constant 32 : index
        %get3A_809 = tpu.vector_load %arg12[%get3A_807, %get3A_808] {strides = array<i32>} : memref<64x192xf32, #tpu.memory_space<vmem>>, vector<16xf32>,
        %mul3A_810 = arith.mulf %get3A_809, %gather3A_740 : vector<16xf32>
        %add3A_811 = arith.addf %mul3A_804, %mul3A_810 : vector<16xf32>
        %add3A_812 = arith.constant 32 : i32
        %add3A_813 = arith.addi %add3A_812, %scan3A_694 : i32
        %get3A_814 = arith.index_cast %add3A_813 : i32 to index
        %get3A_815 = arith.constant 32 : index
        %get3A_816 = tpu.vector_load %arg12[%get3A_814, %get3A_815] {strides = array<i32>} : memref<64x192xf32, #tpu.memory_space<vmem>>, vector<16xf32>,
        %mul3A_817 = arith.mulf %get3A_816, %gather3A_742 : vector<16xf32>
        %add3A_818 = arith.addf %add3A_811, %mul3A_817 : vector<16xf32>
        %add3A_819 = arith.constant 48 : i32
        %add3A_820 = arith.addi %add3A_819, %scan3A_694 : i32
        %get3A_821 = arith.index_cast %add3A_820 : i32 to index
        %get3A_822 = arith.constant 32 : index
        %get3A_823 = tpu.vector_load %arg12[%get3A_821, %get3A_822] {strides = array<i32>} : memref<64x192xf32, #tpu.memory_space<vmem>>, vector<16xf32>,
        %mul3A_824 = arith.mulf %get3A_823, %gather3A_744 : vector<16xf32>
        %add3A_825 = arith.addf %add3A_818, %mul3A_824 : vector<16xf32>
        %add3A_826 = arith.constant 32 : i32
        %add3A_827 = vector.broadcast %add3A_826 : i32 to vector<16xi32>
        %add3A_828 = arith.addi %iota3A, %add3A_827 : vector<16xi32>
        tpu.vector_store_idx %arg16[%add3A_828, %broadcast_in_dim3A_719, %broadcast_in_dim3A_737], %add3A_825 : memref<192x2x24xf32, #tpu.memory_space<vmem>>[vector<16xi32>, vector<16xi32>, vector<16xi32>], vector<16xf32>,
        %get3A_829 = arith.index_cast %scan3A_694 : i32 to index
        %get3A_830 = arith.constant 48 : index
        %get3A_831 = tpu.vector_load %arg12[%get3A_829, %get3A_830] {strides = array<i32>} : memref<64x192xf32, #tpu.memory_space<vmem>>, vector<16xf32>,
        %mul3A_832 = arith.mulf %get3A_831, %gather3A_738 : vector<16xf32>
        %add3A_833 = arith.constant 16 : i32
        %add3A_834 = arith.addi %add3A_833, %scan3A_694 : i32
        %get3A_835 = arith.index_cast %add3A_834 : i32 to index
        %get3A_836 = arith.constant 48 : index
        %get3A_837 = tpu.vector_load %arg12[%get3A_835, %get3A_836] {strides = array<i32>} : memref<64x192xf32, #tpu.memory_space<vmem>>, vector<16xf32>,
        %mul3A_838 = arith.mulf %get3A_837, %gather3A_740 : vector<16xf32>
        %add3A_839 = arith.addf %mul3A_832, %mul3A_838 : vector<16xf32>
        %add3A_840 = arith.constant 32 : i32
        %add3A_841 = arith.addi %add3A_840, %scan3A_694 : i32
        %get3A_842 = arith.index_cast %add3A_841 : i32 to index
        %get3A_843 = arith.constant 48 : index
        %get3A_844 = tpu.vector_load %arg12[%get3A_842, %get3A_843] {strides = array<i32>} : memref<64x192xf32, #tpu.memory_space<vmem>>, vector<16xf32>,
        %mul3A_845 = arith.mulf %get3A_844, %gather3A_742 : vector<16xf32>
        %add3A_846 = arith.addf %add3A_839, %mul3A_845 : vector<16xf32>
        %add3A_847 = arith.constant 48 : i32
        %add3A_848 = arith.addi %add3A_847, %scan3A_694 : i32
        %get3A_849 = arith.index_cast %add3A_848 : i32 to index
        %get3A_850 = arith.constant 48 : index
        %get3A_851 = tpu.vector_load %arg12[%get3A_849, %get3A_850] {strides = array<i32>} : memref<64x192xf32, #tpu.memory_space<vmem>>, vector<16xf32>,
        %mul3A_852 = arith.mulf %get3A_851, %gather3A_744 : vector<16xf32>
        %add3A_853 = arith.addf %add3A_846, %mul3A_852 : vector<16xf32>
        %add3A_854 = arith.constant 48 : i32
        %add3A_855 = vector.broadcast %add3A_854 : i32 to vector<16xi32>
        %add3A_856 = arith.addi %iota3A, %add3A_855 : vector<16xi32>
        tpu.vector_store_idx %arg16[%add3A_856, %broadcast_in_dim3A_719, %broadcast_in_dim3A_737], %add3A_853 : memref<192x2x24xf32, #tpu.memory_space<vmem>>[vector<16xi32>, vector<16xi32>, vector<16xi32>], vector<16xf32>,
        %get3A_857 = arith.index_cast %scan3A_694 : i32 to index
        %get3A_858 = arith.constant 64 : index
        %get3A_859 = tpu.vector_load %arg12[%get3A_857, %get3A_858] {strides = array<i32>} : memref<64x192xf32, #tpu.memory_space<vmem>>, vector<16xf32>,
        %mul3A_860 = arith.mulf %get3A_859, %gather3A_738 : vector<16xf32>
        %add3A_861 = arith.constant 16 : i32
        %add3A_862 = arith.addi %add3A_861, %scan3A_694 : i32
        %get3A_863 = arith.index_cast %add3A_862 : i32 to index
        %get3A_864 = arith.constant 64 : index
        %get3A_865 = tpu.vector_load %arg12[%get3A_863, %get3A_864] {strides = array<i32>} : memref<64x192xf32, #tpu.memory_space<vmem>>, vector<16xf32>,
        %mul3A_866 = arith.mulf %get3A_865, %gather3A_740 : vector<16xf32>
        %add3A_867 = arith.addf %mul3A_860, %mul3A_866 : vector<16xf32>
        %add3A_868 = arith.constant 32 : i32
        %add3A_869 = arith.addi %add3A_868, %scan3A_694 : i32
        %get3A_870 = arith.index_cast %add3A_869 : i32 to index
        %get3A_871 = arith.constant 64 : index
        %get3A_872 = tpu.vector_load %arg12[%get3A_870, %get3A_871] {strides = array<i32>} : memref<64x192xf32, #tpu.memory_space<vmem>>, vector<16xf32>,
        %mul3A_873 = arith.mulf %get3A_872, %gather3A_742 : vector<16xf32>
        %add3A_874 = arith.addf %add3A_867, %mul3A_873 : vector<16xf32>
        %add3A_875 = arith.constant 48 : i32
        %add3A_876 = arith.addi %add3A_875, %scan3A_694 : i32
        %get3A_877 = arith.index_cast %add3A_876 : i32 to index
        %get3A_878 = arith.constant 64 : index
        %get3A_879 = tpu.vector_load %arg12[%get3A_877, %get3A_878] {strides = array<i32>} : memref<64x192xf32, #tpu.memory_space<vmem>>, vector<16xf32>,
        %mul3A_880 = arith.mulf %get3A_879, %gather3A_744 : vector<16xf32>
        %add3A_881 = arith.addf %add3A_874, %mul3A_880 : vector<16xf32>
        %add3A_882 = arith.constant 64 : i32
        %add3A_883 = vector.broadcast %add3A_882 : i32 to vector<16xi32>
        %add3A_884 = arith.addi %iota3A, %add3A_883 : vector<16xi32>
        tpu.vector_store_idx %arg16[%add3A_884, %broadcast_in_dim3A_719, %broadcast_in_dim3A_737], %add3A_881 : memref<192x2x24xf32, #tpu.memory_space<vmem>>[vector<16xi32>, vector<16xi32>, vector<16xi32>], vector<16xf32>,
        %get3A_885 = arith.index_cast %scan3A_694 : i32 to index
        %get3A_886 = arith.constant 80 : index
        %get3A_887 = tpu.vector_load %arg12[%get3A_885, %get3A_886] {strides = array<i32>} : memref<64x192xf32, #tpu.memory_space<vmem>>, vector<16xf32>,
        %mul3A_888 = arith.mulf %get3A_887, %gather3A_738 : vector<16xf32>
        %add3A_889 = arith.constant 16 : i32
        %add3A_890 = arith.addi %add3A_889, %scan3A_694 : i32
        %get3A_891 = arith.index_cast %add3A_890 : i32 to index
        %get3A_892 = arith.constant 80 : index
        %get3A_893 = tpu.vector_load %arg12[%get3A_891, %get3A_892] {strides = array<i32>} : memref<64x192xf32, #tpu.memory_space<vmem>>, vector<16xf32>,
        %mul3A_894 = arith.mulf %get3A_893, %gather3A_740 : vector<16xf32>
        %add3A_895 = arith.addf %mul3A_888, %mul3A_894 : vector<16xf32>
        %add3A_896 = arith.constant 32 : i32
        %add3A_897 = arith.addi %add3A_896, %scan3A_694 : i32
        %get3A_898 = arith.index_cast %add3A_897 : i32 to index
        %get3A_899 = arith.constant 80 : index
        %get3A_900 = tpu.vector_load %arg12[%get3A_898, %get3A_899] {strides = array<i32>} : memref<64x192xf32, #tpu.memory_space<vmem>>, vector<16xf32>,
        %mul3A_901 = arith.mulf %get3A_900, %gather3A_742 : vector<16xf32>
        %add3A_902 = arith.addf %add3A_895, %mul3A_901 : vector<16xf32>
        %add3A_903 = arith.constant 48 : i32
        %add3A_904 = arith.addi %add3A_903, %scan3A_694 : i32
        %get3A_905 = arith.index_cast %add3A_904 : i32 to index
        %get3A_906 = arith.constant 80 : index
        %get3A_907 = tpu.vector_load %arg12[%get3A_905, %get3A_906] {strides = array<i32>} : memref<64x192xf32, #tpu.memory_space<vmem>>, vector<16xf32>,
        %mul3A_908 = arith.mulf %get3A_907, %gather3A_744 : vector<16xf32>
        %add3A_909 = arith.addf %add3A_902, %mul3A_908 : vector<16xf32>
        %add3A_910 = arith.constant 80 : i32
        %add3A_911 = vector.broadcast %add3A_910 : i32 to vector<16xi32>
        %add3A_912 = arith.addi %iota3A, %add3A_911 : vector<16xi32>
        tpu.vector_store_idx %arg16[%add3A_912, %broadcast_in_dim3A_719, %broadcast_in_dim3A_737], %add3A_909 : memref<192x2x24xf32, #tpu.memory_space<vmem>>[vector<16xi32>, vector<16xi32>, vector<16xi32>], vector<16xf32>,
        %get3A_913 = arith.index_cast %scan3A_694 : i32 to index
        %get3A_914 = arith.constant 96 : index
        %get3A_915 = tpu.vector_load %arg12[%get3A_913, %get3A_914] {strides = array<i32>} : memref<64x192xf32, #tpu.memory_space<vmem>>, vector<16xf32>,
        %mul3A_916 = arith.mulf %get3A_915, %gather3A_738 : vector<16xf32>
        %add3A_917 = arith.constant 16 : i32
        %add3A_918 = arith.addi %add3A_917, %scan3A_694 : i32
        %get3A_919 = arith.index_cast %add3A_918 : i32 to index
        %get3A_920 = arith.constant 96 : index
        %get3A_921 = tpu.vector_load %arg12[%get3A_919, %get3A_920] {strides = array<i32>} : memref<64x192xf32, #tpu.memory_space<vmem>>, vector<16xf32>,
        %mul3A_922 = arith.mulf %get3A_921, %gather3A_740 : vector<16xf32>
        %add3A_923 = arith.addf %mul3A_916, %mul3A_922 : vector<16xf32>
        %add3A_924 = arith.constant 32 : i32
        %add3A_925 = arith.addi %add3A_924, %scan3A_694 : i32
        %get3A_926 = arith.index_cast %add3A_925 : i32 to index
        %get3A_927 = arith.constant 96 : index
        %get3A_928 = tpu.vector_load %arg12[%get3A_926, %get3A_927] {strides = array<i32>} : memref<64x192xf32, #tpu.memory_space<vmem>>, vector<16xf32>,
        %mul3A_929 = arith.mulf %get3A_928, %gather3A_742 : vector<16xf32>
        %add3A_930 = arith.addf %add3A_923, %mul3A_929 : vector<16xf32>
        %add3A_931 = arith.constant 48 : i32
        %add3A_932 = arith.addi %add3A_931, %scan3A_694 : i32
        %get3A_933 = arith.index_cast %add3A_932 : i32 to index
        %get3A_934 = arith.constant 96 : index
        %get3A_935 = tpu.vector_load %arg12[%get3A_933, %get3A_934] {strides = array<i32>} : memref<64x192xf32, #tpu.memory_space<vmem>>, vector<16xf32>,
        %mul3A_936 = arith.mulf %get3A_935, %gather3A_744 : vector<16xf32>
        %add3A_937 = arith.addf %add3A_930, %mul3A_936 : vector<16xf32>
        %add3A_938 = arith.constant 96 : i32
        %add3A_939 = vector.broadcast %add3A_938 : i32 to vector<16xi32>
        %add3A_940 = arith.addi %iota3A, %add3A_939 : vector<16xi32>
        tpu.vector_store_idx %arg16[%add3A_940, %broadcast_in_dim3A_719, %broadcast_in_dim3A_737], %add3A_937 : memref<192x2x24xf32, #tpu.memory_space<vmem>>[vector<16xi32>, vector<16xi32>, vector<16xi32>], vector<16xf32>,
        %get3A_941 = arith.index_cast %scan3A_694 : i32 to index
        %get3A_942 = arith.constant 112 : index
        %get3A_943 = tpu.vector_load %arg12[%get3A_941, %get3A_942] {strides = array<i32>} : memref<64x192xf32, #tpu.memory_space<vmem>>, vector<16xf32>,
        %mul3A_944 = arith.mulf %get3A_943, %gather3A_738 : vector<16xf32>
        %add3A_945 = arith.constant 16 : i32
        %add3A_946 = arith.addi %add3A_945, %scan3A_694 : i32
        %get3A_947 = arith.index_cast %add3A_946 : i32 to index
        %get3A_948 = arith.constant 112 : index
        %get3A_949 = tpu.vector_load %arg12[%get3A_947, %get3A_948] {strides = array<i32>} : memref<64x192xf32, #tpu.memory_space<vmem>>, vector<16xf32>,
        %mul3A_950 = arith.mulf %get3A_949, %gather3A_740 : vector<16xf32>
        %add3A_951 = arith.addf %mul3A_944, %mul3A_950 : vector<16xf32>
        %add3A_952 = arith.constant 32 : i32
        %add3A_953 = arith.addi %add3A_952, %scan3A_694 : i32
        %get3A_954 = arith.index_cast %add3A_953 : i32 to index
        %get3A_955 = arith.constant 112 : index
        %get3A_956 = tpu.vector_load %arg12[%get3A_954, %get3A_955] {strides = array<i32>} : memref<64x192xf32, #tpu.memory_space<vmem>>, vector<16xf32>,
        %mul3A_957 = arith.mulf %get3A_956, %gather3A_742 : vector<16xf32>
        %add3A_958 = arith.addf %add3A_951, %mul3A_957 : vector<16xf32>
        %add3A_959 = arith.constant 48 : i32
        %add3A_960 = arith.addi %add3A_959, %scan3A_694 : i32
        %get3A_961 = arith.index_cast %add3A_960 : i32 to index
        %get3A_962 = arith.constant 112 : index
        %get3A_963 = tpu.vector_load %arg12[%get3A_961, %get3A_962] {strides = array<i32>} : memref<64x192xf32, #tpu.memory_space<vmem>>, vector<16xf32>,
        %mul3A_964 = arith.mulf %get3A_963, %gather3A_744 : vector<16xf32>
        %add3A_965 = arith.addf %add3A_958, %mul3A_964 : vector<16xf32>
        %add3A_966 = arith.constant 112 : i32
        %add3A_967 = vector.broadcast %add3A_966 : i32 to vector<16xi32>
        %add3A_968 = arith.addi %iota3A, %add3A_967 : vector<16xi32>
        tpu.vector_store_idx %arg16[%add3A_968, %broadcast_in_dim3A_719, %broadcast_in_dim3A_737], %add3A_965 : memref<192x2x24xf32, #tpu.memory_space<vmem>>[vector<16xi32>, vector<16xi32>, vector<16xi32>], vector<16xf32>,
        %get3A_969 = arith.index_cast %scan3A_694 : i32 to index
        %get3A_970 = arith.constant 128 : index
        %get3A_971 = tpu.vector_load %arg12[%get3A_969, %get3A_970] {strides = array<i32>} : memref<64x192xf32, #tpu.memory_space<vmem>>, vector<16xf32>,
        %mul3A_972 = arith.mulf %get3A_971, %gather3A_738 : vector<16xf32>
        %add3A_973 = arith.constant 16 : i32
        %add3A_974 = arith.addi %add3A_973, %scan3A_694 : i32
        %get3A_975 = arith.index_cast %add3A_974 : i32 to index
        %get3A_976 = arith.constant 128 : index
        %get3A_977 = tpu.vector_load %arg12[%get3A_975, %get3A_976] {strides = array<i32>} : memref<64x192xf32, #tpu.memory_space<vmem>>, vector<16xf32>,
        %mul3A_978 = arith.mulf %get3A_977, %gather3A_740 : vector<16xf32>
        %add3A_979 = arith.addf %mul3A_972, %mul3A_978 : vector<16xf32>
        %add3A_980 = arith.constant 32 : i32
        %add3A_981 = arith.addi %add3A_980, %scan3A_694 : i32
        %get3A_982 = arith.index_cast %add3A_981 : i32 to index
        %get3A_983 = arith.constant 128 : index
        %get3A_984 = tpu.vector_load %arg12[%get3A_982, %get3A_983] {strides = array<i32>} : memref<64x192xf32, #tpu.memory_space<vmem>>, vector<16xf32>,
        %mul3A_985 = arith.mulf %get3A_984, %gather3A_742 : vector<16xf32>
        %add3A_986 = arith.addf %add3A_979, %mul3A_985 : vector<16xf32>
        %add3A_987 = arith.constant 48 : i32
        %add3A_988 = arith.addi %add3A_987, %scan3A_694 : i32
        %get3A_989 = arith.index_cast %add3A_988 : i32 to index
        %get3A_990 = arith.constant 128 : index
        %get3A_991 = tpu.vector_load %arg12[%get3A_989, %get3A_990] {strides = array<i32>} : memref<64x192xf32, #tpu.memory_space<vmem>>, vector<16xf32>,
        %mul3A_992 = arith.mulf %get3A_991, %gather3A_744 : vector<16xf32>
        %add3A_993 = arith.addf %add3A_986, %mul3A_992 : vector<16xf32>
        %add3A_994 = arith.constant 128 : i32
        %add3A_995 = vector.broadcast %add3A_994 : i32 to vector<16xi32>
        %add3A_996 = arith.addi %iota3A, %add3A_995 : vector<16xi32>
        tpu.vector_store_idx %arg16[%add3A_996, %broadcast_in_dim3A_719, %broadcast_in_dim3A_737], %add3A_993 : memref<192x2x24xf32, #tpu.memory_space<vmem>>[vector<16xi32>, vector<16xi32>, vector<16xi32>], vector<16xf32>,
        %get3A_997 = arith.index_cast %scan3A_694 : i32 to index
        %get3A_998 = arith.constant 144 : index
        %get3A_999 = tpu.vector_load %arg12[%get3A_997, %get3A_998] {strides = array<i32>} : memref<64x192xf32, #tpu.memory_space<vmem>>, vector<16xf32>,
        %mul3A_1000 = arith.mulf %get3A_999, %gather3A_738 : vector<16xf32>
        %add3A_1001 = arith.constant 16 : i32
        %add3A_1002 = arith.addi %add3A_1001, %scan3A_694 : i32
        %get3A_1003 = arith.index_cast %add3A_1002 : i32 to index
        %get3A_1004 = arith.constant 144 : index
        %get3A_1005 = tpu.vector_load %arg12[%get3A_1003, %get3A_1004] {strides = array<i32>} : memref<64x192xf32, #tpu.memory_space<vmem>>, vector<16xf32>,
        %mul3A_1006 = arith.mulf %get3A_1005, %gather3A_740 : vector<16xf32>
        %add3A_1007 = arith.addf %mul3A_1000, %mul3A_1006 : vector<16xf32>
        %add3A_1008 = arith.constant 32 : i32
        %add3A_1009 = arith.addi %add3A_1008, %scan3A_694 : i32
        %get3A_1010 = arith.index_cast %add3A_1009 : i32 to index
        %get3A_1011 = arith.constant 144 : index
        %get3A_1012 = tpu.vector_load %arg12[%get3A_1010, %get3A_1011] {strides = array<i32>} : memref<64x192xf32, #tpu.memory_space<vmem>>, vector<16xf32>,
        %mul3A_1013 = arith.mulf %get3A_1012, %gather3A_742 : vector<16xf32>
        %add3A_1014 = arith.addf %add3A_1007, %mul3A_1013 : vector<16xf32>
        %add3A_1015 = arith.constant 48 : i32
        %add3A_1016 = arith.addi %add3A_1015, %scan3A_694 : i32
        %get3A_1017 = arith.index_cast %add3A_1016 : i32 to index
        %get3A_1018 = arith.constant 144 : index
        %get3A_1019 = tpu.vector_load %arg12[%get3A_1017, %get3A_1018] {strides = array<i32>} : memref<64x192xf32, #tpu.memory_space<vmem>>, vector<16xf32>,
        %mul3A_1020 = arith.mulf %get3A_1019, %gather3A_744 : vector<16xf32>
        %add3A_1021 = arith.addf %add3A_1014, %mul3A_1020 : vector<16xf32>
        %add3A_1022 = arith.constant 144 : i32
        %add3A_1023 = vector.broadcast %add3A_1022 : i32 to vector<16xi32>
        %add3A_1024 = arith.addi %iota3A, %add3A_1023 : vector<16xi32>
        tpu.vector_store_idx %arg16[%add3A_1024, %broadcast_in_dim3A_719, %broadcast_in_dim3A_737], %add3A_1021 : memref<192x2x24xf32, #tpu.memory_space<vmem>>[vector<16xi32>, vector<16xi32>, vector<16xi32>], vector<16xf32>,
        %get3A_1025 = arith.index_cast %scan3A_694 : i32 to index
        %get3A_1026 = arith.constant 160 : index
        %get3A_1027 = tpu.vector_load %arg12[%get3A_1025, %get3A_1026] {strides = array<i32>} : memref<64x192xf32, #tpu.memory_space<vmem>>, vector<16xf32>,
        %mul3A_1028 = arith.mulf %get3A_1027, %gather3A_738 : vector<16xf32>
        %add3A_1029 = arith.constant 16 : i32
        %add3A_1030 = arith.addi %add3A_1029, %scan3A_694 : i32
        %get3A_1031 = arith.index_cast %add3A_1030 : i32 to index
        %get3A_1032 = arith.constant 160 : index
        %get3A_1033 = tpu.vector_load %arg12[%get3A_1031, %get3A_1032] {strides = array<i32>} : memref<64x192xf32, #tpu.memory_space<vmem>>, vector<16xf32>,
        %mul3A_1034 = arith.mulf %get3A_1033, %gather3A_740 : vector<16xf32>
        %add3A_1035 = arith.addf %mul3A_1028, %mul3A_1034 : vector<16xf32>
        %add3A_1036 = arith.constant 32 : i32
        %add3A_1037 = arith.addi %add3A_1036, %scan3A_694 : i32
        %get3A_1038 = arith.index_cast %add3A_1037 : i32 to index
        %get3A_1039 = arith.constant 160 : index
        %get3A_1040 = tpu.vector_load %arg12[%get3A_1038, %get3A_1039] {strides = array<i32>} : memref<64x192xf32, #tpu.memory_space<vmem>>, vector<16xf32>,
        %mul3A_1041 = arith.mulf %get3A_1040, %gather3A_742 : vector<16xf32>
        %add3A_1042 = arith.addf %add3A_1035, %mul3A_1041 : vector<16xf32>
        %add3A_1043 = arith.constant 48 : i32
        %add3A_1044 = arith.addi %add3A_1043, %scan3A_694 : i32
        %get3A_1045 = arith.index_cast %add3A_1044 : i32 to index
        %get3A_1046 = arith.constant 160 : index
        %get3A_1047 = tpu.vector_load %arg12[%get3A_1045, %get3A_1046] {strides = array<i32>} : memref<64x192xf32, #tpu.memory_space<vmem>>, vector<16xf32>,
        %mul3A_1048 = arith.mulf %get3A_1047, %gather3A_744 : vector<16xf32>
        %add3A_1049 = arith.addf %add3A_1042, %mul3A_1048 : vector<16xf32>
        %add3A_1050 = arith.constant 160 : i32
        %add3A_1051 = vector.broadcast %add3A_1050 : i32 to vector<16xi32>
        %add3A_1052 = arith.addi %iota3A, %add3A_1051 : vector<16xi32>
        tpu.vector_store_idx %arg16[%add3A_1052, %broadcast_in_dim3A_719, %broadcast_in_dim3A_737], %add3A_1049 : memref<192x2x24xf32, #tpu.memory_space<vmem>>[vector<16xi32>, vector<16xi32>, vector<16xi32>], vector<16xf32>,
        %get3A_1053 = arith.index_cast %scan3A_694 : i32 to index
        %get3A_1054 = arith.constant 176 : index
        %get3A_1055 = tpu.vector_load %arg12[%get3A_1053, %get3A_1054] {strides = array<i32>} : memref<64x192xf32, #tpu.memory_space<vmem>>, vector<16xf32>,
        %mul3A_1056 = arith.mulf %get3A_1055, %gather3A_738 : vector<16xf32>
        %add3A_1057 = arith.constant 16 : i32
        %add3A_1058 = arith.addi %add3A_1057, %scan3A_694 : i32
        %get3A_1059 = arith.index_cast %add3A_1058 : i32 to index
        %get3A_1060 = arith.constant 176 : index
        %get3A_1061 = tpu.vector_load %arg12[%get3A_1059, %get3A_1060] {strides = array<i32>} : memref<64x192xf32, #tpu.memory_space<vmem>>, vector<16xf32>,
        %mul3A_1062 = arith.mulf %get3A_1061, %gather3A_740 : vector<16xf32>
        %add3A_1063 = arith.addf %mul3A_1056, %mul3A_1062 : vector<16xf32>
        %add3A_1064 = arith.constant 32 : i32
        %add3A_1065 = arith.addi %add3A_1064, %scan3A_694 : i32
        %get3A_1066 = arith.index_cast %add3A_1065 : i32 to index
        %get3A_1067 = arith.constant 176 : index
        %get3A_1068 = tpu.vector_load %arg12[%get3A_1066, %get3A_1067] {strides = array<i32>} : memref<64x192xf32, #tpu.memory_space<vmem>>, vector<16xf32>,
        %mul3A_1069 = arith.mulf %get3A_1068, %gather3A_742 : vector<16xf32>
        %add3A_1070 = arith.addf %add3A_1063, %mul3A_1069 : vector<16xf32>
        %add3A_1071 = arith.constant 48 : i32
        %add3A_1072 = arith.addi %add3A_1071, %scan3A_694 : i32
        %get3A_1073 = arith.index_cast %add3A_1072 : i32 to index
        %get3A_1074 = arith.constant 176 : index
        %get3A_1075 = tpu.vector_load %arg12[%get3A_1073, %get3A_1074] {strides = array<i32>} : memref<64x192xf32, #tpu.memory_space<vmem>>, vector<16xf32>,
        %mul3A_1076 = arith.mulf %get3A_1075, %gather3A_744 : vector<16xf32>
        %add3A_1077 = arith.addf %add3A_1070, %mul3A_1076 : vector<16xf32>
        %add3A_1078 = arith.constant 176 : i32
        %add3A_1079 = vector.broadcast %add3A_1078 : i32 to vector<16xi32>
        %add3A_1080 = arith.addi %iota3A, %add3A_1079 : vector<16xi32>
        tpu.vector_store_idx %arg16[%add3A_1080, %broadcast_in_dim3A_719, %broadcast_in_dim3A_737], %add3A_1077 : memref<192x2x24xf32, #tpu.memory_space<vmem>>[vector<16xi32>, vector<16xi32>, vector<16xi32>], vector<16xf32>,
        %jit3A_1081 = arith.constant 8 : i32
        %eq3A_1082 = arith.constant 0 : i32
        %eq3A_1083 = arith.cmpi eq, %jit3A_1081, %eq3A_1082 : i32
        %jit3A_1084 = arith.constant 1 : i32
        %select_n3A_1085 = arith.select %eq3A_1083, %jit3A_1084, %jit3A_1081 : i32
        %rem3A_1086 = arith.remsi %scan3A_694, %select_n3A_1085 : i32
        %ne3A_1087 = arith.constant 0 : i32
        %ne3A_1088 = arith.cmpi ne, %rem3A_1086, %ne3A_1087 : i32
        %lt3A_1089 = arith.constant 0 : i32
        %lt3A_1090 = arith.cmpi slt, %rem3A_1086, %lt3A_1089 : i32
        %lt3A_1091 = arith.constant 0 : i32
        %lt3A_1092 = arith.cmpi slt, %select_n3A_1085, %lt3A_1091 : i32
        %ne3A_1093 = arith.xori %lt3A_1090, %lt3A_1092 : i1
        %and3A_1094 = arith.andi %ne3A_1093, %ne3A_1088 : i1
        %add3A_1095 = arith.addi %rem3A_1086, %select_n3A_1085 : i32
        %select_n3A_1096 = arith.select %and3A_1094, %add3A_1095, %rem3A_1086 : i32
        %add3A_1097 = arith.constant 8 : i32
        %add3A_1098 = arith.addi %add3A_1097, %select_n3A_1096 : i32
        %broadcast_in_dim3A_1099 = vector.broadcast %add3A_1098 : i32 to vector<16xi32>
        %gather3A_1100 = vector.shape_cast %broadcast_in_dim3A : vector<16x1xi32> to vector<16xi32>
        %gather3A_1101 = tpu.dynamic_gather %bitcast3A_610[%gather3A_1100] in [0] : vector<16xf32>, vector<16xi32> -> vector<16xf32>
        %gather3A_1102 = vector.shape_cast %broadcast_in_dim3A : vector<16x1xi32> to vector<16xi32>
        %gather3A_1103 = tpu.dynamic_gather %bitcast3A_615[%gather3A_1102] in [0] : vector<16xf32>, vector<16xi32> -> vector<16xf32>
        %gather3A_1104 = vector.shape_cast %broadcast_in_dim3A : vector<16x1xi32> to vector<16xi32>
        %gather3A_1105 = tpu.dynamic_gather %bitcast3A_620[%gather3A_1104] in [0] : vector<16xf32>, vector<16xi32> -> vector<16xf32>
        %gather3A_1106 = vector.shape_cast %broadcast_in_dim3A : vector<16x1xi32> to vector<16xi32>
        %gather3A_1107 = tpu.dynamic_gather %bitcast3A_625[%gather3A_1106] in [0] : vector<16xf32>, vector<16xi32> -> vector<16xf32>
        %get3A_1108 = arith.index_cast %scan3A_694 : i32 to index
        %get3A_1109 = arith.constant 0 : index
        %get3A_1110 = tpu.vector_load %arg13[%get3A_1108, %get3A_1109] {strides = array<i32>} : memref<64x192xf32, #tpu.memory_space<vmem>>, vector<16xf32>,
        %mul3A_1111 = arith.mulf %get3A_1110, %gather3A_1101 : vector<16xf32>
        %add3A_1112 = arith.constant 16 : i32
        %add3A_1113 = arith.addi %add3A_1112, %scan3A_694 : i32
        %get3A_1114 = arith.index_cast %add3A_1113 : i32 to index
        %get3A_1115 = arith.constant 0 : index
        %get3A_1116 = tpu.vector_load %arg13[%get3A_1114, %get3A_1115] {strides = array<i32>} : memref<64x192xf32, #tpu.memory_space<vmem>>, vector<16xf32>,
        %mul3A_1117 = arith.mulf %get3A_1116, %gather3A_1103 : vector<16xf32>
        %add3A_1118 = arith.addf %mul3A_1111, %mul3A_1117 : vector<16xf32>
        %add3A_1119 = arith.constant 32 : i32
        %add3A_1120 = arith.addi %add3A_1119, %scan3A_694 : i32
        %get3A_1121 = arith.index_cast %add3A_1120 : i32 to index
        %get3A_1122 = arith.constant 0 : index
        %get3A_1123 = tpu.vector_load %arg13[%get3A_1121, %get3A_1122] {strides = array<i32>} : memref<64x192xf32, #tpu.memory_space<vmem>>, vector<16xf32>,
        %mul3A_1124 = arith.mulf %get3A_1123, %gather3A_1105 : vector<16xf32>
        %add3A_1125 = arith.addf %add3A_1118, %mul3A_1124 : vector<16xf32>
        %add3A_1126 = arith.constant 48 : i32
        %add3A_1127 = arith.addi %add3A_1126, %scan3A_694 : i32
        %get3A_1128 = arith.index_cast %add3A_1127 : i32 to index
        %get3A_1129 = arith.constant 0 : index
        %get3A_1130 = tpu.vector_load %arg13[%get3A_1128, %get3A_1129] {strides = array<i32>} : memref<64x192xf32, #tpu.memory_space<vmem>>, vector<16xf32>,
        %mul3A_1131 = arith.mulf %get3A_1130, %gather3A_1107 : vector<16xf32>
        %add3A_1132 = arith.addf %add3A_1125, %mul3A_1131 : vector<16xf32>
        %add3A_1133 = arith.constant 0 : i32
        %add3A_1134 = vector.broadcast %add3A_1133 : i32 to vector<16xi32>
        %add3A_1135 = arith.addi %iota3A, %add3A_1134 : vector<16xi32>
        tpu.vector_store_idx %arg16[%add3A_1135, %broadcast_in_dim3A_719, %broadcast_in_dim3A_1099], %add3A_1132 : memref<192x2x24xf32, #tpu.memory_space<vmem>>[vector<16xi32>, vector<16xi32>, vector<16xi32>], vector<16xf32>,
        %get3A_1136 = arith.index_cast %scan3A_694 : i32 to index
        %get3A_1137 = arith.constant 16 : index
        %get3A_1138 = tpu.vector_load %arg13[%get3A_1136, %get3A_1137] {strides = array<i32>} : memref<64x192xf32, #tpu.memory_space<vmem>>, vector<16xf32>,
        %mul3A_1139 = arith.mulf %get3A_1138, %gather3A_1101 : vector<16xf32>
        %add3A_1140 = arith.constant 16 : i32
        %add3A_1141 = arith.addi %add3A_1140, %scan3A_694 : i32
        %get3A_1142 = arith.index_cast %add3A_1141 : i32 to index
        %get3A_1143 = arith.constant 16 : index
        %get3A_1144 = tpu.vector_load %arg13[%get3A_1142, %get3A_1143] {strides = array<i32>} : memref<64x192xf32, #tpu.memory_space<vmem>>, vector<16xf32>,
        %mul3A_1145 = arith.mulf %get3A_1144, %gather3A_1103 : vector<16xf32>
        %add3A_1146 = arith.addf %mul3A_1139, %mul3A_1145 : vector<16xf32>
        %add3A_1147 = arith.constant 32 : i32
        %add3A_1148 = arith.addi %add3A_1147, %scan3A_694 : i32
        %get3A_1149 = arith.index_cast %add3A_1148 : i32 to index
        %get3A_1150 = arith.constant 16 : index
        %get3A_1151 = tpu.vector_load %arg13[%get3A_1149, %get3A_1150] {strides = array<i32>} : memref<64x192xf32, #tpu.memory_space<vmem>>, vector<16xf32>,
        %mul3A_1152 = arith.mulf %get3A_1151, %gather3A_1105 : vector<16xf32>
        %add3A_1153 = arith.addf %add3A_1146, %mul3A_1152 : vector<16xf32>
        %add3A_1154 = arith.constant 48 : i32
        %add3A_1155 = arith.addi %add3A_1154, %scan3A_694 : i32
        %get3A_1156 = arith.index_cast %add3A_1155 : i32 to index
        %get3A_1157 = arith.constant 16 : index
        %get3A_1158 = tpu.vector_load %arg13[%get3A_1156, %get3A_1157] {strides = array<i32>} : memref<64x192xf32, #tpu.memory_space<vmem>>, vector<16xf32>,
        %mul3A_1159 = arith.mulf %get3A_1158, %gather3A_1107 : vector<16xf32>
        %add3A_1160 = arith.addf %add3A_1153, %mul3A_1159 : vector<16xf32>
        %add3A_1161 = arith.constant 16 : i32
        %add3A_1162 = vector.broadcast %add3A_1161 : i32 to vector<16xi32>
        %add3A_1163 = arith.addi %iota3A, %add3A_1162 : vector<16xi32>
        tpu.vector_store_idx %arg16[%add3A_1163, %broadcast_in_dim3A_719, %broadcast_in_dim3A_1099], %add3A_1160 : memref<192x2x24xf32, #tpu.memory_space<vmem>>[vector<16xi32>, vector<16xi32>, vector<16xi32>], vector<16xf32>,
        %get3A_1164 = arith.index_cast %scan3A_694 : i32 to index
        %get3A_1165 = arith.constant 32 : index
        %get3A_1166 = tpu.vector_load %arg13[%get3A_1164, %get3A_1165] {strides = array<i32>} : memref<64x192xf32, #tpu.memory_space<vmem>>, vector<16xf32>,
        %mul3A_1167 = arith.mulf %get3A_1166, %gather3A_1101 : vector<16xf32>
        %add3A_1168 = arith.constant 16 : i32
        %add3A_1169 = arith.addi %add3A_1168, %scan3A_694 : i32
        %get3A_1170 = arith.index_cast %add3A_1169 : i32 to index
        %get3A_1171 = arith.constant 32 : index
        %get3A_1172 = tpu.vector_load %arg13[%get3A_1170, %get3A_1171] {strides = array<i32>} : memref<64x192xf32, #tpu.memory_space<vmem>>, vector<16xf32>,
        %mul3A_1173 = arith.mulf %get3A_1172, %gather3A_1103 : vector<16xf32>
        %add3A_1174 = arith.addf %mul3A_1167, %mul3A_1173 : vector<16xf32>
        %add3A_1175 = arith.constant 32 : i32
        %add3A_1176 = arith.addi %add3A_1175, %scan3A_694 : i32
        %get3A_1177 = arith.index_cast %add3A_1176 : i32 to index
        %get3A_1178 = arith.constant 32 : index
        %get3A_1179 = tpu.vector_load %arg13[%get3A_1177, %get3A_1178] {strides = array<i32>} : memref<64x192xf32, #tpu.memory_space<vmem>>, vector<16xf32>,
        %mul3A_1180 = arith.mulf %get3A_1179, %gather3A_1105 : vector<16xf32>
        %add3A_1181 = arith.addf %add3A_1174, %mul3A_1180 : vector<16xf32>
        %add3A_1182 = arith.constant 48 : i32
        %add3A_1183 = arith.addi %add3A_1182, %scan3A_694 : i32
        %get3A_1184 = arith.index_cast %add3A_1183 : i32 to index
        %get3A_1185 = arith.constant 32 : index
        %get3A_1186 = tpu.vector_load %arg13[%get3A_1184, %get3A_1185] {strides = array<i32>} : memref<64x192xf32, #tpu.memory_space<vmem>>, vector<16xf32>,
        %mul3A_1187 = arith.mulf %get3A_1186, %gather3A_1107 : vector<16xf32>
        %add3A_1188 = arith.addf %add3A_1181, %mul3A_1187 : vector<16xf32>
        %add3A_1189 = arith.constant 32 : i32
        %add3A_1190 = vector.broadcast %add3A_1189 : i32 to vector<16xi32>
        %add3A_1191 = arith.addi %iota3A, %add3A_1190 : vector<16xi32>
        tpu.vector_store_idx %arg16[%add3A_1191, %broadcast_in_dim3A_719, %broadcast_in_dim3A_1099], %add3A_1188 : memref<192x2x24xf32, #tpu.memory_space<vmem>>[vector<16xi32>, vector<16xi32>, vector<16xi32>], vector<16xf32>,
        %get3A_1192 = arith.index_cast %scan3A_694 : i32 to index
        %get3A_1193 = arith.constant 48 : index
        %get3A_1194 = tpu.vector_load %arg13[%get3A_1192, %get3A_1193] {strides = array<i32>} : memref<64x192xf32, #tpu.memory_space<vmem>>, vector<16xf32>,
        %mul3A_1195 = arith.mulf %get3A_1194, %gather3A_1101 : vector<16xf32>
        %add3A_1196 = arith.constant 16 : i32
        %add3A_1197 = arith.addi %add3A_1196, %scan3A_694 : i32
        %get3A_1198 = arith.index_cast %add3A_1197 : i32 to index
        %get3A_1199 = arith.constant 48 : index
        %get3A_1200 = tpu.vector_load %arg13[%get3A_1198, %get3A_1199] {strides = array<i32>} : memref<64x192xf32, #tpu.memory_space<vmem>>, vector<16xf32>,
        %mul3A_1201 = arith.mulf %get3A_1200, %gather3A_1103 : vector<16xf32>
        %add3A_1202 = arith.addf %mul3A_1195, %mul3A_1201 : vector<16xf32>
        %add3A_1203 = arith.constant 32 : i32
        %add3A_1204 = arith.addi %add3A_1203, %scan3A_694 : i32
        %get3A_1205 = arith.index_cast %add3A_1204 : i32 to index
        %get3A_1206 = arith.constant 48 : index
        %get3A_1207 = tpu.vector_load %arg13[%get3A_1205, %get3A_1206] {strides = array<i32>} : memref<64x192xf32, #tpu.memory_space<vmem>>, vector<16xf32>,
        %mul3A_1208 = arith.mulf %get3A_1207, %gather3A_1105 : vector<16xf32>
        %add3A_1209 = arith.addf %add3A_1202, %mul3A_1208 : vector<16xf32>
        %add3A_1210 = arith.constant 48 : i32
        %add3A_1211 = arith.addi %add3A_1210, %scan3A_694 : i32
        %get3A_1212 = arith.index_cast %add3A_1211 : i32 to index
        %get3A_1213 = arith.constant 48 : index
        %get3A_1214 = tpu.vector_load %arg13[%get3A_1212, %get3A_1213] {strides = array<i32>} : memref<64x192xf32, #tpu.memory_space<vmem>>, vector<16xf32>,
        %mul3A_1215 = arith.mulf %get3A_1214, %gather3A_1107 : vector<16xf32>
        %add3A_1216 = arith.addf %add3A_1209, %mul3A_1215 : vector<16xf32>
        %add3A_1217 = arith.constant 48 : i32
        %add3A_1218 = vector.broadcast %add3A_1217 : i32 to vector<16xi32>
        %add3A_1219 = arith.addi %iota3A, %add3A_1218 : vector<16xi32>
        tpu.vector_store_idx %arg16[%add3A_1219, %broadcast_in_dim3A_719, %broadcast_in_dim3A_1099], %add3A_1216 : memref<192x2x24xf32, #tpu.memory_space<vmem>>[vector<16xi32>, vector<16xi32>, vector<16xi32>], vector<16xf32>,
        %get3A_1220 = arith.index_cast %scan3A_694 : i32 to index
        %get3A_1221 = arith.constant 64 : index
        %get3A_1222 = tpu.vector_load %arg13[%get3A_1220, %get3A_1221] {strides = array<i32>} : memref<64x192xf32, #tpu.memory_space<vmem>>, vector<16xf32>,
        %mul3A_1223 = arith.mulf %get3A_1222, %gather3A_1101 : vector<16xf32>
        %add3A_1224 = arith.constant 16 : i32
        %add3A_1225 = arith.addi %add3A_1224, %scan3A_694 : i32
        %get3A_1226 = arith.index_cast %add3A_1225 : i32 to index
        %get3A_1227 = arith.constant 64 : index
        %get3A_1228 = tpu.vector_load %arg13[%get3A_1226, %get3A_1227] {strides = array<i32>} : memref<64x192xf32, #tpu.memory_space<vmem>>, vector<16xf32>,
        %mul3A_1229 = arith.mulf %get3A_1228, %gather3A_1103 : vector<16xf32>
        %add3A_1230 = arith.addf %mul3A_1223, %mul3A_1229 : vector<16xf32>
        %add3A_1231 = arith.constant 32 : i32
        %add3A_1232 = arith.addi %add3A_1231, %scan3A_694 : i32
        %get3A_1233 = arith.index_cast %add3A_1232 : i32 to index
        %get3A_1234 = arith.constant 64 : index
        %get3A_1235 = tpu.vector_load %arg13[%get3A_1233, %get3A_1234] {strides = array<i32>} : memref<64x192xf32, #tpu.memory_space<vmem>>, vector<16xf32>,
        %mul3A_1236 = arith.mulf %get3A_1235, %gather3A_1105 : vector<16xf32>
        %add3A_1237 = arith.addf %add3A_1230, %mul3A_1236 : vector<16xf32>
        %add3A_1238 = arith.constant 48 : i32
        %add3A_1239 = arith.addi %add3A_1238, %scan3A_694 : i32
        %get3A_1240 = arith.index_cast %add3A_1239 : i32 to index
        %get3A_1241 = arith.constant 64 : index
        %get3A_1242 = tpu.vector_load %arg13[%get3A_1240, %get3A_1241] {strides = array<i32>} : memref<64x192xf32, #tpu.memory_space<vmem>>, vector<16xf32>,
        %mul3A_1243 = arith.mulf %get3A_1242, %gather3A_1107 : vector<16xf32>
        %add3A_1244 = arith.addf %add3A_1237, %mul3A_1243 : vector<16xf32>
        %add3A_1245 = arith.constant 64 : i32
        %add3A_1246 = vector.broadcast %add3A_1245 : i32 to vector<16xi32>
        %add3A_1247 = arith.addi %iota3A, %add3A_1246 : vector<16xi32>
        tpu.vector_store_idx %arg16[%add3A_1247, %broadcast_in_dim3A_719, %broadcast_in_dim3A_1099], %add3A_1244 : memref<192x2x24xf32, #tpu.memory_space<vmem>>[vector<16xi32>, vector<16xi32>, vector<16xi32>], vector<16xf32>,
        %get3A_1248 = arith.index_cast %scan3A_694 : i32 to index
        %get3A_1249 = arith.constant 80 : index
        %get3A_1250 = tpu.vector_load %arg13[%get3A_1248, %get3A_1249] {strides = array<i32>} : memref<64x192xf32, #tpu.memory_space<vmem>>, vector<16xf32>,
        %mul3A_1251 = arith.mulf %get3A_1250, %gather3A_1101 : vector<16xf32>
        %add3A_1252 = arith.constant 16 : i32
        %add3A_1253 = arith.addi %add3A_1252, %scan3A_694 : i32
        %get3A_1254 = arith.index_cast %add3A_1253 : i32 to index
        %get3A_1255 = arith.constant 80 : index
        %get3A_1256 = tpu.vector_load %arg13[%get3A_1254, %get3A_1255] {strides = array<i32>} : memref<64x192xf32, #tpu.memory_space<vmem>>, vector<16xf32>,
        %mul3A_1257 = arith.mulf %get3A_1256, %gather3A_1103 : vector<16xf32>
        %add3A_1258 = arith.addf %mul3A_1251, %mul3A_1257 : vector<16xf32>
        %add3A_1259 = arith.constant 32 : i32
        %add3A_1260 = arith.addi %add3A_1259, %scan3A_694 : i32
        %get3A_1261 = arith.index_cast %add3A_1260 : i32 to index
        %get3A_1262 = arith.constant 80 : index
        %get3A_1263 = tpu.vector_load %arg13[%get3A_1261, %get3A_1262] {strides = array<i32>} : memref<64x192xf32, #tpu.memory_space<vmem>>, vector<16xf32>,
        %mul3A_1264 = arith.mulf %get3A_1263, %gather3A_1105 : vector<16xf32>
        %add3A_1265 = arith.addf %add3A_1258, %mul3A_1264 : vector<16xf32>
        %add3A_1266 = arith.constant 48 : i32
        %add3A_1267 = arith.addi %add3A_1266, %scan3A_694 : i32
        %get3A_1268 = arith.index_cast %add3A_1267 : i32 to index
        %get3A_1269 = arith.constant 80 : index
        %get3A_1270 = tpu.vector_load %arg13[%get3A_1268, %get3A_1269] {strides = array<i32>} : memref<64x192xf32, #tpu.memory_space<vmem>>, vector<16xf32>,
        %mul3A_1271 = arith.mulf %get3A_1270, %gather3A_1107 : vector<16xf32>
        %add3A_1272 = arith.addf %add3A_1265, %mul3A_1271 : vector<16xf32>
        %add3A_1273 = arith.constant 80 : i32
        %add3A_1274 = vector.broadcast %add3A_1273 : i32 to vector<16xi32>
        %add3A_1275 = arith.addi %iota3A, %add3A_1274 : vector<16xi32>
        tpu.vector_store_idx %arg16[%add3A_1275, %broadcast_in_dim3A_719, %broadcast_in_dim3A_1099], %add3A_1272 : memref<192x2x24xf32, #tpu.memory_space<vmem>>[vector<16xi32>, vector<16xi32>, vector<16xi32>], vector<16xf32>,
        %get3A_1276 = arith.index_cast %scan3A_694 : i32 to index
        %get3A_1277 = arith.constant 96 : index
        %get3A_1278 = tpu.vector_load %arg13[%get3A_1276, %get3A_1277] {strides = array<i32>} : memref<64x192xf32, #tpu.memory_space<vmem>>, vector<16xf32>,
        %mul3A_1279 = arith.mulf %get3A_1278, %gather3A_1101 : vector<16xf32>
        %add3A_1280 = arith.constant 16 : i32
        %add3A_1281 = arith.addi %add3A_1280, %scan3A_694 : i32
        %get3A_1282 = arith.index_cast %add3A_1281 : i32 to index
        %get3A_1283 = arith.constant 96 : index
        %get3A_1284 = tpu.vector_load %arg13[%get3A_1282, %get3A_1283] {strides = array<i32>} : memref<64x192xf32, #tpu.memory_space<vmem>>, vector<16xf32>,
        %mul3A_1285 = arith.mulf %get3A_1284, %gather3A_1103 : vector<16xf32>
        %add3A_1286 = arith.addf %mul3A_1279, %mul3A_1285 : vector<16xf32>
        %add3A_1287 = arith.constant 32 : i32
        %add3A_1288 = arith.addi %add3A_1287, %scan3A_694 : i32
        %get3A_1289 = arith.index_cast %add3A_1288 : i32 to index
        %get3A_1290 = arith.constant 96 : index
        %get3A_1291 = tpu.vector_load %arg13[%get3A_1289, %get3A_1290] {strides = array<i32>} : memref<64x192xf32, #tpu.memory_space<vmem>>, vector<16xf32>,
        %mul3A_1292 = arith.mulf %get3A_1291, %gather3A_1105 : vector<16xf32>
        %add3A_1293 = arith.addf %add3A_1286, %mul3A_1292 : vector<16xf32>
        %add3A_1294 = arith.constant 48 : i32
        %add3A_1295 = arith.addi %add3A_1294, %scan3A_694 : i32
        %get3A_1296 = arith.index_cast %add3A_1295 : i32 to index
        %get3A_1297 = arith.constant 96 : index
        %get3A_1298 = tpu.vector_load %arg13[%get3A_1296, %get3A_1297] {strides = array<i32>} : memref<64x192xf32, #tpu.memory_space<vmem>>, vector<16xf32>,
        %mul3A_1299 = arith.mulf %get3A_1298, %gather3A_1107 : vector<16xf32>
        %add3A_1300 = arith.addf %add3A_1293, %mul3A_1299 : vector<16xf32>
        %add3A_1301 = arith.constant 96 : i32
        %add3A_1302 = vector.broadcast %add3A_1301 : i32 to vector<16xi32>
        %add3A_1303 = arith.addi %iota3A, %add3A_1302 : vector<16xi32>
        tpu.vector_store_idx %arg16[%add3A_1303, %broadcast_in_dim3A_719, %broadcast_in_dim3A_1099], %add3A_1300 : memref<192x2x24xf32, #tpu.memory_space<vmem>>[vector<16xi32>, vector<16xi32>, vector<16xi32>], vector<16xf32>,
        %get3A_1304 = arith.index_cast %scan3A_694 : i32 to index
        %get3A_1305 = arith.constant 112 : index
        %get3A_1306 = tpu.vector_load %arg13[%get3A_1304, %get3A_1305] {strides = array<i32>} : memref<64x192xf32, #tpu.memory_space<vmem>>, vector<16xf32>,
        %mul3A_1307 = arith.mulf %get3A_1306, %gather3A_1101 : vector<16xf32>
        %add3A_1308 = arith.constant 16 : i32
        %add3A_1309 = arith.addi %add3A_1308, %scan3A_694 : i32
        %get3A_1310 = arith.index_cast %add3A_1309 : i32 to index
        %get3A_1311 = arith.constant 112 : index
        %get3A_1312 = tpu.vector_load %arg13[%get3A_1310, %get3A_1311] {strides = array<i32>} : memref<64x192xf32, #tpu.memory_space<vmem>>, vector<16xf32>,
        %mul3A_1313 = arith.mulf %get3A_1312, %gather3A_1103 : vector<16xf32>
        %add3A_1314 = arith.addf %mul3A_1307, %mul3A_1313 : vector<16xf32>
        %add3A_1315 = arith.constant 32 : i32
        %add3A_1316 = arith.addi %add3A_1315, %scan3A_694 : i32
        %get3A_1317 = arith.index_cast %add3A_1316 : i32 to index
        %get3A_1318 = arith.constant 112 : index
        %get3A_1319 = tpu.vector_load %arg13[%get3A_1317, %get3A_1318] {strides = array<i32>} : memref<64x192xf32, #tpu.memory_space<vmem>>, vector<16xf32>,
        %mul3A_1320 = arith.mulf %get3A_1319, %gather3A_1105 : vector<16xf32>
        %add3A_1321 = arith.addf %add3A_1314, %mul3A_1320 : vector<16xf32>
        %add3A_1322 = arith.constant 48 : i32
        %add3A_1323 = arith.addi %add3A_1322, %scan3A_694 : i32
        %get3A_1324 = arith.index_cast %add3A_1323 : i32 to index
        %get3A_1325 = arith.constant 112 : index
        %get3A_1326 = tpu.vector_load %arg13[%get3A_1324, %get3A_1325] {strides = array<i32>} : memref<64x192xf32, #tpu.memory_space<vmem>>, vector<16xf32>,
        %mul3A_1327 = arith.mulf %get3A_1326, %gather3A_1107 : vector<16xf32>
        %add3A_1328 = arith.addf %add3A_1321, %mul3A_1327 : vector<16xf32>
        %add3A_1329 = arith.constant 112 : i32
        %add3A_1330 = vector.broadcast %add3A_1329 : i32 to vector<16xi32>
        %add3A_1331 = arith.addi %iota3A, %add3A_1330 : vector<16xi32>
        tpu.vector_store_idx %arg16[%add3A_1331, %broadcast_in_dim3A_719, %broadcast_in_dim3A_1099], %add3A_1328 : memref<192x2x24xf32, #tpu.memory_space<vmem>>[vector<16xi32>, vector<16xi32>, vector<16xi32>], vector<16xf32>,
        %get3A_1332 = arith.index_cast %scan3A_694 : i32 to index
        %get3A_1333 = arith.constant 128 : index
        %get3A_1334 = tpu.vector_load %arg13[%get3A_1332, %get3A_1333] {strides = array<i32>} : memref<64x192xf32, #tpu.memory_space<vmem>>, vector<16xf32>,
        %mul3A_1335 = arith.mulf %get3A_1334, %gather3A_1101 : vector<16xf32>
        %add3A_1336 = arith.constant 16 : i32
        %add3A_1337 = arith.addi %add3A_1336, %scan3A_694 : i32
        %get3A_1338 = arith.index_cast %add3A_1337 : i32 to index
        %get3A_1339 = arith.constant 128 : index
        %get3A_1340 = tpu.vector_load %arg13[%get3A_1338, %get3A_1339] {strides = array<i32>} : memref<64x192xf32, #tpu.memory_space<vmem>>, vector<16xf32>,
        %mul3A_1341 = arith.mulf %get3A_1340, %gather3A_1103 : vector<16xf32>
        %add3A_1342 = arith.addf %mul3A_1335, %mul3A_1341 : vector<16xf32>
        %add3A_1343 = arith.constant 32 : i32
        %add3A_1344 = arith.addi %add3A_1343, %scan3A_694 : i32
        %get3A_1345 = arith.index_cast %add3A_1344 : i32 to index
        %get3A_1346 = arith.constant 128 : index
        %get3A_1347 = tpu.vector_load %arg13[%get3A_1345, %get3A_1346] {strides = array<i32>} : memref<64x192xf32, #tpu.memory_space<vmem>>, vector<16xf32>,
        %mul3A_1348 = arith.mulf %get3A_1347, %gather3A_1105 : vector<16xf32>
        %add3A_1349 = arith.addf %add3A_1342, %mul3A_1348 : vector<16xf32>
        %add3A_1350 = arith.constant 48 : i32
        %add3A_1351 = arith.addi %add3A_1350, %scan3A_694 : i32
        %get3A_1352 = arith.index_cast %add3A_1351 : i32 to index
        %get3A_1353 = arith.constant 128 : index
        %get3A_1354 = tpu.vector_load %arg13[%get3A_1352, %get3A_1353] {strides = array<i32>} : memref<64x192xf32, #tpu.memory_space<vmem>>, vector<16xf32>,
        %mul3A_1355 = arith.mulf %get3A_1354, %gather3A_1107 : vector<16xf32>
        %add3A_1356 = arith.addf %add3A_1349, %mul3A_1355 : vector<16xf32>
        %add3A_1357 = arith.constant 128 : i32
        %add3A_1358 = vector.broadcast %add3A_1357 : i32 to vector<16xi32>
        %add3A_1359 = arith.addi %iota3A, %add3A_1358 : vector<16xi32>
        tpu.vector_store_idx %arg16[%add3A_1359, %broadcast_in_dim3A_719, %broadcast_in_dim3A_1099], %add3A_1356 : memref<192x2x24xf32, #tpu.memory_space<vmem>>[vector<16xi32>, vector<16xi32>, vector<16xi32>], vector<16xf32>,
        %get3A_1360 = arith.index_cast %scan3A_694 : i32 to index
        %get3A_1361 = arith.constant 144 : index
        %get3A_1362 = tpu.vector_load %arg13[%get3A_1360, %get3A_1361] {strides = array<i32>} : memref<64x192xf32, #tpu.memory_space<vmem>>, vector<16xf32>,
        %mul3A_1363 = arith.mulf %get3A_1362, %gather3A_1101 : vector<16xf32>
        %add3A_1364 = arith.constant 16 : i32
        %add3A_1365 = arith.addi %add3A_1364, %scan3A_694 : i32
        %get3A_1366 = arith.index_cast %add3A_1365 : i32 to index
        %get3A_1367 = arith.constant 144 : index
        %get3A_1368 = tpu.vector_load %arg13[%get3A_1366, %get3A_1367] {strides = array<i32>} : memref<64x192xf32, #tpu.memory_space<vmem>>, vector<16xf32>,
        %mul3A_1369 = arith.mulf %get3A_1368, %gather3A_1103 : vector<16xf32>
        %add3A_1370 = arith.addf %mul3A_1363, %mul3A_1369 : vector<16xf32>
        %add3A_1371 = arith.constant 32 : i32
        %add3A_1372 = arith.addi %add3A_1371, %scan3A_694 : i32
        %get3A_1373 = arith.index_cast %add3A_1372 : i32 to index
        %get3A_1374 = arith.constant 144 : index
        %get3A_1375 = tpu.vector_load %arg13[%get3A_1373, %get3A_1374] {strides = array<i32>} : memref<64x192xf32, #tpu.memory_space<vmem>>, vector<16xf32>,
        %mul3A_1376 = arith.mulf %get3A_1375, %gather3A_1105 : vector<16xf32>
        %add3A_1377 = arith.addf %add3A_1370, %mul3A_1376 : vector<16xf32>
        %add3A_1378 = arith.constant 48 : i32
        %add3A_1379 = arith.addi %add3A_1378, %scan3A_694 : i32
        %get3A_1380 = arith.index_cast %add3A_1379 : i32 to index
        %get3A_1381 = arith.constant 144 : index
        %get3A_1382 = tpu.vector_load %arg13[%get3A_1380, %get3A_1381] {strides = array<i32>} : memref<64x192xf32, #tpu.memory_space<vmem>>, vector<16xf32>,
        %mul3A_1383 = arith.mulf %get3A_1382, %gather3A_1107 : vector<16xf32>
        %add3A_1384 = arith.addf %add3A_1377, %mul3A_1383 : vector<16xf32>
        %add3A_1385 = arith.constant 144 : i32
        %add3A_1386 = vector.broadcast %add3A_1385 : i32 to vector<16xi32>
        %add3A_1387 = arith.addi %iota3A, %add3A_1386 : vector<16xi32>
        tpu.vector_store_idx %arg16[%add3A_1387, %broadcast_in_dim3A_719, %broadcast_in_dim3A_1099], %add3A_1384 : memref<192x2x24xf32, #tpu.memory_space<vmem>>[vector<16xi32>, vector<16xi32>, vector<16xi32>], vector<16xf32>,
        %get3A_1388 = arith.index_cast %scan3A_694 : i32 to index
        %get3A_1389 = arith.constant 160 : index
        %get3A_1390 = tpu.vector_load %arg13[%get3A_1388, %get3A_1389] {strides = array<i32>} : memref<64x192xf32, #tpu.memory_space<vmem>>, vector<16xf32>,
        %mul3A_1391 = arith.mulf %get3A_1390, %gather3A_1101 : vector<16xf32>
        %add3A_1392 = arith.constant 16 : i32
        %add3A_1393 = arith.addi %add3A_1392, %scan3A_694 : i32
        %get3A_1394 = arith.index_cast %add3A_1393 : i32 to index
        %get3A_1395 = arith.constant 160 : index
        %get3A_1396 = tpu.vector_load %arg13[%get3A_1394, %get3A_1395] {strides = array<i32>} : memref<64x192xf32, #tpu.memory_space<vmem>>, vector<16xf32>,
        %mul3A_1397 = arith.mulf %get3A_1396, %gather3A_1103 : vector<16xf32>
        %add3A_1398 = arith.addf %mul3A_1391, %mul3A_1397 : vector<16xf32>
        %add3A_1399 = arith.constant 32 : i32
        %add3A_1400 = arith.addi %add3A_1399, %scan3A_694 : i32
        %get3A_1401 = arith.index_cast %add3A_1400 : i32 to index
        %get3A_1402 = arith.constant 160 : index
        %get3A_1403 = tpu.vector_load %arg13[%get3A_1401, %get3A_1402] {strides = array<i32>} : memref<64x192xf32, #tpu.memory_space<vmem>>, vector<16xf32>,
        %mul3A_1404 = arith.mulf %get3A_1403, %gather3A_1105 : vector<16xf32>
        %add3A_1405 = arith.addf %add3A_1398, %mul3A_1404 : vector<16xf32>
        %add3A_1406 = arith.constant 48 : i32
        %add3A_1407 = arith.addi %add3A_1406, %scan3A_694 : i32
        %get3A_1408 = arith.index_cast %add3A_1407 : i32 to index
        %get3A_1409 = arith.constant 160 : index
        %get3A_1410 = tpu.vector_load %arg13[%get3A_1408, %get3A_1409] {strides = array<i32>} : memref<64x192xf32, #tpu.memory_space<vmem>>, vector<16xf32>,
        %mul3A_1411 = arith.mulf %get3A_1410, %gather3A_1107 : vector<16xf32>
        %add3A_1412 = arith.addf %add3A_1405, %mul3A_1411 : vector<16xf32>
        %add3A_1413 = arith.constant 160 : i32
        %add3A_1414 = vector.broadcast %add3A_1413 : i32 to vector<16xi32>
        %add3A_1415 = arith.addi %iota3A, %add3A_1414 : vector<16xi32>
        tpu.vector_store_idx %arg16[%add3A_1415, %broadcast_in_dim3A_719, %broadcast_in_dim3A_1099], %add3A_1412 : memref<192x2x24xf32, #tpu.memory_space<vmem>>[vector<16xi32>, vector<16xi32>, vector<16xi32>], vector<16xf32>,
        %get3A_1416 = arith.index_cast %scan3A_694 : i32 to index
        %get3A_1417 = arith.constant 176 : index
        %get3A_1418 = tpu.vector_load %arg13[%get3A_1416, %get3A_1417] {strides = array<i32>} : memref<64x192xf32, #tpu.memory_space<vmem>>, vector<16xf32>,
        %mul3A_1419 = arith.mulf %get3A_1418, %gather3A_1101 : vector<16xf32>
        %add3A_1420 = arith.constant 16 : i32
        %add3A_1421 = arith.addi %add3A_1420, %scan3A_694 : i32
        %get3A_1422 = arith.index_cast %add3A_1421 : i32 to index
        %get3A_1423 = arith.constant 176 : index
        %get3A_1424 = tpu.vector_load %arg13[%get3A_1422, %get3A_1423] {strides = array<i32>} : memref<64x192xf32, #tpu.memory_space<vmem>>, vector<16xf32>,
        %mul3A_1425 = arith.mulf %get3A_1424, %gather3A_1103 : vector<16xf32>
        %add3A_1426 = arith.addf %mul3A_1419, %mul3A_1425 : vector<16xf32>
        %add3A_1427 = arith.constant 32 : i32
        %add3A_1428 = arith.addi %add3A_1427, %scan3A_694 : i32
        %get3A_1429 = arith.index_cast %add3A_1428 : i32 to index
        %get3A_1430 = arith.constant 176 : index
        %get3A_1431 = tpu.vector_load %arg13[%get3A_1429, %get3A_1430] {strides = array<i32>} : memref<64x192xf32, #tpu.memory_space<vmem>>, vector<16xf32>,
        %mul3A_1432 = arith.mulf %get3A_1431, %gather3A_1105 : vector<16xf32>
        %add3A_1433 = arith.addf %add3A_1426, %mul3A_1432 : vector<16xf32>
        %add3A_1434 = arith.constant 48 : i32
        %add3A_1435 = arith.addi %add3A_1434, %scan3A_694 : i32
        %get3A_1436 = arith.index_cast %add3A_1435 : i32 to index
        %get3A_1437 = arith.constant 176 : index
        %get3A_1438 = tpu.vector_load %arg13[%get3A_1436, %get3A_1437] {strides = array<i32>} : memref<64x192xf32, #tpu.memory_space<vmem>>, vector<16xf32>,
        %mul3A_1439 = arith.mulf %get3A_1438, %gather3A_1107 : vector<16xf32>
        %add3A_1440 = arith.addf %add3A_1433, %mul3A_1439 : vector<16xf32>
        %add3A_1441 = arith.constant 176 : i32
        %add3A_1442 = vector.broadcast %add3A_1441 : i32 to vector<16xi32>
        %add3A_1443 = arith.addi %iota3A, %add3A_1442 : vector<16xi32>
        tpu.vector_store_idx %arg16[%add3A_1443, %broadcast_in_dim3A_719, %broadcast_in_dim3A_1099], %add3A_1440 : memref<192x2x24xf32, #tpu.memory_space<vmem>>[vector<16xi32>, vector<16xi32>, vector<16xi32>], vector<16xf32>,
        %jit3A_1444 = arith.constant 8 : i32
        %eq3A_1445 = arith.constant 0 : i32
        %eq3A_1446 = arith.cmpi eq, %jit3A_1444, %eq3A_1445 : i32
        %jit3A_1447 = arith.constant 1 : i32
        %select_n3A_1448 = arith.select %eq3A_1446, %jit3A_1447, %jit3A_1444 : i32
        %rem3A_1449 = arith.remsi %scan3A_694, %select_n3A_1448 : i32
        %ne3A_1450 = arith.constant 0 : i32
        %ne3A_1451 = arith.cmpi ne, %rem3A_1449, %ne3A_1450 : i32
        %lt3A_1452 = arith.constant 0 : i32
        %lt3A_1453 = arith.cmpi slt, %rem3A_1449, %lt3A_1452 : i32
        %lt3A_1454 = arith.constant 0 : i32
        %lt3A_1455 = arith.cmpi slt, %select_n3A_1448, %lt3A_1454 : i32
        %ne3A_1456 = arith.xori %lt3A_1453, %lt3A_1455 : i1
        %and3A_1457 = arith.andi %ne3A_1456, %ne3A_1451 : i1
        %add3A_1458 = arith.addi %rem3A_1449, %select_n3A_1448 : i32
        %select_n3A_1459 = arith.select %and3A_1457, %add3A_1458, %rem3A_1449 : i32
        %add3A_1460 = arith.constant 16 : i32
        %add3A_1461 = arith.addi %add3A_1460, %select_n3A_1459 : i32
        %broadcast_in_dim3A_1462 = vector.broadcast %add3A_1461 : i32 to vector<16xi32>
        %gather3A_1463 = vector.shape_cast %broadcast_in_dim3A : vector<16x1xi32> to vector<16xi32>
        %gather3A_1464 = tpu.dynamic_gather %bitcast3A_630[%gather3A_1463] in [0] : vector<16xf32>, vector<16xi32> -> vector<16xf32>
        %gather3A_1465 = vector.shape_cast %broadcast_in_dim3A : vector<16x1xi32> to vector<16xi32>
        %gather3A_1466 = tpu.dynamic_gather %bitcast3A_635[%gather3A_1465] in [0] : vector<16xf32>, vector<16xi32> -> vector<16xf32>
        %gather3A_1467 = vector.shape_cast %broadcast_in_dim3A : vector<16x1xi32> to vector<16xi32>
        %gather3A_1468 = tpu.dynamic_gather %bitcast3A_640[%gather3A_1467] in [0] : vector<16xf32>, vector<16xi32> -> vector<16xf32>
        %gather3A_1469 = vector.shape_cast %broadcast_in_dim3A : vector<16x1xi32> to vector<16xi32>
        %gather3A_1470 = tpu.dynamic_gather %bitcast3A_645[%gather3A_1469] in [0] : vector<16xf32>, vector<16xi32> -> vector<16xf32>
        %get3A_1471 = arith.index_cast %scan3A_694 : i32 to index
        %get3A_1472 = arith.constant 0 : index
        %get3A_1473 = tpu.vector_load %arg14[%get3A_1471, %get3A_1472] {strides = array<i32>} : memref<64x192xf32, #tpu.memory_space<vmem>>, vector<16xf32>,
        %mul3A_1474 = arith.mulf %get3A_1473, %gather3A_1464 : vector<16xf32>
        %add3A_1475 = arith.constant 16 : i32
        %add3A_1476 = arith.addi %add3A_1475, %scan3A_694 : i32
        %get3A_1477 = arith.index_cast %add3A_1476 : i32 to index
        %get3A_1478 = arith.constant 0 : index
        %get3A_1479 = tpu.vector_load %arg14[%get3A_1477, %get3A_1478] {strides = array<i32>} : memref<64x192xf32, #tpu.memory_space<vmem>>, vector<16xf32>,
        %mul3A_1480 = arith.mulf %get3A_1479, %gather3A_1466 : vector<16xf32>
        %add3A_1481 = arith.addf %mul3A_1474, %mul3A_1480 : vector<16xf32>
        %add3A_1482 = arith.constant 32 : i32
        %add3A_1483 = arith.addi %add3A_1482, %scan3A_694 : i32
        %get3A_1484 = arith.index_cast %add3A_1483 : i32 to index
        %get3A_1485 = arith.constant 0 : index
        %get3A_1486 = tpu.vector_load %arg14[%get3A_1484, %get3A_1485] {strides = array<i32>} : memref<64x192xf32, #tpu.memory_space<vmem>>, vector<16xf32>,
        %mul3A_1487 = arith.mulf %get3A_1486, %gather3A_1468 : vector<16xf32>
        %add3A_1488 = arith.addf %add3A_1481, %mul3A_1487 : vector<16xf32>
        %add3A_1489 = arith.constant 48 : i32
        %add3A_1490 = arith.addi %add3A_1489, %scan3A_694 : i32
        %get3A_1491 = arith.index_cast %add3A_1490 : i32 to index
        %get3A_1492 = arith.constant 0 : index
        %get3A_1493 = tpu.vector_load %arg14[%get3A_1491, %get3A_1492] {strides = array<i32>} : memref<64x192xf32, #tpu.memory_space<vmem>>, vector<16xf32>,
        %mul3A_1494 = arith.mulf %get3A_1493, %gather3A_1470 : vector<16xf32>
        %add3A_1495 = arith.addf %add3A_1488, %mul3A_1494 : vector<16xf32>
        %add3A_1496 = arith.constant 0 : i32
        %add3A_1497 = vector.broadcast %add3A_1496 : i32 to vector<16xi32>
        %add3A_1498 = arith.addi %iota3A, %add3A_1497 : vector<16xi32>
        tpu.vector_store_idx %arg16[%add3A_1498, %broadcast_in_dim3A_719, %broadcast_in_dim3A_1462], %add3A_1495 : memref<192x2x24xf32, #tpu.memory_space<vmem>>[vector<16xi32>, vector<16xi32>, vector<16xi32>], vector<16xf32>,
        %get3A_1499 = arith.index_cast %scan3A_694 : i32 to index
        %get3A_1500 = arith.constant 16 : index
        %get3A_1501 = tpu.vector_load %arg14[%get3A_1499, %get3A_1500] {strides = array<i32>} : memref<64x192xf32, #tpu.memory_space<vmem>>, vector<16xf32>,
        %mul3A_1502 = arith.mulf %get3A_1501, %gather3A_1464 : vector<16xf32>
        %add3A_1503 = arith.constant 16 : i32
        %add3A_1504 = arith.addi %add3A_1503, %scan3A_694 : i32
        %get3A_1505 = arith.index_cast %add3A_1504 : i32 to index
        %get3A_1506 = arith.constant 16 : index
        %get3A_1507 = tpu.vector_load %arg14[%get3A_1505, %get3A_1506] {strides = array<i32>} : memref<64x192xf32, #tpu.memory_space<vmem>>, vector<16xf32>,
        %mul3A_1508 = arith.mulf %get3A_1507, %gather3A_1466 : vector<16xf32>
        %add3A_1509 = arith.addf %mul3A_1502, %mul3A_1508 : vector<16xf32>
        %add3A_1510 = arith.constant 32 : i32
        %add3A_1511 = arith.addi %add3A_1510, %scan3A_694 : i32
        %get3A_1512 = arith.index_cast %add3A_1511 : i32 to index
        %get3A_1513 = arith.constant 16 : index
        %get3A_1514 = tpu.vector_load %arg14[%get3A_1512, %get3A_1513] {strides = array<i32>} : memref<64x192xf32, #tpu.memory_space<vmem>>, vector<16xf32>,
        %mul3A_1515 = arith.mulf %get3A_1514, %gather3A_1468 : vector<16xf32>
        %add3A_1516 = arith.addf %add3A_1509, %mul3A_1515 : vector<16xf32>
        %add3A_1517 = arith.constant 48 : i32
        %add3A_1518 = arith.addi %add3A_1517, %scan3A_694 : i32
        %get3A_1519 = arith.index_cast %add3A_1518 : i32 to index
        %get3A_1520 = arith.constant 16 : index
        %get3A_1521 = tpu.vector_load %arg14[%get3A_1519, %get3A_1520] {strides = array<i32>} : memref<64x192xf32, #tpu.memory_space<vmem>>, vector<16xf32>,
        %mul3A_1522 = arith.mulf %get3A_1521, %gather3A_1470 : vector<16xf32>
        %add3A_1523 = arith.addf %add3A_1516, %mul3A_1522 : vector<16xf32>
        %add3A_1524 = arith.constant 16 : i32
        %add3A_1525 = vector.broadcast %add3A_1524 : i32 to vector<16xi32>
        %add3A_1526 = arith.addi %iota3A, %add3A_1525 : vector<16xi32>
        tpu.vector_store_idx %arg16[%add3A_1526, %broadcast_in_dim3A_719, %broadcast_in_dim3A_1462], %add3A_1523 : memref<192x2x24xf32, #tpu.memory_space<vmem>>[vector<16xi32>, vector<16xi32>, vector<16xi32>], vector<16xf32>,
        %get3A_1527 = arith.index_cast %scan3A_694 : i32 to index
        %get3A_1528 = arith.constant 32 : index
        %get3A_1529 = tpu.vector_load %arg14[%get3A_1527, %get3A_1528] {strides = array<i32>} : memref<64x192xf32, #tpu.memory_space<vmem>>, vector<16xf32>,
        %mul3A_1530 = arith.mulf %get3A_1529, %gather3A_1464 : vector<16xf32>
        %add3A_1531 = arith.constant 16 : i32
        %add3A_1532 = arith.addi %add3A_1531, %scan3A_694 : i32
        %get3A_1533 = arith.index_cast %add3A_1532 : i32 to index
        %get3A_1534 = arith.constant 32 : index
        %get3A_1535 = tpu.vector_load %arg14[%get3A_1533, %get3A_1534] {strides = array<i32>} : memref<64x192xf32, #tpu.memory_space<vmem>>, vector<16xf32>,
        %mul3A_1536 = arith.mulf %get3A_1535, %gather3A_1466 : vector<16xf32>
        %add3A_1537 = arith.addf %mul3A_1530, %mul3A_1536 : vector<16xf32>
        %add3A_1538 = arith.constant 32 : i32
        %add3A_1539 = arith.addi %add3A_1538, %scan3A_694 : i32
        %get3A_1540 = arith.index_cast %add3A_1539 : i32 to index
        %get3A_1541 = arith.constant 32 : index
        %get3A_1542 = tpu.vector_load %arg14[%get3A_1540, %get3A_1541] {strides = array<i32>} : memref<64x192xf32, #tpu.memory_space<vmem>>, vector<16xf32>,
        %mul3A_1543 = arith.mulf %get3A_1542, %gather3A_1468 : vector<16xf32>
        %add3A_1544 = arith.addf %add3A_1537, %mul3A_1543 : vector<16xf32>
        %add3A_1545 = arith.constant 48 : i32
        %add3A_1546 = arith.addi %add3A_1545, %scan3A_694 : i32
        %get3A_1547 = arith.index_cast %add3A_1546 : i32 to index
        %get3A_1548 = arith.constant 32 : index
        %get3A_1549 = tpu.vector_load %arg14[%get3A_1547, %get3A_1548] {strides = array<i32>} : memref<64x192xf32, #tpu.memory_space<vmem>>, vector<16xf32>,
        %mul3A_1550 = arith.mulf %get3A_1549, %gather3A_1470 : vector<16xf32>
        %add3A_1551 = arith.addf %add3A_1544, %mul3A_1550 : vector<16xf32>
        %add3A_1552 = arith.constant 32 : i32
        %add3A_1553 = vector.broadcast %add3A_1552 : i32 to vector<16xi32>
        %add3A_1554 = arith.addi %iota3A, %add3A_1553 : vector<16xi32>
        tpu.vector_store_idx %arg16[%add3A_1554, %broadcast_in_dim3A_719, %broadcast_in_dim3A_1462], %add3A_1551 : memref<192x2x24xf32, #tpu.memory_space<vmem>>[vector<16xi32>, vector<16xi32>, vector<16xi32>], vector<16xf32>,
        %get3A_1555 = arith.index_cast %scan3A_694 : i32 to index
        %get3A_1556 = arith.constant 48 : index
        %get3A_1557 = tpu.vector_load %arg14[%get3A_1555, %get3A_1556] {strides = array<i32>} : memref<64x192xf32, #tpu.memory_space<vmem>>, vector<16xf32>,
        %mul3A_1558 = arith.mulf %get3A_1557, %gather3A_1464 : vector<16xf32>
        %add3A_1559 = arith.constant 16 : i32
        %add3A_1560 = arith.addi %add3A_1559, %scan3A_694 : i32
        %get3A_1561 = arith.index_cast %add3A_1560 : i32 to index
        %get3A_1562 = arith.constant 48 : index
        %get3A_1563 = tpu.vector_load %arg14[%get3A_1561, %get3A_1562] {strides = array<i32>} : memref<64x192xf32, #tpu.memory_space<vmem>>, vector<16xf32>,
        %mul3A_1564 = arith.mulf %get3A_1563, %gather3A_1466 : vector<16xf32>
        %add3A_1565 = arith.addf %mul3A_1558, %mul3A_1564 : vector<16xf32>
        %add3A_1566 = arith.constant 32 : i32
        %add3A_1567 = arith.addi %add3A_1566, %scan3A_694 : i32
        %get3A_1568 = arith.index_cast %add3A_1567 : i32 to index
        %get3A_1569 = arith.constant 48 : index
        %get3A_1570 = tpu.vector_load %arg14[%get3A_1568, %get3A_1569] {strides = array<i32>} : memref<64x192xf32, #tpu.memory_space<vmem>>, vector<16xf32>,
        %mul3A_1571 = arith.mulf %get3A_1570, %gather3A_1468 : vector<16xf32>
        %add3A_1572 = arith.addf %add3A_1565, %mul3A_1571 : vector<16xf32>
        %add3A_1573 = arith.constant 48 : i32
        %add3A_1574 = arith.addi %add3A_1573, %scan3A_694 : i32
        %get3A_1575 = arith.index_cast %add3A_1574 : i32 to index
        %get3A_1576 = arith.constant 48 : index
        %get3A_1577 = tpu.vector_load %arg14[%get3A_1575, %get3A_1576] {strides = array<i32>} : memref<64x192xf32, #tpu.memory_space<vmem>>, vector<16xf32>,
        %mul3A_1578 = arith.mulf %get3A_1577, %gather3A_1470 : vector<16xf32>
        %add3A_1579 = arith.addf %add3A_1572, %mul3A_1578 : vector<16xf32>
        %add3A_1580 = arith.constant 48 : i32
        %add3A_1581 = vector.broadcast %add3A_1580 : i32 to vector<16xi32>
        %add3A_1582 = arith.addi %iota3A, %add3A_1581 : vector<16xi32>
        tpu.vector_store_idx %arg16[%add3A_1582, %broadcast_in_dim3A_719, %broadcast_in_dim3A_1462], %add3A_1579 : memref<192x2x24xf32, #tpu.memory_space<vmem>>[vector<16xi32>, vector<16xi32>, vector<16xi32>], vector<16xf32>,
        %get3A_1583 = arith.index_cast %scan3A_694 : i32 to index
        %get3A_1584 = arith.constant 64 : index
        %get3A_1585 = tpu.vector_load %arg14[%get3A_1583, %get3A_1584] {strides = array<i32>} : memref<64x192xf32, #tpu.memory_space<vmem>>, vector<16xf32>,
        %mul3A_1586 = arith.mulf %get3A_1585, %gather3A_1464 : vector<16xf32>
        %add3A_1587 = arith.constant 16 : i32
        %add3A_1588 = arith.addi %add3A_1587, %scan3A_694 : i32
        %get3A_1589 = arith.index_cast %add3A_1588 : i32 to index
        %get3A_1590 = arith.constant 64 : index
        %get3A_1591 = tpu.vector_load %arg14[%get3A_1589, %get3A_1590] {strides = array<i32>} : memref<64x192xf32, #tpu.memory_space<vmem>>, vector<16xf32>,
        %mul3A_1592 = arith.mulf %get3A_1591, %gather3A_1466 : vector<16xf32>
        %add3A_1593 = arith.addf %mul3A_1586, %mul3A_1592 : vector<16xf32>
        %add3A_1594 = arith.constant 32 : i32
        %add3A_1595 = arith.addi %add3A_1594, %scan3A_694 : i32
        %get3A_1596 = arith.index_cast %add3A_1595 : i32 to index
        %get3A_1597 = arith.constant 64 : index
        %get3A_1598 = tpu.vector_load %arg14[%get3A_1596, %get3A_1597] {strides = array<i32>} : memref<64x192xf32, #tpu.memory_space<vmem>>, vector<16xf32>,
        %mul3A_1599 = arith.mulf %get3A_1598, %gather3A_1468 : vector<16xf32>
        %add3A_1600 = arith.addf %add3A_1593, %mul3A_1599 : vector<16xf32>
        %add3A_1601 = arith.constant 48 : i32
        %add3A_1602 = arith.addi %add3A_1601, %scan3A_694 : i32
        %get3A_1603 = arith.index_cast %add3A_1602 : i32 to index
        %get3A_1604 = arith.constant 64 : index
        %get3A_1605 = tpu.vector_load %arg14[%get3A_1603, %get3A_1604] {strides = array<i32>} : memref<64x192xf32, #tpu.memory_space<vmem>>, vector<16xf32>,
        %mul3A_1606 = arith.mulf %get3A_1605, %gather3A_1470 : vector<16xf32>
        %add3A_1607 = arith.addf %add3A_1600, %mul3A_1606 : vector<16xf32>
        %add3A_1608 = arith.constant 64 : i32
        %add3A_1609 = vector.broadcast %add3A_1608 : i32 to vector<16xi32>
        %add3A_1610 = arith.addi %iota3A, %add3A_1609 : vector<16xi32>
        tpu.vector_store_idx %arg16[%add3A_1610, %broadcast_in_dim3A_719, %broadcast_in_dim3A_1462], %add3A_1607 : memref<192x2x24xf32, #tpu.memory_space<vmem>>[vector<16xi32>, vector<16xi32>, vector<16xi32>], vector<16xf32>,
        %get3A_1611 = arith.index_cast %scan3A_694 : i32 to index
        %get3A_1612 = arith.constant 80 : index
        %get3A_1613 = tpu.vector_load %arg14[%get3A_1611, %get3A_1612] {strides = array<i32>} : memref<64x192xf32, #tpu.memory_space<vmem>>, vector<16xf32>,
        %mul3A_1614 = arith.mulf %get3A_1613, %gather3A_1464 : vector<16xf32>
        %add3A_1615 = arith.constant 16 : i32
        %add3A_1616 = arith.addi %add3A_1615, %scan3A_694 : i32
        %get3A_1617 = arith.index_cast %add3A_1616 : i32 to index
        %get3A_1618 = arith.constant 80 : index
        %get3A_1619 = tpu.vector_load %arg14[%get3A_1617, %get3A_1618] {strides = array<i32>} : memref<64x192xf32, #tpu.memory_space<vmem>>, vector<16xf32>,
        %mul3A_1620 = arith.mulf %get3A_1619, %gather3A_1466 : vector<16xf32>
        %add3A_1621 = arith.addf %mul3A_1614, %mul3A_1620 : vector<16xf32>
        %add3A_1622 = arith.constant 32 : i32
        %add3A_1623 = arith.addi %add3A_1622, %scan3A_694 : i32
        %get3A_1624 = arith.index_cast %add3A_1623 : i32 to index
        %get3A_1625 = arith.constant 80 : index
        %get3A_1626 = tpu.vector_load %arg14[%get3A_1624, %get3A_1625] {strides = array<i32>} : memref<64x192xf32, #tpu.memory_space<vmem>>, vector<16xf32>,
        %mul3A_1627 = arith.mulf %get3A_1626, %gather3A_1468 : vector<16xf32>
        %add3A_1628 = arith.addf %add3A_1621, %mul3A_1627 : vector<16xf32>
        %add3A_1629 = arith.constant 48 : i32
        %add3A_1630 = arith.addi %add3A_1629, %scan3A_694 : i32
        %get3A_1631 = arith.index_cast %add3A_1630 : i32 to index
        %get3A_1632 = arith.constant 80 : index
        %get3A_1633 = tpu.vector_load %arg14[%get3A_1631, %get3A_1632] {strides = array<i32>} : memref<64x192xf32, #tpu.memory_space<vmem>>, vector<16xf32>,
        %mul3A_1634 = arith.mulf %get3A_1633, %gather3A_1470 : vector<16xf32>
        %add3A_1635 = arith.addf %add3A_1628, %mul3A_1634 : vector<16xf32>
        %add3A_1636 = arith.constant 80 : i32
        %add3A_1637 = vector.broadcast %add3A_1636 : i32 to vector<16xi32>
        %add3A_1638 = arith.addi %iota3A, %add3A_1637 : vector<16xi32>
        tpu.vector_store_idx %arg16[%add3A_1638, %broadcast_in_dim3A_719, %broadcast_in_dim3A_1462], %add3A_1635 : memref<192x2x24xf32, #tpu.memory_space<vmem>>[vector<16xi32>, vector<16xi32>, vector<16xi32>], vector<16xf32>,
        %get3A_1639 = arith.index_cast %scan3A_694 : i32 to index
        %get3A_1640 = arith.constant 96 : index
        %get3A_1641 = tpu.vector_load %arg14[%get3A_1639, %get3A_1640] {strides = array<i32>} : memref<64x192xf32, #tpu.memory_space<vmem>>, vector<16xf32>,
        %mul3A_1642 = arith.mulf %get3A_1641, %gather3A_1464 : vector<16xf32>
        %add3A_1643 = arith.constant 16 : i32
        %add3A_1644 = arith.addi %add3A_1643, %scan3A_694 : i32
        %get3A_1645 = arith.index_cast %add3A_1644 : i32 to index
        %get3A_1646 = arith.constant 96 : index
        %get3A_1647 = tpu.vector_load %arg14[%get3A_1645, %get3A_1646] {strides = array<i32>} : memref<64x192xf32, #tpu.memory_space<vmem>>, vector<16xf32>,
        %mul3A_1648 = arith.mulf %get3A_1647, %gather3A_1466 : vector<16xf32>
        %add3A_1649 = arith.addf %mul3A_1642, %mul3A_1648 : vector<16xf32>
        %add3A_1650 = arith.constant 32 : i32
        %add3A_1651 = arith.addi %add3A_1650, %scan3A_694 : i32
        %get3A_1652 = arith.index_cast %add3A_1651 : i32 to index
        %get3A_1653 = arith.constant 96 : index
        %get3A_1654 = tpu.vector_load %arg14[%get3A_1652, %get3A_1653] {strides = array<i32>} : memref<64x192xf32, #tpu.memory_space<vmem>>, vector<16xf32>,
        %mul3A_1655 = arith.mulf %get3A_1654, %gather3A_1468 : vector<16xf32>
        %add3A_1656 = arith.addf %add3A_1649, %mul3A_1655 : vector<16xf32>
        %add3A_1657 = arith.constant 48 : i32
        %add3A_1658 = arith.addi %add3A_1657, %scan3A_694 : i32
        %get3A_1659 = arith.index_cast %add3A_1658 : i32 to index
        %get3A_1660 = arith.constant 96 : index
        %get3A_1661 = tpu.vector_load %arg14[%get3A_1659, %get3A_1660] {strides = array<i32>} : memref<64x192xf32, #tpu.memory_space<vmem>>, vector<16xf32>,
        %mul3A_1662 = arith.mulf %get3A_1661, %gather3A_1470 : vector<16xf32>
        %add3A_1663 = arith.addf %add3A_1656, %mul3A_1662 : vector<16xf32>
        %add3A_1664 = arith.constant 96 : i32
        %add3A_1665 = vector.broadcast %add3A_1664 : i32 to vector<16xi32>
        %add3A_1666 = arith.addi %iota3A, %add3A_1665 : vector<16xi32>
        tpu.vector_store_idx %arg16[%add3A_1666, %broadcast_in_dim3A_719, %broadcast_in_dim3A_1462], %add3A_1663 : memref<192x2x24xf32, #tpu.memory_space<vmem>>[vector<16xi32>, vector<16xi32>, vector<16xi32>], vector<16xf32>,
        %get3A_1667 = arith.index_cast %scan3A_694 : i32 to index
        %get3A_1668 = arith.constant 112 : index
        %get3A_1669 = tpu.vector_load %arg14[%get3A_1667, %get3A_1668] {strides = array<i32>} : memref<64x192xf32, #tpu.memory_space<vmem>>, vector<16xf32>,
        %mul3A_1670 = arith.mulf %get3A_1669, %gather3A_1464 : vector<16xf32>
        %add3A_1671 = arith.constant 16 : i32
        %add3A_1672 = arith.addi %add3A_1671, %scan3A_694 : i32
        %get3A_1673 = arith.index_cast %add3A_1672 : i32 to index
        %get3A_1674 = arith.constant 112 : index
        %get3A_1675 = tpu.vector_load %arg14[%get3A_1673, %get3A_1674] {strides = array<i32>} : memref<64x192xf32, #tpu.memory_space<vmem>>, vector<16xf32>,
        %mul3A_1676 = arith.mulf %get3A_1675, %gather3A_1466 : vector<16xf32>
        %add3A_1677 = arith.addf %mul3A_1670, %mul3A_1676 : vector<16xf32>
        %add3A_1678 = arith.constant 32 : i32
        %add3A_1679 = arith.addi %add3A_1678, %scan3A_694 : i32
        %get3A_1680 = arith.index_cast %add3A_1679 : i32 to index
        %get3A_1681 = arith.constant 112 : index
        %get3A_1682 = tpu.vector_load %arg14[%get3A_1680, %get3A_1681] {strides = array<i32>} : memref<64x192xf32, #tpu.memory_space<vmem>>, vector<16xf32>,
        %mul3A_1683 = arith.mulf %get3A_1682, %gather3A_1468 : vector<16xf32>
        %add3A_1684 = arith.addf %add3A_1677, %mul3A_1683 : vector<16xf32>
        %add3A_1685 = arith.constant 48 : i32
        %add3A_1686 = arith.addi %add3A_1685, %scan3A_694 : i32
        %get3A_1687 = arith.index_cast %add3A_1686 : i32 to index
        %get3A_1688 = arith.constant 112 : index
        %get3A_1689 = tpu.vector_load %arg14[%get3A_1687, %get3A_1688] {strides = array<i32>} : memref<64x192xf32, #tpu.memory_space<vmem>>, vector<16xf32>,
        %mul3A_1690 = arith.mulf %get3A_1689, %gather3A_1470 : vector<16xf32>
        %add3A_1691 = arith.addf %add3A_1684, %mul3A_1690 : vector<16xf32>
        %add3A_1692 = arith.constant 112 : i32
        %add3A_1693 = vector.broadcast %add3A_1692 : i32 to vector<16xi32>
        %add3A_1694 = arith.addi %iota3A, %add3A_1693 : vector<16xi32>
        tpu.vector_store_idx %arg16[%add3A_1694, %broadcast_in_dim3A_719, %broadcast_in_dim3A_1462], %add3A_1691 : memref<192x2x24xf32, #tpu.memory_space<vmem>>[vector<16xi32>, vector<16xi32>, vector<16xi32>], vector<16xf32>,
        %get3A_1695 = arith.index_cast %scan3A_694 : i32 to index
        %get3A_1696 = arith.constant 128 : index
        %get3A_1697 = tpu.vector_load %arg14[%get3A_1695, %get3A_1696] {strides = array<i32>} : memref<64x192xf32, #tpu.memory_space<vmem>>, vector<16xf32>,
        %mul3A_1698 = arith.mulf %get3A_1697, %gather3A_1464 : vector<16xf32>
        %add3A_1699 = arith.constant 16 : i32
        %add3A_1700 = arith.addi %add3A_1699, %scan3A_694 : i32
        %get3A_1701 = arith.index_cast %add3A_1700 : i32 to index
        %get3A_1702 = arith.constant 128 : index
        %get3A_1703 = tpu.vector_load %arg14[%get3A_1701, %get3A_1702] {strides = array<i32>} : memref<64x192xf32, #tpu.memory_space<vmem>>, vector<16xf32>,
        %mul3A_1704 = arith.mulf %get3A_1703, %gather3A_1466 : vector<16xf32>
        %add3A_1705 = arith.addf %mul3A_1698, %mul3A_1704 : vector<16xf32>
        %add3A_1706 = arith.constant 32 : i32
        %add3A_1707 = arith.addi %add3A_1706, %scan3A_694 : i32
        %get3A_1708 = arith.index_cast %add3A_1707 : i32 to index
        %get3A_1709 = arith.constant 128 : index
        %get3A_1710 = tpu.vector_load %arg14[%get3A_1708, %get3A_1709] {strides = array<i32>} : memref<64x192xf32, #tpu.memory_space<vmem>>, vector<16xf32>,
        %mul3A_1711 = arith.mulf %get3A_1710, %gather3A_1468 : vector<16xf32>
        %add3A_1712 = arith.addf %add3A_1705, %mul3A_1711 : vector<16xf32>
        %add3A_1713 = arith.constant 48 : i32
        %add3A_1714 = arith.addi %add3A_1713, %scan3A_694 : i32
        %get3A_1715 = arith.index_cast %add3A_1714 : i32 to index
        %get3A_1716 = arith.constant 128 : index
        %get3A_1717 = tpu.vector_load %arg14[%get3A_1715, %get3A_1716] {strides = array<i32>} : memref<64x192xf32, #tpu.memory_space<vmem>>, vector<16xf32>,
        %mul3A_1718 = arith.mulf %get3A_1717, %gather3A_1470 : vector<16xf32>
        %add3A_1719 = arith.addf %add3A_1712, %mul3A_1718 : vector<16xf32>
        %add3A_1720 = arith.constant 128 : i32
        %add3A_1721 = vector.broadcast %add3A_1720 : i32 to vector<16xi32>
        %add3A_1722 = arith.addi %iota3A, %add3A_1721 : vector<16xi32>
        tpu.vector_store_idx %arg16[%add3A_1722, %broadcast_in_dim3A_719, %broadcast_in_dim3A_1462], %add3A_1719 : memref<192x2x24xf32, #tpu.memory_space<vmem>>[vector<16xi32>, vector<16xi32>, vector<16xi32>], vector<16xf32>,
        %get3A_1723 = arith.index_cast %scan3A_694 : i32 to index
        %get3A_1724 = arith.constant 144 : index
        %get3A_1725 = tpu.vector_load %arg14[%get3A_1723, %get3A_1724] {strides = array<i32>} : memref<64x192xf32, #tpu.memory_space<vmem>>, vector<16xf32>,
        %mul3A_1726 = arith.mulf %get3A_1725, %gather3A_1464 : vector<16xf32>
        %add3A_1727 = arith.constant 16 : i32
        %add3A_1728 = arith.addi %add3A_1727, %scan3A_694 : i32
        %get3A_1729 = arith.index_cast %add3A_1728 : i32 to index
        %get3A_1730 = arith.constant 144 : index
        %get3A_1731 = tpu.vector_load %arg14[%get3A_1729, %get3A_1730] {strides = array<i32>} : memref<64x192xf32, #tpu.memory_space<vmem>>, vector<16xf32>,
        %mul3A_1732 = arith.mulf %get3A_1731, %gather3A_1466 : vector<16xf32>
        %add3A_1733 = arith.addf %mul3A_1726, %mul3A_1732 : vector<16xf32>
        %add3A_1734 = arith.constant 32 : i32
        %add3A_1735 = arith.addi %add3A_1734, %scan3A_694 : i32
        %get3A_1736 = arith.index_cast %add3A_1735 : i32 to index
        %get3A_1737 = arith.constant 144 : index
        %get3A_1738 = tpu.vector_load %arg14[%get3A_1736, %get3A_1737] {strides = array<i32>} : memref<64x192xf32, #tpu.memory_space<vmem>>, vector<16xf32>,
        %mul3A_1739 = arith.mulf %get3A_1738, %gather3A_1468 : vector<16xf32>
        %add3A_1740 = arith.addf %add3A_1733, %mul3A_1739 : vector<16xf32>
        %add3A_1741 = arith.constant 48 : i32
        %add3A_1742 = arith.addi %add3A_1741, %scan3A_694 : i32
        %get3A_1743 = arith.index_cast %add3A_1742 : i32 to index
        %get3A_1744 = arith.constant 144 : index
        %get3A_1745 = tpu.vector_load %arg14[%get3A_1743, %get3A_1744] {strides = array<i32>} : memref<64x192xf32, #tpu.memory_space<vmem>>, vector<16xf32>,
        %mul3A_1746 = arith.mulf %get3A_1745, %gather3A_1470 : vector<16xf32>
        %add3A_1747 = arith.addf %add3A_1740, %mul3A_1746 : vector<16xf32>
        %add3A_1748 = arith.constant 144 : i32
        %add3A_1749 = vector.broadcast %add3A_1748 : i32 to vector<16xi32>
        %add3A_1750 = arith.addi %iota3A, %add3A_1749 : vector<16xi32>
        tpu.vector_store_idx %arg16[%add3A_1750, %broadcast_in_dim3A_719, %broadcast_in_dim3A_1462], %add3A_1747 : memref<192x2x24xf32, #tpu.memory_space<vmem>>[vector<16xi32>, vector<16xi32>, vector<16xi32>], vector<16xf32>,
        %get3A_1751 = arith.index_cast %scan3A_694 : i32 to index
        %get3A_1752 = arith.constant 160 : index
        %get3A_1753 = tpu.vector_load %arg14[%get3A_1751, %get3A_1752] {strides = array<i32>} : memref<64x192xf32, #tpu.memory_space<vmem>>, vector<16xf32>,
        %mul3A_1754 = arith.mulf %get3A_1753, %gather3A_1464 : vector<16xf32>
        %add3A_1755 = arith.constant 16 : i32
        %add3A_1756 = arith.addi %add3A_1755, %scan3A_694 : i32
        %get3A_1757 = arith.index_cast %add3A_1756 : i32 to index
        %get3A_1758 = arith.constant 160 : index
        %get3A_1759 = tpu.vector_load %arg14[%get3A_1757, %get3A_1758] {strides = array<i32>} : memref<64x192xf32, #tpu.memory_space<vmem>>, vector<16xf32>,
        %mul3A_1760 = arith.mulf %get3A_1759, %gather3A_1466 : vector<16xf32>
        %add3A_1761 = arith.addf %mul3A_1754, %mul3A_1760 : vector<16xf32>
        %add3A_1762 = arith.constant 32 : i32
        %add3A_1763 = arith.addi %add3A_1762, %scan3A_694 : i32
        %get3A_1764 = arith.index_cast %add3A_1763 : i32 to index
        %get3A_1765 = arith.constant 160 : index
        %get3A_1766 = tpu.vector_load %arg14[%get3A_1764, %get3A_1765] {strides = array<i32>} : memref<64x192xf32, #tpu.memory_space<vmem>>, vector<16xf32>,
        %mul3A_1767 = arith.mulf %get3A_1766, %gather3A_1468 : vector<16xf32>
        %add3A_1768 = arith.addf %add3A_1761, %mul3A_1767 : vector<16xf32>
        %add3A_1769 = arith.constant 48 : i32
        %add3A_1770 = arith.addi %add3A_1769, %scan3A_694 : i32
        %get3A_1771 = arith.index_cast %add3A_1770 : i32 to index
        %get3A_1772 = arith.constant 160 : index
        %get3A_1773 = tpu.vector_load %arg14[%get3A_1771, %get3A_1772] {strides = array<i32>} : memref<64x192xf32, #tpu.memory_space<vmem>>, vector<16xf32>,
        %mul3A_1774 = arith.mulf %get3A_1773, %gather3A_1470 : vector<16xf32>
        %add3A_1775 = arith.addf %add3A_1768, %mul3A_1774 : vector<16xf32>
        %add3A_1776 = arith.constant 160 : i32
        %add3A_1777 = vector.broadcast %add3A_1776 : i32 to vector<16xi32>
        %add3A_1778 = arith.addi %iota3A, %add3A_1777 : vector<16xi32>
        tpu.vector_store_idx %arg16[%add3A_1778, %broadcast_in_dim3A_719, %broadcast_in_dim3A_1462], %add3A_1775 : memref<192x2x24xf32, #tpu.memory_space<vmem>>[vector<16xi32>, vector<16xi32>, vector<16xi32>], vector<16xf32>,
        %get3A_1779 = arith.index_cast %scan3A_694 : i32 to index
        %get3A_1780 = arith.constant 176 : index
        %get3A_1781 = tpu.vector_load %arg14[%get3A_1779, %get3A_1780] {strides = array<i32>} : memref<64x192xf32, #tpu.memory_space<vmem>>, vector<16xf32>,
        %mul3A_1782 = arith.mulf %get3A_1781, %gather3A_1464 : vector<16xf32>
        %add3A_1783 = arith.constant 16 : i32
        %add3A_1784 = arith.addi %add3A_1783, %scan3A_694 : i32
        %get3A_1785 = arith.index_cast %add3A_1784 : i32 to index
        %get3A_1786 = arith.constant 176 : index
        %get3A_1787 = tpu.vector_load %arg14[%get3A_1785, %get3A_1786] {strides = array<i32>} : memref<64x192xf32, #tpu.memory_space<vmem>>, vector<16xf32>,
        %mul3A_1788 = arith.mulf %get3A_1787, %gather3A_1466 : vector<16xf32>
        %add3A_1789 = arith.addf %mul3A_1782, %mul3A_1788 : vector<16xf32>
        %add3A_1790 = arith.constant 32 : i32
        %add3A_1791 = arith.addi %add3A_1790, %scan3A_694 : i32
        %get3A_1792 = arith.index_cast %add3A_1791 : i32 to index
        %get3A_1793 = arith.constant 176 : index
        %get3A_1794 = tpu.vector_load %arg14[%get3A_1792, %get3A_1793] {strides = array<i32>} : memref<64x192xf32, #tpu.memory_space<vmem>>, vector<16xf32>,
        %mul3A_1795 = arith.mulf %get3A_1794, %gather3A_1468 : vector<16xf32>
        %add3A_1796 = arith.addf %add3A_1789, %mul3A_1795 : vector<16xf32>
        %add3A_1797 = arith.constant 48 : i32
        %add3A_1798 = arith.addi %add3A_1797, %scan3A_694 : i32
        %get3A_1799 = arith.index_cast %add3A_1798 : i32 to index
        %get3A_1800 = arith.constant 176 : index
        %get3A_1801 = tpu.vector_load %arg14[%get3A_1799, %get3A_1800] {strides = array<i32>} : memref<64x192xf32, #tpu.memory_space<vmem>>, vector<16xf32>,
        %mul3A_1802 = arith.mulf %get3A_1801, %gather3A_1470 : vector<16xf32>
        %add3A_1803 = arith.addf %add3A_1796, %mul3A_1802 : vector<16xf32>
        %add3A_1804 = arith.constant 176 : i32
        %add3A_1805 = vector.broadcast %add3A_1804 : i32 to vector<16xi32>
        %add3A_1806 = arith.addi %iota3A, %add3A_1805 : vector<16xi32>
        tpu.vector_store_idx %arg16[%add3A_1806, %broadcast_in_dim3A_719, %broadcast_in_dim3A_1462], %add3A_1803 : memref<192x2x24xf32, #tpu.memory_space<vmem>>[vector<16xi32>, vector<16xi32>, vector<16xi32>], vector<16xf32>,
      }
      %scan3A_651 = arith.constant 16 : i32
      %mul3A_652 = arith.constant 1024 : i32
      %mul3A_653 = arith.muli %add3A, %mul3A_652 : i32
      %mul3A_654 = arith.constant 16 : i32
      %mul3A_655 = arith.muli %add3A_429, %mul3A_654 : i32
      %add3A_656 = arith.addi %mul3A_653, %mul3A_655 : i32
      %jit3A_657 = arith.constant 8 : i32
      %div3A_658 = arith.divsi %add3A_656, %jit3A_657 : i32
      %sign3A_659 = arith.constant 0 : i32
      %sign3A_660 = arith.cmpi sgt, %add3A_656, %sign3A_659 : i32
      %sign3A_661 = arith.extui %sign3A_660 : i1 to i32
      %sign3A_662 = arith.constant 0 : i32
      %sign3A_663 = arith.cmpi slt, %add3A_656, %sign3A_662 : i32
      %sign3A_664 = arith.extui %sign3A_663 : i1 to i32
      %sign3A_665 = arith.subi %sign3A_661, %sign3A_664 : i32
      %sign3A_666 = arith.constant 0 : i32
      %sign3A_667 = arith.cmpi sgt, %jit3A_657, %sign3A_666 : i32
      %sign3A_668 = arith.extui %sign3A_667 : i1 to i32
      %sign3A_669 = arith.constant 0 : i32
      %sign3A_670 = arith.cmpi slt, %jit3A_657, %sign3A_669 : i32
      %sign3A_671 = arith.extui %sign3A_670 : i1 to i32
      %sign3A_672 = arith.subi %sign3A_668, %sign3A_671 : i32
      %ne3A_673 = arith.cmpi ne, %sign3A_665, %sign3A_672 : i32
      %rem3A_674 = arith.remsi %add3A_656, %jit3A_657 : i32
      %ne3A_675 = arith.constant 0 : i32
      %ne3A_676 = arith.cmpi ne, %rem3A_674, %ne3A_675 : i32
      %and3A_677 = arith.andi %ne3A_673, %ne3A_676 : i1
      %sub3A_678 = arith.constant 1 : i32
      %sub3A_679 = arith.subi %div3A_658, %sub3A_678 : i32
      %select_n3A_680 = arith.select %and3A_677, %sub3A_679, %div3A_658 : i32
      %dma_start3A_681 = arith.constant 0 : i32
      %dma_start3A_682 = arith.constant 0 : i32
      %dma_start3A_683 = tpu.memref_slice %arg6[%dma_start3A_681, %select_n3A_680, %dma_start3A_682] : memref<192x4096x24xf32, #tpu.memory_space<hbm>> -> memref<192x2x24xf32, #tpu.memory_space<hbm>>
      %dma_start3A_684 = arith.constant 0 : i32
      %dma_start3A_685 = arith.constant 0 : i32
      %dma_start3A_686 = tpu.memref_slice %arg6[%dma_start3A_684, %select_n3A_680, %dma_start3A_685] : memref<192x4096x24xf32, #tpu.memory_space<hbm>> -> memref<192x2x24xf32, #tpu.memory_space<hbm>>
      tpu.enqueue_dma source(%arg16 : memref<192x2x24xf32, #tpu.memory_space<vmem>>) target(%dma_start3A_686 : memref<192x2x24xf32, #tpu.memory_space<hbm>>) target_semaphore(%arg22 : memref<!tpu.dma_semaphore, #tpu.memory_space<semaphore_mem>>)
      %add3A_687 = arith.constant 2 : i32
      %add3A_688 = arith.addi %add3A_429, %add3A_687 : i32
      %lt3A_689 = arith.constant 64 : i32
      %lt3A_690 = arith.cmpi slt, %add3A_688, %lt3A_689 : i32
      %convert_element_type3A_691 = arith.extui %lt3A_690 : i1 to i32
      %cond3A_692 = arith.constant 0 : i32
      %cond3A_693 = arith.cmpi ne, %convert_element_type3A_691, %cond3A_692 : i32
      scf.if %cond3A_693 {
        %add3A_694 = arith.constant 2 : i32
        %add3A_695 = arith.addi %add3A_429, %add3A_694 : i32
        %mul3A_696 = arith.constant 64 : i32
        %mul3A_697 = arith.muli %add3A, %mul3A_696 : i32
        %add3A_698 = arith.addi %mul3A_697, %add3A_695 : i32
        %dma_start3A_699 = arith.constant 0 : i32
        %dma_start3A_700 = arith.constant 0 : i32
        %dma_start3A_701 = tpu.memref_slice %arg5[%dma_start3A_699, %add3A_698, %dma_start3A_700] : memref<24x2048x16xi32, #tpu.memory_space<hbm>> -> memref<24x1x16xi32, #tpu.memory_space<hbm>>
        %dma_start3A_702 = tpu.memref_squeeze %dma_start3A_701 : memref<24x1x16xi32, #tpu.memory_space<hbm>> -> memref<24x16xi32, #tpu.memory_space<hbm>>
        %dma_start3A_703 = arith.constant 0 : i32
        %dma_start3A_704 = arith.constant 0 : i32
        %dma_start3A_705 = tpu.memref_slice %arg5[%dma_start3A_703, %add3A_698, %dma_start3A_704] : memref<24x2048x16xi32, #tpu.memory_space<hbm>> -> memref<24x1x16xi32, #tpu.memory_space<hbm>>
        %dma_start3A_706 = tpu.memref_squeeze %dma_start3A_705 : memref<24x1x16xi32, #tpu.memory_space<hbm>> -> memref<24x16xi32, #tpu.memory_space<hbm>>
        tpu.enqueue_dma source(%dma_start3A_706 : memref<24x16xi32, #tpu.memory_space<hbm>>) target(%arg8 : memref<24x16xi32, #tpu.memory_space<vmem>>) target_semaphore(%arg18 : memref<!tpu.dma_semaphore, #tpu.memory_space<semaphore_mem>>)
      } else {
      }
    }
    %scan3A_156 = arith.constant 32 : i32
    %dma_wait3A_157 = arith.constant 0 : i32
    %dma_wait3A_158 = arith.constant 0 : i32
    %dma_wait3A_159 = arith.constant 0 : i32
    %dma_wait3A_160 = tpu.memref_slice %arg6[%dma_wait3A_157, %dma_wait3A_158, %dma_wait3A_159] : memref<192x4096x24xf32, #tpu.memory_space<hbm>> -> memref<192x2x24xf32, #tpu.memory_space<hbm>>
    %dma_wait3A_161 = arith.constant 0 : i32
    %dma_wait3A_162 = arith.constant 0 : i32
    %dma_wait3A_163 = arith.constant 0 : i32
    %dma_wait3A_164 = tpu.memref_slice %arg6[%dma_wait3A_161, %dma_wait3A_162, %dma_wait3A_163] : memref<192x4096x24xf32, #tpu.memory_space<hbm>> -> memref<192x2x24xf32, #tpu.memory_space<hbm>>
    tpu.wait_dma2 semaphore(%arg21 : memref<!tpu.dma_semaphore, #tpu.memory_space<semaphore_mem>>) src(%arg15 : memref<192x2x24xf32, #tpu.memory_space<vmem>>) dst(%dma_wait3A_164 : memref<192x2x24xf32, #tpu.memory_space<hbm>>)
    %dma_wait3A_165 = arith.constant 0 : i32
    %dma_wait3A_166 = arith.constant 0 : i32
    %dma_wait3A_167 = arith.constant 0 : i32
    %dma_wait3A_168 = tpu.memref_slice %arg6[%dma_wait3A_165, %dma_wait3A_166, %dma_wait3A_167] : memref<192x4096x24xf32, #tpu.memory_space<hbm>> -> memref<192x2x24xf32, #tpu.memory_space<hbm>>
    %dma_wait3A_169 = arith.constant 0 : i32
    %dma_wait3A_170 = arith.constant 0 : i32
    %dma_wait3A_171 = arith.constant 0 : i32
    %dma_wait3A_172 = tpu.memref_slice %arg6[%dma_wait3A_169, %dma_wait3A_170, %dma_wait3A_171] : memref<192x4096x24xf32, #tpu.memory_space<hbm>> -> memref<192x2x24xf32, #tpu.memory_space<hbm>>
    tpu.wait_dma2 semaphore(%arg22 : memref<!tpu.dma_semaphore, #tpu.memory_space<semaphore_mem>>) src(%arg16 : memref<192x2x24xf32, #tpu.memory_space<vmem>>) dst(%dma_wait3A_172 : memref<192x2x24xf32, #tpu.memory_space<hbm>>)
    return
  }
}

module attributes {stable_mosaic.version = 14 : i64} {
  func.func @_coeff_body(%arg0: memref<256x128xf32, #tpu.memory_space<vmem>>, %arg1: memref<256x128xf32, #tpu.memory_space<vmem>>, %arg2: memref<256x128xf32, #tpu.memory_space<vmem>>, %arg3: memref<3xf32, #tpu.memory_space<smem>>, %arg4: memref<12x256x128xi32, #tpu.memory_space<vmem>>, %arg5: memref<12x256x128xf32, #tpu.memory_space<vmem>>) attributes {dimension_semantics = [], scalar_prefetch = 0 : i64, scratch_operands = 0 : i64, tpu.core_type = #tpu.core_type<tc>} {
    %get3A = arith.constant 0 : index
    %get3A_0 = arith.constant 0 : index
    %get3A_1 = vector.load %arg0[%get3A, %get3A_0] : memref<256x128xf32, #tpu.memory_space<vmem>>, vector<256x128xf32>
    %reduce_sum3A = vector.shape_cast %get3A_1 : vector<256x128xf32> to vector<1x256x128xf32>
    %reduce_sum3A_2 = arith.constant dense<0.000000e+00> : vector<1xf32>
    %reduce_sum3A_3 = vector.multi_reduction <add>, %reduce_sum3A, %reduce_sum3A_2 [1, 2] : vector<1x256x128xf32> to vector<1xf32>
    %reduce_sum3A_4 = vector.shape_cast %reduce_sum3A_3 : vector<1xf32> to vector<1x1x1xf32>
    %reduce_sum3A_5 = vector.extract %reduce_sum3A_4[0, 0, 0] : f32 from vector<1x1x1xf32>
    %div3A = arith.constant 3.276800e+04 : f32
    %div3A_6 = arith.divf %reduce_sum3A_5, %div3A : f32
    %sub3A = vector.broadcast %div3A_6 : f32 to vector<256x128xf32>
    %sub3A_7 = arith.subf %get3A_1, %sub3A : vector<256x128xf32>
    %get3A_8 = arith.constant 0 : index
    %get3A_9 = memref.load %arg3[%get3A_8] : memref<3xf32, #tpu.memory_space<smem>>
    %div3A_10 = arith.constant 2.000000e+00 : f32
    %div3A_11 = arith.divf %div3A_10, %get3A_9 : f32
    %mul3A = vector.broadcast %div3A_11 : f32 to vector<256x128xf32>
    %mul3A_12 = arith.mulf %sub3A_7, %mul3A : vector<256x128xf32>
    %get3A_13 = arith.constant 0 : index
    %get3A_14 = arith.constant 0 : index
    %get3A_15 = vector.load %arg1[%get3A_13, %get3A_14] : memref<256x128xf32, #tpu.memory_space<vmem>>, vector<256x128xf32>
    %reduce_sum3A_16 = vector.shape_cast %get3A_15 : vector<256x128xf32> to vector<1x256x128xf32>
    %reduce_sum3A_17 = arith.constant dense<0.000000e+00> : vector<1xf32>
    %reduce_sum3A_18 = vector.multi_reduction <add>, %reduce_sum3A_16, %reduce_sum3A_17 [1, 2] : vector<1x256x128xf32> to vector<1xf32>
    %reduce_sum3A_19 = vector.shape_cast %reduce_sum3A_18 : vector<1xf32> to vector<1x1x1xf32>
    %reduce_sum3A_20 = vector.extract %reduce_sum3A_19[0, 0, 0] : f32 from vector<1x1x1xf32>
    %div3A_21 = arith.constant 3.276800e+04 : f32
    %div3A_22 = arith.divf %reduce_sum3A_20, %div3A_21 : f32
    %sub3A_23 = vector.broadcast %div3A_22 : f32 to vector<256x128xf32>
    %sub3A_24 = arith.subf %get3A_15, %sub3A_23 : vector<256x128xf32>
    %get3A_25 = arith.constant 1 : index
    %get3A_26 = memref.load %arg3[%get3A_25] : memref<3xf32, #tpu.memory_space<smem>>
    %div3A_27 = arith.constant 2.000000e+00 : f32
    %div3A_28 = arith.divf %div3A_27, %get3A_26 : f32
    %mul3A_29 = vector.broadcast %div3A_28 : f32 to vector<256x128xf32>
    %mul3A_30 = arith.mulf %sub3A_24, %mul3A_29 : vector<256x128xf32>
    %get3A_31 = arith.constant 0 : index
    %get3A_32 = arith.constant 0 : index
    %get3A_33 = vector.load %arg2[%get3A_31, %get3A_32] : memref<256x128xf32, #tpu.memory_space<vmem>>, vector<256x128xf32>
    %reduce_sum3A_34 = vector.shape_cast %get3A_33 : vector<256x128xf32> to vector<1x256x128xf32>
    %reduce_sum3A_35 = arith.constant dense<0.000000e+00> : vector<1xf32>
    %reduce_sum3A_36 = vector.multi_reduction <add>, %reduce_sum3A_34, %reduce_sum3A_35 [1, 2] : vector<1x256x128xf32> to vector<1xf32>
    %reduce_sum3A_37 = vector.shape_cast %reduce_sum3A_36 : vector<1xf32> to vector<1x1x1xf32>
    %reduce_sum3A_38 = vector.extract %reduce_sum3A_37[0, 0, 0] : f32 from vector<1x1x1xf32>
    %div3A_39 = arith.constant 3.276800e+04 : f32
    %div3A_40 = arith.divf %reduce_sum3A_38, %div3A_39 : f32
    %sub3A_41 = vector.broadcast %div3A_40 : f32 to vector<256x128xf32>
    %sub3A_42 = arith.subf %get3A_33, %sub3A_41 : vector<256x128xf32>
    %get3A_43 = arith.constant 2 : index
    %get3A_44 = memref.load %arg3[%get3A_43] : memref<3xf32, #tpu.memory_space<smem>>
    %div3A_45 = arith.constant 2.000000e+00 : f32
    %div3A_46 = arith.divf %div3A_45, %get3A_44 : f32
    %mul3A_47 = vector.broadcast %div3A_46 : f32 to vector<256x128xf32>
    %mul3A_48 = arith.mulf %sub3A_42, %mul3A_47 : vector<256x128xf32>
    %add3A = arith.constant 1.000000e+00 : f32
    %add3A_49 = vector.broadcast %add3A : f32 to vector<256x128xf32>
    %add3A_50 = arith.addf %mul3A_30, %add3A_49 : vector<256x128xf32>
    %mul3A_51 = arith.constant 6.350000e+01 : f32
    %mul3A_52 = vector.broadcast %mul3A_51 : f32 to vector<256x128xf32>
    %mul3A_53 = arith.mulf %add3A_50, %mul3A_52 : vector<256x128xf32>
    %add3A_54 = arith.constant 1.000000e+00 : f32
    %add3A_55 = vector.broadcast %add3A_54 : f32 to vector<256x128xf32>
    %add3A_56 = arith.addf %mul3A_12, %add3A_55 : vector<256x128xf32>
    %mul3A_57 = arith.constant 6.350000e+01 : f32
    %mul3A_58 = vector.broadcast %mul3A_57 : f32 to vector<256x128xf32>
    %mul3A_59 = arith.mulf %add3A_56, %mul3A_58 : vector<256x128xf32>
    %floor3A = math.floor %mul3A_53 : vector<256x128xf32>
    %floor3A_60 = math.floor %mul3A_59 : vector<256x128xf32>
    %sub3A_61 = arith.subf %mul3A_53, %floor3A : vector<256x128xf32>
    %sub3A_62 = arith.subf %mul3A_59, %floor3A_60 : vector<256x128xf32>
    %sub3A_63 = arith.constant 1.000000e+00 : f32
    %sub3A_64 = vector.broadcast %sub3A_63 : f32 to vector<256x128xf32>
    %sub3A_65 = arith.subf %sub3A_64, %sub3A_62 : vector<256x128xf32>
    %sub3A_66 = arith.constant 1.000000e+00 : f32
    %sub3A_67 = vector.broadcast %sub3A_66 : f32 to vector<256x128xf32>
    %sub3A_68 = arith.subf %sub3A_67, %sub3A_61 : vector<256x128xf32>
    %mul3A_69 = arith.mulf %sub3A_65, %sub3A_68 : vector<256x128xf32>
    %add3A_70 = arith.constant 1.000000e+00 : f32
    %add3A_71 = vector.broadcast %add3A_70 : f32 to vector<256x128xf32>
    %add3A_72 = arith.addf %floor3A, %add3A_71 : vector<256x128xf32>
    %sub3A_73 = arith.constant 1.000000e+00 : f32
    %sub3A_74 = vector.broadcast %sub3A_73 : f32 to vector<256x128xf32>
    %sub3A_75 = arith.subf %sub3A_74, %sub3A_62 : vector<256x128xf32>
    %mul3A_76 = arith.mulf %sub3A_75, %sub3A_61 : vector<256x128xf32>
    %add3A_77 = arith.constant 1.000000e+00 : f32
    %add3A_78 = vector.broadcast %add3A_77 : f32 to vector<256x128xf32>
    %add3A_79 = arith.addf %floor3A_60, %add3A_78 : vector<256x128xf32>
    %sub3A_80 = arith.constant 1.000000e+00 : f32
    %sub3A_81 = vector.broadcast %sub3A_80 : f32 to vector<256x128xf32>
    %sub3A_82 = arith.subf %sub3A_81, %sub3A_61 : vector<256x128xf32>
    %mul3A_83 = arith.mulf %sub3A_62, %sub3A_82 : vector<256x128xf32>
    %add3A_84 = arith.constant 1.000000e+00 : f32
    %add3A_85 = vector.broadcast %add3A_84 : f32 to vector<256x128xf32>
    %add3A_86 = arith.addf %floor3A_60, %add3A_85 : vector<256x128xf32>
    %add3A_87 = arith.constant 1.000000e+00 : f32
    %add3A_88 = vector.broadcast %add3A_87 : f32 to vector<256x128xf32>
    %add3A_89 = arith.addf %floor3A, %add3A_88 : vector<256x128xf32>
    %mul3A_90 = arith.mulf %sub3A_62, %sub3A_61 : vector<256x128xf32>
    %ge3A = arith.constant 0.000000e+00 : f32
    %ge3A_91 = vector.broadcast %ge3A : f32 to vector<256x128xf32>
    %ge3A_92 = arith.cmpf oge, %floor3A, %ge3A_91 : vector<256x128xf32>
    %le3A = arith.constant 1.270000e+02 : f32
    %le3A_93 = vector.broadcast %le3A : f32 to vector<256x128xf32>
    %le3A_94 = arith.cmpf ole, %floor3A, %le3A_93 : vector<256x128xf32>
    %and3A = arith.andi %ge3A_92, %le3A_94 : vector<256x128xi1>
    %ge3A_95 = arith.constant 0.000000e+00 : f32
    %ge3A_96 = vector.broadcast %ge3A_95 : f32 to vector<256x128xf32>
    %ge3A_97 = arith.cmpf oge, %floor3A_60, %ge3A_96 : vector<256x128xf32>
    %and3A_98 = arith.andi %and3A, %ge3A_97 : vector<256x128xi1>
    %le3A_99 = arith.constant 1.270000e+02 : f32
    %le3A_100 = vector.broadcast %le3A_99 : f32 to vector<256x128xf32>
    %le3A_101 = arith.cmpf ole, %floor3A_60, %le3A_100 : vector<256x128xf32>
    %and3A_102 = arith.andi %and3A_98, %le3A_101 : vector<256x128xi1>
    %jit3A = arith.constant 0 : i32
    %jit3A_103 = arith.constant 127 : i32
    %convert_element_type3A = arith.sitofp %jit3A : i32 to f32
    %max3A = vector.broadcast %convert_element_type3A : f32 to vector<256x128xf32>
    %max3A_104 = arith.maximumf %max3A, %floor3A_60 : vector<256x128xf32>
    %convert_element_type3A_105 = arith.sitofp %jit3A_103 : i32 to f32
    %min3A = vector.broadcast %convert_element_type3A_105 : f32 to vector<256x128xf32>
    %min3A_106 = arith.minimumf %min3A, %max3A_104 : vector<256x128xf32>
    %convert_element_type3A_107 = arith.fptosi %min3A_106 : vector<256x128xf32> to vector<256x128xi32>
    %mul3A_108 = arith.constant 128 : i32
    %mul3A_109 = vector.broadcast %mul3A_108 : i32 to vector<256x128xi32>
    %mul3A_110 = arith.muli %convert_element_type3A_107, %mul3A_109 : vector<256x128xi32>
    %jit3A_111 = arith.constant 0 : i32
    %jit3A_112 = arith.constant 127 : i32
    %convert_element_type3A_113 = arith.sitofp %jit3A_111 : i32 to f32
    %max3A_114 = vector.broadcast %convert_element_type3A_113 : f32 to vector<256x128xf32>
    %max3A_115 = arith.maximumf %max3A_114, %floor3A : vector<256x128xf32>
    %convert_element_type3A_116 = arith.sitofp %jit3A_112 : i32 to f32
    %min3A_117 = vector.broadcast %convert_element_type3A_116 : f32 to vector<256x128xf32>
    %min3A_118 = arith.minimumf %min3A_117, %max3A_115 : vector<256x128xf32>
    %convert_element_type3A_119 = arith.fptosi %min3A_118 : vector<256x128xf32> to vector<256x128xi32>
    %add3A_120 = arith.addi %mul3A_110, %convert_element_type3A_119 : vector<256x128xi32>
    %swap3A = arith.constant 0 : index
    %swap3A_121 = arith.constant 0 : index
    %swap3A_122 = arith.constant 0 : index
    %swap3A_123 = vector.load %arg4[%swap3A, %swap3A_121, %swap3A_122] : memref<12x256x128xi32, #tpu.memory_space<vmem>>, vector<1x256x128xi32>
    %swap3A_124 = vector.shape_cast %swap3A_123 : vector<1x256x128xi32> to vector<256x128xi32>
    %swap3A_125 = vector.shape_cast %add3A_120 : vector<256x128xi32> to vector<1x256x128xi32>
    tpu.vector_store %arg4[%swap3A, %swap3A_121, %swap3A_122], %swap3A_125 {strides = array<i32>} : memref<12x256x128xi32, #tpu.memory_space<vmem>>, vector<1x256x128xi32>,
    %jit3A_126 = arith.constant 0.000000e+00 : f32
    %broadcast_in_dim3A = vector.broadcast %jit3A_126 : f32 to vector<256x128xf32>
    %select_n3A = arith.select %and3A_102, %mul3A_69, %broadcast_in_dim3A : vector<256x128xi1>, vector<256x128xf32>
    %swap3A_127 = arith.constant 0 : index
    %swap3A_128 = arith.constant 0 : index
    %swap3A_129 = arith.constant 0 : index
    %swap3A_130 = vector.load %arg5[%swap3A_127, %swap3A_128, %swap3A_129] : memref<12x256x128xf32, #tpu.memory_space<vmem>>, vector<1x256x128xf32>
    %swap3A_131 = vector.shape_cast %swap3A_130 : vector<1x256x128xf32> to vector<256x128xf32>
    %swap3A_132 = vector.shape_cast %select_n3A : vector<256x128xf32> to vector<1x256x128xf32>
    tpu.vector_store %arg5[%swap3A_127, %swap3A_128, %swap3A_129], %swap3A_132 {strides = array<i32>} : memref<12x256x128xf32, #tpu.memory_space<vmem>>, vector<1x256x128xf32>,
    %ge3A_133 = arith.constant 0.000000e+00 : f32
    %ge3A_134 = vector.broadcast %ge3A_133 : f32 to vector<256x128xf32>
    %ge3A_135 = arith.cmpf oge, %add3A_72, %ge3A_134 : vector<256x128xf32>
    %le3A_136 = arith.constant 1.270000e+02 : f32
    %le3A_137 = vector.broadcast %le3A_136 : f32 to vector<256x128xf32>
    %le3A_138 = arith.cmpf ole, %add3A_72, %le3A_137 : vector<256x128xf32>
    %and3A_139 = arith.andi %ge3A_135, %le3A_138 : vector<256x128xi1>
    %ge3A_140 = arith.constant 0.000000e+00 : f32
    %ge3A_141 = vector.broadcast %ge3A_140 : f32 to vector<256x128xf32>
    %ge3A_142 = arith.cmpf oge, %floor3A_60, %ge3A_141 : vector<256x128xf32>
    %and3A_143 = arith.andi %and3A_139, %ge3A_142 : vector<256x128xi1>
    %le3A_144 = arith.constant 1.270000e+02 : f32
    %le3A_145 = vector.broadcast %le3A_144 : f32 to vector<256x128xf32>
    %le3A_146 = arith.cmpf ole, %floor3A_60, %le3A_145 : vector<256x128xf32>
    %and3A_147 = arith.andi %and3A_143, %le3A_146 : vector<256x128xi1>
    %jit3A_148 = arith.constant 0 : i32
    %jit3A_149 = arith.constant 127 : i32
    %convert_element_type3A_150 = arith.sitofp %jit3A_148 : i32 to f32
    %max3A_151 = vector.broadcast %convert_element_type3A_150 : f32 to vector<256x128xf32>
    %max3A_152 = arith.maximumf %max3A_151, %floor3A_60 : vector<256x128xf32>
    %convert_element_type3A_153 = arith.sitofp %jit3A_149 : i32 to f32
    %min3A_154 = vector.broadcast %convert_element_type3A_153 : f32 to vector<256x128xf32>
    %min3A_155 = arith.minimumf %min3A_154, %max3A_152 : vector<256x128xf32>
    %convert_element_type3A_156 = arith.fptosi %min3A_155 : vector<256x128xf32> to vector<256x128xi32>
    %mul3A_157 = arith.constant 128 : i32
    %mul3A_158 = vector.broadcast %mul3A_157 : i32 to vector<256x128xi32>
    %mul3A_159 = arith.muli %convert_element_type3A_156, %mul3A_158 : vector<256x128xi32>
    %jit3A_160 = arith.constant 0 : i32
    %jit3A_161 = arith.constant 127 : i32
    %convert_element_type3A_162 = arith.sitofp %jit3A_160 : i32 to f32
    %max3A_163 = vector.broadcast %convert_element_type3A_162 : f32 to vector<256x128xf32>
    %max3A_164 = arith.maximumf %max3A_163, %add3A_72 : vector<256x128xf32>
    %convert_element_type3A_165 = arith.sitofp %jit3A_161 : i32 to f32
    %min3A_166 = vector.broadcast %convert_element_type3A_165 : f32 to vector<256x128xf32>
    %min3A_167 = arith.minimumf %min3A_166, %max3A_164 : vector<256x128xf32>
    %convert_element_type3A_168 = arith.fptosi %min3A_167 : vector<256x128xf32> to vector<256x128xi32>
    %add3A_169 = arith.addi %mul3A_159, %convert_element_type3A_168 : vector<256x128xi32>
    %swap3A_170 = arith.constant 1 : index
    %swap3A_171 = arith.constant 0 : index
    %swap3A_172 = arith.constant 0 : index
    %swap3A_173 = vector.load %arg4[%swap3A_170, %swap3A_171, %swap3A_172] : memref<12x256x128xi32, #tpu.memory_space<vmem>>, vector<1x256x128xi32>
    %swap3A_174 = vector.shape_cast %swap3A_173 : vector<1x256x128xi32> to vector<256x128xi32>
    %swap3A_175 = vector.shape_cast %add3A_169 : vector<256x128xi32> to vector<1x256x128xi32>
    tpu.vector_store %arg4[%swap3A_170, %swap3A_171, %swap3A_172], %swap3A_175 {strides = array<i32>} : memref<12x256x128xi32, #tpu.memory_space<vmem>>, vector<1x256x128xi32>,
    %jit3A_176 = arith.constant 0.000000e+00 : f32
    %broadcast_in_dim3A_177 = vector.broadcast %jit3A_176 : f32 to vector<256x128xf32>
    %select_n3A_178 = arith.select %and3A_147, %mul3A_76, %broadcast_in_dim3A_177 : vector<256x128xi1>, vector<256x128xf32>
    %swap3A_179 = arith.constant 1 : index
    %swap3A_180 = arith.constant 0 : index
    %swap3A_181 = arith.constant 0 : index
    %swap3A_182 = vector.load %arg5[%swap3A_179, %swap3A_180, %swap3A_181] : memref<12x256x128xf32, #tpu.memory_space<vmem>>, vector<1x256x128xf32>
    %swap3A_183 = vector.shape_cast %swap3A_182 : vector<1x256x128xf32> to vector<256x128xf32>
    %swap3A_184 = vector.shape_cast %select_n3A_178 : vector<256x128xf32> to vector<1x256x128xf32>
    tpu.vector_store %arg5[%swap3A_179, %swap3A_180, %swap3A_181], %swap3A_184 {strides = array<i32>} : memref<12x256x128xf32, #tpu.memory_space<vmem>>, vector<1x256x128xf32>,
    %ge3A_185 = arith.constant 0.000000e+00 : f32
    %ge3A_186 = vector.broadcast %ge3A_185 : f32 to vector<256x128xf32>
    %ge3A_187 = arith.cmpf oge, %floor3A, %ge3A_186 : vector<256x128xf32>
    %le3A_188 = arith.constant 1.270000e+02 : f32
    %le3A_189 = vector.broadcast %le3A_188 : f32 to vector<256x128xf32>
    %le3A_190 = arith.cmpf ole, %floor3A, %le3A_189 : vector<256x128xf32>
    %and3A_191 = arith.andi %ge3A_187, %le3A_190 : vector<256x128xi1>
    %ge3A_192 = arith.constant 0.000000e+00 : f32
    %ge3A_193 = vector.broadcast %ge3A_192 : f32 to vector<256x128xf32>
    %ge3A_194 = arith.cmpf oge, %add3A_79, %ge3A_193 : vector<256x128xf32>
    %and3A_195 = arith.andi %and3A_191, %ge3A_194 : vector<256x128xi1>
    %le3A_196 = arith.constant 1.270000e+02 : f32
    %le3A_197 = vector.broadcast %le3A_196 : f32 to vector<256x128xf32>
    %le3A_198 = arith.cmpf ole, %add3A_79, %le3A_197 : vector<256x128xf32>
    %and3A_199 = arith.andi %and3A_195, %le3A_198 : vector<256x128xi1>
    %jit3A_200 = arith.constant 0 : i32
    %jit3A_201 = arith.constant 127 : i32
    %convert_element_type3A_202 = arith.sitofp %jit3A_200 : i32 to f32
    %max3A_203 = vector.broadcast %convert_element_type3A_202 : f32 to vector<256x128xf32>
    %max3A_204 = arith.maximumf %max3A_203, %add3A_79 : vector<256x128xf32>
    %convert_element_type3A_205 = arith.sitofp %jit3A_201 : i32 to f32
    %min3A_206 = vector.broadcast %convert_element_type3A_205 : f32 to vector<256x128xf32>
    %min3A_207 = arith.minimumf %min3A_206, %max3A_204 : vector<256x128xf32>
    %convert_element_type3A_208 = arith.fptosi %min3A_207 : vector<256x128xf32> to vector<256x128xi32>
    %mul3A_209 = arith.constant 128 : i32
    %mul3A_210 = vector.broadcast %mul3A_209 : i32 to vector<256x128xi32>
    %mul3A_211 = arith.muli %convert_element_type3A_208, %mul3A_210 : vector<256x128xi32>
    %jit3A_212 = arith.constant 0 : i32
    %jit3A_213 = arith.constant 127 : i32
    %convert_element_type3A_214 = arith.sitofp %jit3A_212 : i32 to f32
    %max3A_215 = vector.broadcast %convert_element_type3A_214 : f32 to vector<256x128xf32>
    %max3A_216 = arith.maximumf %max3A_215, %floor3A : vector<256x128xf32>
    %convert_element_type3A_217 = arith.sitofp %jit3A_213 : i32 to f32
    %min3A_218 = vector.broadcast %convert_element_type3A_217 : f32 to vector<256x128xf32>
    %min3A_219 = arith.minimumf %min3A_218, %max3A_216 : vector<256x128xf32>
    %convert_element_type3A_220 = arith.fptosi %min3A_219 : vector<256x128xf32> to vector<256x128xi32>
    %add3A_221 = arith.addi %mul3A_211, %convert_element_type3A_220 : vector<256x128xi32>
    %swap3A_222 = arith.constant 2 : index
    %swap3A_223 = arith.constant 0 : index
    %swap3A_224 = arith.constant 0 : index
    %swap3A_225 = vector.load %arg4[%swap3A_222, %swap3A_223, %swap3A_224] : memref<12x256x128xi32, #tpu.memory_space<vmem>>, vector<1x256x128xi32>
    %swap3A_226 = vector.shape_cast %swap3A_225 : vector<1x256x128xi32> to vector<256x128xi32>
    %swap3A_227 = vector.shape_cast %add3A_221 : vector<256x128xi32> to vector<1x256x128xi32>
    tpu.vector_store %arg4[%swap3A_222, %swap3A_223, %swap3A_224], %swap3A_227 {strides = array<i32>} : memref<12x256x128xi32, #tpu.memory_space<vmem>>, vector<1x256x128xi32>,
    %jit3A_228 = arith.constant 0.000000e+00 : f32
    %broadcast_in_dim3A_229 = vector.broadcast %jit3A_228 : f32 to vector<256x128xf32>
    %select_n3A_230 = arith.select %and3A_199, %mul3A_83, %broadcast_in_dim3A_229 : vector<256x128xi1>, vector<256x128xf32>
    %swap3A_231 = arith.constant 2 : index
    %swap3A_232 = arith.constant 0 : index
    %swap3A_233 = arith.constant 0 : index
    %swap3A_234 = vector.load %arg5[%swap3A_231, %swap3A_232, %swap3A_233] : memref<12x256x128xf32, #tpu.memory_space<vmem>>, vector<1x256x128xf32>
    %swap3A_235 = vector.shape_cast %swap3A_234 : vector<1x256x128xf32> to vector<256x128xf32>
    %swap3A_236 = vector.shape_cast %select_n3A_230 : vector<256x128xf32> to vector<1x256x128xf32>
    tpu.vector_store %arg5[%swap3A_231, %swap3A_232, %swap3A_233], %swap3A_236 {strides = array<i32>} : memref<12x256x128xf32, #tpu.memory_space<vmem>>, vector<1x256x128xf32>,
    %ge3A_237 = arith.constant 0.000000e+00 : f32
    %ge3A_238 = vector.broadcast %ge3A_237 : f32 to vector<256x128xf32>
    %ge3A_239 = arith.cmpf oge, %add3A_89, %ge3A_238 : vector<256x128xf32>
    %le3A_240 = arith.constant 1.270000e+02 : f32
    %le3A_241 = vector.broadcast %le3A_240 : f32 to vector<256x128xf32>
    %le3A_242 = arith.cmpf ole, %add3A_89, %le3A_241 : vector<256x128xf32>
    %and3A_243 = arith.andi %ge3A_239, %le3A_242 : vector<256x128xi1>
    %ge3A_244 = arith.constant 0.000000e+00 : f32
    %ge3A_245 = vector.broadcast %ge3A_244 : f32 to vector<256x128xf32>
    %ge3A_246 = arith.cmpf oge, %add3A_86, %ge3A_245 : vector<256x128xf32>
    %and3A_247 = arith.andi %and3A_243, %ge3A_246 : vector<256x128xi1>
    %le3A_248 = arith.constant 1.270000e+02 : f32
    %le3A_249 = vector.broadcast %le3A_248 : f32 to vector<256x128xf32>
    %le3A_250 = arith.cmpf ole, %add3A_86, %le3A_249 : vector<256x128xf32>
    %and3A_251 = arith.andi %and3A_247, %le3A_250 : vector<256x128xi1>
    %jit3A_252 = arith.constant 0 : i32
    %jit3A_253 = arith.constant 127 : i32
    %convert_element_type3A_254 = arith.sitofp %jit3A_252 : i32 to f32
    %max3A_255 = vector.broadcast %convert_element_type3A_254 : f32 to vector<256x128xf32>
    %max3A_256 = arith.maximumf %max3A_255, %add3A_86 : vector<256x128xf32>
    %convert_element_type3A_257 = arith.sitofp %jit3A_253 : i32 to f32
    %min3A_258 = vector.broadcast %convert_element_type3A_257 : f32 to vector<256x128xf32>
    %min3A_259 = arith.minimumf %min3A_258, %max3A_256 : vector<256x128xf32>
    %convert_element_type3A_260 = arith.fptosi %min3A_259 : vector<256x128xf32> to vector<256x128xi32>
    %mul3A_261 = arith.constant 128 : i32
    %mul3A_262 = vector.broadcast %mul3A_261 : i32 to vector<256x128xi32>
    %mul3A_263 = arith.muli %convert_element_type3A_260, %mul3A_262 : vector<256x128xi32>
    %jit3A_264 = arith.constant 0 : i32
    %jit3A_265 = arith.constant 127 : i32
    %convert_element_type3A_266 = arith.sitofp %jit3A_264 : i32 to f32
    %max3A_267 = vector.broadcast %convert_element_type3A_266 : f32 to vector<256x128xf32>
    %max3A_268 = arith.maximumf %max3A_267, %add3A_89 : vector<256x128xf32>
    %convert_element_type3A_269 = arith.sitofp %jit3A_265 : i32 to f32
    %min3A_270 = vector.broadcast %convert_element_type3A_269 : f32 to vector<256x128xf32>
    %min3A_271 = arith.minimumf %min3A_270, %max3A_268 : vector<256x128xf32>
    %convert_element_type3A_272 = arith.fptosi %min3A_271 : vector<256x128xf32> to vector<256x128xi32>
    %add3A_273 = arith.addi %mul3A_263, %convert_element_type3A_272 : vector<256x128xi32>
    %swap3A_274 = arith.constant 3 : index
    %swap3A_275 = arith.constant 0 : index
    %swap3A_276 = arith.constant 0 : index
    %swap3A_277 = vector.load %arg4[%swap3A_274, %swap3A_275, %swap3A_276] : memref<12x256x128xi32, #tpu.memory_space<vmem>>, vector<1x256x128xi32>
    %swap3A_278 = vector.shape_cast %swap3A_277 : vector<1x256x128xi32> to vector<256x128xi32>
    %swap3A_279 = vector.shape_cast %add3A_273 : vector<256x128xi32> to vector<1x256x128xi32>
    tpu.vector_store %arg4[%swap3A_274, %swap3A_275, %swap3A_276], %swap3A_279 {strides = array<i32>} : memref<12x256x128xi32, #tpu.memory_space<vmem>>, vector<1x256x128xi32>,
    %jit3A_280 = arith.constant 0.000000e+00 : f32
    %broadcast_in_dim3A_281 = vector.broadcast %jit3A_280 : f32 to vector<256x128xf32>
    %select_n3A_282 = arith.select %and3A_251, %mul3A_90, %broadcast_in_dim3A_281 : vector<256x128xi1>, vector<256x128xf32>
    %swap3A_283 = arith.constant 3 : index
    %swap3A_284 = arith.constant 0 : index
    %swap3A_285 = arith.constant 0 : index
    %swap3A_286 = vector.load %arg5[%swap3A_283, %swap3A_284, %swap3A_285] : memref<12x256x128xf32, #tpu.memory_space<vmem>>, vector<1x256x128xf32>
    %swap3A_287 = vector.shape_cast %swap3A_286 : vector<1x256x128xf32> to vector<256x128xf32>
    %swap3A_288 = vector.shape_cast %select_n3A_282 : vector<256x128xf32> to vector<1x256x128xf32>
    tpu.vector_store %arg5[%swap3A_283, %swap3A_284, %swap3A_285], %swap3A_288 {strides = array<i32>} : memref<12x256x128xf32, #tpu.memory_space<vmem>>, vector<1x256x128xf32>,
    %add3A_289 = arith.constant 1.000000e+00 : f32
    %add3A_290 = vector.broadcast %add3A_289 : f32 to vector<256x128xf32>
    %add3A_291 = arith.addf %mul3A_48, %add3A_290 : vector<256x128xf32>
    %mul3A_292 = arith.constant 6.350000e+01 : f32
    %mul3A_293 = vector.broadcast %mul3A_292 : f32 to vector<256x128xf32>
    %mul3A_294 = arith.mulf %add3A_291, %mul3A_293 : vector<256x128xf32>
    %add3A_295 = arith.constant 1.000000e+00 : f32
    %add3A_296 = vector.broadcast %add3A_295 : f32 to vector<256x128xf32>
    %add3A_297 = arith.addf %mul3A_30, %add3A_296 : vector<256x128xf32>
    %mul3A_298 = arith.constant 6.350000e+01 : f32
    %mul3A_299 = vector.broadcast %mul3A_298 : f32 to vector<256x128xf32>
    %mul3A_300 = arith.mulf %add3A_297, %mul3A_299 : vector<256x128xf32>
    %floor3A_301 = math.floor %mul3A_294 : vector<256x128xf32>
    %floor3A_302 = math.floor %mul3A_300 : vector<256x128xf32>
    %sub3A_303 = arith.subf %mul3A_294, %floor3A_301 : vector<256x128xf32>
    %sub3A_304 = arith.subf %mul3A_300, %floor3A_302 : vector<256x128xf32>
    %sub3A_305 = arith.constant 1.000000e+00 : f32
    %sub3A_306 = vector.broadcast %sub3A_305 : f32 to vector<256x128xf32>
    %sub3A_307 = arith.subf %sub3A_306, %sub3A_304 : vector<256x128xf32>
    %sub3A_308 = arith.constant 1.000000e+00 : f32
    %sub3A_309 = vector.broadcast %sub3A_308 : f32 to vector<256x128xf32>
    %sub3A_310 = arith.subf %sub3A_309, %sub3A_303 : vector<256x128xf32>
    %mul3A_311 = arith.mulf %sub3A_307, %sub3A_310 : vector<256x128xf32>
    %add3A_312 = arith.constant 1.000000e+00 : f32
    %add3A_313 = vector.broadcast %add3A_312 : f32 to vector<256x128xf32>
    %add3A_314 = arith.addf %floor3A_301, %add3A_313 : vector<256x128xf32>
    %sub3A_315 = arith.constant 1.000000e+00 : f32
    %sub3A_316 = vector.broadcast %sub3A_315 : f32 to vector<256x128xf32>
    %sub3A_317 = arith.subf %sub3A_316, %sub3A_304 : vector<256x128xf32>
    %mul3A_318 = arith.mulf %sub3A_317, %sub3A_303 : vector<256x128xf32>
    %add3A_319 = arith.constant 1.000000e+00 : f32
    %add3A_320 = vector.broadcast %add3A_319 : f32 to vector<256x128xf32>
    %add3A_321 = arith.addf %floor3A_302, %add3A_320 : vector<256x128xf32>
    %sub3A_322 = arith.constant 1.000000e+00 : f32
    %sub3A_323 = vector.broadcast %sub3A_322 : f32 to vector<256x128xf32>
    %sub3A_324 = arith.subf %sub3A_323, %sub3A_303 : vector<256x128xf32>
    %mul3A_325 = arith.mulf %sub3A_304, %sub3A_324 : vector<256x128xf32>
    %add3A_326 = arith.constant 1.000000e+00 : f32
    %add3A_327 = vector.broadcast %add3A_326 : f32 to vector<256x128xf32>
    %add3A_328 = arith.addf %floor3A_302, %add3A_327 : vector<256x128xf32>
    %add3A_329 = arith.constant 1.000000e+00 : f32
    %add3A_330 = vector.broadcast %add3A_329 : f32 to vector<256x128xf32>
    %add3A_331 = arith.addf %floor3A_301, %add3A_330 : vector<256x128xf32>
    %mul3A_332 = arith.mulf %sub3A_304, %sub3A_303 : vector<256x128xf32>
    %ge3A_333 = arith.constant 0.000000e+00 : f32
    %ge3A_334 = vector.broadcast %ge3A_333 : f32 to vector<256x128xf32>
    %ge3A_335 = arith.cmpf oge, %floor3A_301, %ge3A_334 : vector<256x128xf32>
    %le3A_336 = arith.constant 1.270000e+02 : f32
    %le3A_337 = vector.broadcast %le3A_336 : f32 to vector<256x128xf32>
    %le3A_338 = arith.cmpf ole, %floor3A_301, %le3A_337 : vector<256x128xf32>
    %and3A_339 = arith.andi %ge3A_335, %le3A_338 : vector<256x128xi1>
    %ge3A_340 = arith.constant 0.000000e+00 : f32
    %ge3A_341 = vector.broadcast %ge3A_340 : f32 to vector<256x128xf32>
    %ge3A_342 = arith.cmpf oge, %floor3A_302, %ge3A_341 : vector<256x128xf32>
    %and3A_343 = arith.andi %and3A_339, %ge3A_342 : vector<256x128xi1>
    %le3A_344 = arith.constant 1.270000e+02 : f32
    %le3A_345 = vector.broadcast %le3A_344 : f32 to vector<256x128xf32>
    %le3A_346 = arith.cmpf ole, %floor3A_302, %le3A_345 : vector<256x128xf32>
    %and3A_347 = arith.andi %and3A_343, %le3A_346 : vector<256x128xi1>
    %jit3A_348 = arith.constant 0 : i32
    %jit3A_349 = arith.constant 127 : i32
    %convert_element_type3A_350 = arith.sitofp %jit3A_348 : i32 to f32
    %max3A_351 = vector.broadcast %convert_element_type3A_350 : f32 to vector<256x128xf32>
    %max3A_352 = arith.maximumf %max3A_351, %floor3A_302 : vector<256x128xf32>
    %convert_element_type3A_353 = arith.sitofp %jit3A_349 : i32 to f32
    %min3A_354 = vector.broadcast %convert_element_type3A_353 : f32 to vector<256x128xf32>
    %min3A_355 = arith.minimumf %min3A_354, %max3A_352 : vector<256x128xf32>
    %convert_element_type3A_356 = arith.fptosi %min3A_355 : vector<256x128xf32> to vector<256x128xi32>
    %mul3A_357 = arith.constant 128 : i32
    %mul3A_358 = vector.broadcast %mul3A_357 : i32 to vector<256x128xi32>
    %mul3A_359 = arith.muli %convert_element_type3A_356, %mul3A_358 : vector<256x128xi32>
    %jit3A_360 = arith.constant 0 : i32
    %jit3A_361 = arith.constant 127 : i32
    %convert_element_type3A_362 = arith.sitofp %jit3A_360 : i32 to f32
    %max3A_363 = vector.broadcast %convert_element_type3A_362 : f32 to vector<256x128xf32>
    %max3A_364 = arith.maximumf %max3A_363, %floor3A_301 : vector<256x128xf32>
    %convert_element_type3A_365 = arith.sitofp %jit3A_361 : i32 to f32
    %min3A_366 = vector.broadcast %convert_element_type3A_365 : f32 to vector<256x128xf32>
    %min3A_367 = arith.minimumf %min3A_366, %max3A_364 : vector<256x128xf32>
    %convert_element_type3A_368 = arith.fptosi %min3A_367 : vector<256x128xf32> to vector<256x128xi32>
    %add3A_369 = arith.addi %mul3A_359, %convert_element_type3A_368 : vector<256x128xi32>
    %swap3A_370 = arith.constant 4 : index
    %swap3A_371 = arith.constant 0 : index
    %swap3A_372 = arith.constant 0 : index
    %swap3A_373 = vector.load %arg4[%swap3A_370, %swap3A_371, %swap3A_372] : memref<12x256x128xi32, #tpu.memory_space<vmem>>, vector<1x256x128xi32>
    %swap3A_374 = vector.shape_cast %swap3A_373 : vector<1x256x128xi32> to vector<256x128xi32>
    %swap3A_375 = vector.shape_cast %add3A_369 : vector<256x128xi32> to vector<1x256x128xi32>
    tpu.vector_store %arg4[%swap3A_370, %swap3A_371, %swap3A_372], %swap3A_375 {strides = array<i32>} : memref<12x256x128xi32, #tpu.memory_space<vmem>>, vector<1x256x128xi32>,
    %jit3A_376 = arith.constant 0.000000e+00 : f32
    %broadcast_in_dim3A_377 = vector.broadcast %jit3A_376 : f32 to vector<256x128xf32>
    %select_n3A_378 = arith.select %and3A_347, %mul3A_311, %broadcast_in_dim3A_377 : vector<256x128xi1>, vector<256x128xf32>
    %swap3A_379 = arith.constant 4 : index
    %swap3A_380 = arith.constant 0 : index
    %swap3A_381 = arith.constant 0 : index
    %swap3A_382 = vector.load %arg5[%swap3A_379, %swap3A_380, %swap3A_381] : memref<12x256x128xf32, #tpu.memory_space<vmem>>, vector<1x256x128xf32>
    %swap3A_383 = vector.shape_cast %swap3A_382 : vector<1x256x128xf32> to vector<256x128xf32>
    %swap3A_384 = vector.shape_cast %select_n3A_378 : vector<256x128xf32> to vector<1x256x128xf32>
    tpu.vector_store %arg5[%swap3A_379, %swap3A_380, %swap3A_381], %swap3A_384 {strides = array<i32>} : memref<12x256x128xf32, #tpu.memory_space<vmem>>, vector<1x256x128xf32>,
    %ge3A_385 = arith.constant 0.000000e+00 : f32
    %ge3A_386 = vector.broadcast %ge3A_385 : f32 to vector<256x128xf32>
    %ge3A_387 = arith.cmpf oge, %add3A_314, %ge3A_386 : vector<256x128xf32>
    %le3A_388 = arith.constant 1.270000e+02 : f32
    %le3A_389 = vector.broadcast %le3A_388 : f32 to vector<256x128xf32>
    %le3A_390 = arith.cmpf ole, %add3A_314, %le3A_389 : vector<256x128xf32>
    %and3A_391 = arith.andi %ge3A_387, %le3A_390 : vector<256x128xi1>
    %ge3A_392 = arith.constant 0.000000e+00 : f32
    %ge3A_393 = vector.broadcast %ge3A_392 : f32 to vector<256x128xf32>
    %ge3A_394 = arith.cmpf oge, %floor3A_302, %ge3A_393 : vector<256x128xf32>
    %and3A_395 = arith.andi %and3A_391, %ge3A_394 : vector<256x128xi1>
    %le3A_396 = arith.constant 1.270000e+02 : f32
    %le3A_397 = vector.broadcast %le3A_396 : f32 to vector<256x128xf32>
    %le3A_398 = arith.cmpf ole, %floor3A_302, %le3A_397 : vector<256x128xf32>
    %and3A_399 = arith.andi %and3A_395, %le3A_398 : vector<256x128xi1>
    %jit3A_400 = arith.constant 0 : i32
    %jit3A_401 = arith.constant 127 : i32
    %convert_element_type3A_402 = arith.sitofp %jit3A_400 : i32 to f32
    %max3A_403 = vector.broadcast %convert_element_type3A_402 : f32 to vector<256x128xf32>
    %max3A_404 = arith.maximumf %max3A_403, %floor3A_302 : vector<256x128xf32>
    %convert_element_type3A_405 = arith.sitofp %jit3A_401 : i32 to f32
    %min3A_406 = vector.broadcast %convert_element_type3A_405 : f32 to vector<256x128xf32>
    %min3A_407 = arith.minimumf %min3A_406, %max3A_404 : vector<256x128xf32>
    %convert_element_type3A_408 = arith.fptosi %min3A_407 : vector<256x128xf32> to vector<256x128xi32>
    %mul3A_409 = arith.constant 128 : i32
    %mul3A_410 = vector.broadcast %mul3A_409 : i32 to vector<256x128xi32>
    %mul3A_411 = arith.muli %convert_element_type3A_408, %mul3A_410 : vector<256x128xi32>
    %jit3A_412 = arith.constant 0 : i32
    %jit3A_413 = arith.constant 127 : i32
    %convert_element_type3A_414 = arith.sitofp %jit3A_412 : i32 to f32
    %max3A_415 = vector.broadcast %convert_element_type3A_414 : f32 to vector<256x128xf32>
    %max3A_416 = arith.maximumf %max3A_415, %add3A_314 : vector<256x128xf32>
    %convert_element_type3A_417 = arith.sitofp %jit3A_413 : i32 to f32
    %min3A_418 = vector.broadcast %convert_element_type3A_417 : f32 to vector<256x128xf32>
    %min3A_419 = arith.minimumf %min3A_418, %max3A_416 : vector<256x128xf32>
    %convert_element_type3A_420 = arith.fptosi %min3A_419 : vector<256x128xf32> to vector<256x128xi32>
    %add3A_421 = arith.addi %mul3A_411, %convert_element_type3A_420 : vector<256x128xi32>
    %swap3A_422 = arith.constant 5 : index
    %swap3A_423 = arith.constant 0 : index
    %swap3A_424 = arith.constant 0 : index
    %swap3A_425 = vector.load %arg4[%swap3A_422, %swap3A_423, %swap3A_424] : memref<12x256x128xi32, #tpu.memory_space<vmem>>, vector<1x256x128xi32>
    %swap3A_426 = vector.shape_cast %swap3A_425 : vector<1x256x128xi32> to vector<256x128xi32>
    %swap3A_427 = vector.shape_cast %add3A_421 : vector<256x128xi32> to vector<1x256x128xi32>
    tpu.vector_store %arg4[%swap3A_422, %swap3A_423, %swap3A_424], %swap3A_427 {strides = array<i32>} : memref<12x256x128xi32, #tpu.memory_space<vmem>>, vector<1x256x128xi32>,
    %jit3A_428 = arith.constant 0.000000e+00 : f32
    %broadcast_in_dim3A_429 = vector.broadcast %jit3A_428 : f32 to vector<256x128xf32>
    %select_n3A_430 = arith.select %and3A_399, %mul3A_318, %broadcast_in_dim3A_429 : vector<256x128xi1>, vector<256x128xf32>
    %swap3A_431 = arith.constant 5 : index
    %swap3A_432 = arith.constant 0 : index
    %swap3A_433 = arith.constant 0 : index
    %swap3A_434 = vector.load %arg5[%swap3A_431, %swap3A_432, %swap3A_433] : memref<12x256x128xf32, #tpu.memory_space<vmem>>, vector<1x256x128xf32>
    %swap3A_435 = vector.shape_cast %swap3A_434 : vector<1x256x128xf32> to vector<256x128xf32>
    %swap3A_436 = vector.shape_cast %select_n3A_430 : vector<256x128xf32> to vector<1x256x128xf32>
    tpu.vector_store %arg5[%swap3A_431, %swap3A_432, %swap3A_433], %swap3A_436 {strides = array<i32>} : memref<12x256x128xf32, #tpu.memory_space<vmem>>, vector<1x256x128xf32>,
    %ge3A_437 = arith.constant 0.000000e+00 : f32
    %ge3A_438 = vector.broadcast %ge3A_437 : f32 to vector<256x128xf32>
    %ge3A_439 = arith.cmpf oge, %floor3A_301, %ge3A_438 : vector<256x128xf32>
    %le3A_440 = arith.constant 1.270000e+02 : f32
    %le3A_441 = vector.broadcast %le3A_440 : f32 to vector<256x128xf32>
    %le3A_442 = arith.cmpf ole, %floor3A_301, %le3A_441 : vector<256x128xf32>
    %and3A_443 = arith.andi %ge3A_439, %le3A_442 : vector<256x128xi1>
    %ge3A_444 = arith.constant 0.000000e+00 : f32
    %ge3A_445 = vector.broadcast %ge3A_444 : f32 to vector<256x128xf32>
    %ge3A_446 = arith.cmpf oge, %add3A_321, %ge3A_445 : vector<256x128xf32>
    %and3A_447 = arith.andi %and3A_443, %ge3A_446 : vector<256x128xi1>
    %le3A_448 = arith.constant 1.270000e+02 : f32
    %le3A_449 = vector.broadcast %le3A_448 : f32 to vector<256x128xf32>
    %le3A_450 = arith.cmpf ole, %add3A_321, %le3A_449 : vector<256x128xf32>
    %and3A_451 = arith.andi %and3A_447, %le3A_450 : vector<256x128xi1>
    %jit3A_452 = arith.constant 0 : i32
    %jit3A_453 = arith.constant 127 : i32
    %convert_element_type3A_454 = arith.sitofp %jit3A_452 : i32 to f32
    %max3A_455 = vector.broadcast %convert_element_type3A_454 : f32 to vector<256x128xf32>
    %max3A_456 = arith.maximumf %max3A_455, %add3A_321 : vector<256x128xf32>
    %convert_element_type3A_457 = arith.sitofp %jit3A_453 : i32 to f32
    %min3A_458 = vector.broadcast %convert_element_type3A_457 : f32 to vector<256x128xf32>
    %min3A_459 = arith.minimumf %min3A_458, %max3A_456 : vector<256x128xf32>
    %convert_element_type3A_460 = arith.fptosi %min3A_459 : vector<256x128xf32> to vector<256x128xi32>
    %mul3A_461 = arith.constant 128 : i32
    %mul3A_462 = vector.broadcast %mul3A_461 : i32 to vector<256x128xi32>
    %mul3A_463 = arith.muli %convert_element_type3A_460, %mul3A_462 : vector<256x128xi32>
    %jit3A_464 = arith.constant 0 : i32
    %jit3A_465 = arith.constant 127 : i32
    %convert_element_type3A_466 = arith.sitofp %jit3A_464 : i32 to f32
    %max3A_467 = vector.broadcast %convert_element_type3A_466 : f32 to vector<256x128xf32>
    %max3A_468 = arith.maximumf %max3A_467, %floor3A_301 : vector<256x128xf32>
    %convert_element_type3A_469 = arith.sitofp %jit3A_465 : i32 to f32
    %min3A_470 = vector.broadcast %convert_element_type3A_469 : f32 to vector<256x128xf32>
    %min3A_471 = arith.minimumf %min3A_470, %max3A_468 : vector<256x128xf32>
    %convert_element_type3A_472 = arith.fptosi %min3A_471 : vector<256x128xf32> to vector<256x128xi32>
    %add3A_473 = arith.addi %mul3A_463, %convert_element_type3A_472 : vector<256x128xi32>
    %swap3A_474 = arith.constant 6 : index
    %swap3A_475 = arith.constant 0 : index
    %swap3A_476 = arith.constant 0 : index
    %swap3A_477 = vector.load %arg4[%swap3A_474, %swap3A_475, %swap3A_476] : memref<12x256x128xi32, #tpu.memory_space<vmem>>, vector<1x256x128xi32>
    %swap3A_478 = vector.shape_cast %swap3A_477 : vector<1x256x128xi32> to vector<256x128xi32>
    %swap3A_479 = vector.shape_cast %add3A_473 : vector<256x128xi32> to vector<1x256x128xi32>
    tpu.vector_store %arg4[%swap3A_474, %swap3A_475, %swap3A_476], %swap3A_479 {strides = array<i32>} : memref<12x256x128xi32, #tpu.memory_space<vmem>>, vector<1x256x128xi32>,
    %jit3A_480 = arith.constant 0.000000e+00 : f32
    %broadcast_in_dim3A_481 = vector.broadcast %jit3A_480 : f32 to vector<256x128xf32>
    %select_n3A_482 = arith.select %and3A_451, %mul3A_325, %broadcast_in_dim3A_481 : vector<256x128xi1>, vector<256x128xf32>
    %swap3A_483 = arith.constant 6 : index
    %swap3A_484 = arith.constant 0 : index
    %swap3A_485 = arith.constant 0 : index
    %swap3A_486 = vector.load %arg5[%swap3A_483, %swap3A_484, %swap3A_485] : memref<12x256x128xf32, #tpu.memory_space<vmem>>, vector<1x256x128xf32>
    %swap3A_487 = vector.shape_cast %swap3A_486 : vector<1x256x128xf32> to vector<256x128xf32>
    %swap3A_488 = vector.shape_cast %select_n3A_482 : vector<256x128xf32> to vector<1x256x128xf32>
    tpu.vector_store %arg5[%swap3A_483, %swap3A_484, %swap3A_485], %swap3A_488 {strides = array<i32>} : memref<12x256x128xf32, #tpu.memory_space<vmem>>, vector<1x256x128xf32>,
    %ge3A_489 = arith.constant 0.000000e+00 : f32
    %ge3A_490 = vector.broadcast %ge3A_489 : f32 to vector<256x128xf32>
    %ge3A_491 = arith.cmpf oge, %add3A_331, %ge3A_490 : vector<256x128xf32>
    %le3A_492 = arith.constant 1.270000e+02 : f32
    %le3A_493 = vector.broadcast %le3A_492 : f32 to vector<256x128xf32>
    %le3A_494 = arith.cmpf ole, %add3A_331, %le3A_493 : vector<256x128xf32>
    %and3A_495 = arith.andi %ge3A_491, %le3A_494 : vector<256x128xi1>
    %ge3A_496 = arith.constant 0.000000e+00 : f32
    %ge3A_497 = vector.broadcast %ge3A_496 : f32 to vector<256x128xf32>
    %ge3A_498 = arith.cmpf oge, %add3A_328, %ge3A_497 : vector<256x128xf32>
    %and3A_499 = arith.andi %and3A_495, %ge3A_498 : vector<256x128xi1>
    %le3A_500 = arith.constant 1.270000e+02 : f32
    %le3A_501 = vector.broadcast %le3A_500 : f32 to vector<256x128xf32>
    %le3A_502 = arith.cmpf ole, %add3A_328, %le3A_501 : vector<256x128xf32>
    %and3A_503 = arith.andi %and3A_499, %le3A_502 : vector<256x128xi1>
    %jit3A_504 = arith.constant 0 : i32
    %jit3A_505 = arith.constant 127 : i32
    %convert_element_type3A_506 = arith.sitofp %jit3A_504 : i32 to f32
    %max3A_507 = vector.broadcast %convert_element_type3A_506 : f32 to vector<256x128xf32>
    %max3A_508 = arith.maximumf %max3A_507, %add3A_328 : vector<256x128xf32>
    %convert_element_type3A_509 = arith.sitofp %jit3A_505 : i32 to f32
    %min3A_510 = vector.broadcast %convert_element_type3A_509 : f32 to vector<256x128xf32>
    %min3A_511 = arith.minimumf %min3A_510, %max3A_508 : vector<256x128xf32>
    %convert_element_type3A_512 = arith.fptosi %min3A_511 : vector<256x128xf32> to vector<256x128xi32>
    %mul3A_513 = arith.constant 128 : i32
    %mul3A_514 = vector.broadcast %mul3A_513 : i32 to vector<256x128xi32>
    %mul3A_515 = arith.muli %convert_element_type3A_512, %mul3A_514 : vector<256x128xi32>
    %jit3A_516 = arith.constant 0 : i32
    %jit3A_517 = arith.constant 127 : i32
    %convert_element_type3A_518 = arith.sitofp %jit3A_516 : i32 to f32
    %max3A_519 = vector.broadcast %convert_element_type3A_518 : f32 to vector<256x128xf32>
    %max3A_520 = arith.maximumf %max3A_519, %add3A_331 : vector<256x128xf32>
    %convert_element_type3A_521 = arith.sitofp %jit3A_517 : i32 to f32
    %min3A_522 = vector.broadcast %convert_element_type3A_521 : f32 to vector<256x128xf32>
    %min3A_523 = arith.minimumf %min3A_522, %max3A_520 : vector<256x128xf32>
    %convert_element_type3A_524 = arith.fptosi %min3A_523 : vector<256x128xf32> to vector<256x128xi32>
    %add3A_525 = arith.addi %mul3A_515, %convert_element_type3A_524 : vector<256x128xi32>
    %swap3A_526 = arith.constant 7 : index
    %swap3A_527 = arith.constant 0 : index
    %swap3A_528 = arith.constant 0 : index
    %swap3A_529 = vector.load %arg4[%swap3A_526, %swap3A_527, %swap3A_528] : memref<12x256x128xi32, #tpu.memory_space<vmem>>, vector<1x256x128xi32>
    %swap3A_530 = vector.shape_cast %swap3A_529 : vector<1x256x128xi32> to vector<256x128xi32>
    %swap3A_531 = vector.shape_cast %add3A_525 : vector<256x128xi32> to vector<1x256x128xi32>
    tpu.vector_store %arg4[%swap3A_526, %swap3A_527, %swap3A_528], %swap3A_531 {strides = array<i32>} : memref<12x256x128xi32, #tpu.memory_space<vmem>>, vector<1x256x128xi32>,
    %jit3A_532 = arith.constant 0.000000e+00 : f32
    %broadcast_in_dim3A_533 = vector.broadcast %jit3A_532 : f32 to vector<256x128xf32>
    %select_n3A_534 = arith.select %and3A_503, %mul3A_332, %broadcast_in_dim3A_533 : vector<256x128xi1>, vector<256x128xf32>
    %swap3A_535 = arith.constant 7 : index
    %swap3A_536 = arith.constant 0 : index
    %swap3A_537 = arith.constant 0 : index
    %swap3A_538 = vector.load %arg5[%swap3A_535, %swap3A_536, %swap3A_537] : memref<12x256x128xf32, #tpu.memory_space<vmem>>, vector<1x256x128xf32>
    %swap3A_539 = vector.shape_cast %swap3A_538 : vector<1x256x128xf32> to vector<256x128xf32>
    %swap3A_540 = vector.shape_cast %select_n3A_534 : vector<256x128xf32> to vector<1x256x128xf32>
    tpu.vector_store %arg5[%swap3A_535, %swap3A_536, %swap3A_537], %swap3A_540 {strides = array<i32>} : memref<12x256x128xf32, #tpu.memory_space<vmem>>, vector<1x256x128xf32>,
    %add3A_541 = arith.constant 1.000000e+00 : f32
    %add3A_542 = vector.broadcast %add3A_541 : f32 to vector<256x128xf32>
    %add3A_543 = arith.addf %mul3A_12, %add3A_542 : vector<256x128xf32>
    %mul3A_544 = arith.constant 6.350000e+01 : f32
    %mul3A_545 = vector.broadcast %mul3A_544 : f32 to vector<256x128xf32>
    %mul3A_546 = arith.mulf %add3A_543, %mul3A_545 : vector<256x128xf32>
    %add3A_547 = arith.constant 1.000000e+00 : f32
    %add3A_548 = vector.broadcast %add3A_547 : f32 to vector<256x128xf32>
    %add3A_549 = arith.addf %mul3A_48, %add3A_548 : vector<256x128xf32>
    %mul3A_550 = arith.constant 6.350000e+01 : f32
    %mul3A_551 = vector.broadcast %mul3A_550 : f32 to vector<256x128xf32>
    %mul3A_552 = arith.mulf %add3A_549, %mul3A_551 : vector<256x128xf32>
    %floor3A_553 = math.floor %mul3A_546 : vector<256x128xf32>
    %floor3A_554 = math.floor %mul3A_552 : vector<256x128xf32>
    %sub3A_555 = arith.subf %mul3A_546, %floor3A_553 : vector<256x128xf32>
    %sub3A_556 = arith.subf %mul3A_552, %floor3A_554 : vector<256x128xf32>
    %sub3A_557 = arith.constant 1.000000e+00 : f32
    %sub3A_558 = vector.broadcast %sub3A_557 : f32 to vector<256x128xf32>
    %sub3A_559 = arith.subf %sub3A_558, %sub3A_556 : vector<256x128xf32>
    %sub3A_560 = arith.constant 1.000000e+00 : f32
    %sub3A_561 = vector.broadcast %sub3A_560 : f32 to vector<256x128xf32>
    %sub3A_562 = arith.subf %sub3A_561, %sub3A_555 : vector<256x128xf32>
    %mul3A_563 = arith.mulf %sub3A_559, %sub3A_562 : vector<256x128xf32>
    %add3A_564 = arith.constant 1.000000e+00 : f32
    %add3A_565 = vector.broadcast %add3A_564 : f32 to vector<256x128xf32>
    %add3A_566 = arith.addf %floor3A_553, %add3A_565 : vector<256x128xf32>
    %sub3A_567 = arith.constant 1.000000e+00 : f32
    %sub3A_568 = vector.broadcast %sub3A_567 : f32 to vector<256x128xf32>
    %sub3A_569 = arith.subf %sub3A_568, %sub3A_556 : vector<256x128xf32>
    %mul3A_570 = arith.mulf %sub3A_569, %sub3A_555 : vector<256x128xf32>
    %add3A_571 = arith.constant 1.000000e+00 : f32
    %add3A_572 = vector.broadcast %add3A_571 : f32 to vector<256x128xf32>
    %add3A_573 = arith.addf %floor3A_554, %add3A_572 : vector<256x128xf32>
    %sub3A_574 = arith.constant 1.000000e+00 : f32
    %sub3A_575 = vector.broadcast %sub3A_574 : f32 to vector<256x128xf32>
    %sub3A_576 = arith.subf %sub3A_575, %sub3A_555 : vector<256x128xf32>
    %mul3A_577 = arith.mulf %sub3A_556, %sub3A_576 : vector<256x128xf32>
    %add3A_578 = arith.constant 1.000000e+00 : f32
    %add3A_579 = vector.broadcast %add3A_578 : f32 to vector<256x128xf32>
    %add3A_580 = arith.addf %floor3A_554, %add3A_579 : vector<256x128xf32>
    %add3A_581 = arith.constant 1.000000e+00 : f32
    %add3A_582 = vector.broadcast %add3A_581 : f32 to vector<256x128xf32>
    %add3A_583 = arith.addf %floor3A_553, %add3A_582 : vector<256x128xf32>
    %mul3A_584 = arith.mulf %sub3A_556, %sub3A_555 : vector<256x128xf32>
    %ge3A_585 = arith.constant 0.000000e+00 : f32
    %ge3A_586 = vector.broadcast %ge3A_585 : f32 to vector<256x128xf32>
    %ge3A_587 = arith.cmpf oge, %floor3A_553, %ge3A_586 : vector<256x128xf32>
    %le3A_588 = arith.constant 1.270000e+02 : f32
    %le3A_589 = vector.broadcast %le3A_588 : f32 to vector<256x128xf32>
    %le3A_590 = arith.cmpf ole, %floor3A_553, %le3A_589 : vector<256x128xf32>
    %and3A_591 = arith.andi %ge3A_587, %le3A_590 : vector<256x128xi1>
    %ge3A_592 = arith.constant 0.000000e+00 : f32
    %ge3A_593 = vector.broadcast %ge3A_592 : f32 to vector<256x128xf32>
    %ge3A_594 = arith.cmpf oge, %floor3A_554, %ge3A_593 : vector<256x128xf32>
    %and3A_595 = arith.andi %and3A_591, %ge3A_594 : vector<256x128xi1>
    %le3A_596 = arith.constant 1.270000e+02 : f32
    %le3A_597 = vector.broadcast %le3A_596 : f32 to vector<256x128xf32>
    %le3A_598 = arith.cmpf ole, %floor3A_554, %le3A_597 : vector<256x128xf32>
    %and3A_599 = arith.andi %and3A_595, %le3A_598 : vector<256x128xi1>
    %jit3A_600 = arith.constant 0 : i32
    %jit3A_601 = arith.constant 127 : i32
    %convert_element_type3A_602 = arith.sitofp %jit3A_600 : i32 to f32
    %max3A_603 = vector.broadcast %convert_element_type3A_602 : f32 to vector<256x128xf32>
    %max3A_604 = arith.maximumf %max3A_603, %floor3A_554 : vector<256x128xf32>
    %convert_element_type3A_605 = arith.sitofp %jit3A_601 : i32 to f32
    %min3A_606 = vector.broadcast %convert_element_type3A_605 : f32 to vector<256x128xf32>
    %min3A_607 = arith.minimumf %min3A_606, %max3A_604 : vector<256x128xf32>
    %convert_element_type3A_608 = arith.fptosi %min3A_607 : vector<256x128xf32> to vector<256x128xi32>
    %mul3A_609 = arith.constant 128 : i32
    %mul3A_610 = vector.broadcast %mul3A_609 : i32 to vector<256x128xi32>
    %mul3A_611 = arith.muli %convert_element_type3A_608, %mul3A_610 : vector<256x128xi32>
    %jit3A_612 = arith.constant 0 : i32
    %jit3A_613 = arith.constant 127 : i32
    %convert_element_type3A_614 = arith.sitofp %jit3A_612 : i32 to f32
    %max3A_615 = vector.broadcast %convert_element_type3A_614 : f32 to vector<256x128xf32>
    %max3A_616 = arith.maximumf %max3A_615, %floor3A_553 : vector<256x128xf32>
    %convert_element_type3A_617 = arith.sitofp %jit3A_613 : i32 to f32
    %min3A_618 = vector.broadcast %convert_element_type3A_617 : f32 to vector<256x128xf32>
    %min3A_619 = arith.minimumf %min3A_618, %max3A_616 : vector<256x128xf32>
    %convert_element_type3A_620 = arith.fptosi %min3A_619 : vector<256x128xf32> to vector<256x128xi32>
    %add3A_621 = arith.addi %mul3A_611, %convert_element_type3A_620 : vector<256x128xi32>
    %swap3A_622 = arith.constant 8 : index
    %swap3A_623 = arith.constant 0 : index
    %swap3A_624 = arith.constant 0 : index
    %swap3A_625 = vector.load %arg4[%swap3A_622, %swap3A_623, %swap3A_624] : memref<12x256x128xi32, #tpu.memory_space<vmem>>, vector<1x256x128xi32>
    %swap3A_626 = vector.shape_cast %swap3A_625 : vector<1x256x128xi32> to vector<256x128xi32>
    %swap3A_627 = vector.shape_cast %add3A_621 : vector<256x128xi32> to vector<1x256x128xi32>
    tpu.vector_store %arg4[%swap3A_622, %swap3A_623, %swap3A_624], %swap3A_627 {strides = array<i32>} : memref<12x256x128xi32, #tpu.memory_space<vmem>>, vector<1x256x128xi32>,
    %jit3A_628 = arith.constant 0.000000e+00 : f32
    %broadcast_in_dim3A_629 = vector.broadcast %jit3A_628 : f32 to vector<256x128xf32>
    %select_n3A_630 = arith.select %and3A_599, %mul3A_563, %broadcast_in_dim3A_629 : vector<256x128xi1>, vector<256x128xf32>
    %swap3A_631 = arith.constant 8 : index
    %swap3A_632 = arith.constant 0 : index
    %swap3A_633 = arith.constant 0 : index
    %swap3A_634 = vector.load %arg5[%swap3A_631, %swap3A_632, %swap3A_633] : memref<12x256x128xf32, #tpu.memory_space<vmem>>, vector<1x256x128xf32>
    %swap3A_635 = vector.shape_cast %swap3A_634 : vector<1x256x128xf32> to vector<256x128xf32>
    %swap3A_636 = vector.shape_cast %select_n3A_630 : vector<256x128xf32> to vector<1x256x128xf32>
    tpu.vector_store %arg5[%swap3A_631, %swap3A_632, %swap3A_633], %swap3A_636 {strides = array<i32>} : memref<12x256x128xf32, #tpu.memory_space<vmem>>, vector<1x256x128xf32>,
    %ge3A_637 = arith.constant 0.000000e+00 : f32
    %ge3A_638 = vector.broadcast %ge3A_637 : f32 to vector<256x128xf32>
    %ge3A_639 = arith.cmpf oge, %add3A_566, %ge3A_638 : vector<256x128xf32>
    %le3A_640 = arith.constant 1.270000e+02 : f32
    %le3A_641 = vector.broadcast %le3A_640 : f32 to vector<256x128xf32>
    %le3A_642 = arith.cmpf ole, %add3A_566, %le3A_641 : vector<256x128xf32>
    %and3A_643 = arith.andi %ge3A_639, %le3A_642 : vector<256x128xi1>
    %ge3A_644 = arith.constant 0.000000e+00 : f32
    %ge3A_645 = vector.broadcast %ge3A_644 : f32 to vector<256x128xf32>
    %ge3A_646 = arith.cmpf oge, %floor3A_554, %ge3A_645 : vector<256x128xf32>
    %and3A_647 = arith.andi %and3A_643, %ge3A_646 : vector<256x128xi1>
    %le3A_648 = arith.constant 1.270000e+02 : f32
    %le3A_649 = vector.broadcast %le3A_648 : f32 to vector<256x128xf32>
    %le3A_650 = arith.cmpf ole, %floor3A_554, %le3A_649 : vector<256x128xf32>
    %and3A_651 = arith.andi %and3A_647, %le3A_650 : vector<256x128xi1>
    %jit3A_652 = arith.constant 0 : i32
    %jit3A_653 = arith.constant 127 : i32
    %convert_element_type3A_654 = arith.sitofp %jit3A_652 : i32 to f32
    %max3A_655 = vector.broadcast %convert_element_type3A_654 : f32 to vector<256x128xf32>
    %max3A_656 = arith.maximumf %max3A_655, %floor3A_554 : vector<256x128xf32>
    %convert_element_type3A_657 = arith.sitofp %jit3A_653 : i32 to f32
    %min3A_658 = vector.broadcast %convert_element_type3A_657 : f32 to vector<256x128xf32>
    %min3A_659 = arith.minimumf %min3A_658, %max3A_656 : vector<256x128xf32>
    %convert_element_type3A_660 = arith.fptosi %min3A_659 : vector<256x128xf32> to vector<256x128xi32>
    %mul3A_661 = arith.constant 128 : i32
    %mul3A_662 = vector.broadcast %mul3A_661 : i32 to vector<256x128xi32>
    %mul3A_663 = arith.muli %convert_element_type3A_660, %mul3A_662 : vector<256x128xi32>
    %jit3A_664 = arith.constant 0 : i32
    %jit3A_665 = arith.constant 127 : i32
    %convert_element_type3A_666 = arith.sitofp %jit3A_664 : i32 to f32
    %max3A_667 = vector.broadcast %convert_element_type3A_666 : f32 to vector<256x128xf32>
    %max3A_668 = arith.maximumf %max3A_667, %add3A_566 : vector<256x128xf32>
    %convert_element_type3A_669 = arith.sitofp %jit3A_665 : i32 to f32
    %min3A_670 = vector.broadcast %convert_element_type3A_669 : f32 to vector<256x128xf32>
    %min3A_671 = arith.minimumf %min3A_670, %max3A_668 : vector<256x128xf32>
    %convert_element_type3A_672 = arith.fptosi %min3A_671 : vector<256x128xf32> to vector<256x128xi32>
    %add3A_673 = arith.addi %mul3A_663, %convert_element_type3A_672 : vector<256x128xi32>
    %swap3A_674 = arith.constant 9 : index
    %swap3A_675 = arith.constant 0 : index
    %swap3A_676 = arith.constant 0 : index
    %swap3A_677 = vector.load %arg4[%swap3A_674, %swap3A_675, %swap3A_676] : memref<12x256x128xi32, #tpu.memory_space<vmem>>, vector<1x256x128xi32>
    %swap3A_678 = vector.shape_cast %swap3A_677 : vector<1x256x128xi32> to vector<256x128xi32>
    %swap3A_679 = vector.shape_cast %add3A_673 : vector<256x128xi32> to vector<1x256x128xi32>
    tpu.vector_store %arg4[%swap3A_674, %swap3A_675, %swap3A_676], %swap3A_679 {strides = array<i32>} : memref<12x256x128xi32, #tpu.memory_space<vmem>>, vector<1x256x128xi32>,
    %jit3A_680 = arith.constant 0.000000e+00 : f32
    %broadcast_in_dim3A_681 = vector.broadcast %jit3A_680 : f32 to vector<256x128xf32>
    %select_n3A_682 = arith.select %and3A_651, %mul3A_570, %broadcast_in_dim3A_681 : vector<256x128xi1>, vector<256x128xf32>
    %swap3A_683 = arith.constant 9 : index
    %swap3A_684 = arith.constant 0 : index
    %swap3A_685 = arith.constant 0 : index
    %swap3A_686 = vector.load %arg5[%swap3A_683, %swap3A_684, %swap3A_685] : memref<12x256x128xf32, #tpu.memory_space<vmem>>, vector<1x256x128xf32>
    %swap3A_687 = vector.shape_cast %swap3A_686 : vector<1x256x128xf32> to vector<256x128xf32>
    %swap3A_688 = vector.shape_cast %select_n3A_682 : vector<256x128xf32> to vector<1x256x128xf32>
    tpu.vector_store %arg5[%swap3A_683, %swap3A_684, %swap3A_685], %swap3A_688 {strides = array<i32>} : memref<12x256x128xf32, #tpu.memory_space<vmem>>, vector<1x256x128xf32>,
    %ge3A_689 = arith.constant 0.000000e+00 : f32
    %ge3A_690 = vector.broadcast %ge3A_689 : f32 to vector<256x128xf32>
    %ge3A_691 = arith.cmpf oge, %floor3A_553, %ge3A_690 : vector<256x128xf32>
    %le3A_692 = arith.constant 1.270000e+02 : f32
    %le3A_693 = vector.broadcast %le3A_692 : f32 to vector<256x128xf32>
    %le3A_694 = arith.cmpf ole, %floor3A_553, %le3A_693 : vector<256x128xf32>
    %and3A_695 = arith.andi %ge3A_691, %le3A_694 : vector<256x128xi1>
    %ge3A_696 = arith.constant 0.000000e+00 : f32
    %ge3A_697 = vector.broadcast %ge3A_696 : f32 to vector<256x128xf32>
    %ge3A_698 = arith.cmpf oge, %add3A_573, %ge3A_697 : vector<256x128xf32>
    %and3A_699 = arith.andi %and3A_695, %ge3A_698 : vector<256x128xi1>
    %le3A_700 = arith.constant 1.270000e+02 : f32
    %le3A_701 = vector.broadcast %le3A_700 : f32 to vector<256x128xf32>
    %le3A_702 = arith.cmpf ole, %add3A_573, %le3A_701 : vector<256x128xf32>
    %and3A_703 = arith.andi %and3A_699, %le3A_702 : vector<256x128xi1>
    %jit3A_704 = arith.constant 0 : i32
    %jit3A_705 = arith.constant 127 : i32
    %convert_element_type3A_706 = arith.sitofp %jit3A_704 : i32 to f32
    %max3A_707 = vector.broadcast %convert_element_type3A_706 : f32 to vector<256x128xf32>
    %max3A_708 = arith.maximumf %max3A_707, %add3A_573 : vector<256x128xf32>
    %convert_element_type3A_709 = arith.sitofp %jit3A_705 : i32 to f32
    %min3A_710 = vector.broadcast %convert_element_type3A_709 : f32 to vector<256x128xf32>
    %min3A_711 = arith.minimumf %min3A_710, %max3A_708 : vector<256x128xf32>
    %convert_element_type3A_712 = arith.fptosi %min3A_711 : vector<256x128xf32> to vector<256x128xi32>
    %mul3A_713 = arith.constant 128 : i32
    %mul3A_714 = vector.broadcast %mul3A_713 : i32 to vector<256x128xi32>
    %mul3A_715 = arith.muli %convert_element_type3A_712, %mul3A_714 : vector<256x128xi32>
    %jit3A_716 = arith.constant 0 : i32
    %jit3A_717 = arith.constant 127 : i32
    %convert_element_type3A_718 = arith.sitofp %jit3A_716 : i32 to f32
    %max3A_719 = vector.broadcast %convert_element_type3A_718 : f32 to vector<256x128xf32>
    %max3A_720 = arith.maximumf %max3A_719, %floor3A_553 : vector<256x128xf32>
    %convert_element_type3A_721 = arith.sitofp %jit3A_717 : i32 to f32
    %min3A_722 = vector.broadcast %convert_element_type3A_721 : f32 to vector<256x128xf32>
    %min3A_723 = arith.minimumf %min3A_722, %max3A_720 : vector<256x128xf32>
    %convert_element_type3A_724 = arith.fptosi %min3A_723 : vector<256x128xf32> to vector<256x128xi32>
    %add3A_725 = arith.addi %mul3A_715, %convert_element_type3A_724 : vector<256x128xi32>
    %swap3A_726 = arith.constant 10 : index
    %swap3A_727 = arith.constant 0 : index
    %swap3A_728 = arith.constant 0 : index
    %swap3A_729 = vector.load %arg4[%swap3A_726, %swap3A_727, %swap3A_728] : memref<12x256x128xi32, #tpu.memory_space<vmem>>, vector<1x256x128xi32>
    %swap3A_730 = vector.shape_cast %swap3A_729 : vector<1x256x128xi32> to vector<256x128xi32>
    %swap3A_731 = vector.shape_cast %add3A_725 : vector<256x128xi32> to vector<1x256x128xi32>
    tpu.vector_store %arg4[%swap3A_726, %swap3A_727, %swap3A_728], %swap3A_731 {strides = array<i32>} : memref<12x256x128xi32, #tpu.memory_space<vmem>>, vector<1x256x128xi32>,
    %jit3A_732 = arith.constant 0.000000e+00 : f32
    %broadcast_in_dim3A_733 = vector.broadcast %jit3A_732 : f32 to vector<256x128xf32>
    %select_n3A_734 = arith.select %and3A_703, %mul3A_577, %broadcast_in_dim3A_733 : vector<256x128xi1>, vector<256x128xf32>
    %swap3A_735 = arith.constant 10 : index
    %swap3A_736 = arith.constant 0 : index
    %swap3A_737 = arith.constant 0 : index
    %swap3A_738 = vector.load %arg5[%swap3A_735, %swap3A_736, %swap3A_737] : memref<12x256x128xf32, #tpu.memory_space<vmem>>, vector<1x256x128xf32>
    %swap3A_739 = vector.shape_cast %swap3A_738 : vector<1x256x128xf32> to vector<256x128xf32>
    %swap3A_740 = vector.shape_cast %select_n3A_734 : vector<256x128xf32> to vector<1x256x128xf32>
    tpu.vector_store %arg5[%swap3A_735, %swap3A_736, %swap3A_737], %swap3A_740 {strides = array<i32>} : memref<12x256x128xf32, #tpu.memory_space<vmem>>, vector<1x256x128xf32>,
    %ge3A_741 = arith.constant 0.000000e+00 : f32
    %ge3A_742 = vector.broadcast %ge3A_741 : f32 to vector<256x128xf32>
    %ge3A_743 = arith.cmpf oge, %add3A_583, %ge3A_742 : vector<256x128xf32>
    %le3A_744 = arith.constant 1.270000e+02 : f32
    %le3A_745 = vector.broadcast %le3A_744 : f32 to vector<256x128xf32>
    %le3A_746 = arith.cmpf ole, %add3A_583, %le3A_745 : vector<256x128xf32>
    %and3A_747 = arith.andi %ge3A_743, %le3A_746 : vector<256x128xi1>
    %ge3A_748 = arith.constant 0.000000e+00 : f32
    %ge3A_749 = vector.broadcast %ge3A_748 : f32 to vector<256x128xf32>
    %ge3A_750 = arith.cmpf oge, %add3A_580, %ge3A_749 : vector<256x128xf32>
    %and3A_751 = arith.andi %and3A_747, %ge3A_750 : vector<256x128xi1>
    %le3A_752 = arith.constant 1.270000e+02 : f32
    %le3A_753 = vector.broadcast %le3A_752 : f32 to vector<256x128xf32>
    %le3A_754 = arith.cmpf ole, %add3A_580, %le3A_753 : vector<256x128xf32>
    %and3A_755 = arith.andi %and3A_751, %le3A_754 : vector<256x128xi1>
    %jit3A_756 = arith.constant 0 : i32
    %jit3A_757 = arith.constant 127 : i32
    %convert_element_type3A_758 = arith.sitofp %jit3A_756 : i32 to f32
    %max3A_759 = vector.broadcast %convert_element_type3A_758 : f32 to vector<256x128xf32>
    %max3A_760 = arith.maximumf %max3A_759, %add3A_580 : vector<256x128xf32>
    %convert_element_type3A_761 = arith.sitofp %jit3A_757 : i32 to f32
    %min3A_762 = vector.broadcast %convert_element_type3A_761 : f32 to vector<256x128xf32>
    %min3A_763 = arith.minimumf %min3A_762, %max3A_760 : vector<256x128xf32>
    %convert_element_type3A_764 = arith.fptosi %min3A_763 : vector<256x128xf32> to vector<256x128xi32>
    %mul3A_765 = arith.constant 128 : i32
    %mul3A_766 = vector.broadcast %mul3A_765 : i32 to vector<256x128xi32>
    %mul3A_767 = arith.muli %convert_element_type3A_764, %mul3A_766 : vector<256x128xi32>
    %jit3A_768 = arith.constant 0 : i32
    %jit3A_769 = arith.constant 127 : i32
    %convert_element_type3A_770 = arith.sitofp %jit3A_768 : i32 to f32
    %max3A_771 = vector.broadcast %convert_element_type3A_770 : f32 to vector<256x128xf32>
    %max3A_772 = arith.maximumf %max3A_771, %add3A_583 : vector<256x128xf32>
    %convert_element_type3A_773 = arith.sitofp %jit3A_769 : i32 to f32
    %min3A_774 = vector.broadcast %convert_element_type3A_773 : f32 to vector<256x128xf32>
    %min3A_775 = arith.minimumf %min3A_774, %max3A_772 : vector<256x128xf32>
    %convert_element_type3A_776 = arith.fptosi %min3A_775 : vector<256x128xf32> to vector<256x128xi32>
    %add3A_777 = arith.addi %mul3A_767, %convert_element_type3A_776 : vector<256x128xi32>
    %swap3A_778 = arith.constant 11 : index
    %swap3A_779 = arith.constant 0 : index
    %swap3A_780 = arith.constant 0 : index
    %swap3A_781 = vector.load %arg4[%swap3A_778, %swap3A_779, %swap3A_780] : memref<12x256x128xi32, #tpu.memory_space<vmem>>, vector<1x256x128xi32>
    %swap3A_782 = vector.shape_cast %swap3A_781 : vector<1x256x128xi32> to vector<256x128xi32>
    %swap3A_783 = vector.shape_cast %add3A_777 : vector<256x128xi32> to vector<1x256x128xi32>
    tpu.vector_store %arg4[%swap3A_778, %swap3A_779, %swap3A_780], %swap3A_783 {strides = array<i32>} : memref<12x256x128xi32, #tpu.memory_space<vmem>>, vector<1x256x128xi32>,
    %jit3A_784 = arith.constant 0.000000e+00 : f32
    %broadcast_in_dim3A_785 = vector.broadcast %jit3A_784 : f32 to vector<256x128xf32>
    %select_n3A_786 = arith.select %and3A_755, %mul3A_584, %broadcast_in_dim3A_785 : vector<256x128xi1>, vector<256x128xf32>
    %swap3A_787 = arith.constant 11 : index
    %swap3A_788 = arith.constant 0 : index
    %swap3A_789 = arith.constant 0 : index
    %swap3A_790 = vector.load %arg5[%swap3A_787, %swap3A_788, %swap3A_789] : memref<12x256x128xf32, #tpu.memory_space<vmem>>, vector<1x256x128xf32>
    %swap3A_791 = vector.shape_cast %swap3A_790 : vector<1x256x128xf32> to vector<256x128xf32>
    %swap3A_792 = vector.shape_cast %select_n3A_786 : vector<256x128xf32> to vector<1x256x128xf32>
    tpu.vector_store %arg5[%swap3A_787, %swap3A_788, %swap3A_789], %swap3A_792 {strides = array<i32>} : memref<12x256x128xf32, #tpu.memory_space<vmem>>, vector<1x256x128xf32>,
    return
  }
}

</mosaic_0001>

<sc_bundles>
// kernel: kernel.4.cloned.1.call-start
scs
__scs_entry_jumppad:
0x0: {  	(pc) =	sbr.rel $0x88, $3  }
0x1: {  	(tag) =	ssettag $0x0;
	lr =	simm.s32 $0x1  }
0x2: {  	[smem:$0x3F9B] =	sst lr;
	_ =	strace $0xD0000000  }
0x3: {  	_ = 	snop  }
0x4: {  	_ = 	snop  }
0x5: {  	_ = 	snop  }
0x6: {  	_ = 	snop  }
0x7: {  	_ = 	snop  }
__scs_overlays_trampoline_lowered:
0x8: {  	[smem:$0x3FAA] =	sst s0  }
0x9: {  	[smem:$0x3FAB] =	sst s1  }
0xa: {  	[smem:$0x3FAC] =	sst s2  }
0xb: {  	[smem:$0x3FAD] =	sst s3  }
0xc: {  	[smem:$0x3FAE] =	sst s4  }
0xd: {  	[smem:$0x3FAF] =	sst s5  }
0xe: {  	[smem:$0x3FB0] =	sst s6  }
0xf: {  	[smem:$0x3FB1] =	sst s7  }
0x10: {  	[smem:$0x3FB2] =	sst s8  }
0x11: {  	[smem:$0x3FB3] =	sst s9;
	s0 =	simm.s32 @!p0 $0x0  }
0x12: {  	s1 =	sld [smem:$0x3F99];
	s0 =	simm.s32 @p0 $0x1  }
0x13: {  	[smem:$0x3FB4] =	sst s0;
	s0 =	simm.s32 @!p1 $0x0  }
0x14: {  	s2 =	sld [smem:$0x3F98];
	s0 =	simm.s32 @p1 $0x1  }
0x15: {  	[smem:$0x3FB5] =	sst s0;
	s0 =	simm.s32 @!p2 $0x0  }
0x16: {  	s3 =	sld [smem:$0x3FDB];
	s0 =	simm.s32 @p2 $0x1  }
0x17: {  	s4 =	simm.s32 $0x1BF5;
	[smem:$0x3FB7] =	sst s0  }
0x18: {  	s0 =	sld [smem:$0x3F9A];
	_ =	swait.ge [sflag:s4], $0x0  }
0x19: {  	s7 =	sld [smem:$0x3F9B]  }
0x1a: {  	s8 =	sadd.s32 $0xFFFFE003, lr  }
0x1b: {  	s9 =	sadd.s32 $0xFFFFFEF7, lr;
	s5 =	simm.s32 $0xFFFFFFFF;
	p2 =	slt.u32 s8, $0xFFFFF086  }
0x1c: {  	p1 =	slt.u32 s9, $0xF7A;
	s5 =	simm.s32 @!p2 $0x0  }
0x1d: {  	s5 =	simm.s32 @p1 $0x1;
	p0 =	seq.s32 s7, s2  }
0x1e: {  	s7 =	smul.u32 @!p0 $0xF7A, s2;
	p2 =	seq.s32 @!p0 s5, $0x0  }
0x1f: {  	s9 =	smul.u32 $0xF7A, s1;
	s8 =	simm.s32 @!p0 $0x1BF5;
	p2 =	por !p2, p0  }
0x20: {  	[sflag:s8] =	ssyncset.s32 @!p0 $0xFFFFF086;
	s6 =	sadd.s32 @!p0 s3, s7;
	s7 =	simm.s32 @!p0 $0x108  }
0x21: {  	s3 =	sadd.s32 s3, s9;
	s6 =	sadd.s32 @!p0 $0x88, s6;
	s7 =	simm.s32 @p2 $0x1082  }
0x22: {  	[simem:s7], [sflag:s8] =	dma.local @!p0 [hbm:s6], $0xF7A  }
0x23: {  	s9 =	sor.u32 $0xD0000000, s2;
	s6 =	simm.s32 $0x108;
	_ =	swait.ge @!p0 [sflag:s8], $0x0  }
0x24: {  	s3 =	sadd.s32 $0x88, s3;
	s6 =	simm.s32 @!p1 $0x1082;
	[sflag:s4] =	ssyncset.s32 $0xFFFFF086  }
0x25: {  	[simem:s6], [sflag:s4] =	dma.local [hbm:s3], $0xF7A  }
0x26: {  	[smem:$0x3F9B] =	sst s1;
	(tag) =	ssettag s2;
	_ =	strace s9  }
0x27: {  	s1 =	sld [smem:$0x3FAB]  }
0x28: {  	s2 =	sld [smem:$0x3FAC]  }
0x29: {  	s4 =	sld [smem:$0x3FAE]  }
0x2a: {  	p0 =	seq.s32 s5, $0x0;
	s5 =	sld [smem:$0x3FAF]  }
0x2b: {  	s6 =	sld [smem:$0x3FB0]  }
0x2c: {  	s7 =	sld [smem:$0x3FB1]  }
0x2d: {  	s3 =	simm.s32 $0x108;
	s8 =	sld [smem:$0x3FB2]  }
0x2e: {  	s3 =	simm.s32 @!p0 $0x1082;
	s9 =	sld [smem:$0x3FB3]  }
0x2f: {  	lr =	sadd.s32 s0, s3;
	s0 =	sld [smem:$0x3FAA]  }
0x30: {  	s3 =	sld [smem:$0x3FAD]  }
0x31: {  	[smem:$0x3FB6] =	sst s10  }
0x32: {  	s10 =	sld [smem:$0x3FB4];
	_ =	sdelay $0x3  }
0x33: {  	p0 =	seq.s32 s10, $0x1;
	s10 =	sld [smem:$0x3FB6];
	_ =	sdelay $0x3  }
0x34: {  	[smem:$0x3FB6] =	sst s10  }
0x35: {  	s10 =	sld [smem:$0x3FB5];
	_ =	sdelay $0x3  }
0x36: {  	p1 =	seq.s32 s10, $0x1;
	s10 =	sld [smem:$0x3FB6];
	_ =	sdelay $0x3  }
0x37: {  	[smem:$0x3FB6] =	sst s10  }
0x38: {  	s10 =	sld [smem:$0x3FB7]  }
0x39: {  	_ = 	snop;
	(pc) =	sbr.ind lr, $3  }
0x3a: {  	_ = 	snop  }
0x3b: {  	_ = 	snop  }
0x3c: {  	p2 =	seq.s32 s10, $0x1;
	s10 =	sld [smem:$0x3FB6]  }
0x3d: {  	_ =	shalt  }
0x3e: {  	_ =	shalt  }
0x3f: {  	_ =	shalt  }
0x40: {  	_ =	shalt  }
0x41: {  	_ =	shalt  }
0x42: {  	_ =	shalt  }
0x43: {  	_ =	shalt  }
0x44: {  	_ =	shalt  }
0x45: {  	_ =	shalt  }
0x46: {  	_ =	shalt  }
0x47: {  	_ =	shalt  }
0x48: {  	_ =	shalt  }
0x49: {  	_ =	shalt  }
0x4a: {  	_ =	shalt  }
0x4b: {  	_ =	shalt  }
0x4c: {  	_ =	shalt  }
0x4d: {  	_ =	shalt  }
0x4e: {  	_ =	shalt  }
0x4f: {  	_ =	shalt  }
0x50: {  	_ =	shalt  }
0x51: {  	_ =	shalt  }
0x52: {  	_ =	shalt  }
0x53: {  	_ =	shalt  }
0x54: {  	_ =	shalt  }
0x55: {  	_ =	shalt  }
0x56: {  	_ =	shalt  }
0x57: {  	_ =	shalt  }
0x58: {  	_ =	shalt  }
0x59: {  	_ =	shalt  }
0x5a: {  	_ =	shalt  }
0x5b: {  	_ =	shalt  }
0x5c: {  	_ =	shalt  }
0x5d: {  	_ =	shalt  }
0x5e: {  	_ =	shalt  }
0x5f: {  	_ =	shalt  }
0x60: {  	_ =	shalt  }
0x61: {  	_ =	shalt  }
0x62: {  	_ =	shalt  }
0x63: {  	_ =	shalt  }
0x64: {  	_ =	shalt  }
0x65: {  	_ =	shalt  }
0x66: {  	_ =	shalt  }
0x67: {  	_ =	shalt  }
0x68: {  	_ =	shalt  }
0x69: {  	_ =	shalt  }
0x6a: {  	_ =	shalt  }
0x6b: {  	_ =	shalt  }
0x6c: {  	_ =	shalt  }
0x6d: {  	_ =	shalt  }
0x6e: {  	_ =	shalt  }
0x6f: {  	_ =	shalt  }
0x70: {  	_ =	shalt  }
0x71: {  	_ =	shalt  }
0x72: {  	_ =	shalt  }
0x73: {  	_ =	shalt  }
0x74: {  	_ =	shalt  }
0x75: {  	_ =	shalt  }
0x76: {  	_ =	shalt  }
0x77: {  	_ =	shalt  }
0x78: {  	_ =	shalt  }
0x79: {  	_ =	shalt  }
0x7a: {  	_ =	shalt  }
0x7b: {  	_ =	shalt  }
0x7c: {  	_ =	shalt  }
0x7d: {  	_ =	shalt  }
0x7e: {  	_ =	shalt  }
0x7f: {  	_ =	shalt  }
0x80: {  	_ =	shalt  }
0x81: {  	_ =	shalt  }
0x82: {  	_ =	shalt  }
0x83: {  	_ =	shalt  }
0x84: {  	_ =	shalt  }
0x85: {  	_ =	shalt  }
0x86: {  	_ =	shalt  }
0x87: {  	_ =	shalt  }
.Lfunc_end0:
.L_simem_size_0:
called_computation.1_lowered:
.L_overlay_start_0:
0x88: {  	s2 =	sld [smem:$0x3FD9]  }
0x89: {  	s3 =	sld [smem:$0x3FFE];
	_ =	sdelay $0x1  }
0x8a: {  	s1 =	srdreg.scid  }
0x8b: {  	s0 =	sand.u32 $0x1, s1  }
0x8c: {  	s17 =	sshll.u32 s0, $0xA;
	s2 =	sadd.s32 s3, s2  }
0x8d: {  	s2 =	sadd.s32 s2, s17  }
0x8e: {  	[smem:$0x3FC2] =	sst s2  }
0x8f: {  	_ = 	snop  }
0x90: {  	s2 =	sld [smem:$0x3FD0];
	(tm) =	ssettm $0x1  }
0x91: {  	s18 =	sld [smem:$0x3FFB];
	_ =	sdelay $0x3  }
0x92: {  	_ =	strace s18  }
0x93: {  	s3 =	sld [smem:$0x3FFC];
	_ =	sdelay $0x3  }
0x94: {  	_ =	strace s3  }
0x95: {  	s3 =	sld [smem:$0x3FFD];
	_ =	sdelay $0x3  }
0x96: {  	_ =	strace s3  }
0x97: {  	_ =	strace $0x8FFFFFFF  }
0x98: {  	s19 =	sld [smem:$0x3FDB];
	_ =	sdelay $0x1  }
0x99: {  	s4 =	simm.s32 $_scs_section_size  }
0x9a: {  	s5 =	simm.s32 $_size__tile_overlayer_lowered;
	s6 =	simm.s32 $_tile_overlayer_lowered  }
0x9b: {  	s22 =	simm.s32 $0x1BFF;
	s21 =	sshll.u32 s6, $0x1;
	s3 =	sadd.s32 s4, s19  }
0x9c: {  	s7 =	simm.s32 $0x0;
	s20 =	sshll.u32 s5, $0x1;
	s5 =	sadd.s32 s21, s3  }
0x9d: {  	[timem:s7], [sflag:s22] =	dma.local [hbm:s5], s20  }
0x9e: {  	_ =	swait.ge [sflag:s22], s20  }
0x9f: {  	s4 =	ssub.s32 $0x0, s20;
	[sflag:s22] =	ssyncset.done $0x0  }
0xa0: {  	[sflag:s22] =	ssyncadd.s32 s4;
	_ =	sdelay $0x1  }
0xa1: {  	s23 =	simm.s32 $0x1B8B  }
0xa2: {  	_ =	swait.ge [sflag:s23], $0x1  }
0xa3: {  	[sflag:s23] =	ssyncset.done $0x0  }
0xa4: {  	s25 =	simm.s32 $0x1B8E;
	s24 =	sld [smem:$0x3FFE];
	[sflag:s23] =	ssyncadd.s32 $0xFFFFFFFF  }
0xa5: {  	s26 =	simm.s32 $execute0_lowered;
	[smem:$0x3FD2] =	sst s25  }
0xa6: {  	s5 =	sshll.u32 s26, $0x1;
	_ =	strace $0x80000046;
	[dreg:$0x1] =	wrdreg $0xFFFFFFFF  }
0xa7: {  	s28 =	simm.s32 $_size_execute0_lowered;
	s3 =	sadd.s32 s3, s5;
	[dreg:$0x0] =	wrdreg $0x0  }
0xa8: {  	s5 =	sshll.u32 s28, $0x1;
	[dreg:$0x2] =	wrdreg s3  }
0xa9: {  	[dreg:$0x3] =	wrdreg s5  }
0xaa: {  	[dreg:$0x4] =	wrdreg $0xC0  }
0xab: {  	_ =	task [dreg:s7], $0x5FFFF  }
0xac: {  	[dreg:$0x1] =	wrdreg $0xFFFFFFFF  }
0xad: {  	[dreg:$0x0] =	wrdreg $0x60  }
0xae: {  	[dreg:$0x2] =	wrdreg s24  }
0xaf: {  	[dreg:$0x3] =	wrdreg s2  }
0xb0: {  	[dreg:$0x4] =	wrdreg $0x9  }
0xb1: {  	_ =	task.clear_ibuf [dreg:s7], $0x5FFFF;
	_ =	strace $0x90000046  }
0xb2: {  	s29 =	simm.s32 $0x9;
	_ =	strace $0x80000048  }
0xb3: {  	_ =	swait.ge [sflag:s29], $0x1  }
0xb4: {  	[sflag:s29] =	ssyncadd.s32 $0xFFFFFFFF  }
0xb5: {  	_ =	strace $0x90000048  }
0xb6: {  	_ =	sfence  }
0xb7: {  	s30 =	sld [smem:$0x0];
	_ =	sdelay $0x2  }
0xb8: {  	s31 =	sshll.u32 s1, $0xD;
	s1 =	sshrl.u32 s1, $0x2  }
0xb9: {  	s3 =	sand.u32 $0x4000, s31;
	s1 =	sadd.s32 s1, s30  }
0xba: {  	s0 =	sor.u32 s3, s0;
	s1 =	sshll.u32 s1, $0x11  }
0xbb: {  	s0 =	sor.u32 s1, s0  }
0xbc: {  	s0 =	sadd.s32 $0x8F2B, s0  }
0xbd: {  	[sflag:s0] =	ssyncadd.remote.s32 $0x1  }
0xbe: {  	_ =	sfence.sel $0xFFFF  }
0xbf: {  	[dreg:$0x0] =	wrdreg $0xFFFFFFFF;
	(pc) =	sbr.abs _section_cstart, $3  }
0xc0: {  	[dreg:$0x1] =	wrdreg $0xFFFFFFFF  }
0xc1: {  	_ =	task.clear_ibuf [dreg:s7], $0x2FFFF;
	_ =	strace $0x9FFFFFFF  }
0xc2: {  	(tm) =	ssettm $0x7FFFFFFF  }
0xc3: {  	_ =	shalt  }
tec
execute0_lowered:
.L_overlay_start_1:
0x0: {  	(tag) =	ssettag $0x1  }
0x1: {  	s0 =	rddreg [dreg:$0x0]  }
0x2: {  	s1 =	rddreg [dreg:$0x1];
	s2 =	simm.s32 $0x0;
	v0 =	vlaneseq.u32  }
0x3: {  	s24 =	srdreg.scid;
	s6 =	stileid.u32;
	s15 =	simm.s32 $0x10;
	v0 =	vmul.u32 $0x30, v0  }
0x4: {  	s17 =	simm.s32 $0x180;
	s23 =	simm.s32 $0x30;
	s29 =	simm.s32 $0x2  }
0x5: {  	s16 =	simm.s32 $0x230;
	s19 =	simm.s32 $0x11700;
	s20 =	simm.s32 $0x3;
	v1 =	vadd.s32 $0x300, v0;
	v2 =	vadd.s32 $0x600, v0  }
0x6: {  	s21 =	simm.s32 $0x12300;
	s22 =	simm.s32 $0x18000;
	s10 =	simm.s32 $0x0;
	v3 =	vadd.s32 $0x900, v0;
	v4 =	vor.u32 $0xC00, v0;
	v5 =	vadd.s32 $0xF00, v0  }
0x7: {  	s31 =	simm.s32 $0x8000;
	[smem:$0x7FF] =	sst s2;
	s4 =	sadd.s32 $0x19000, s0;
	v6 =	vadd.s32 $0x1200, v0;
	v7 =	vadd.s32 $0x1500, v0;
	v8 =	vor.u32 $0x1800, v0  }
0x8: {  	s2 =	sand.u32 $0x1, s24;
	s5 =	sadd.s32 $0xD9000, s0;
	s7 =	sshll.u32 s6, $0x1;
	v9 =	vadd.s32 $0x1B00, v0;
	v10 =	vadd.s32 $0x1E00, v0;
	v11 =	vadd.s32 $0x2100, v0  }
0x9: {  	s6 =	sadd.s32 $0x79000, s0;
	s24 =	simm.s32 $0x4;
	_ =	strace $0x80000047;
	v12 =	vor.u32 $0x8, v0;
	v13 =	vadd.s32 $0x308, v0;
	v14 =	vadd.s32 $0x608, v0  }
0xa: {  	s3 =	ssub.s32 $0x2, s2;
	s2 =	sor.u32 s2, s7;
	s7 =	sadd.s32 $0x1000, s0;
	v15 =	vadd.s32 $0x908, v0;
	v16 =	vor.u32 $0xC08, v0;
	v17 =	vadd.s32 $0xF08, v0  }
0xb: {  	s8 =	sshrl.u32 s3, $0x1;
	s26 =	sshll.u32 s2, $0x7;
	s28 =	sshll.u32 s2, $0x6;
	v18 =	vadd.s32 $0x1208, v0;
	v19 =	vadd.s32 $0x1508, v0;
	v20 =	vor.u32 $0x1808, v0  }
.Ltmp0:
0xc: {  	s9 =	sshll.u32 s2, $0xA;
	v21 =	vadd.s32 $0x1B08, v0;
	v22 =	vadd.s32 $0x1E08, v0;
	v23 =	vadd.s32 $0x2108, v0;
	s25 =	ssub.s32 s3, s8;
	(pc) =	sbr.rel .LBB2_1-.Ltmp0, $4  }
0xd: {  	v24 =	vadd.s32 $0x10, v0;
	v25 =	vadd.s32 $0x310, v0;
	v26 =	vadd.s32 $0x610, v0;
	s3 =	sadd.s32 s7, s26;
	s11 =	sor.u32 $0x2, s28;
	s12 =	sor.u32 $0x10, s9  }
0xe: {  	v27 =	vadd.s32 $0x910, v0;
	v28 =	vadd.s32 $0xC10, v0;
	v29 =	vadd.s32 $0xF10, v0;
	s13 =	sor.u32 $0x3, s28;
	[dreg:$0x3] =	wrdreg s3;
	s30 =	sadd.s32 $0x2, s3  }
0xf: {  	v30 =	vadd.s32 $0x1210, v0;
	v31 =	vadd.s32 $0x1510, v0;
	v32 =	vadd.s32 $0x1810, v0;
	s0 =	smax.u32 s25, $0x1;
	s3 =	simm.s32 $0x10B00;
	[dreg:$0x4] =	wrdreg s30  }
0x10: {  	v33 =	vadd.s32 $0x1B10, v0;
	v34 =	vadd.s32 $0x1E10, v0;
	v35 =	vadd.s32 $0x2110, v0;
	s25 =	simm.s32 $0x14700;
	[dreg:$0x5] =	wrdreg s0;
	s0 =	simm.s32 $0x220  }
.LBB2_8:
0x11: {  	s2 =	simm.s32 $0x5  }
0x12: {  	_ =	swait.ge [sflag:s2], $0x2400  }
0x13: {  	[sflag:s2] =	ssyncset.done $0x0  }
0x14: {  	s8 =	simm.s32 $0x6;
	[sflag:s2] =	ssyncadd.s32 $0xFFFFDC00  }
0x15: {  	_ =	swait.ge [sflag:s8], $0x2400  }
0x16: {  	s10 =	rddreg [dreg:$0x6]  }
0x17: {  	s30 =	rddreg [dreg:$0x5];
	s10 =	sadd.s32 $0x1, s10  }
0x18: {  	p0 =	sne.s32 s10, s30  }
.Ltmp1:
0x19: {  	_ = 	snop;
	(pc) =	sbr.rel @!p0 .LBB2_9-.Ltmp1, $3  }
0x1a: {  	_ =	sdelay $0x1  }
0x1b: {  	[sflag:s8] =	ssyncset.done $0x0  }
0x1c: {  	[sflag:s8] =	ssyncadd.s32 $0xFFFFDC00  }
.LBB2_1:
0x1d: {  	[dreg:$0x6] =	wrdreg s10  }
0x1e: {  	s2 =	simm.s32 $0x0;
	s8 =	rddreg [dreg:$0x3];
	s14 =	simm.s32 $0x8000  }
0x1f: {  	[tilespmem:s2], [sflag:$0x1] =	stream.strided.gather [hbm4b:s8+s15], $0x180, s14, s15, $0x38;
	[tilespmem:$0x16B00] =	vst v63  }
0x20: {  	s18 =	rddreg [dreg:$0x4];
	s26 =	simm.s32 $0x1  }
0x21: {  	[tilespmem:s17], [sflag:$0x2] =	stream.strided.gather [hbm4b:s18+s15], $0x180, s14, s15, $0x38;
	[tilespmem:$0x16B00] =	vst v63  }
0x22: {  	_ =	swait.ge [sflag:s26], $0x180  }
0x23: {  	[sflag:s26] =	ssyncset.done $0x0  }
0x24: {  	s28 =	simm.s32 $0x300;
	[sflag:s26] =	ssyncadd.s32 $0xFFFFFE80  }
0x25: {  	[tilespmem:s28], [sflag:$0x3] =	stream.indirect.gather [hbm4b:s4+s15], $0xC0, s2, s15, $0xb8;
	[tilespmem:$0x16B00] =	vst v63  }
0x26: {  	s30 =	simm.s32 $0xF00  }
0x27: {  	[tilespmem:s30], [sflag:$0x3] =	stream.indirect.gather [hbm4b:s4+s15], $0xC0, s15, s15, $0xb8;
	[tilespmem:$0x16B00] =	vst v63  }
0x28: {  	s10 =	simm.s32 $0x1B00;
	s8 =	simm.s32 $0x20  }
0x29: {  	[tilespmem:s10], [sflag:$0x3] =	stream.indirect.gather [hbm4b:s4+s15], $0xC0, s8, s15, $0xb8;
	[tilespmem:$0x16B00] =	vst v63  }
0x2a: {  	s14 =	simm.s32 $0x2700  }
0x2b: {  	[tilespmem:s14], [sflag:$0x3] =	stream.indirect.gather [hbm4b:s4+s15], $0xC0, s23, s15, $0xb8;
	[tilespmem:$0x16B00] =	vst v63  }
0x2c: {  	s18 =	simm.s32 $0x40;
	s26 =	simm.s32 $0x3300  }
0x2d: {  	[tilespmem:s26], [sflag:$0x3] =	stream.indirect.gather [hbm4b:s5+s15], $0xC0, s18, s15, $0xb8;
	[tilespmem:$0x16B00] =	vst v63  }
0x2e: {  	s28 =	simm.s32 $0x50;
	s30 =	simm.s32 $0x3F00  }
0x2f: {  	[tilespmem:s30], [sflag:$0x3] =	stream.indirect.gather [hbm4b:s5+s15], $0xC0, s28, s15, $0xb8;
	[tilespmem:$0x16B00] =	vst v63  }
0x30: {  	s10 =	simm.s32 $0x60;
	s14 =	simm.s32 $0x4B00  }
0x31: {  	[tilespmem:s14], [sflag:$0x3] =	stream.indirect.gather [hbm4b:s5+s15], $0xC0, s10, s15, $0xb8;
	[tilespmem:$0x16B00] =	vst v63  }
0x32: {  	s18 =	simm.s32 $0x70;
	s26 =	simm.s32 $0x5700  }
0x33: {  	[tilespmem:s26], [sflag:$0x3] =	stream.indirect.gather [hbm4b:s5+s15], $0xC0, s18, s15, $0xb8;
	[tilespmem:$0x16B00] =	vst v63  }
0x34: {  	s28 =	simm.s32 $0x80;
	s30 =	simm.s32 $0x6300  }
0x35: {  	[tilespmem:s30], [sflag:$0x3] =	stream.indirect.gather [hbm4b:s6+s15], $0xC0, s28, s15, $0xb8;
	[tilespmem:$0x16B00] =	vst v63  }
0x36: {  	s10 =	simm.s32 $0x90;
	s14 =	simm.s32 $0x6F00  }
0x37: {  	[tilespmem:s14], [sflag:$0x3] =	stream.indirect.gather [hbm4b:s6+s15], $0xC0, s10, s15, $0xb8;
	[tilespmem:$0x16B00] =	vst v63  }
0x38: {  	s18 =	simm.s32 $0xA0;
	s26 =	simm.s32 $0x7B00  }
0x39: {  	[tilespmem:s26], [sflag:$0x3] =	stream.indirect.gather [hbm4b:s6+s15], $0xC0, s18, s15, $0xb8;
	[tilespmem:$0x16B00] =	vst v63  }
0x3a: {  	s28 =	simm.s32 $0xB0;
	s30 =	simm.s32 $0x8700;
	s26 =	simm.s32 $0x0  }
0x3b: {  	[tilespmem:s30], [sflag:$0x3] =	stream.indirect.gather [hbm4b:s6+s15], $0xC0, s28, s15, $0xb8;
	[tilespmem:$0x16B00] =	vst v63  }
.LBB2_2:
0x3c: {  	_ =	swait.ge [sflag:s29], $0x180  }
0x3d: {  	[sflag:s29] =	ssyncset.done $0x0  }
0x3e: {  	s2 =	simm.s32 $0x9300;
	[sflag:s29] =	ssyncadd.s32 $0xFFFFFE80  }
0x3f: {  	[tilespmem:s2], [sflag:$0x4] =	stream.indirect.gather [hbm4b:s4+s15], $0xC0, s17, s15, $0xb8;
	[tilespmem:$0x16B00] =	vst v63  }
0x40: {  	s30 =	simm.s32 $0x190;
	s8 =	simm.s32 $0x9F00  }
0x41: {  	[tilespmem:s8], [sflag:$0x4] =	stream.indirect.gather [hbm4b:s4+s15], $0xC0, s30, s15, $0xb8;
	[tilespmem:$0x16B00] =	vst v63  }
0x42: {  	s10 =	simm.s32 $0x1A0;
	s14 =	simm.s32 $0xAB00  }
0x43: {  	[tilespmem:s14], [sflag:$0x4] =	stream.indirect.gather [hbm4b:s4+s15], $0xC0, s10, s15, $0xb8;
	[tilespmem:$0x16B00] =	vst v63  }
0x44: {  	s18 =	simm.s32 $0x1B0;
	s30 =	simm.s32 $0xB700  }
0x45: {  	[tilespmem:s30], [sflag:$0x4] =	stream.indirect.gather [hbm4b:s4+s15], $0xC0, s18, s15, $0xb8;
	[tilespmem:$0x16B00] =	vst v63  }
0x46: {  	s10 =	simm.s32 $0x1C0;
	s14 =	simm.s32 $0xC300  }
0x47: {  	[tilespmem:s14], [sflag:$0x4] =	stream.indirect.gather [hbm4b:s5+s15], $0xC0, s10, s15, $0xb8;
	[tilespmem:$0x16B00] =	vst v63  }
0x48: {  	s18 =	simm.s32 $0x1D0;
	s30 =	simm.s32 $0xCF00  }
0x49: {  	[tilespmem:s30], [sflag:$0x4] =	stream.indirect.gather [hbm4b:s5+s15], $0xC0, s18, s15, $0xb8;
	[tilespmem:$0x16B00] =	vst v63  }
0x4a: {  	s10 =	simm.s32 $0x1E0;
	s14 =	simm.s32 $0xDB00  }
0x4b: {  	[tilespmem:s14], [sflag:$0x4] =	stream.indirect.gather [hbm4b:s5+s15], $0xC0, s10, s15, $0xb8;
	[tilespmem:$0x16B00] =	vst v63  }
0x4c: {  	s18 =	simm.s32 $0x1F0;
	s30 =	simm.s32 $0xE700  }
0x4d: {  	[tilespmem:s30], [sflag:$0x4] =	stream.indirect.gather [hbm4b:s5+s15], $0xC0, s18, s15, $0xb8;
	[tilespmem:$0x16B00] =	vst v63  }
0x4e: {  	s10 =	simm.s32 $0x200;
	s14 =	simm.s32 $0xF300  }
0x4f: {  	[tilespmem:s14], [sflag:$0x4] =	stream.indirect.gather [hbm4b:s6+s15], $0xC0, s10, s15, $0xb8;
	[tilespmem:$0x16B00] =	vst v63  }
0x50: {  	s18 =	simm.s32 $0x210;
	s30 =	simm.s32 $0xFF00  }
0x51: {  	[tilespmem:s30], [sflag:$0x4] =	stream.indirect.gather [hbm4b:s6+s15], $0xC0, s18, s15, $0xb8;
	[tilespmem:$0x16B00] =	vst v63  }
0x52: {  	_ = 	snop  }
0x53: {  	[tilespmem:s3], [sflag:$0x4] =	stream.indirect.gather [hbm4b:s6+s15], $0xC0, s0, s15, $0xb8;
	[tilespmem:$0x16B00] =	vst v63  }
0x54: {  	_ = 	snop  }
0x55: {  	[tilespmem:s19], [sflag:$0x4] =	stream.indirect.gather [hbm4b:s6+s15], $0xC0, s16, s15, $0xb8;
	[tilespmem:$0x16B00] =	vst v63  }
0x56: {  	_ =	swait.ge [sflag:s20], $0xC00  }
0x57: {  	[sflag:s20] =	ssyncset.done $0x0  }
0x58: {  	[sflag:s20] =	ssyncadd.s32 $0xFFFFF400  }
0x59: {  	_ =	swait.ge [sflag:s20], $0xC00  }
0x5a: {  	[sflag:s20] =	ssyncset.done $0x0  }
0x5b: {  	[sflag:s20] =	ssyncadd.s32 $0xFFFFF400  }
0x5c: {  	_ =	swait.ge [sflag:s20], $0xC00  }
0x5d: {  	[sflag:s20] =	ssyncset.done $0x0  }
0x5e: {  	[sflag:s20] =	ssyncadd.s32 $0xFFFFF400  }
0x5f: {  	_ =	swait.ge [sflag:s20], $0xC00  }
0x60: {  	[sflag:s20] =	ssyncset.done $0x0  }
0x61: {  	[sflag:s20] =	ssyncadd.s32 $0xFFFFF400  }
0x62: {  	_ =	swait.ge [sflag:s20], $0xC00  }
0x63: {  	[sflag:s20] =	ssyncset.done $0x0  }
0x64: {  	[sflag:s20] =	ssyncadd.s32 $0xFFFFF400  }
0x65: {  	_ =	swait.ge [sflag:s20], $0xC00  }
0x66: {  	[sflag:s20] =	ssyncset.done $0x0  }
0x67: {  	[sflag:s20] =	ssyncadd.s32 $0xFFFFF400  }
0x68: {  	_ =	swait.ge [sflag:s20], $0xC00  }
0x69: {  	[sflag:s20] =	ssyncset.done $0x0  }
0x6a: {  	[sflag:s20] =	ssyncadd.s32 $0xFFFFF400  }
0x6b: {  	_ =	swait.ge [sflag:s20], $0xC00  }
0x6c: {  	[sflag:s20] =	ssyncset.done $0x0  }
0x6d: {  	[sflag:s20] =	ssyncadd.s32 $0xFFFFF400  }
0x6e: {  	_ =	swait.ge [sflag:s20], $0xC00  }
0x6f: {  	[sflag:s20] =	ssyncset.done $0x0  }
0x70: {  	[sflag:s20] =	ssyncadd.s32 $0xFFFFF400  }
0x71: {  	_ =	swait.ge [sflag:s20], $0xC00  }
0x72: {  	[sflag:s20] =	ssyncset.done $0x0  }
0x73: {  	[sflag:s20] =	ssyncadd.s32 $0xFFFFF400  }
0x74: {  	_ =	swait.ge [sflag:s20], $0xC00  }
0x75: {  	[sflag:s20] =	ssyncset.done $0x0  }
0x76: {  	[sflag:s20] =	ssyncadd.s32 $0xFFFFF400  }
0x77: {  	_ =	swait.ge [sflag:s20], $0xC00  }
0x78: {  	p0 =	seq.s32 s26, $0x0;
	[sflag:s20] =	ssyncset.done $0x0  }
0x79: {  	s2 =	simm.s32 @!p0 $0x5;
	[sflag:s20] =	ssyncadd.s32 $0xFFFFF400  }
0x7a: {  	_ =	swait.ge @!p0 [sflag:s2], $0x2400  }
0x7b: {  	[sflag:s2] =	ssyncset.done @!p0 $0x0  }
0x7c: {  	[sflag:s2] =	ssyncadd.s32 @!p0 $0xFFFFDC00  }
0x7d: {  	v36 =	vld [tilespmem:$0xC0]  }
0x7e: {  	v37 =	vld [tilespmem:$0xD0]  }
0x7f: {  	v38 =	vld [tilespmem:$0xE0]  }
0x80: {  	v39 =	vld [tilespmem:$0xF0]  }
0x81: {  	v40 =	vld [tilespmem:$0x100]  }
0x82: {  	v41 =	vld [tilespmem:$0x110]  }
0x83: {  	v42 =	vld [tilespmem:$0x120]  }
0x84: {  	v43 =	vld [tilespmem:$0x130]  }
0x85: {  	v44 =	vld [tilespmem:$0x140]  }
0x86: {  	v45 =	vld [tilespmem:$0x150]  }
0x87: {  	s28 =	sshll.u32 s26, $0x1;
	s8 =	simm.s32 $0x7B00;
	v46 =	vld [tilespmem:$0x160]  }
0x88: {  	s10 =	simm.s32 $0x1B00;
	s14 =	simm.s32 $0x4B00;
	s2 =	simm.s32 $0x0;
	v47 =	vld [tilespmem:$0x170]  }
.LBB2_3:
0x89: {  	v48 =	vld [tilespmem:s10+$0xFFFFE800]  }
0x8a: {  	v54 =	vld [tilespmem:s10+$0xFFFFF400]  }
0x8b: {  	s18 =	sshrl.u32 s2, $0x3  }
0x8c: {  	v49 =	vmov s2;
	v55 =	vld [tilespmem:s10+$0x0];
	v50 =	vmov s18  }
0x8d: {  	v51 =	vperm.xlane v36, v49;
	v52 =	vperm.xlane v37, v49;
	v50 =	vmul.u32 $0x18, v50  }
0x8e: {  	s30 =	sand.u32 $0x7, s2;
	v56 =	vld [tilespmem:s10+$0xC00];
	v53 =	vperm.xlane v38, v49  }
0x8f: {  	v62 =	vor.u32 s30, v50;
	v57 =	vmul.f32 v48, v51;
	v58 =	vmul.f32 v54, v52  }
0x90: {  	v48 =	vbroadcast v62, $0x0  }
0x91: {  	v54 =	vperm.xlane v39, v49;
	v55 =	vmul.f32 v55, v53;
	v57 =	vadd.f32 v58, v57  }
0x92: {  	v63 =	vadd.s32 v0, v48  }
0x93: {  	v56 =	vmul.f32 v56, v54;
	v55 =	vadd.f32 v55, v57;
	_ =	sdelay $0x1  }
0x94: {  	v55 =	vadd.f32 v56, v55;
	_ =	sdelay $0x1  }
0x95: {  	[tilespmem:v63+s21+$0x0] =	vst.idx.msk $0xffff, v55  }
0x96: {  	v55 =	vld [tilespmem:s10+$0xFFFFE810]  }
0x97: {  	v60 =	vld [tilespmem:s10+$0xFFFFF410];
	_ =	sdelay $0x1  }
0x98: {  	v61 =	vld [tilespmem:s10+$0x10];
	_ =	sdelay $0x1  }
0x99: {  	v58 =	vld [tilespmem:s10+$0xC10]  }
0x9a: {  	v55 =	vmul.f32 v55, v51;
	v56 =	vmul.f32 v60, v52;
	_ =	sdelay $0x1  }
0x9b: {  	v62 =	vmul.f32 v61, v53;
	v55 =	vadd.f32 v56, v55  }
0x9c: {  	v63 =	vadd.s32 v1, v48  }
0x9d: {  	v60 =	vmul.f32 v58, v54;
	v55 =	vadd.f32 v62, v55;
	_ =	sdelay $0x1  }
0x9e: {  	v55 =	vadd.f32 v60, v55;
	_ =	sdelay $0x1  }
0x9f: {  	[tilespmem:v63+s21+$0x0] =	vst.idx.msk $0xffff, v55  }
0xa0: {  	v55 =	vld [tilespmem:s10+$0xFFFFE820]  }
0xa1: {  	v61 =	vld [tilespmem:s10+$0xFFFFF420];
	_ =	sdelay $0x1  }
0xa2: {  	v57 =	vld [tilespmem:s10+$0x20];
	_ =	sdelay $0x1  }
0xa3: {  	v62 =	vld [tilespmem:s10+$0xC20]  }
0xa4: {  	v55 =	vmul.f32 v55, v51;
	v56 =	vmul.f32 v61, v52;
	_ =	sdelay $0x1  }
0xa5: {  	v63 =	vmul.f32 v57, v53;
	v55 =	vadd.f32 v56, v55  }
0xa6: {  	v60 =	vadd.s32 v2, v48  }
0xa7: {  	v61 =	vmul.f32 v62, v54;
	v55 =	vadd.f32 v63, v55;
	_ =	sdelay $0x1  }
0xa8: {  	v55 =	vadd.f32 v61, v55;
	_ =	sdelay $0x1  }
0xa9: {  	[tilespmem:v60+s21+$0x0] =	vst.idx.msk $0xffff, v55  }
0xaa: {  	v55 =	vld [tilespmem:s10+$0xFFFFE830]  }
0xab: {  	v62 =	vld [tilespmem:s10+$0xFFFFF430];
	_ =	sdelay $0x1  }
0xac: {  	v57 =	vld [tilespmem:s10+$0x30];
	_ =	sdelay $0x1  }
0xad: {  	v63 =	vld [tilespmem:s10+$0xC30]  }
0xae: {  	v55 =	vmul.f32 v55, v51;
	v56 =	vmul.f32 v62, v52;
	_ =	sdelay $0x1  }
0xaf: {  	v60 =	vmul.f32 v57, v53;
	v55 =	vadd.f32 v56, v55  }
0xb0: {  	v61 =	vadd.s32 v3, v48  }
0xb1: {  	v62 =	vmul.f32 v63, v54;
	v55 =	vadd.f32 v60, v55;
	_ =	sdelay $0x1  }
0xb2: {  	v55 =	vadd.f32 v62, v55;
	_ =	sdelay $0x1  }
0xb3: {  	[tilespmem:v61+s21+$0x0] =	vst.idx.msk $0xffff, v55  }
0xb4: {  	v55 =	vld [tilespmem:s10+$0xFFFFE840]  }
0xb5: {  	v63 =	vld [tilespmem:s10+$0xFFFFF440];
	_ =	sdelay $0x1  }
0xb6: {  	v57 =	vld [tilespmem:s10+$0x40];
	_ =	sdelay $0x1  }
0xb7: {  	v60 =	vld [tilespmem:s10+$0xC40]  }
0xb8: {  	v55 =	vmul.f32 v55, v51;
	v56 =	vmul.f32 v63, v52;
	_ =	sdelay $0x1  }
0xb9: {  	v61 =	vmul.f32 v57, v53;
	v55 =	vadd.f32 v56, v55  }
0xba: {  	v62 =	vadd.s32 v4, v48  }
0xbb: {  	v63 =	vmul.f32 v60, v54;
	v55 =	vadd.f32 v61, v55;
	_ =	sdelay $0x1  }
0xbc: {  	v55 =	vadd.f32 v63, v55;
	_ =	sdelay $0x1  }
0xbd: {  	[tilespmem:v62+s21+$0x0] =	vst.idx.msk $0xffff, v55  }
0xbe: {  	v55 =	vld [tilespmem:s10+$0xFFFFE850]  }
0xbf: {  	v60 =	vld [tilespmem:s10+$0xFFFFF450];
	_ =	sdelay $0x1  }
0xc0: {  	v57 =	vld [tilespmem:s10+$0x50];
	_ =	sdelay $0x1  }
0xc1: {  	v61 =	vld [tilespmem:s10+$0xC50]  }
0xc2: {  	v55 =	vmul.f32 v55, v51;
	v56 =	vmul.f32 v60, v52;
	_ =	sdelay $0x1  }
0xc3: {  	v62 =	vmul.f32 v57, v53;
	v55 =	vadd.f32 v56, v55  }
0xc4: {  	v63 =	vadd.s32 v5, v48  }
0xc5: {  	v60 =	vmul.f32 v61, v54;
	v55 =	vadd.f32 v62, v55;
	_ =	sdelay $0x1  }
0xc6: {  	v55 =	vadd.f32 v60, v55;
	_ =	sdelay $0x1  }
0xc7: {  	[tilespmem:v63+s21+$0x0] =	vst.idx.msk $0xffff, v55  }
0xc8: {  	v55 =	vld [tilespmem:s10+$0xFFFFE860]  }
0xc9: {  	v61 =	vld [tilespmem:s10+$0xFFFFF460];
	_ =	sdelay $0x1  }
0xca: {  	v57 =	vld [tilespmem:s10+$0x60];
	_ =	sdelay $0x1  }
0xcb: {  	v62 =	vld [tilespmem:s10+$0xC60]  }
0xcc: {  	v55 =	vmul.f32 v55, v51;
	v56 =	vmul.f32 v61, v52;
	_ =	sdelay $0x1  }
0xcd: {  	v63 =	vmul.f32 v57, v53;
	v55 =	vadd.f32 v56, v55  }
0xce: {  	v60 =	vadd.s32 v6, v48  }
0xcf: {  	v61 =	vmul.f32 v62, v54;
	v55 =	vadd.f32 v63, v55;
	_ =	sdelay $0x1  }
0xd0: {  	v55 =	vadd.f32 v61, v55;
	_ =	sdelay $0x1  }
0xd1: {  	[tilespmem:v60+s21+$0x0] =	vst.idx.msk $0xffff, v55  }
0xd2: {  	v55 =	vld [tilespmem:s10+$0xFFFFE870]  }
0xd3: {  	v62 =	vld [tilespmem:s10+$0xFFFFF470];
	_ =	sdelay $0x1  }
0xd4: {  	v57 =	vld [tilespmem:s10+$0x70];
	_ =	sdelay $0x1  }
0xd5: {  	v63 =	vld [tilespmem:s10+$0xC70]  }
0xd6: {  	v55 =	vmul.f32 v55, v51;
	v56 =	vmul.f32 v62, v52;
	_ =	sdelay $0x1  }
0xd7: {  	v60 =	vmul.f32 v57, v53;
	v55 =	vadd.f32 v56, v55  }
0xd8: {  	v61 =	vadd.s32 v7, v48  }
0xd9: {  	v62 =	vmul.f32 v63, v54;
	v55 =	vadd.f32 v60, v55;
	_ =	sdelay $0x1  }
0xda: {  	v55 =	vadd.f32 v62, v55;
	_ =	sdelay $0x1  }
0xdb: {  	[tilespmem:v61+s21+$0x0] =	vst.idx.msk $0xffff, v55  }
0xdc: {  	v55 =	vld [tilespmem:s10+$0xFFFFE880]  }
0xdd: {  	v63 =	vld [tilespmem:s10+$0xFFFFF480];
	_ =	sdelay $0x1  }
0xde: {  	v57 =	vld [tilespmem:s10+$0x80];
	_ =	sdelay $0x1  }
0xdf: {  	v60 =	vld [tilespmem:s10+$0xC80]  }
0xe0: {  	v55 =	vmul.f32 v55, v51;
	v56 =	vmul.f32 v63, v52;
	_ =	sdelay $0x1  }
0xe1: {  	v61 =	vmul.f32 v57, v53;
	v55 =	vadd.f32 v56, v55  }
0xe2: {  	v62 =	vadd.s32 v8, v48  }
0xe3: {  	v63 =	vmul.f32 v60, v54;
	v55 =	vadd.f32 v61, v55;
	_ =	sdelay $0x1  }
0xe4: {  	v55 =	vadd.f32 v63, v55;
	_ =	sdelay $0x1  }
0xe5: {  	[tilespmem:v62+s21+$0x0] =	vst.idx.msk $0xffff, v55  }
0xe6: {  	v55 =	vld [tilespmem:s10+$0xFFFFE890]  }
0xe7: {  	v60 =	vld [tilespmem:s10+$0xFFFFF490];
	_ =	sdelay $0x1  }
0xe8: {  	v57 =	vld [tilespmem:s10+$0x90];
	_ =	sdelay $0x1  }
0xe9: {  	v61 =	vld [tilespmem:s10+$0xC90]  }
0xea: {  	v55 =	vmul.f32 v55, v51;
	v56 =	vmul.f32 v60, v52;
	_ =	sdelay $0x1  }
0xeb: {  	v62 =	vmul.f32 v57, v53;
	v55 =	vadd.f32 v56, v55  }
0xec: {  	v63 =	vadd.s32 v9, v48  }
0xed: {  	v60 =	vmul.f32 v61, v54;
	v55 =	vadd.f32 v62, v55;
	_ =	sdelay $0x1  }
0xee: {  	v55 =	vadd.f32 v60, v55;
	_ =	sdelay $0x1  }
0xef: {  	[tilespmem:v63+s21+$0x0] =	vst.idx.msk $0xffff, v55  }
0xf0: {  	v55 =	vld [tilespmem:s10+$0xFFFFE8A0]  }
0xf1: {  	v61 =	vld [tilespmem:s10+$0xFFFFF4A0];
	_ =	sdelay $0x1  }
0xf2: {  	v57 =	vld [tilespmem:s10+$0xA0];
	_ =	sdelay $0x1  }
0xf3: {  	v62 =	vld [tilespmem:s10+$0xCA0]  }
0xf4: {  	v55 =	vmul.f32 v55, v51;
	v56 =	vmul.f32 v61, v52;
	_ =	sdelay $0x1  }
0xf5: {  	v63 =	vmul.f32 v57, v53;
	v55 =	vadd.f32 v56, v55  }
0xf6: {  	v60 =	vadd.s32 v10, v48  }
0xf7: {  	v61 =	vmul.f32 v62, v54;
	v55 =	vadd.f32 v63, v55;
	_ =	sdelay $0x1  }
0xf8: {  	v55 =	vadd.f32 v61, v55;
	_ =	sdelay $0x1  }
0xf9: {  	[tilespmem:v60+s21+$0x0] =	vst.idx.msk $0xffff, v55  }
0xfa: {  	v55 =	vld [tilespmem:s10+$0xFFFFE8B0]  }
0xfb: {  	v62 =	vld [tilespmem:s10+$0xFFFFF4B0];
	_ =	sdelay $0x1  }
0xfc: {  	v57 =	vld [tilespmem:s10+$0xB0];
	_ =	sdelay $0x1  }
0xfd: {  	v63 =	vld [tilespmem:s10+$0xCB0]  }
0xfe: {  	v51 =	vmul.f32 v55, v51;
	v52 =	vmul.f32 v62, v52;
	_ =	sdelay $0x1  }
0xff: {  	v59 =	vmul.f32 v57, v53;
	v51 =	vadd.f32 v52, v51  }
0x100: {  	v60 =	vadd.s32 v11, v48  }
0x101: {  	v61 =	vmul.f32 v63, v54;
	v51 =	vadd.f32 v59, v51;
	_ =	sdelay $0x1  }
0x102: {  	v51 =	vadd.f32 v61, v51;
	_ =	sdelay $0x1  }
0x103: {  	[tilespmem:v60+s21+$0x0] =	vst.idx.msk $0xffff, v51  }
0x104: {  	v54 =	vld [tilespmem:s14+$0xFFFFE800]  }
0x105: {  	v62 =	vld [tilespmem:s14+$0xFFFFF400];
	_ =	sdelay $0x1  }
0x106: {  	v63 =	vld [tilespmem:s14+$0x0]  }
0x107: {  	v53 =	vperm.xlane v41, v49;
	v52 =	vperm.xlane v40, v49  }
0x108: {  	v61 =	vand.u32 $0x7, v49;
	v51 =	vperm.xlane v42, v49;
	v60 =	vld [tilespmem:s14+$0xC00]  }
0x109: {  	v50 =	vor.u32 v61, v50;
	v59 =	vmul.f32 v54, v52;
	v55 =	vmul.f32 v62, v53  }
0x10a: {  	v54 =	vbroadcast v50, $0x0  }
0x10b: {  	v50 =	vperm.xlane v43, v49;
	v56 =	vmul.f32 v63, v51;
	v55 =	vadd.f32 v55, v59  }
0x10c: {  	v62 =	vadd.s32 v12, v54  }
0x10d: {  	v63 =	vmul.f32 v60, v50;
	v55 =	vadd.f32 v56, v55;
	_ =	sdelay $0x1  }
0x10e: {  	v55 =	vadd.f32 v63, v55;
	_ =	sdelay $0x1  }
0x10f: {  	[tilespmem:v62+s21+$0x0] =	vst.idx.msk $0xffff, v55  }
0x110: {  	v55 =	vld [tilespmem:s14+$0xFFFFE810]  }
0x111: {  	v60 =	vld [tilespmem:s14+$0xFFFFF410];
	_ =	sdelay $0x1  }
0x112: {  	v61 =	vld [tilespmem:s14+$0x10];
	_ =	sdelay $0x1  }
0x113: {  	v58 =	vld [tilespmem:s14+$0xC10]  }
0x114: {  	v55 =	vmul.f32 v55, v52;
	v56 =	vmul.f32 v60, v53;
	_ =	sdelay $0x1  }
0x115: {  	v62 =	vmul.f32 v61, v51;
	v55 =	vadd.f32 v56, v55  }
0x116: {  	v63 =	vadd.s32 v13, v54  }
0x117: {  	v60 =	vmul.f32 v58, v50;
	v55 =	vadd.f32 v62, v55;
	_ =	sdelay $0x1  }
0x118: {  	v55 =	vadd.f32 v60, v55;
	_ =	sdelay $0x1  }
0x119: {  	[tilespmem:v63+s21+$0x0] =	vst.idx.msk $0xffff, v55  }
0x11a: {  	v55 =	vld [tilespmem:s14+$0xFFFFE820]  }
0x11b: {  	v61 =	vld [tilespmem:s14+$0xFFFFF420];
	_ =	sdelay $0x1  }
0x11c: {  	v57 =	vld [tilespmem:s14+$0x20];
	_ =	sdelay $0x1  }
0x11d: {  	v62 =	vld [tilespmem:s14+$0xC20]  }
0x11e: {  	v55 =	vmul.f32 v55, v52;
	v56 =	vmul.f32 v61, v53;
	_ =	sdelay $0x1  }
0x11f: {  	v63 =	vmul.f32 v57, v51;
	v55 =	vadd.f32 v56, v55  }
0x120: {  	v60 =	vadd.s32 v14, v54  }
0x121: {  	v61 =	vmul.f32 v62, v50;
	v55 =	vadd.f32 v63, v55;
	_ =	sdelay $0x1  }
0x122: {  	v55 =	vadd.f32 v61, v55;
	_ =	sdelay $0x1  }
0x123: {  	[tilespmem:v60+s21+$0x0] =	vst.idx.msk $0xffff, v55  }
0x124: {  	v55 =	vld [tilespmem:s14+$0xFFFFE830]  }
0x125: {  	v62 =	vld [tilespmem:s14+$0xFFFFF430];
	_ =	sdelay $0x1  }
0x126: {  	v57 =	vld [tilespmem:s14+$0x30];
	_ =	sdelay $0x1  }
0x127: {  	v63 =	vld [tilespmem:s14+$0xC30]  }
0x128: {  	v55 =	vmul.f32 v55, v52;
	v56 =	vmul.f32 v62, v53;
	_ =	sdelay $0x1  }
0x129: {  	v60 =	vmul.f32 v57, v51;
	v55 =	vadd.f32 v56, v55  }
0x12a: {  	v61 =	vadd.s32 v15, v54  }
0x12b: {  	v62 =	vmul.f32 v63, v50;
	v55 =	vadd.f32 v60, v55;
	_ =	sdelay $0x1  }
0x12c: {  	v55 =	vadd.f32 v62, v55;
	_ =	sdelay $0x1  }
0x12d: {  	[tilespmem:v61+s21+$0x0] =	vst.idx.msk $0xffff, v55  }
0x12e: {  	v55 =	vld [tilespmem:s14+$0xFFFFE840]  }
0x12f: {  	v63 =	vld [tilespmem:s14+$0xFFFFF440];
	_ =	sdelay $0x1  }
0x130: {  	v57 =	vld [tilespmem:s14+$0x40];
	_ =	sdelay $0x1  }
0x131: {  	v60 =	vld [tilespmem:s14+$0xC40]  }
0x132: {  	v55 =	vmul.f32 v55, v52;
	v56 =	vmul.f32 v63, v53;
	_ =	sdelay $0x1  }
0x133: {  	v61 =	vmul.f32 v57, v51;
	v55 =	vadd.f32 v56, v55  }
0x134: {  	v62 =	vadd.s32 v16, v54  }
0x135: {  	v63 =	vmul.f32 v60, v50;
	v55 =	vadd.f32 v61, v55;
	_ =	sdelay $0x1  }
0x136: {  	v55 =	vadd.f32 v63, v55;
	_ =	sdelay $0x1  }
0x137: {  	[tilespmem:v62+s21+$0x0] =	vst.idx.msk $0xffff, v55  }
0x138: {  	v55 =	vld [tilespmem:s14+$0xFFFFE850]  }
0x139: {  	v60 =	vld [tilespmem:s14+$0xFFFFF450];
	_ =	sdelay $0x1  }
0x13a: {  	v57 =	vld [tilespmem:s14+$0x50];
	_ =	sdelay $0x1  }
0x13b: {  	v61 =	vld [tilespmem:s14+$0xC50]  }
0x13c: {  	v55 =	vmul.f32 v55, v52;
	v56 =	vmul.f32 v60, v53;
	_ =	sdelay $0x1  }
0x13d: {  	v62 =	vmul.f32 v57, v51;
	v55 =	vadd.f32 v56, v55  }
0x13e: {  	v63 =	vadd.s32 v17, v54  }
0x13f: {  	v60 =	vmul.f32 v61, v50;
	v55 =	vadd.f32 v62, v55;
	_ =	sdelay $0x1  }
0x140: {  	v55 =	vadd.f32 v60, v55;
	_ =	sdelay $0x1  }
0x141: {  	[tilespmem:v63+s21+$0x0] =	vst.idx.msk $0xffff, v55  }
0x142: {  	v55 =	vld [tilespmem:s14+$0xFFFFE860]  }
0x143: {  	v61 =	vld [tilespmem:s14+$0xFFFFF460];
	_ =	sdelay $0x1  }
0x144: {  	v57 =	vld [tilespmem:s14+$0x60];
	_ =	sdelay $0x1  }
0x145: {  	v62 =	vld [tilespmem:s14+$0xC60]  }
0x146: {  	v55 =	vmul.f32 v55, v52;
	v56 =	vmul.f32 v61, v53;
	_ =	sdelay $0x1  }
0x147: {  	v63 =	vmul.f32 v57, v51;
	v55 =	vadd.f32 v56, v55  }
0x148: {  	v60 =	vadd.s32 v18, v54  }
0x149: {  	v61 =	vmul.f32 v62, v50;
	v55 =	vadd.f32 v63, v55;
	_ =	sdelay $0x1  }
0x14a: {  	v55 =	vadd.f32 v61, v55;
	_ =	sdelay $0x1  }
0x14b: {  	[tilespmem:v60+s21+$0x0] =	vst.idx.msk $0xffff, v55  }
0x14c: {  	v55 =	vld [tilespmem:s14+$0xFFFFE870]  }
0x14d: {  	v62 =	vld [tilespmem:s14+$0xFFFFF470];
	_ =	sdelay $0x1  }
0x14e: {  	v57 =	vld [tilespmem:s14+$0x70];
	_ =	sdelay $0x1  }
0x14f: {  	v63 =	vld [tilespmem:s14+$0xC70]  }
0x150: {  	v55 =	vmul.f32 v55, v52;
	v56 =	vmul.f32 v62, v53;
	_ =	sdelay $0x1  }
0x151: {  	v60 =	vmul.f32 v57, v51;
	v55 =	vadd.f32 v56, v55  }
0x152: {  	v61 =	vadd.s32 v19, v54  }
0x153: {  	v62 =	vmul.f32 v63, v50;
	v55 =	vadd.f32 v60, v55;
	_ =	sdelay $0x1  }
0x154: {  	v55 =	vadd.f32 v62, v55;
	_ =	sdelay $0x1  }
0x155: {  	[tilespmem:v61+s21+$0x0] =	vst.idx.msk $0xffff, v55  }
0x156: {  	v55 =	vld [tilespmem:s14+$0xFFFFE880]  }
0x157: {  	v63 =	vld [tilespmem:s14+$0xFFFFF480];
	_ =	sdelay $0x1  }
0x158: {  	v57 =	vld [tilespmem:s14+$0x80];
	_ =	sdelay $0x1  }
0x159: {  	v60 =	vld [tilespmem:s14+$0xC80]  }
0x15a: {  	v55 =	vmul.f32 v55, v52;
	v56 =	vmul.f32 v63, v53;
	_ =	sdelay $0x1  }
0x15b: {  	v61 =	vmul.f32 v57, v51;
	v55 =	vadd.f32 v56, v55  }
0x15c: {  	v62 =	vadd.s32 v20, v54  }
0x15d: {  	v63 =	vmul.f32 v60, v50;
	v55 =	vadd.f32 v61, v55;
	_ =	sdelay $0x1  }
0x15e: {  	v55 =	vadd.f32 v63, v55;
	_ =	sdelay $0x1  }
0x15f: {  	[tilespmem:v62+s21+$0x0] =	vst.idx.msk $0xffff, v55  }
0x160: {  	v55 =	vld [tilespmem:s14+$0xFFFFE890]  }
0x161: {  	v60 =	vld [tilespmem:s14+$0xFFFFF490];
	_ =	sdelay $0x1  }
0x162: {  	v57 =	vld [tilespmem:s14+$0x90];
	_ =	sdelay $0x1  }
0x163: {  	v61 =	vld [tilespmem:s14+$0xC90]  }
0x164: {  	v55 =	vmul.f32 v55, v52;
	v56 =	vmul.f32 v60, v53;
	_ =	sdelay $0x1  }
0x165: {  	v62 =	vmul.f32 v57, v51;
	v55 =	vadd.f32 v56, v55  }
0x166: {  	v63 =	vadd.s32 v21, v54  }
0x167: {  	v60 =	vmul.f32 v61, v50;
	v55 =	vadd.f32 v62, v55;
	_ =	sdelay $0x1  }
0x168: {  	v55 =	vadd.f32 v60, v55;
	_ =	sdelay $0x1  }
0x169: {  	[tilespmem:v63+s21+$0x0] =	vst.idx.msk $0xffff, v55  }
0x16a: {  	v55 =	vld [tilespmem:s14+$0xFFFFE8A0]  }
0x16b: {  	v61 =	vld [tilespmem:s14+$0xFFFFF4A0];
	_ =	sdelay $0x1  }
0x16c: {  	v57 =	vld [tilespmem:s14+$0xA0];
	_ =	sdelay $0x1  }
0x16d: {  	v62 =	vld [tilespmem:s14+$0xCA0]  }
0x16e: {  	v55 =	vmul.f32 v55, v52;
	v56 =	vmul.f32 v61, v53;
	_ =	sdelay $0x1  }
0x16f: {  	v63 =	vmul.f32 v57, v51;
	v55 =	vadd.f32 v56, v55  }
0x170: {  	v60 =	vadd.s32 v22, v54  }
0x171: {  	v61 =	vmul.f32 v62, v50;
	v55 =	vadd.f32 v63, v55;
	_ =	sdelay $0x1  }
0x172: {  	v55 =	vadd.f32 v61, v55;
	_ =	sdelay $0x1  }
0x173: {  	[tilespmem:v60+s21+$0x0] =	vst.idx.msk $0xffff, v55  }
0x174: {  	v55 =	vld [tilespmem:s14+$0xFFFFE8B0]  }
0x175: {  	v62 =	vld [tilespmem:s14+$0xFFFFF4B0];
	_ =	sdelay $0x1  }
0x176: {  	v57 =	vld [tilespmem:s14+$0xB0];
	_ =	sdelay $0x1  }
0x177: {  	v63 =	vld [tilespmem:s14+$0xCB0]  }
0x178: {  	v52 =	vmul.f32 v55, v52;
	v53 =	vmul.f32 v62, v53;
	_ =	sdelay $0x1  }
0x179: {  	v51 =	vmul.f32 v57, v51;
	v52 =	vadd.f32 v53, v52  }
0x17a: {  	v60 =	vadd.s32 v23, v54  }
0x17b: {  	v50 =	vmul.f32 v63, v50;
	v51 =	vadd.f32 v51, v52;
	_ =	sdelay $0x1  }
0x17c: {  	v50 =	vadd.f32 v50, v51;
	_ =	sdelay $0x1  }
0x17d: {  	[tilespmem:v60+s21+$0x0] =	vst.idx.msk $0xffff, v50  }
0x17e: {  	v53 =	vld [tilespmem:s8+$0xFFFFE800]  }
0x17f: {  	v61 =	vld [tilespmem:s8+$0xFFFFF400];
	_ =	sdelay $0x1  }
0x180: {  	v62 =	vld [tilespmem:s8+$0x0]  }
0x181: {  	v52 =	vperm.xlane v45, v49;
	v51 =	vperm.xlane v44, v49  }
0x182: {  	v50 =	vperm.xlane v46, v49;
	v63 =	vld [tilespmem:s8+$0xC00]  }
0x183: {  	v53 =	vmul.f32 v53, v51;
	v54 =	vmul.f32 v61, v52;
	_ =	sdelay $0x1  }
0x184: {  	v49 =	vperm.xlane v47, v49;
	v59 =	vmul.f32 v62, v50;
	v53 =	vadd.f32 v54, v53  }
0x185: {  	v60 =	vadd.s32 v24, v48  }
0x186: {  	v61 =	vmul.f32 v63, v49;
	v53 =	vadd.f32 v59, v53;
	_ =	sdelay $0x1  }
0x187: {  	v53 =	vadd.f32 v61, v53;
	_ =	sdelay $0x1  }
0x188: {  	[tilespmem:v60+s21+$0x0] =	vst.idx.msk $0xffff, v53  }
0x189: {  	v53 =	vld [tilespmem:s8+$0xFFFFE810]  }
0x18a: {  	v62 =	vld [tilespmem:s8+$0xFFFFF410];
	_ =	sdelay $0x1  }
0x18b: {  	v55 =	vld [tilespmem:s8+$0x10];
	_ =	sdelay $0x1  }
0x18c: {  	v63 =	vld [tilespmem:s8+$0xC10]  }
0x18d: {  	v53 =	vmul.f32 v53, v51;
	v54 =	vmul.f32 v62, v52;
	_ =	sdelay $0x1  }
0x18e: {  	v59 =	vmul.f32 v55, v50;
	v53 =	vadd.f32 v54, v53  }
0x18f: {  	v60 =	vadd.s32 v25, v48  }
0x190: {  	v61 =	vmul.f32 v63, v49;
	v53 =	vadd.f32 v59, v53;
	_ =	sdelay $0x1  }
0x191: {  	v53 =	vadd.f32 v61, v53;
	_ =	sdelay $0x1  }
0x192: {  	[tilespmem:v60+s21+$0x0] =	vst.idx.msk $0xffff, v53  }
0x193: {  	v53 =	vld [tilespmem:s8+$0xFFFFE820]  }
0x194: {  	v62 =	vld [tilespmem:s8+$0xFFFFF420];
	_ =	sdelay $0x1  }
0x195: {  	v55 =	vld [tilespmem:s8+$0x20];
	_ =	sdelay $0x1  }
0x196: {  	v63 =	vld [tilespmem:s8+$0xC20]  }
0x197: {  	v53 =	vmul.f32 v53, v51;
	v54 =	vmul.f32 v62, v52;
	_ =	sdelay $0x1  }
0x198: {  	v59 =	vmul.f32 v55, v50;
	v53 =	vadd.f32 v54, v53  }
0x199: {  	v60 =	vadd.s32 v26, v48  }
0x19a: {  	v61 =	vmul.f32 v63, v49;
	v53 =	vadd.f32 v59, v53;
	_ =	sdelay $0x1  }
0x19b: {  	v53 =	vadd.f32 v61, v53;
	_ =	sdelay $0x1  }
0x19c: {  	[tilespmem:v60+s21+$0x0] =	vst.idx.msk $0xffff, v53  }
0x19d: {  	v53 =	vld [tilespmem:s8+$0xFFFFE830]  }
0x19e: {  	v62 =	vld [tilespmem:s8+$0xFFFFF430];
	_ =	sdelay $0x1  }
0x19f: {  	v55 =	vld [tilespmem:s8+$0x30];
	_ =	sdelay $0x1  }
0x1a0: {  	v63 =	vld [tilespmem:s8+$0xC30]  }
0x1a1: {  	v53 =	vmul.f32 v53, v51;
	v54 =	vmul.f32 v62, v52;
	_ =	sdelay $0x1  }
0x1a2: {  	v59 =	vmul.f32 v55, v50;
	v53 =	vadd.f32 v54, v53  }
0x1a3: {  	v60 =	vadd.s32 v27, v48  }
0x1a4: {  	v61 =	vmul.f32 v63, v49;
	v53 =	vadd.f32 v59, v53;
	_ =	sdelay $0x1  }
0x1a5: {  	v53 =	vadd.f32 v61, v53;
	_ =	sdelay $0x1  }
0x1a6: {  	[tilespmem:v60+s21+$0x0] =	vst.idx.msk $0xffff, v53  }
0x1a7: {  	v53 =	vld [tilespmem:s8+$0xFFFFE840]  }
0x1a8: {  	v62 =	vld [tilespmem:s8+$0xFFFFF440];
	_ =	sdelay $0x1  }
0x1a9: {  	v55 =	vld [tilespmem:s8+$0x40];
	_ =	sdelay $0x1  }
0x1aa: {  	v63 =	vld [tilespmem:s8+$0xC40]  }
0x1ab: {  	v53 =	vmul.f32 v53, v51;
	v54 =	vmul.f32 v62, v52;
	_ =	sdelay $0x1  }
0x1ac: {  	v59 =	vmul.f32 v55, v50;
	v53 =	vadd.f32 v54, v53  }
0x1ad: {  	v60 =	vadd.s32 v28, v48  }
0x1ae: {  	v61 =	vmul.f32 v63, v49;
	v53 =	vadd.f32 v59, v53;
	_ =	sdelay $0x1  }
0x1af: {  	v53 =	vadd.f32 v61, v53;
	_ =	sdelay $0x1  }
0x1b0: {  	[tilespmem:v60+s21+$0x0] =	vst.idx.msk $0xffff, v53  }
0x1b1: {  	v53 =	vld [tilespmem:s8+$0xFFFFE850]  }
0x1b2: {  	v62 =	vld [tilespmem:s8+$0xFFFFF450];
	_ =	sdelay $0x1  }
0x1b3: {  	v55 =	vld [tilespmem:s8+$0x50];
	_ =	sdelay $0x1  }
0x1b4: {  	v63 =	vld [tilespmem:s8+$0xC50]  }
0x1b5: {  	v53 =	vmul.f32 v53, v51;
	v54 =	vmul.f32 v62, v52;
	_ =	sdelay $0x1  }
0x1b6: {  	v59 =	vmul.f32 v55, v50;
	v53 =	vadd.f32 v54, v53  }
0x1b7: {  	v60 =	vadd.s32 v29, v48  }
0x1b8: {  	v61 =	vmul.f32 v63, v49;
	v53 =	vadd.f32 v59, v53;
	_ =	sdelay $0x1  }
0x1b9: {  	v53 =	vadd.f32 v61, v53;
	_ =	sdelay $0x1  }
0x1ba: {  	[tilespmem:v60+s21+$0x0] =	vst.idx.msk $0xffff, v53  }
0x1bb: {  	v53 =	vld [tilespmem:s8+$0xFFFFE860]  }
0x1bc: {  	v62 =	vld [tilespmem:s8+$0xFFFFF460];
	_ =	sdelay $0x1  }
0x1bd: {  	v55 =	vld [tilespmem:s8+$0x60];
	_ =	sdelay $0x1  }
0x1be: {  	v63 =	vld [tilespmem:s8+$0xC60]  }
0x1bf: {  	v53 =	vmul.f32 v53, v51;
	v54 =	vmul.f32 v62, v52;
	_ =	sdelay $0x1  }
0x1c0: {  	v59 =	vmul.f32 v55, v50;
	v53 =	vadd.f32 v54, v53  }
0x1c1: {  	v60 =	vadd.s32 v30, v48  }
0x1c2: {  	v61 =	vmul.f32 v63, v49;
	v53 =	vadd.f32 v59, v53;
	_ =	sdelay $0x1  }
0x1c3: {  	v53 =	vadd.f32 v61, v53;
	_ =	sdelay $0x1  }
0x1c4: {  	[tilespmem:v60+s21+$0x0] =	vst.idx.msk $0xffff, v53  }
0x1c5: {  	v53 =	vld [tilespmem:s8+$0xFFFFE870]  }
0x1c6: {  	v62 =	vld [tilespmem:s8+$0xFFFFF470];
	_ =	sdelay $0x1  }
0x1c7: {  	v55 =	vld [tilespmem:s8+$0x70];
	_ =	sdelay $0x1  }
0x1c8: {  	v63 =	vld [tilespmem:s8+$0xC70]  }
0x1c9: {  	v53 =	vmul.f32 v53, v51;
	v54 =	vmul.f32 v62, v52;
	_ =	sdelay $0x1  }
0x1ca: {  	v59 =	vmul.f32 v55, v50;
	v53 =	vadd.f32 v54, v53  }
0x1cb: {  	v60 =	vadd.s32 v31, v48  }
0x1cc: {  	v61 =	vmul.f32 v63, v49;
	v53 =	vadd.f32 v59, v53;
	_ =	sdelay $0x1  }
0x1cd: {  	v53 =	vadd.f32 v61, v53;
	_ =	sdelay $0x1  }
0x1ce: {  	[tilespmem:v60+s21+$0x0] =	vst.idx.msk $0xffff, v53  }
0x1cf: {  	v53 =	vld [tilespmem:s8+$0xFFFFE880]  }
0x1d0: {  	v62 =	vld [tilespmem:s8+$0xFFFFF480];
	_ =	sdelay $0x1  }
0x1d1: {  	v55 =	vld [tilespmem:s8+$0x80];
	_ =	sdelay $0x1  }
0x1d2: {  	v63 =	vld [tilespmem:s8+$0xC80]  }
0x1d3: {  	v53 =	vmul.f32 v53, v51;
	v54 =	vmul.f32 v62, v52;
	_ =	sdelay $0x1  }
0x1d4: {  	v59 =	vmul.f32 v55, v50;
	v53 =	vadd.f32 v54, v53  }
0x1d5: {  	v60 =	vadd.s32 v32, v48  }
0x1d6: {  	v61 =	vmul.f32 v63, v49;
	v53 =	vadd.f32 v59, v53;
	_ =	sdelay $0x1  }
0x1d7: {  	v53 =	vadd.f32 v61, v53;
	_ =	sdelay $0x1  }
0x1d8: {  	[tilespmem:v60+s21+$0x0] =	vst.idx.msk $0xffff, v53  }
0x1d9: {  	v53 =	vld [tilespmem:s8+$0xFFFFE890]  }
0x1da: {  	v62 =	vld [tilespmem:s8+$0xFFFFF490];
	_ =	sdelay $0x1  }
0x1db: {  	v55 =	vld [tilespmem:s8+$0x90];
	_ =	sdelay $0x1  }
0x1dc: {  	v63 =	vld [tilespmem:s8+$0xC90]  }
0x1dd: {  	v53 =	vmul.f32 v53, v51;
	v54 =	vmul.f32 v62, v52;
	_ =	sdelay $0x1  }
0x1de: {  	v59 =	vmul.f32 v55, v50;
	v53 =	vadd.f32 v54, v53  }
0x1df: {  	v60 =	vadd.s32 v33, v48  }
0x1e0: {  	v61 =	vmul.f32 v63, v49;
	v53 =	vadd.f32 v59, v53;
	_ =	sdelay $0x1  }
0x1e1: {  	v53 =	vadd.f32 v61, v53;
	_ =	sdelay $0x1  }
0x1e2: {  	[tilespmem:v60+s21+$0x0] =	vst.idx.msk $0xffff, v53  }
0x1e3: {  	v53 =	vld [tilespmem:s8+$0xFFFFE8A0]  }
0x1e4: {  	v62 =	vld [tilespmem:s8+$0xFFFFF4A0];
	_ =	sdelay $0x1  }
0x1e5: {  	v55 =	vld [tilespmem:s8+$0xA0];
	_ =	sdelay $0x1  }
0x1e6: {  	v63 =	vld [tilespmem:s8+$0xCA0]  }
0x1e7: {  	v53 =	vmul.f32 v53, v51;
	v54 =	vmul.f32 v62, v52;
	_ =	sdelay $0x1  }
0x1e8: {  	v59 =	vmul.f32 v55, v50;
	v53 =	vadd.f32 v54, v53  }
0x1e9: {  	v60 =	vadd.s32 v34, v48  }
0x1ea: {  	v61 =	vmul.f32 v63, v49;
	v53 =	vadd.f32 v59, v53;
	_ =	sdelay $0x1  }
0x1eb: {  	v53 =	vadd.f32 v61, v53;
	_ =	sdelay $0x1  }
0x1ec: {  	[tilespmem:v60+s21+$0x0] =	vst.idx.msk $0xffff, v53  }
0x1ed: {  	v53 =	vld [tilespmem:s8+$0xFFFFE8B0]  }
0x1ee: {  	v62 =	vld [tilespmem:s8+$0xFFFFF4B0];
	_ =	sdelay $0x1  }
0x1ef: {  	v55 =	vld [tilespmem:s8+$0xB0];
	_ =	sdelay $0x1  }
0x1f0: {  	v63 =	vld [tilespmem:s8+$0xCB0]  }
0x1f1: {  	v51 =	vmul.f32 v53, v51;
	v52 =	vmul.f32 v62, v52;
	_ =	sdelay $0x1  }
0x1f2: {  	v50 =	vmul.f32 v55, v50;
	v51 =	vadd.f32 v52, v51  }
0x1f3: {  	p1 =	sne.s32 s2, $0xF;
	v48 =	vadd.s32 v35, v48  }
.Ltmp2:
0x1f4: {  	v49 =	vmul.f32 v63, v49;
	v50 =	vadd.f32 v50, v51;
	(pc) =	sbr.rel @p1 .LBB2_3-.Ltmp2, $4  }
0x1f5: {  	_ = 	snop  }
0x1f6: {  	v49 =	vadd.f32 v49, v50  }
0x1f7: {  	s2 =	sadd.s32 $0x1, s2  }
0x1f8: {  	s10 =	sadd.s32 $0xC0, s10;
	s14 =	sadd.s32 $0xC0, s14;
	s8 =	sadd.s32 $0xC0, s8;
	[tilespmem:v48+s21+$0x0] =	vst.idx.msk $0xffff, v49  }
0x1f9: {  	s2 =	sshll.u32 s26, $0x5  }
0x1fa: {  	s8 =	sor.u32 s9, s2  }
0x1fb: {  	s8 =	sshrl.u32 s8, $0x3  }
0x1fc: {  	s8 =	smul.u32 $0x3, s8;
	_ =	sdelay $0x1  }
0x1fd: {  	p1 =	seq.s32 s26, $0x1F;
	s8 =	sadd.s32 s1, s8  }
0x1fe: {  	[hbm4b:s8+s23] =	stream.strided.scatter [tilespmem:s21], [sflag:$0x5], $0x2400, s22, s23, $0x38;
	[tilespmem:$0x16B00] =	vst v63  }
0x1ff: {  	s8 =	sadd.s32 @!p1 s28, s11  }
0x200: {  	s8 =	sshll.u32 @!p1 s8, $0x1  }
0x201: {  	s10 =	simm.s32 @!p1 $0x10;
	s8 =	sand.u32 @!p1 $0x1FFFFFFC, s8  }
0x202: {  	s14 =	simm.s32 @!p1 $0x8000;
	s18 =	simm.s32 @!p1 $0x0;
	s8 =	sadd.s32 @!p1 s7, s8  }
0x203: {  	[tilespmem:s18], [sflag:$0x1] =	stream.strided.gather @!p1 [hbm4b:s8+s10], $0x180, s14, s10, $0x38;
	[tilespmem:$0x16B00] =	vst v63  }
0x204: {  	s8 =	simm.s32 @!p1 $0x1  }
0x205: {  	_ =	swait.ge @!p1 [sflag:s8], $0x180  }
0x206: {  	[sflag:s8] =	ssyncset.done @!p1 $0x0  }
0x207: {  	[sflag:s8] =	ssyncadd.s32 @!p1 $0xFFFFFE80;
	s8 =	simm.s32 @!p1 $0x300  }
0x208: {  	[tilespmem:s8], [sflag:$0x3] =	stream.indirect.gather @!p1 [hbm4b:s4+s10], $0xC0, s18, s10, $0xb8;
	[tilespmem:$0x16B00] =	vst v63  }
0x209: {  	s8 =	simm.s32 @!p1 $0xF00  }
0x20a: {  	[tilespmem:s8], [sflag:$0x3] =	stream.indirect.gather @!p1 [hbm4b:s4+s10], $0xC0, s10, s10, $0xb8;
	[tilespmem:$0x16B00] =	vst v63  }
0x20b: {  	s14 =	simm.s32 @!p1 $0x1B00;
	s8 =	simm.s32 @!p1 $0x20  }
0x20c: {  	[tilespmem:s14], [sflag:$0x3] =	stream.indirect.gather @!p1 [hbm4b:s4+s10], $0xC0, s8, s10, $0xb8;
	[tilespmem:$0x16B00] =	vst v63  }
0x20d: {  	s8 =	simm.s32 @!p1 $0x30;
	s14 =	simm.s32 @!p1 $0x2700  }
0x20e: {  	[tilespmem:s14], [sflag:$0x3] =	stream.indirect.gather @!p1 [hbm4b:s4+s10], $0xC0, s8, s10, $0xb8;
	[tilespmem:$0x16B00] =	vst v63  }
0x20f: {  	s8 =	simm.s32 @!p1 $0x40;
	s14 =	simm.s32 @!p1 $0x3300  }
0x210: {  	[tilespmem:s14], [sflag:$0x3] =	stream.indirect.gather @!p1 [hbm4b:s5+s10], $0xC0, s8, s10, $0xb8;
	[tilespmem:$0x16B00] =	vst v63  }
0x211: {  	s8 =	simm.s32 @!p1 $0x50;
	s14 =	simm.s32 @!p1 $0x3F00  }
0x212: {  	[tilespmem:s14], [sflag:$0x3] =	stream.indirect.gather @!p1 [hbm4b:s5+s10], $0xC0, s8, s10, $0xb8;
	[tilespmem:$0x16B00] =	vst v63  }
0x213: {  	s8 =	simm.s32 @!p1 $0x60;
	s14 =	simm.s32 @!p1 $0x4B00  }
0x214: {  	[tilespmem:s14], [sflag:$0x3] =	stream.indirect.gather @!p1 [hbm4b:s5+s10], $0xC0, s8, s10, $0xb8;
	[tilespmem:$0x16B00] =	vst v63  }
0x215: {  	s8 =	simm.s32 @!p1 $0x70;
	s14 =	simm.s32 @!p1 $0x5700  }
0x216: {  	[tilespmem:s14], [sflag:$0x3] =	stream.indirect.gather @!p1 [hbm4b:s5+s10], $0xC0, s8, s10, $0xb8;
	[tilespmem:$0x16B00] =	vst v63  }
0x217: {  	s8 =	simm.s32 @!p1 $0x80;
	s14 =	simm.s32 @!p1 $0x6300  }
0x218: {  	[tilespmem:s14], [sflag:$0x3] =	stream.indirect.gather @!p1 [hbm4b:s6+s10], $0xC0, s8, s10, $0xb8;
	[tilespmem:$0x16B00] =	vst v63  }
0x219: {  	s8 =	simm.s32 @!p1 $0x90;
	s14 =	simm.s32 @!p1 $0x6F00  }
0x21a: {  	[tilespmem:s14], [sflag:$0x3] =	stream.indirect.gather @!p1 [hbm4b:s6+s10], $0xC0, s8, s10, $0xb8;
	[tilespmem:$0x16B00] =	vst v63  }
0x21b: {  	s8 =	simm.s32 @!p1 $0xA0;
	s14 =	simm.s32 @!p1 $0x7B00  }
0x21c: {  	[tilespmem:s14], [sflag:$0x3] =	stream.indirect.gather @!p1 [hbm4b:s6+s10], $0xC0, s8, s10, $0xb8;
	[tilespmem:$0x16B00] =	vst v63  }
0x21d: {  	s8 =	simm.s32 @!p1 $0xB0;
	s14 =	simm.s32 @!p1 $0x8700  }
0x21e: {  	[tilespmem:s14], [sflag:$0x3] =	stream.indirect.gather @!p1 [hbm4b:s6+s10], $0xC0, s8, s10, $0xb8;
	[tilespmem:$0x16B00] =	vst v63  }
0x21f: {  	_ =	swait.ge [sflag:s24], $0xC00  }
0x220: {  	[sflag:s24] =	ssyncset.done $0x0  }
0x221: {  	[sflag:s24] =	ssyncadd.s32 $0xFFFFF400  }
0x222: {  	_ =	swait.ge [sflag:s24], $0xC00  }
0x223: {  	[sflag:s24] =	ssyncset.done $0x0  }
0x224: {  	[sflag:s24] =	ssyncadd.s32 $0xFFFFF400  }
0x225: {  	_ =	swait.ge [sflag:s24], $0xC00  }
0x226: {  	[sflag:s24] =	ssyncset.done $0x0  }
0x227: {  	[sflag:s24] =	ssyncadd.s32 $0xFFFFF400  }
0x228: {  	_ =	swait.ge [sflag:s24], $0xC00  }
0x229: {  	[sflag:s24] =	ssyncset.done $0x0  }
0x22a: {  	[sflag:s24] =	ssyncadd.s32 $0xFFFFF400  }
0x22b: {  	_ =	swait.ge [sflag:s24], $0xC00  }
0x22c: {  	[sflag:s24] =	ssyncset.done $0x0  }
0x22d: {  	[sflag:s24] =	ssyncadd.s32 $0xFFFFF400  }
0x22e: {  	_ =	swait.ge [sflag:s24], $0xC00  }
0x22f: {  	[sflag:s24] =	ssyncset.done $0x0  }
0x230: {  	[sflag:s24] =	ssyncadd.s32 $0xFFFFF400  }
0x231: {  	_ =	swait.ge [sflag:s24], $0xC00  }
0x232: {  	[sflag:s24] =	ssyncset.done $0x0  }
0x233: {  	[sflag:s24] =	ssyncadd.s32 $0xFFFFF400  }
0x234: {  	_ =	swait.ge [sflag:s24], $0xC00  }
0x235: {  	[sflag:s24] =	ssyncset.done $0x0  }
0x236: {  	[sflag:s24] =	ssyncadd.s32 $0xFFFFF400  }
0x237: {  	_ =	swait.ge [sflag:s24], $0xC00  }
0x238: {  	[sflag:s24] =	ssyncset.done $0x0  }
0x239: {  	[sflag:s24] =	ssyncadd.s32 $0xFFFFF400  }
0x23a: {  	_ =	swait.ge [sflag:s24], $0xC00  }
0x23b: {  	[sflag:s24] =	ssyncset.done $0x0  }
0x23c: {  	[sflag:s24] =	ssyncadd.s32 $0xFFFFF400  }
0x23d: {  	_ =	swait.ge [sflag:s24], $0xC00  }
0x23e: {  	[sflag:s24] =	ssyncset.done $0x0  }
0x23f: {  	[sflag:s24] =	ssyncadd.s32 $0xFFFFF400  }
0x240: {  	_ =	swait.ge [sflag:s24], $0xC00  }
0x241: {  	[sflag:s24] =	ssyncset.done $0x0  }
0x242: {  	s8 =	simm.s32 @!p0 $0x6;
	[sflag:s24] =	ssyncadd.s32 $0xFFFFF400  }
0x243: {  	_ =	swait.ge @!p0 [sflag:s8], $0x2400  }
0x244: {  	[sflag:s8] =	ssyncset.done @!p0 $0x0  }
0x245: {  	[sflag:s8] =	ssyncadd.s32 @!p0 $0xFFFFDC00  }
0x246: {  	v36 =	vld [tilespmem:$0x240]  }
0x247: {  	v37 =	vld [tilespmem:$0x250]  }
0x248: {  	v38 =	vld [tilespmem:$0x260]  }
0x249: {  	v39 =	vld [tilespmem:$0x270]  }
0x24a: {  	v40 =	vld [tilespmem:$0x280]  }
0x24b: {  	v41 =	vld [tilespmem:$0x290]  }
0x24c: {  	v42 =	vld [tilespmem:$0x2A0]  }
0x24d: {  	v43 =	vld [tilespmem:$0x2B0]  }
0x24e: {  	v44 =	vld [tilespmem:$0x2C0]  }
0x24f: {  	v45 =	vld [tilespmem:$0x2D0]  }
0x250: {  	s18 =	simm.s32 $0x10B00;
	v46 =	vld [tilespmem:$0x2E0]  }
0x251: {  	s10 =	simm.s32 $0x0;
	s14 =	simm.s32 $0xAB00;
	s8 =	simm.s32 $0xDB00;
	v47 =	vld [tilespmem:$0x2F0]  }
.LBB2_5:
0x252: {  	v48 =	vld [tilespmem:s14+$0xFFFFE800]  }
0x253: {  	v54 =	vld [tilespmem:s14+$0xFFFFF400]  }
0x254: {  	s30 =	sshrl.u32 s10, $0x3  }
0x255: {  	v49 =	vmov s10;
	v55 =	vld [tilespmem:s14+$0x0];
	v50 =	vmov s30  }
0x256: {  	v51 =	vperm.xlane v36, v49;
	v52 =	vperm.xlane v37, v49;
	v50 =	vmul.u32 $0x18, v50  }
0x257: {  	v56 =	vld [tilespmem:s14+$0xC00];
	s30 =	sand.u32 $0x7, s10;
	v53 =	vperm.xlane v38, v49  }
0x258: {  	v62 =	vor.u32 s30, v50;
	v57 =	vmul.f32 v48, v51;
	v58 =	vmul.f32 v54, v52  }
0x259: {  	v48 =	vbroadcast v62, $0x0  }
0x25a: {  	v54 =	vperm.xlane v39, v49;
	v55 =	vmul.f32 v55, v53;
	v57 =	vadd.f32 v58, v57  }
0x25b: {  	v63 =	vadd.s32 v0, v48  }
0x25c: {  	v56 =	vmul.f32 v56, v54;
	v55 =	vadd.f32 v55, v57;
	_ =	sdelay $0x1  }
0x25d: {  	v55 =	vadd.f32 v56, v55;
	_ =	sdelay $0x1  }
0x25e: {  	[tilespmem:v63+s25+$0x0] =	vst.idx.msk $0xffff, v55  }
0x25f: {  	v55 =	vld [tilespmem:s14+$0xFFFFE810]  }
0x260: {  	v60 =	vld [tilespmem:s14+$0xFFFFF410];
	_ =	sdelay $0x1  }
0x261: {  	v61 =	vld [tilespmem:s14+$0x10];
	_ =	sdelay $0x1  }
0x262: {  	v58 =	vld [tilespmem:s14+$0xC10]  }
0x263: {  	v55 =	vmul.f32 v55, v51;
	v56 =	vmul.f32 v60, v52;
	_ =	sdelay $0x1  }
0x264: {  	v62 =	vmul.f32 v61, v53;
	v55 =	vadd.f32 v56, v55  }
0x265: {  	v63 =	vadd.s32 v1, v48  }
0x266: {  	v60 =	vmul.f32 v58, v54;
	v55 =	vadd.f32 v62, v55;
	_ =	sdelay $0x1  }
0x267: {  	v55 =	vadd.f32 v60, v55;
	_ =	sdelay $0x1  }
0x268: {  	[tilespmem:v63+s25+$0x0] =	vst.idx.msk $0xffff, v55  }
0x269: {  	v55 =	vld [tilespmem:s14+$0xFFFFE820]  }
0x26a: {  	v61 =	vld [tilespmem:s14+$0xFFFFF420];
	_ =	sdelay $0x1  }
0x26b: {  	v57 =	vld [tilespmem:s14+$0x20];
	_ =	sdelay $0x1  }
0x26c: {  	v62 =	vld [tilespmem:s14+$0xC20]  }
0x26d: {  	v55 =	vmul.f32 v55, v51;
	v56 =	vmul.f32 v61, v52;
	_ =	sdelay $0x1  }
0x26e: {  	v63 =	vmul.f32 v57, v53;
	v55 =	vadd.f32 v56, v55  }
0x26f: {  	v60 =	vadd.s32 v2, v48  }
0x270: {  	v61 =	vmul.f32 v62, v54;
	v55 =	vadd.f32 v63, v55;
	_ =	sdelay $0x1  }
0x271: {  	v55 =	vadd.f32 v61, v55;
	_ =	sdelay $0x1  }
0x272: {  	[tilespmem:v60+s25+$0x0] =	vst.idx.msk $0xffff, v55  }
0x273: {  	v55 =	vld [tilespmem:s14+$0xFFFFE830]  }
0x274: {  	v62 =	vld [tilespmem:s14+$0xFFFFF430];
	_ =	sdelay $0x1  }
0x275: {  	v57 =	vld [tilespmem:s14+$0x30];
	_ =	sdelay $0x1  }
0x276: {  	v63 =	vld [tilespmem:s14+$0xC30]  }
0x277: {  	v55 =	vmul.f32 v55, v51;
	v56 =	vmul.f32 v62, v52;
	_ =	sdelay $0x1  }
0x278: {  	v60 =	vmul.f32 v57, v53;
	v55 =	vadd.f32 v56, v55  }
0x279: {  	v61 =	vadd.s32 v3, v48  }
0x27a: {  	v62 =	vmul.f32 v63, v54;
	v55 =	vadd.f32 v60, v55;
	_ =	sdelay $0x1  }
0x27b: {  	v55 =	vadd.f32 v62, v55;
	_ =	sdelay $0x1  }
0x27c: {  	[tilespmem:v61+s25+$0x0] =	vst.idx.msk $0xffff, v55  }
0x27d: {  	v55 =	vld [tilespmem:s14+$0xFFFFE840]  }
0x27e: {  	v63 =	vld [tilespmem:s14+$0xFFFFF440];
	_ =	sdelay $0x1  }
0x27f: {  	v57 =	vld [tilespmem:s14+$0x40];
	_ =	sdelay $0x1  }
0x280: {  	v60 =	vld [tilespmem:s14+$0xC40]  }
0x281: {  	v55 =	vmul.f32 v55, v51;
	v56 =	vmul.f32 v63, v52;
	_ =	sdelay $0x1  }
0x282: {  	v61 =	vmul.f32 v57, v53;
	v55 =	vadd.f32 v56, v55  }
0x283: {  	v62 =	vadd.s32 v4, v48  }
0x284: {  	v63 =	vmul.f32 v60, v54;
	v55 =	vadd.f32 v61, v55;
	_ =	sdelay $0x1  }
0x285: {  	v55 =	vadd.f32 v63, v55;
	_ =	sdelay $0x1  }
0x286: {  	[tilespmem:v62+s25+$0x0] =	vst.idx.msk $0xffff, v55  }
0x287: {  	v55 =	vld [tilespmem:s14+$0xFFFFE850]  }
0x288: {  	v60 =	vld [tilespmem:s14+$0xFFFFF450];
	_ =	sdelay $0x1  }
0x289: {  	v57 =	vld [tilespmem:s14+$0x50];
	_ =	sdelay $0x1  }
0x28a: {  	v61 =	vld [tilespmem:s14+$0xC50]  }
0x28b: {  	v55 =	vmul.f32 v55, v51;
	v56 =	vmul.f32 v60, v52;
	_ =	sdelay $0x1  }
0x28c: {  	v62 =	vmul.f32 v57, v53;
	v55 =	vadd.f32 v56, v55  }
0x28d: {  	v63 =	vadd.s32 v5, v48  }
0x28e: {  	v60 =	vmul.f32 v61, v54;
	v55 =	vadd.f32 v62, v55;
	_ =	sdelay $0x1  }
0x28f: {  	v55 =	vadd.f32 v60, v55;
	_ =	sdelay $0x1  }
0x290: {  	[tilespmem:v63+s25+$0x0] =	vst.idx.msk $0xffff, v55  }
0x291: {  	v55 =	vld [tilespmem:s14+$0xFFFFE860]  }
0x292: {  	v61 =	vld [tilespmem:s14+$0xFFFFF460];
	_ =	sdelay $0x1  }
0x293: {  	v57 =	vld [tilespmem:s14+$0x60];
	_ =	sdelay $0x1  }
0x294: {  	v62 =	vld [tilespmem:s14+$0xC60]  }
0x295: {  	v55 =	vmul.f32 v55, v51;
	v56 =	vmul.f32 v61, v52;
	_ =	sdelay $0x1  }
0x296: {  	v63 =	vmul.f32 v57, v53;
	v55 =	vadd.f32 v56, v55  }
0x297: {  	v60 =	vadd.s32 v6, v48  }
0x298: {  	v61 =	vmul.f32 v62, v54;
	v55 =	vadd.f32 v63, v55;
	_ =	sdelay $0x1  }
0x299: {  	v55 =	vadd.f32 v61, v55;
	_ =	sdelay $0x1  }
0x29a: {  	[tilespmem:v60+s25+$0x0] =	vst.idx.msk $0xffff, v55  }
0x29b: {  	v55 =	vld [tilespmem:s14+$0xFFFFE870]  }
0x29c: {  	v62 =	vld [tilespmem:s14+$0xFFFFF470];
	_ =	sdelay $0x1  }
0x29d: {  	v57 =	vld [tilespmem:s14+$0x70];
	_ =	sdelay $0x1  }
0x29e: {  	v63 =	vld [tilespmem:s14+$0xC70]  }
0x29f: {  	v55 =	vmul.f32 v55, v51;
	v56 =	vmul.f32 v62, v52;
	_ =	sdelay $0x1  }
0x2a0: {  	v60 =	vmul.f32 v57, v53;
	v55 =	vadd.f32 v56, v55  }
0x2a1: {  	v61 =	vadd.s32 v7, v48  }
0x2a2: {  	v62 =	vmul.f32 v63, v54;
	v55 =	vadd.f32 v60, v55;
	_ =	sdelay $0x1  }
0x2a3: {  	v55 =	vadd.f32 v62, v55;
	_ =	sdelay $0x1  }
0x2a4: {  	[tilespmem:v61+s25+$0x0] =	vst.idx.msk $0xffff, v55  }
0x2a5: {  	v55 =	vld [tilespmem:s14+$0xFFFFE880]  }
0x2a6: {  	v63 =	vld [tilespmem:s14+$0xFFFFF480];
	_ =	sdelay $0x1  }
0x2a7: {  	v57 =	vld [tilespmem:s14+$0x80];
	_ =	sdelay $0x1  }
0x2a8: {  	v60 =	vld [tilespmem:s14+$0xC80]  }
0x2a9: {  	v55 =	vmul.f32 v55, v51;
	v56 =	vmul.f32 v63, v52;
	_ =	sdelay $0x1  }
0x2aa: {  	v61 =	vmul.f32 v57, v53;
	v55 =	vadd.f32 v56, v55  }
0x2ab: {  	v62 =	vadd.s32 v8, v48  }
0x2ac: {  	v63 =	vmul.f32 v60, v54;
	v55 =	vadd.f32 v61, v55;
	_ =	sdelay $0x1  }
0x2ad: {  	v55 =	vadd.f32 v63, v55;
	_ =	sdelay $0x1  }
0x2ae: {  	[tilespmem:v62+s25+$0x0] =	vst.idx.msk $0xffff, v55  }
0x2af: {  	v55 =	vld [tilespmem:s14+$0xFFFFE890]  }
0x2b0: {  	v60 =	vld [tilespmem:s14+$0xFFFFF490];
	_ =	sdelay $0x1  }
0x2b1: {  	v57 =	vld [tilespmem:s14+$0x90];
	_ =	sdelay $0x1  }
0x2b2: {  	v61 =	vld [tilespmem:s14+$0xC90]  }
0x2b3: {  	v55 =	vmul.f32 v55, v51;
	v56 =	vmul.f32 v60, v52;
	_ =	sdelay $0x1  }
0x2b4: {  	v62 =	vmul.f32 v57, v53;
	v55 =	vadd.f32 v56, v55  }
0x2b5: {  	v63 =	vadd.s32 v9, v48  }
0x2b6: {  	v60 =	vmul.f32 v61, v54;
	v55 =	vadd.f32 v62, v55;
	_ =	sdelay $0x1  }
0x2b7: {  	v55 =	vadd.f32 v60, v55;
	_ =	sdelay $0x1  }
0x2b8: {  	[tilespmem:v63+s25+$0x0] =	vst.idx.msk $0xffff, v55  }
0x2b9: {  	v55 =	vld [tilespmem:s14+$0xFFFFE8A0]  }
0x2ba: {  	v61 =	vld [tilespmem:s14+$0xFFFFF4A0];
	_ =	sdelay $0x1  }
0x2bb: {  	v57 =	vld [tilespmem:s14+$0xA0];
	_ =	sdelay $0x1  }
0x2bc: {  	v62 =	vld [tilespmem:s14+$0xCA0]  }
0x2bd: {  	v55 =	vmul.f32 v55, v51;
	v56 =	vmul.f32 v61, v52;
	_ =	sdelay $0x1  }
0x2be: {  	v63 =	vmul.f32 v57, v53;
	v55 =	vadd.f32 v56, v55  }
0x2bf: {  	v60 =	vadd.s32 v10, v48  }
0x2c0: {  	v61 =	vmul.f32 v62, v54;
	v55 =	vadd.f32 v63, v55;
	_ =	sdelay $0x1  }
0x2c1: {  	v55 =	vadd.f32 v61, v55;
	_ =	sdelay $0x1  }
0x2c2: {  	[tilespmem:v60+s25+$0x0] =	vst.idx.msk $0xffff, v55  }
0x2c3: {  	v55 =	vld [tilespmem:s14+$0xFFFFE8B0]  }
0x2c4: {  	v62 =	vld [tilespmem:s14+$0xFFFFF4B0];
	_ =	sdelay $0x1  }
0x2c5: {  	v57 =	vld [tilespmem:s14+$0xB0];
	_ =	sdelay $0x1  }
0x2c6: {  	v63 =	vld [tilespmem:s14+$0xCB0]  }
0x2c7: {  	v51 =	vmul.f32 v55, v51;
	v52 =	vmul.f32 v62, v52;
	_ =	sdelay $0x1  }
0x2c8: {  	v59 =	vmul.f32 v57, v53;
	v51 =	vadd.f32 v52, v51  }
0x2c9: {  	v60 =	vadd.s32 v11, v48  }
0x2ca: {  	v61 =	vmul.f32 v63, v54;
	v51 =	vadd.f32 v59, v51;
	_ =	sdelay $0x1  }
0x2cb: {  	v51 =	vadd.f32 v61, v51;
	_ =	sdelay $0x1  }
0x2cc: {  	[tilespmem:v60+s25+$0x0] =	vst.idx.msk $0xffff, v51  }
0x2cd: {  	v54 =	vld [tilespmem:s8+$0xFFFFE800]  }
0x2ce: {  	v62 =	vld [tilespmem:s8+$0xFFFFF400];
	_ =	sdelay $0x1  }
0x2cf: {  	v63 =	vld [tilespmem:s8+$0x0]  }
0x2d0: {  	v53 =	vperm.xlane v41, v49;
	v52 =	vperm.xlane v40, v49  }
0x2d1: {  	v61 =	vand.u32 $0x7, v49;
	v51 =	vperm.xlane v42, v49;
	v60 =	vld [tilespmem:s8+$0xC00]  }
0x2d2: {  	v50 =	vor.u32 v61, v50;
	v59 =	vmul.f32 v54, v52;
	v55 =	vmul.f32 v62, v53  }
0x2d3: {  	v54 =	vbroadcast v50, $0x0  }
0x2d4: {  	v50 =	vperm.xlane v43, v49;
	v56 =	vmul.f32 v63, v51;
	v55 =	vadd.f32 v55, v59  }
0x2d5: {  	v62 =	vadd.s32 v12, v54  }
0x2d6: {  	v63 =	vmul.f32 v60, v50;
	v55 =	vadd.f32 v56, v55;
	_ =	sdelay $0x1  }
0x2d7: {  	v55 =	vadd.f32 v63, v55;
	_ =	sdelay $0x1  }
0x2d8: {  	[tilespmem:v62+s25+$0x0] =	vst.idx.msk $0xffff, v55  }
0x2d9: {  	v55 =	vld [tilespmem:s8+$0xFFFFE810]  }
0x2da: {  	v60 =	vld [tilespmem:s8+$0xFFFFF410];
	_ =	sdelay $0x1  }
0x2db: {  	v61 =	vld [tilespmem:s8+$0x10];
	_ =	sdelay $0x1  }
0x2dc: {  	v58 =	vld [tilespmem:s8+$0xC10]  }
0x2dd: {  	v55 =	vmul.f32 v55, v52;
	v56 =	vmul.f32 v60, v53;
	_ =	sdelay $0x1  }
0x2de: {  	v62 =	vmul.f32 v61, v51;
	v55 =	vadd.f32 v56, v55  }
0x2df: {  	v63 =	vadd.s32 v13, v54  }
0x2e0: {  	v60 =	vmul.f32 v58, v50;
	v55 =	vadd.f32 v62, v55;
	_ =	sdelay $0x1  }
0x2e1: {  	v55 =	vadd.f32 v60, v55;
	_ =	sdelay $0x1  }
0x2e2: {  	[tilespmem:v63+s25+$0x0] =	vst.idx.msk $0xffff, v55  }
0x2e3: {  	v55 =	vld [tilespmem:s8+$0xFFFFE820]  }
0x2e4: {  	v61 =	vld [tilespmem:s8+$0xFFFFF420];
	_ =	sdelay $0x1  }
0x2e5: {  	v57 =	vld [tilespmem:s8+$0x20];
	_ =	sdelay $0x1  }
0x2e6: {  	v62 =	vld [tilespmem:s8+$0xC20]  }
0x2e7: {  	v55 =	vmul.f32 v55, v52;
	v56 =	vmul.f32 v61, v53;
	_ =	sdelay $0x1  }
0x2e8: {  	v63 =	vmul.f32 v57, v51;
	v55 =	vadd.f32 v56, v55  }
0x2e9: {  	v60 =	vadd.s32 v14, v54  }
0x2ea: {  	v61 =	vmul.f32 v62, v50;
	v55 =	vadd.f32 v63, v55;
	_ =	sdelay $0x1  }
0x2eb: {  	v55 =	vadd.f32 v61, v55;
	_ =	sdelay $0x1  }
0x2ec: {  	[tilespmem:v60+s25+$0x0] =	vst.idx.msk $0xffff, v55  }
0x2ed: {  	v55 =	vld [tilespmem:s8+$0xFFFFE830]  }
0x2ee: {  	v62 =	vld [tilespmem:s8+$0xFFFFF430];
	_ =	sdelay $0x1  }
0x2ef: {  	v57 =	vld [tilespmem:s8+$0x30];
	_ =	sdelay $0x1  }
0x2f0: {  	v63 =	vld [tilespmem:s8+$0xC30]  }
0x2f1: {  	v55 =	vmul.f32 v55, v52;
	v56 =	vmul.f32 v62, v53;
	_ =	sdelay $0x1  }
0x2f2: {  	v60 =	vmul.f32 v57, v51;
	v55 =	vadd.f32 v56, v55  }
0x2f3: {  	v61 =	vadd.s32 v15, v54  }
0x2f4: {  	v62 =	vmul.f32 v63, v50;
	v55 =	vadd.f32 v60, v55;
	_ =	sdelay $0x1  }
0x2f5: {  	v55 =	vadd.f32 v62, v55;
	_ =	sdelay $0x1  }
0x2f6: {  	[tilespmem:v61+s25+$0x0] =	vst.idx.msk $0xffff, v55  }
0x2f7: {  	v55 =	vld [tilespmem:s8+$0xFFFFE840]  }
0x2f8: {  	v63 =	vld [tilespmem:s8+$0xFFFFF440];
	_ =	sdelay $0x1  }
0x2f9: {  	v57 =	vld [tilespmem:s8+$0x40];
	_ =	sdelay $0x1  }
0x2fa: {  	v60 =	vld [tilespmem:s8+$0xC40]  }
0x2fb: {  	v55 =	vmul.f32 v55, v52;
	v56 =	vmul.f32 v63, v53;
	_ =	sdelay $0x1  }
0x2fc: {  	v61 =	vmul.f32 v57, v51;
	v55 =	vadd.f32 v56, v55  }
0x2fd: {  	v62 =	vadd.s32 v16, v54  }
0x2fe: {  	v63 =	vmul.f32 v60, v50;
	v55 =	vadd.f32 v61, v55;
	_ =	sdelay $0x1  }
0x2ff: {  	v55 =	vadd.f32 v63, v55;
	_ =	sdelay $0x1  }
0x300: {  	[tilespmem:v62+s25+$0x0] =	vst.idx.msk $0xffff, v55  }
0x301: {  	v55 =	vld [tilespmem:s8+$0xFFFFE850]  }
0x302: {  	v60 =	vld [tilespmem:s8+$0xFFFFF450];
	_ =	sdelay $0x1  }
0x303: {  	v57 =	vld [tilespmem:s8+$0x50];
	_ =	sdelay $0x1  }
0x304: {  	v61 =	vld [tilespmem:s8+$0xC50]  }
0x305: {  	v55 =	vmul.f32 v55, v52;
	v56 =	vmul.f32 v60, v53;
	_ =	sdelay $0x1  }
0x306: {  	v62 =	vmul.f32 v57, v51;
	v55 =	vadd.f32 v56, v55  }
0x307: {  	v63 =	vadd.s32 v17, v54  }
0x308: {  	v60 =	vmul.f32 v61, v50;
	v55 =	vadd.f32 v62, v55;
	_ =	sdelay $0x1  }
0x309: {  	v55 =	vadd.f32 v60, v55;
	_ =	sdelay $0x1  }
0x30a: {  	[tilespmem:v63+s25+$0x0] =	vst.idx.msk $0xffff, v55  }
0x30b: {  	v55 =	vld [tilespmem:s8+$0xFFFFE860]  }
0x30c: {  	v61 =	vld [tilespmem:s8+$0xFFFFF460];
	_ =	sdelay $0x1  }
0x30d: {  	v57 =	vld [tilespmem:s8+$0x60];
	_ =	sdelay $0x1  }
0x30e: {  	v62 =	vld [tilespmem:s8+$0xC60]  }
0x30f: {  	v55 =	vmul.f32 v55, v52;
	v56 =	vmul.f32 v61, v53;
	_ =	sdelay $0x1  }
0x310: {  	v63 =	vmul.f32 v57, v51;
	v55 =	vadd.f32 v56, v55  }
0x311: {  	v60 =	vadd.s32 v18, v54  }
0x312: {  	v61 =	vmul.f32 v62, v50;
	v55 =	vadd.f32 v63, v55;
	_ =	sdelay $0x1  }
0x313: {  	v55 =	vadd.f32 v61, v55;
	_ =	sdelay $0x1  }
0x314: {  	[tilespmem:v60+s25+$0x0] =	vst.idx.msk $0xffff, v55  }
0x315: {  	v55 =	vld [tilespmem:s8+$0xFFFFE870]  }
0x316: {  	v62 =	vld [tilespmem:s8+$0xFFFFF470];
	_ =	sdelay $0x1  }
0x317: {  	v57 =	vld [tilespmem:s8+$0x70];
	_ =	sdelay $0x1  }
0x318: {  	v63 =	vld [tilespmem:s8+$0xC70]  }
0x319: {  	v55 =	vmul.f32 v55, v52;
	v56 =	vmul.f32 v62, v53;
	_ =	sdelay $0x1  }
0x31a: {  	v60 =	vmul.f32 v57, v51;
	v55 =	vadd.f32 v56, v55  }
0x31b: {  	v61 =	vadd.s32 v19, v54  }
0x31c: {  	v62 =	vmul.f32 v63, v50;
	v55 =	vadd.f32 v60, v55;
	_ =	sdelay $0x1  }
0x31d: {  	v55 =	vadd.f32 v62, v55;
	_ =	sdelay $0x1  }
0x31e: {  	[tilespmem:v61+s25+$0x0] =	vst.idx.msk $0xffff, v55  }
0x31f: {  	v55 =	vld [tilespmem:s8+$0xFFFFE880]  }
0x320: {  	v63 =	vld [tilespmem:s8+$0xFFFFF480];
	_ =	sdelay $0x1  }
0x321: {  	v57 =	vld [tilespmem:s8+$0x80];
	_ =	sdelay $0x1  }
0x322: {  	v60 =	vld [tilespmem:s8+$0xC80]  }
0x323: {  	v55 =	vmul.f32 v55, v52;
	v56 =	vmul.f32 v63, v53;
	_ =	sdelay $0x1  }
0x324: {  	v61 =	vmul.f32 v57, v51;
	v55 =	vadd.f32 v56, v55  }
0x325: {  	v62 =	vadd.s32 v20, v54  }
0x326: {  	v63 =	vmul.f32 v60, v50;
	v55 =	vadd.f32 v61, v55;
	_ =	sdelay $0x1  }
0x327: {  	v55 =	vadd.f32 v63, v55;
	_ =	sdelay $0x1  }
0x328: {  	[tilespmem:v62+s25+$0x0] =	vst.idx.msk $0xffff, v55  }
0x329: {  	v55 =	vld [tilespmem:s8+$0xFFFFE890]  }
0x32a: {  	v60 =	vld [tilespmem:s8+$0xFFFFF490];
	_ =	sdelay $0x1  }
0x32b: {  	v57 =	vld [tilespmem:s8+$0x90];
	_ =	sdelay $0x1  }
0x32c: {  	v61 =	vld [tilespmem:s8+$0xC90]  }
0x32d: {  	v55 =	vmul.f32 v55, v52;
	v56 =	vmul.f32 v60, v53;
	_ =	sdelay $0x1  }
0x32e: {  	v62 =	vmul.f32 v57, v51;
	v55 =	vadd.f32 v56, v55  }
0x32f: {  	v63 =	vadd.s32 v21, v54  }
0x330: {  	v60 =	vmul.f32 v61, v50;
	v55 =	vadd.f32 v62, v55;
	_ =	sdelay $0x1  }
0x331: {  	v55 =	vadd.f32 v60, v55;
	_ =	sdelay $0x1  }
0x332: {  	[tilespmem:v63+s25+$0x0] =	vst.idx.msk $0xffff, v55  }
0x333: {  	v55 =	vld [tilespmem:s8+$0xFFFFE8A0]  }
0x334: {  	v61 =	vld [tilespmem:s8+$0xFFFFF4A0];
	_ =	sdelay $0x1  }
0x335: {  	v57 =	vld [tilespmem:s8+$0xA0];
	_ =	sdelay $0x1  }
0x336: {  	v62 =	vld [tilespmem:s8+$0xCA0]  }
0x337: {  	v55 =	vmul.f32 v55, v52;
	v56 =	vmul.f32 v61, v53;
	_ =	sdelay $0x1  }
0x338: {  	v63 =	vmul.f32 v57, v51;
	v55 =	vadd.f32 v56, v55  }
0x339: {  	v60 =	vadd.s32 v22, v54  }
0x33a: {  	v61 =	vmul.f32 v62, v50;
	v55 =	vadd.f32 v63, v55;
	_ =	sdelay $0x1  }
0x33b: {  	v55 =	vadd.f32 v61, v55;
	_ =	sdelay $0x1  }
0x33c: {  	[tilespmem:v60+s25+$0x0] =	vst.idx.msk $0xffff, v55  }
0x33d: {  	v55 =	vld [tilespmem:s8+$0xFFFFE8B0]  }
0x33e: {  	v62 =	vld [tilespmem:s8+$0xFFFFF4B0];
	_ =	sdelay $0x1  }
0x33f: {  	v57 =	vld [tilespmem:s8+$0xB0];
	_ =	sdelay $0x1  }
0x340: {  	v63 =	vld [tilespmem:s8+$0xCB0]  }
0x341: {  	v52 =	vmul.f32 v55, v52;
	v53 =	vmul.f32 v62, v53;
	_ =	sdelay $0x1  }
0x342: {  	v51 =	vmul.f32 v57, v51;
	v52 =	vadd.f32 v53, v52  }
0x343: {  	v60 =	vadd.s32 v23, v54  }
0x344: {  	v50 =	vmul.f32 v63, v50;
	v51 =	vadd.f32 v51, v52;
	_ =	sdelay $0x1  }
0x345: {  	v50 =	vadd.f32 v50, v51;
	_ =	sdelay $0x1  }
0x346: {  	[tilespmem:v60+s25+$0x0] =	vst.idx.msk $0xffff, v50  }
0x347: {  	v53 =	vld [tilespmem:s18+$0xFFFFE800]  }
0x348: {  	v61 =	vld [tilespmem:s18+$0xFFFFF400];
	_ =	sdelay $0x1  }
0x349: {  	v62 =	vld [tilespmem:s18+$0x0]  }
0x34a: {  	v52 =	vperm.xlane v45, v49;
	v51 =	vperm.xlane v44, v49  }
0x34b: {  	v50 =	vperm.xlane v46, v49;
	v63 =	vld [tilespmem:s18+$0xC00]  }
0x34c: {  	v53 =	vmul.f32 v53, v51;
	v54 =	vmul.f32 v61, v52;
	_ =	sdelay $0x1  }
0x34d: {  	v49 =	vperm.xlane v47, v49;
	v59 =	vmul.f32 v62, v50;
	v53 =	vadd.f32 v54, v53  }
0x34e: {  	v60 =	vadd.s32 v24, v48  }
0x34f: {  	v61 =	vmul.f32 v63, v49;
	v53 =	vadd.f32 v59, v53;
	_ =	sdelay $0x1  }
0x350: {  	v53 =	vadd.f32 v61, v53;
	_ =	sdelay $0x1  }
0x351: {  	[tilespmem:v60+s25+$0x0] =	vst.idx.msk $0xffff, v53  }
0x352: {  	v53 =	vld [tilespmem:s18+$0xFFFFE810]  }
0x353: {  	v62 =	vld [tilespmem:s18+$0xFFFFF410];
	_ =	sdelay $0x1  }
0x354: {  	v55 =	vld [tilespmem:s18+$0x10];
	_ =	sdelay $0x1  }
0x355: {  	v63 =	vld [tilespmem:s18+$0xC10]  }
0x356: {  	v53 =	vmul.f32 v53, v51;
	v54 =	vmul.f32 v62, v52;
	_ =	sdelay $0x1  }
0x357: {  	v59 =	vmul.f32 v55, v50;
	v53 =	vadd.f32 v54, v53  }
0x358: {  	v60 =	vadd.s32 v25, v48  }
0x359: {  	v61 =	vmul.f32 v63, v49;
	v53 =	vadd.f32 v59, v53;
	_ =	sdelay $0x1  }
0x35a: {  	v53 =	vadd.f32 v61, v53;
	_ =	sdelay $0x1  }
0x35b: {  	[tilespmem:v60+s25+$0x0] =	vst.idx.msk $0xffff, v53  }
0x35c: {  	v53 =	vld [tilespmem:s18+$0xFFFFE820]  }
0x35d: {  	v62 =	vld [tilespmem:s18+$0xFFFFF420];
	_ =	sdelay $0x1  }
0x35e: {  	v55 =	vld [tilespmem:s18+$0x20];
	_ =	sdelay $0x1  }
0x35f: {  	v63 =	vld [tilespmem:s18+$0xC20]  }
0x360: {  	v53 =	vmul.f32 v53, v51;
	v54 =	vmul.f32 v62, v52;
	_ =	sdelay $0x1  }
0x361: {  	v59 =	vmul.f32 v55, v50;
	v53 =	vadd.f32 v54, v53  }
0x362: {  	v60 =	vadd.s32 v26, v48  }
0x363: {  	v61 =	vmul.f32 v63, v49;
	v53 =	vadd.f32 v59, v53;
	_ =	sdelay $0x1  }
0x364: {  	v53 =	vadd.f32 v61, v53;
	_ =	sdelay $0x1  }
0x365: {  	[tilespmem:v60+s25+$0x0] =	vst.idx.msk $0xffff, v53  }
0x366: {  	v53 =	vld [tilespmem:s18+$0xFFFFE830]  }
0x367: {  	v62 =	vld [tilespmem:s18+$0xFFFFF430];
	_ =	sdelay $0x1  }
0x368: {  	v55 =	vld [tilespmem:s18+$0x30];
	_ =	sdelay $0x1  }
0x369: {  	v63 =	vld [tilespmem:s18+$0xC30]  }
0x36a: {  	v53 =	vmul.f32 v53, v51;
	v54 =	vmul.f32 v62, v52;
	_ =	sdelay $0x1  }
0x36b: {  	v59 =	vmul.f32 v55, v50;
	v53 =	vadd.f32 v54, v53  }
0x36c: {  	v60 =	vadd.s32 v27, v48  }
0x36d: {  	v61 =	vmul.f32 v63, v49;
	v53 =	vadd.f32 v59, v53;
	_ =	sdelay $0x1  }
0x36e: {  	v53 =	vadd.f32 v61, v53;
	_ =	sdelay $0x1  }
0x36f: {  	[tilespmem:v60+s25+$0x0] =	vst.idx.msk $0xffff, v53  }
0x370: {  	v53 =	vld [tilespmem:s18+$0xFFFFE840]  }
0x371: {  	v62 =	vld [tilespmem:s18+$0xFFFFF440];
	_ =	sdelay $0x1  }
0x372: {  	v55 =	vld [tilespmem:s18+$0x40];
	_ =	sdelay $0x1  }
0x373: {  	v63 =	vld [tilespmem:s18+$0xC40]  }
0x374: {  	v53 =	vmul.f32 v53, v51;
	v54 =	vmul.f32 v62, v52;
	_ =	sdelay $0x1  }
0x375: {  	v59 =	vmul.f32 v55, v50;
	v53 =	vadd.f32 v54, v53  }
0x376: {  	v60 =	vadd.s32 v28, v48  }
0x377: {  	v61 =	vmul.f32 v63, v49;
	v53 =	vadd.f32 v59, v53;
	_ =	sdelay $0x1  }
0x378: {  	v53 =	vadd.f32 v61, v53;
	_ =	sdelay $0x1  }
0x379: {  	[tilespmem:v60+s25+$0x0] =	vst.idx.msk $0xffff, v53  }
0x37a: {  	v53 =	vld [tilespmem:s18+$0xFFFFE850]  }
0x37b: {  	v62 =	vld [tilespmem:s18+$0xFFFFF450];
	_ =	sdelay $0x1  }
0x37c: {  	v55 =	vld [tilespmem:s18+$0x50];
	_ =	sdelay $0x1  }
0x37d: {  	v63 =	vld [tilespmem:s18+$0xC50]  }
0x37e: {  	v53 =	vmul.f32 v53, v51;
	v54 =	vmul.f32 v62, v52;
	_ =	sdelay $0x1  }
0x37f: {  	v59 =	vmul.f32 v55, v50;
	v53 =	vadd.f32 v54, v53  }
0x380: {  	v60 =	vadd.s32 v29, v48  }
0x381: {  	v61 =	vmul.f32 v63, v49;
	v53 =	vadd.f32 v59, v53;
	_ =	sdelay $0x1  }
0x382: {  	v53 =	vadd.f32 v61, v53;
	_ =	sdelay $0x1  }
0x383: {  	[tilespmem:v60+s25+$0x0] =	vst.idx.msk $0xffff, v53  }
0x384: {  	v53 =	vld [tilespmem:s18+$0xFFFFE860]  }
0x385: {  	v62 =	vld [tilespmem:s18+$0xFFFFF460];
	_ =	sdelay $0x1  }
0x386: {  	v55 =	vld [tilespmem:s18+$0x60];
	_ =	sdelay $0x1  }
0x387: {  	v63 =	vld [tilespmem:s18+$0xC60]  }
0x388: {  	v53 =	vmul.f32 v53, v51;
	v54 =	vmul.f32 v62, v52;
	_ =	sdelay $0x1  }
0x389: {  	v59 =	vmul.f32 v55, v50;
	v53 =	vadd.f32 v54, v53  }
0x38a: {  	v60 =	vadd.s32 v30, v48  }
0x38b: {  	v61 =	vmul.f32 v63, v49;
	v53 =	vadd.f32 v59, v53;
	_ =	sdelay $0x1  }
0x38c: {  	v53 =	vadd.f32 v61, v53;
	_ =	sdelay $0x1  }
0x38d: {  	[tilespmem:v60+s25+$0x0] =	vst.idx.msk $0xffff, v53  }
0x38e: {  	v53 =	vld [tilespmem:s18+$0xFFFFE870]  }
0x38f: {  	v62 =	vld [tilespmem:s18+$0xFFFFF470];
	_ =	sdelay $0x1  }
0x390: {  	v55 =	vld [tilespmem:s18+$0x70];
	_ =	sdelay $0x1  }
0x391: {  	v63 =	vld [tilespmem:s18+$0xC70]  }
0x392: {  	v53 =	vmul.f32 v53, v51;
	v54 =	vmul.f32 v62, v52;
	_ =	sdelay $0x1  }
0x393: {  	v59 =	vmul.f32 v55, v50;
	v53 =	vadd.f32 v54, v53  }
0x394: {  	v60 =	vadd.s32 v31, v48  }
0x395: {  	v61 =	vmul.f32 v63, v49;
	v53 =	vadd.f32 v59, v53;
	_ =	sdelay $0x1  }
0x396: {  	v53 =	vadd.f32 v61, v53;
	_ =	sdelay $0x1  }
0x397: {  	[tilespmem:v60+s25+$0x0] =	vst.idx.msk $0xffff, v53  }
0x398: {  	v53 =	vld [tilespmem:s18+$0xFFFFE880]  }
0x399: {  	v62 =	vld [tilespmem:s18+$0xFFFFF480];
	_ =	sdelay $0x1  }
0x39a: {  	v55 =	vld [tilespmem:s18+$0x80];
	_ =	sdelay $0x1  }
0x39b: {  	v63 =	vld [tilespmem:s18+$0xC80]  }
0x39c: {  	v53 =	vmul.f32 v53, v51;
	v54 =	vmul.f32 v62, v52;
	_ =	sdelay $0x1  }
0x39d: {  	v59 =	vmul.f32 v55, v50;
	v53 =	vadd.f32 v54, v53  }
0x39e: {  	v60 =	vadd.s32 v32, v48  }
0x39f: {  	v61 =	vmul.f32 v63, v49;
	v53 =	vadd.f32 v59, v53;
	_ =	sdelay $0x1  }
0x3a0: {  	v53 =	vadd.f32 v61, v53;
	_ =	sdelay $0x1  }
0x3a1: {  	[tilespmem:v60+s25+$0x0] =	vst.idx.msk $0xffff, v53  }
0x3a2: {  	v53 =	vld [tilespmem:s18+$0xFFFFE890]  }
0x3a3: {  	v62 =	vld [tilespmem:s18+$0xFFFFF490];
	_ =	sdelay $0x1  }
0x3a4: {  	v55 =	vld [tilespmem:s18+$0x90];
	_ =	sdelay $0x1  }
0x3a5: {  	v63 =	vld [tilespmem:s18+$0xC90]  }
0x3a6: {  	v53 =	vmul.f32 v53, v51;
	v54 =	vmul.f32 v62, v52;
	_ =	sdelay $0x1  }
0x3a7: {  	v59 =	vmul.f32 v55, v50;
	v53 =	vadd.f32 v54, v53  }
0x3a8: {  	v60 =	vadd.s32 v33, v48  }
0x3a9: {  	v61 =	vmul.f32 v63, v49;
	v53 =	vadd.f32 v59, v53;
	_ =	sdelay $0x1  }
0x3aa: {  	v53 =	vadd.f32 v61, v53;
	_ =	sdelay $0x1  }
0x3ab: {  	[tilespmem:v60+s25+$0x0] =	vst.idx.msk $0xffff, v53  }
0x3ac: {  	v53 =	vld [tilespmem:s18+$0xFFFFE8A0]  }
0x3ad: {  	v62 =	vld [tilespmem:s18+$0xFFFFF4A0];
	_ =	sdelay $0x1  }
0x3ae: {  	v55 =	vld [tilespmem:s18+$0xA0];
	_ =	sdelay $0x1  }
0x3af: {  	v63 =	vld [tilespmem:s18+$0xCA0]  }
0x3b0: {  	v53 =	vmul.f32 v53, v51;
	v54 =	vmul.f32 v62, v52;
	_ =	sdelay $0x1  }
0x3b1: {  	v59 =	vmul.f32 v55, v50;
	v53 =	vadd.f32 v54, v53  }
0x3b2: {  	v60 =	vadd.s32 v34, v48  }
0x3b3: {  	v61 =	vmul.f32 v63, v49;
	v53 =	vadd.f32 v59, v53;
	_ =	sdelay $0x1  }
0x3b4: {  	v53 =	vadd.f32 v61, v53;
	_ =	sdelay $0x1  }
0x3b5: {  	[tilespmem:v60+s25+$0x0] =	vst.idx.msk $0xffff, v53  }
0x3b6: {  	v53 =	vld [tilespmem:s18+$0xFFFFE8B0]  }
0x3b7: {  	v62 =	vld [tilespmem:s18+$0xFFFFF4B0];
	_ =	sdelay $0x1  }
0x3b8: {  	v55 =	vld [tilespmem:s18+$0xB0];
	_ =	sdelay $0x1  }
0x3b9: {  	v63 =	vld [tilespmem:s18+$0xCB0]  }
0x3ba: {  	v51 =	vmul.f32 v53, v51;
	v52 =	vmul.f32 v62, v52;
	_ =	sdelay $0x1  }
0x3bb: {  	v50 =	vmul.f32 v55, v50;
	v51 =	vadd.f32 v52, v51  }
0x3bc: {  	p0 =	sne.s32 s10, $0xF;
	v48 =	vadd.s32 v35, v48  }
.Ltmp3:
0x3bd: {  	v49 =	vmul.f32 v63, v49;
	v50 =	vadd.f32 v50, v51;
	(pc) =	sbr.rel @p0 .LBB2_5-.Ltmp3, $4  }
0x3be: {  	_ = 	snop  }
0x3bf: {  	v49 =	vadd.f32 v49, v50  }
0x3c0: {  	s10 =	sadd.s32 $0x1, s10  }
0x3c1: {  	s14 =	sadd.s32 $0xC0, s14;
	s8 =	sadd.s32 $0xC0, s8;
	s18 =	sadd.s32 $0xC0, s18;
	[tilespmem:v48+s25+$0x0] =	vst.idx.msk $0xffff, v49  }
0x3c2: {  	s2 =	sor.u32 s12, s2  }
.Ltmp4:
0x3c3: {  	s2 =	sshrl.u32 s2, $0x3;
	(pc) =	sbr.rel @p1 .LBB2_8-.Ltmp4, $3  }
0x3c4: {  	s2 =	smul.u32 $0x3, s2;
	_ =	sdelay $0x1  }
0x3c5: {  	s2 =	sadd.s32 s1, s2  }
0x3c6: {  	[hbm4b:s2+s23] =	stream.strided.scatter [tilespmem:s25], [sflag:$0x6], $0x2400, s22, s23, $0x38;
	[tilespmem:$0x16B00] =	vst v63  }
.Ltmp5:
0x3c7: {  	s2 =	sadd.s32 s28, s13;
	(pc) =	sbr.rel .LBB2_2-.Ltmp5, $4  }
0x3c8: {  	s2 =	sshll.u32 s2, $0x1  }
0x3c9: {  	s2 =	sand.u32 $0x1FFFFFFE, s2  }
0x3ca: {  	s26 =	sadd.s32 $0x1, s26;
	s2 =	sadd.s32 s7, s2  }
0x3cb: {  	[tilespmem:s17], [sflag:$0x2] =	stream.strided.gather [hbm4b:s2+s15], $0x180, s31, s15, $0x38;
	[tilespmem:$0x16B00] =	vst v63  }
.LBB2_9:
0x3cc: {  	_ =	sfence.sel $0x180000  }
0x3cd: {  	[bflag:$0x0] =	sbarrier.arrive $0xFFFF  }
0x3ce: {  	_ =	strace $0x90000047  }
0x3cf: {  	s0 =	stileid.u32;
	[bflag:$0x2] =	sbarrier.arrive $0xFFFF  }
0x3d0: {  	p0 =	sne.s32 s0, $0x0;
	s0 =	rddreg [dreg:$0x2]  }
0x3d1: {  	s0 =	sadd.s32 @!p0 $0x100000, s0  }
0x3d2: {  	[sflag:s0] =	ssyncadd.tile.s32 @!p0 $0x1;
	_ =	shalt  }
.Lfunc_end2:
_tile_overlayer_lowered:
.L_overlay_start_2:
0x3d3: {  	(tag) =	ssettag $0x2  }
0x3d4: {  	s0 =	rddreg [dreg:$0x0];
	s2 =	stileid.u32  }
0x3d5: {  	s1 =	rddreg [dreg:$0x1];
	p0 =	sne.s32 s2, $0x0  }
0x3d6: {  	s3 =	rddreg [dreg:$0x2];
	[bflag:$0x3] =	sbarrier.arrive $0xFFFF;
	s2 =	simm.s32 @!p0 $0x1C07  }
0x3d7: {  	[timem:s3], [sflag:s2] =	dma.local @!p0 [hbm:s0], s1  }
0x3d8: {  	s0 =	simm.s32 @!p0 $0x7  }
0x3d9: {  	_ =	swait.ge @!p0 [sflag:s0], s1  }
0x3da: {  	s1 =	ssub.s32 @!p0 $0x0, s1;
	[sflag:s0] =	ssyncset.done @!p0 $0x0  }
0x3db: {  	[sflag:s0] =	ssyncadd.s32 @!p0 s1  }
0x3dc: {  	[bflag:$0x3] =	sbarrier.arrive $0xFFFF  }
0x3dd: {  	_ =	shalt  }

// kernel: sparse-core-data-format-call.cloned.1.call-start
scs
called_computation_lowered:
.L_overlay_start_0:
0x0: {  	s2 =	sld [smem:$0x3FD9]  }
0x1: {  	s3 =	sld [smem:$0x3FFE];
	_ =	sdelay $0x1  }
0x2: {  	s1 =	srdreg.scid  }
0x3: {  	s0 =	sand.u32 $0x1, s1  }
0x4: {  	s18 =	sshll.u32 s0, $0xA;
	s2 =	sadd.s32 s3, s2  }
0x5: {  	s2 =	sadd.s32 s2, s18  }
0x6: {  	[smem:$0x3FC2] =	sst s2  }
0x7: {  	_ = 	snop  }
0x8: {  	s2 =	sld [smem:$0x3FD0];
	(tm) =	ssettm $0x1  }
0x9: {  	s19 =	sld [smem:$0x3FFB];
	_ =	sdelay $0x3  }
0xa: {  	_ =	strace s19  }
0xb: {  	s3 =	sld [smem:$0x3FFC];
	_ =	sdelay $0x3  }
0xc: {  	_ =	strace s3  }
0xd: {  	s3 =	sld [smem:$0x3FFD];
	_ =	sdelay $0x3  }
0xe: {  	_ =	strace s3  }
0xf: {  	_ =	strace $0x8FFFFFFF  }
0x10: {  	s20 =	sld [smem:$0x3FDB];
	_ =	sdelay $0x1  }
0x11: {  	s4 =	simm.s32 $_scs_section_size  }
0x12: {  	s5 =	simm.s32 $_size__tile_overlayer_lowered;
	s6 =	simm.s32 $_tile_overlayer_lowered  }
0x13: {  	s23 =	simm.s32 $0x1BFF;
	s22 =	sshll.u32 s6, $0x1;
	s3 =	sadd.s32 s4, s20  }
0x14: {  	s7 =	simm.s32 $0x0;
	s21 =	sshll.u32 s5, $0x1;
	s5 =	sadd.s32 s22, s3  }
0x15: {  	[timem:s7], [sflag:s23] =	dma.local [hbm:s5], s21  }
0x16: {  	_ =	swait.ge [sflag:s23], s21  }
0x17: {  	s4 =	ssub.s32 $0x0, s21;
	[sflag:s23] =	ssyncset.done $0x0  }
0x18: {  	[sflag:s23] =	ssyncadd.s32 s4;
	_ =	sdelay $0x1  }
0x19: {  	s24 =	simm.s32 $0x1B8B  }
0x1a: {  	_ =	swait.ge [sflag:s24], $0x1  }
0x1b: {  	[sflag:s24] =	ssyncset.done $0x0  }
0x1c: {  	s26 =	simm.s32 $0x1B8E;
	s25 =	sld [smem:$0x3FFE];
	[sflag:s24] =	ssyncadd.s32 $0xFFFFFFFF  }
0x1d: {  	s27 =	simm.s32 $execute0_lowered;
	[smem:$0x3FD2] =	sst s26  }
0x1e: {  	s5 =	sshll.u32 s27, $0x1;
	_ =	strace $0x80000049;
	[dreg:$0x1] =	wrdreg $0xFFFFFFFF  }
0x1f: {  	s28 =	simm.s32 $_size_execute0_lowered;
	s3 =	sadd.s32 s3, s5;
	[dreg:$0x0] =	wrdreg $0x0  }
0x20: {  	s5 =	sshll.u32 s28, $0x1;
	[dreg:$0x2] =	wrdreg s3  }
0x21: {  	[dreg:$0x3] =	wrdreg s5  }
0x22: {  	[dreg:$0x4] =	wrdreg $0xC0  }
0x23: {  	_ =	task [dreg:s7], $0x5FFFF  }
0x24: {  	[dreg:$0x1] =	wrdreg $0xFFFFFFFF  }
0x25: {  	[dreg:$0x0] =	wrdreg $0x60  }
0x26: {  	[dreg:$0x2] =	wrdreg s25  }
0x27: {  	[dreg:$0x3] =	wrdreg s2  }
0x28: {  	[dreg:$0x4] =	wrdreg $0x9  }
0x29: {  	_ =	task.clear_ibuf [dreg:s7], $0x5FFFF;
	_ =	strace $0x90000049  }
0x2a: {  	s29 =	simm.s32 $0x9;
	_ =	strace $0x8000004B  }
0x2b: {  	_ =	swait.ge [sflag:s29], $0x1  }
0x2c: {  	[sflag:s29] =	ssyncadd.s32 $0xFFFFFFFF  }
0x2d: {  	_ =	strace $0x9000004B  }
0x2e: {  	_ =	sfence  }
0x2f: {  	s30 =	sld [smem:$0x0];
	_ =	sdelay $0x2  }
0x30: {  	s31 =	sshll.u32 s1, $0xD;
	s1 =	sshrl.u32 s1, $0x2  }
0x31: {  	s3 =	sand.u32 $0x4000, s31;
	s1 =	sadd.s32 s1, s30  }
0x32: {  	s0 =	sor.u32 s3, s0;
	s1 =	sshll.u32 s1, $0x11  }
0x33: {  	s0 =	sor.u32 s1, s0  }
0x34: {  	s0 =	sadd.s32 $0x8F2B, s0  }
0x35: {  	[sflag:s0] =	ssyncadd.remote.s32 $0x1  }
0x36: {  	_ =	sfence.sel $0xFFFF  }
0x37: {  	[dreg:$0x0] =	wrdreg $0xFFFFFFFF;
	(pc) =	sbr.abs _section_cstart, $3  }
0x38: {  	[dreg:$0x1] =	wrdreg $0xFFFFFFFF  }
0x39: {  	_ =	task.clear_ibuf [dreg:s7], $0x2FFFF;
	_ =	strace $0x9FFFFFFF  }
0x3a: {  	(tm) =	ssettm $0x7FFFFFFF  }
0x3b: {  	_ =	shalt  }
tec
execute0_lowered:
.L_overlay_start_1:
0x0: {  	(tag) =	ssettag $0x1  }
0x1: {  	s0 =	srdreg.scid  }
0x2: {  	s1 =	sshll.u32 s0, $0x4  }
0x3: {  	s6 =	rddreg [dreg:$0x0];
	s0 =	stileid.u32;
	s1 =	sand.u32 $0x10, s1  }
0x4: {  	s3 =	rddreg [dreg:$0x1];
	s1 =	sor.u32 s0, s1  }
0x5: {  	s5 =	simm.s32 $0x1;
	s31 =	simm.s32 $0x2;
	s2 =	sshll.u32 s1, $0x7  }
0x6: {  	s15 =	simm.s32 $0x0;
	s8 =	simm.s32 $0x40000;
	s4 =	ssub.s32 $0x8000, s2  }
0x7: {  	s14 =	simm.s32 $0x0;
	s9 =	simm.s32 $0x0;
	s30 =	sand.u32 $0xF80, s4  }
0x8: {  	s10 =	simm.s32 $0x0;
	s11 =	simm.s32 $0x0;
	p0 =	sne.s32 s30, $0x0  }
.Ltmp0:
0x9: {  	s7 =	sshrl.u32 s4, $0xC;
	s5 =	simm.s32 @!p0 $0x0;
	(pc) =	sbr.rel .LBB1_1-.Ltmp0, $4  }
0xa: {  	s13 =	simm.s32 $0x0;
	s1 =	rddreg [dreg:$0x2];
	s5 =	sadd.s32 s5, s7  }
0xb: {  	_ =	strace $0x8000004A;
	s4 =	simm.s32 $0x1;
	s5 =	smul.u32 $0x5, s5  }
0xc: {  	s6 =	sadd.s32 $0x1000, s6;
	s12 =	smov.u32 s2;
	[sflag:s4] =	ssyncpa.u1 $0x0  }
0xd: {  	[sflag:s31] =	ssyncpa.u1 $0x0;
	p0 =	por $0x0, $0x0;
	s7 =	sadd.s32 $0x1, s5  }
.LBB1_4:
0xe: {  	s20 =	sshra.s32 s20, $0x2  }
0xf: {  	s28 =	sand.u32 $0x78, s10;
	s21 =	sshll.u32 s9, $0xF;
	s22 =	sshll.u32 s10, $0x3  }
0x10: {  	s24 =	sshll.u32 s9, $0x7;
	p1 =	sgt.s32 s9, $0x1C0;
	s30 =	sshra.s32 s9, $0x1F  }
0x11: {  	s26 =	sshra.s32 s10, $0x1F;
	s19 =	sadd.s32 s20, s19;
	s21 =	sand.u32 $0xFFFC0000, s21  }
0x12: {  	v5 =	vld [tilespmem:s17+$0xFFFFFFD0];
	[tilespmem:s18+$0x2040 ss:$0x81] =	vst.msk $0xffff, v4;
	s23 =	sand.u32 $0xFFFFFC00, s22;
	s29 =	sand.u32 $0x380, s24;
	s22 =	sand.u32 $0x7C00, s22  }
0x13: {  	v58 =	vld [tilespmem:s17+$0xFFFFFFE0];
	[tilespmem:s18+$0x2850 ss:$0x81] =	vst.msk $0xffff, v3;
	s21 =	sadd.s32 s23, s21;
	s20 =	sor.u32 s28, s22;
	s22 =	smov.u32 s9  }
0x14: {  	v59 =	vld [tilespmem:s17+$0xFFFFFFF0];
	[tilespmem:s18+$0x3060 ss:$0x81] =	vst.msk $0xffff, v2;
	s24 =	sand.u32 s30, s9;
	s21 =	sshrl.u32 s21, $0xF;
	s22 =	simm.s32 @!p1 $0x1C0  }
0x15: {  	v60 =	vld [tilespmem:s17+$0x0];
	[tilespmem:s18+$0x0 ss:$0x81] =	vst.msk $0xffff, v1;
	p1 =	sgt.s32 s10, $0x7F80;
	s31 =	ssub.s32 s22, s24;
	s22 =	smov.u32 s10  }
0x16: {  	v61 =	vld [tilespmem:s17+$0x10];
	[tilespmem:s19+$0x3870 ss:$0x81] =	vst.msk $0xffff, v0;
	s25 =	smulhi.u32 $0x71C71D, s21;
	s24 =	sand.u32 s26, s10;
	s22 =	simm.s32 @!p1 $0x7F80  }
0x17: {  	v62 =	vld [tilespmem:s17+$0x20];
	s20 =	sor.u32 s29, s20;
	[tilespmem:s19+$0x810 ss:$0x81] =	vst.msk $0xffff, v5;
	s27 =	sadd.s32 $0xFFFFFE40, s31;
	s22 =	ssub.s32 s22, s24  }
0x18: {  	v63 =	vld [tilespmem:s17+$0xFFFFFFC0];
	[tilespmem:s19+$0x1020 ss:$0x81] =	vst.msk $0xffff, v58;
	s18 =	ssub.s32 $0x240, s31;
	s28 =	smul.u32 $0x240, s25;
	s29 =	sadd.s32 $0xFFFF8080, s22  }
0x19: {  	[tilespmem:s19+$0x1830 ss:$0x81] =	vst.msk $0xffff, v59;
	p1 =	sgt.s32 s27, $0x7F;
	s22 =	ssub.s32 $0x8000, s22;
	p2 =	sgt.s32 s29, $0x7F  }
0x1a: {  	s30 =	sand.u32 $0x7, s10;
	[tilespmem:s19+$0x2040 ss:$0x81] =	vst.msk $0xffff, v60;
	s18 =	simm.s32 @p1 $0x0;
	s22 =	simm.s32 @p2 $0x0  }
0x1b: {  	s20 =	sshrl.u32 s20, $0x3;
	[tilespmem:s19+$0x2850 ss:$0x81] =	vst.msk $0xffff, v61;
	s17 =	ssub.s32 s21, s28;
	s18 =	smul.u32 s22, s18  }
0x1c: {  	[tilespmem:s19+$0x3060 ss:$0x81] =	vst.msk $0xffff, v62;
	s20 =	sadd.s32 s3, s20;
	s21 =	sshll.u32 s30, $0x12;
	s17 =	sshll.u32 s17, $0xC  }
0x1d: {  	[tilespmem:s19+$0x0 ss:$0x81] =	vst.msk $0xffff, v63;
	s31 =	sor.u32 $0x400, s21;
	s17 =	sadd.s32 s17, s20;
	s18 =	sand.u32 $0x3FFFFFFF, s18  }
0x1e: {  	[hbm4b:s17+s31] =	stream.strided.scatter [tilespmem:s16], [sflag:$0x2], s18, s8, s31, $0x20;
	[tilespmem:$0x10100] =	vst v63  }
.LBB1_5:
0x1f: {  	p1 =	slt.u32 s13, $0x2  }
0x20: {  	s17 =	smov.u32 s15;
	p2 =	sgt.s32 @!p1 s15, $0x1C0;
	s16 =	sshra.s32 @!p1 s15, $0x1F  }
0x21: {  	p3 =	sgt.s32 @!p1 s14, $0x7F80;
	s18 =	sshra.s32 @!p1 s14, $0x1F;
	p2 =	por !p2, p1  }
0x22: {  	s15 =	sand.u32 @!p1 s16, s15;
	p3 =	por !p3, p1;
	s16 =	smov.u32 s14  }
0x23: {  	s14 =	sand.u32 @!p1 s18, s14;
	s17 =	simm.s32 @p2 $0x1C0;
	s16 =	simm.s32 @p3 $0x7F80  }
0x24: {  	s15 =	ssub.s32 @!p1 s17, s15;
	s14 =	ssub.s32 @!p1 s16, s14  }
0x25: {  	s18 =	smov.u32 s12;
	s16 =	sadd.s32 @!p1 $0xFFFFFE40, s15;
	s17 =	sadd.s32 @!p1 $0xFFFF8080, s14  }
0x26: {  	s15 =	ssub.s32 @!p1 $0x240, s15;
	p2 =	sgt.s32 @!p1 s16, $0x7F;
	p3 =	sgt.s32 @!p1 s17, $0x7F  }
0x27: {  	s14 =	ssub.s32 @!p1 $0x8000, s14;
	p2 =	por !p2, p1;
	p3 =	por !p3, p1  }
0x28: {  	s16 =	sadd.s32 $0x80, s11;
	s15 =	simm.s32 @!p2 $0x0;
	s14 =	simm.s32 @!p3 $0x0  }
0x29: {  	p2 =	sgt.s32 s16, $0x23F;
	s14 =	smul.u32 @!p1 s14, s15;
	s15 =	sadd.s32 $0x1000, s12  }
0x2a: {  	s18 =	smov.u32 @p2 s15  }
0x2b: {  	s16 =	simm.s32 @p2 $0x0;
	p2 =	sgt.s32 s18, $0x7FFF  }
0x2c: {  	s18 =	smov.u32 @p2 s2;
	p2 =	sne.s32 s13, s7  }
.Ltmp1:
0x2d: {  	p0 =	por !p0, !p0;
	s17 =	simm.s32 @!p1 $0x2;
	(pc) =	sbr.rel @!p2 .LBB1_6-.Ltmp1, $4  }
0x2e: {  	s15 =	smov.u32 s9;
	s9 =	smov.u32 s11;
	s14 =	sand.u32 @!p1 $0x3FFFFFFF, s14  }
0x2f: {  	s11 =	smov.u32 s16;
	_ =	swait.ge @!p1 [sflag:s17], s14;
	s19 =	ssub.s32 @!p1 $0x0, s14  }
0x30: {  	s14 =	smov.u32 s10;
	s13 =	sadd.s32 $0x1, s13;
	[sflag:s17] =	ssyncset.done @!p1 $0x0  }
0x31: {  	s10 =	smov.u32 s12;
	s12 =	smov.u32 s18;
	[sflag:s17] =	ssyncadd.s32 @!p1 s19  }
.LBB1_1:
0x32: {  	p1 =	sge.u32 s13, s5  }
0x33: {  	s16 =	sshrl.u32 @!p1 s12, $0x3  }
0x34: {  	s17 =	sshll.u32 @!p1 s11, $0x3;
	s16 =	smul.u32 @!p1 $0x1400, s16  }
0x35: {  	s18 =	sshll.u32 @!p1 s12, $0x7;
	s17 =	sand.u32 @!p1 $0xFFFFFC00, s17  }
0x36: {  	s16 =	sadd.s32 @!p1 s16, s17;
	s17 =	sand.u32 @!p1 $0x380, s18  }
0x37: {  	s18 =	sand.u32 @!p1 $0x7F, s11;
	s16 =	sor.u32 @!p1 s17, s16  }
0x38: {  	s17 =	sor.u32 @!p1 s18, s16  }
0x39: {  	s18 =	smulhi.u32 @!p1 $0xCCCCCCCD, s17;
	_ =	sdelay $0x1  }
0x3a: {  	s16 =	smulhi.u32 @!p1 $0xCCCCCCCD, s16;
	s18 =	sshrl.u32 @!p1 s18, $0x9  }
0x3b: {  	s18 =	smul.u32 @!p1 $0x280, s18  }
0x3c: {  	s31 =	sadd.s32 $0xFFFFFFFF, s13;
	s19 =	sxor.u32 @!p1 $0xFFFFFFFF, s13;
	s16 =	sshrl.u32 @!p1 s16, $0x9  }
0x3d: {  	s19 =	sshll.u32 @!p1 s19, $0xE;
	s16 =	sand.u32 @!p1 $0x7FFF, s16;
	s17 =	ssub.s32 @!p1 s17, s18  }
0x3e: {  	s16 =	smul.u32 @!p1 $0x50, s16;
	s18 =	sshrl.u32 @!p1 s17, $0x3;
	s17 =	sand.u32 @!p1 $0x7, s17  }
0x3f: {  	s19 =	sand.u32 @!p1 $0x4000, s19;
	s18 =	sadd.s32 @!p1 s6, s18;
	s17 =	sshll.u32 @!p1 s17, $0x12  }
0x40: {  	s16 =	sadd.s32 @!p1 s16, s18;
	s17 =	sor.u32 @!p1 $0x400, s17;
	s18 =	simm.s32 @!p1 $0x1400  }
0x41: {  	[tilespmem:s19], [sflag:$0x1] =	stream.strided.gather @!p1 [hbm4b:s16+s17], $0x4000, s18, s17, $0x38;
	[tilespmem:$0x10100] =	vst v63  }
0x42: {  	p1 =	sge.u32 s31, s5  }
.Ltmp2:
0x43: {  	_ = 	snop;
	(pc) =	sbr.rel @p1 .LBB1_5-.Ltmp2, $1  }
0x44: {  	_ =	sdelay $0x3  }
0x45: {  	s16 =	simm.s32 $0x1  }
0x46: {  	_ =	swait.ge [sflag:s4], $0x4000;
	s16 =	simm.s32 @!p0 $0x0  }
0x47: {  	[sflag:s4] =	ssyncset.done $0x0;
	s17 =	sshll.u32 s16, $0xE  }
0x48: {  	[sflag:s4] =	ssyncadd.s32 $0xFFFFC000;
	s17 =	sor.u32 $0x40, s17  }
0x49: {  	s16 =	smul.u32 $0x10200, s16;
	v0 =	vld [tilespmem:s17+$0x30]  }
0x4a: {  	v1 =	vld [tilespmem:s17+$0xFFFFFFD0]  }
0x4b: {  	s16 =	sshrl.u32 s16, $0x2;
	v5 =	vld [tilespmem:s17+$0xFFFFFFE0]  }
0x4c: {  	v6 =	vld [tilespmem:s17+$0xFFFFFFF0];
	s19 =	sor.u32 $0x8000, s16  }
0x4d: {  	s31 =	sand.u32 $0x1, s13;
	v4 =	vld [tilespmem:s17+$0x0];
	s18 =	sadd.s32 $0x0, s19  }
0x4e: {  	v3 =	vld [tilespmem:s17+$0x10];
	s16 =	smul.u32 $0x10200, s31;
	[tilespmem:s18+$0x3870 ss:$0x81] =	vst.msk $0xffff, v0  }
0x4f: {  	v2 =	vld [tilespmem:s17+$0x20];
	[tilespmem:s18+$0x810 ss:$0x81] =	vst.msk $0xffff, v1  }
0x50: {  	s16 =	sshrl.u32 s16, $0x2;
	v1 =	vld [tilespmem:s17+$0xFFFFFFC0];
	[tilespmem:s18+$0x1020 ss:$0x81] =	vst.msk $0xffff, v5;
	s17 =	sadd.s32 $0x80, s17  }
0x51: {  	s20 =	simm.s32 $0x4;
	s21 =	simm.s32 $0x8;
	s16 =	sor.u32 $0x8000, s16;
	[tilespmem:s18+$0x1830 ss:$0x81] =	vst.msk $0xffff, v6;
	v0 =	vld [tilespmem:s17+$0x30]  }
.LBB1_3:
0x52: {  	p1 =	sne.s32 s21, $0x1FC;
	v5 =	vld [tilespmem:s17+$0xFFFFFFD0];
	[tilespmem:s18+$0x2040 ss:$0x81] =	vst.msk $0xffff, v4  }
0x53: {  	v6 =	vld [tilespmem:s17+$0xFFFFFFE0];
	[tilespmem:s18+$0x2850 ss:$0x81] =	vst.msk $0xffff, v3  }
0x54: {  	s22 =	sshra.s32 s20, $0x2;
	s20 =	smov.u32 s21;
	v7 =	vld [tilespmem:s17+$0xFFFFFFF0];
	[tilespmem:s18+$0x3060 ss:$0x81] =	vst.msk $0xffff, v2  }
.Ltmp3:
0x55: {  	v4 =	vld [tilespmem:s17+$0x0];
	[tilespmem:s18+$0x0 ss:$0x81] =	vst.msk $0xffff, v1;
	s18 =	sadd.s32 s22, s19;
	(pc) =	sbr.rel @p1 .LBB1_3-.Ltmp3, $4  }
0x56: {  	v3 =	vld [tilespmem:s17+$0x10];
	[tilespmem:s18+$0x3870 ss:$0x81] =	vst.msk $0xffff, v0  }
0x57: {  	[tilespmem:s18+$0x810 ss:$0x81] =	vst.msk $0xffff, v5;
	v2 =	vld [tilespmem:s17+$0x20]  }
0x58: {  	v1 =	vld [tilespmem:s17+$0xFFFFFFC0];
	[tilespmem:s18+$0x1020 ss:$0x81] =	vst.msk $0xffff, v6;
	s17 =	sadd.s32 $0x80, s17  }
0x59: {  	s21 =	sadd.s32 $0x4, s21;
	v0 =	vld [tilespmem:s17+$0x30];
	[tilespmem:s18+$0x1830 ss:$0x81] =	vst.msk $0xffff, v7  }
.Ltmp4:
0x5a: {  	_ = 	snop;
	(pc) =	sbr.rel .LBB1_4-.Ltmp4, $1  }
0x5b: {  	_ =	sdelay $0x3  }
.LBB1_6:
0x5c: {  	_ =	sfence.sel $0x180000  }
0x5d: {  	s2 =	simm.s32 $0x1;
	[bflag:$0x0] =	sbarrier.arrive $0xFFFF  }
0x5e: {  	s31 =	simm.s32 $0x2;
	[sflag:s2] =	ssyncpa.u1 $0x1  }
0x5f: {  	[sflag:s31] =	ssyncpa.u1 $0x1  }
0x60: {  	p0 =	sne.s32 s0, $0x0;
	_ =	strace $0x9000004A  }
0x61: {  	s0 =	sadd.s32 @!p0 $0x100000, s1;
	[bflag:$0x2] =	sbarrier.arrive $0xFFFF  }
0x62: {  	[sflag:s0] =	ssyncadd.tile.s32 @!p0 $0x1;
	_ =	shalt  }
.Lfunc_end1:
_tile_overlayer_lowered:
.L_overlay_start_2:
0x63: {  	(tag) =	ssettag $0x2  }
0x64: {  	s0 =	rddreg [dreg:$0x0];
	s2 =	stileid.u32  }
0x65: {  	s1 =	rddreg [dreg:$0x1];
	p0 =	sne.s32 s2, $0x0  }
0x66: {  	s3 =	rddreg [dreg:$0x2];
	[bflag:$0x3] =	sbarrier.arrive $0xFFFF;
	s2 =	simm.s32 @!p0 $0x1C01  }
0x67: {  	[timem:s3], [sflag:s2] =	dma.local @!p0 [hbm:s0], s1  }
0x68: {  	s0 =	simm.s32 @!p0 $0x1  }
0x69: {  	_ =	swait.ge @!p0 [sflag:s0], s1  }
0x6a: {  	s1 =	ssub.s32 @!p0 $0x0, s1;
	[sflag:s0] =	ssyncset.done @!p0 $0x0  }
0x6b: {  	[sflag:s0] =	ssyncadd.s32 @!p0 s1  }
0x6c: {  	[bflag:$0x3] =	sbarrier.arrive $0xFFFF  }
0x6d: {  	_ =	shalt  }

</sc_bundles>
